<compile_context>
chip_gen: v7x
topology: tpu7x:2x2x1
jax: 0.10.2.dev20260603
libtpu: 0.0.44.dev20260713+nightly
codegen_flags: <defaults>
</compile_context>

<pallas_src>
import functools
import jax
import jax.numpy as jnp
from jax import lax
from jax.experimental import pallas as pl
from jax.experimental.pallas import tpu as pltpu
from jax.experimental.pallas import tpu_sc as plsc

D = 128
L = 16
NBUF = 3
K = 4
EPS2 = (1e-12) ** 2 / 128.0


def _rsqrt(ssv):
    i = plsc.bitcast(ssv, jnp.int32)
    y = plsc.bitcast(jnp.int32(0x5F3759DF) - (i >> 1), jnp.float32)
    y = y * (jnp.float32(1.5) - jnp.float32(0.5) * ssv * y * y)
    y = y * (jnp.float32(1.5) - jnp.float32(0.5) * ssv * y * y)
    return y


def _sumsq(row_ref, f):
    sq = [None] * (D // L)
    for j in range(D // L):
        x = row_ref[f, pl.ds(j * L, L)]
        sq[j] = x * x
    while len(sq) > 1:
        sq = [a + b for a, b in zip(sq[0::2], sq[1::2])]
    return sq[0]


def _scale_row(row_ref, f, iv):
    for j in range(D // L):
        row_ref[f, pl.ds(j * L, L)] = row_ref[f, pl.ds(j * L, L)] * iv


def _phase_b(sq_v, inv_v, q, n_groups):
    lane = lax.iota(jnp.int32, L)

    @plsc.parallel_loop(0, n_groups, 1, unroll=2)
    def groups_b(gi):
        rb = pl.multiple_of(gi * L, L)
        ts = []
        for j in range(L):
            ts.append(plsc.load_gather(
                sq_v, [rb + lane, jnp.full((L,), j, jnp.int32)]))
        while len(ts) > 1:
            ts = [a + b for a, b in zip(ts[0::2], ts[1::2])]
        inv_v[q, pl.ds(rb, L)] = _rsqrt(jnp.maximum(ts[0], jnp.float32(EPS2)))


def kernel(tokens, table):
    n_rows, row_len = tokens.shape
    info = plsc.get_sparse_core_info()
    NC, NS = info.num_cores, info.num_subcores
    NW = NC * NS
    rows_per_w = n_rows // NW
    n_chunks = rows_per_w // K
    n_flat = K * row_len
    n_groups = (n_flat + L - 1) // L

    mesh = plsc.VectorSubcoreMesh(core_axis_name="c", subcore_axis_name="s")

    @functools.partial(
        pl.kernel,
        mesh=mesh,
        compiler_params=pltpu.CompilerParams(needs_layout_passes=False),
        out_type=jax.ShapeDtypeStruct((n_rows, row_len, D), jnp.float32),
        scratch_types=[
            pltpu.VMEM((rows_per_w, row_len), jnp.int32),
            pltpu.VMEM((NBUF, n_flat, D), jnp.float32),
            pltpu.VMEM((n_groups * L, L + 1), jnp.float32),
            pltpu.VMEM((2, n_groups * L), jnp.float32),
            pltpu.SemaphoreType.DMA((NBUF,)),
            pltpu.SemaphoreType.DMA((NBUF,)),
        ],
    )
    def sc_embed(idx_hbm, table_hbm, out_hbm, idx_v, rows_v, sq_v, inv_v,
                 sem_in, sem_out):
        wid = lax.axis_index("s") * NC + lax.axis_index("c")
        base = wid * rows_per_w
        pltpu.sync_copy(idx_hbm.at[pl.ds(base, rows_per_w), :], idx_v)

        def gather_copy(g, b, k):
            return pltpu.make_async_copy(
                table_hbm.at[idx_v.at[g * K + k]],
                rows_v.at[b, pl.ds(k * row_len, row_len), :],
                sem_in.at[b])

        def out_copy(g, b, k):
            return pltpu.make_async_copy(
                rows_v.at[b, pl.ds(k * row_len, row_len), :],
                out_hbm.at[base + g * K + k],
                sem_out.at[b])

        def start_gathers(g, b):
            for k in range(K):
                gather_copy(g, b, k).start()

        def wait_gathers(g, b):
            for k in range(K):
                gather_copy(g, b, k).wait()

        def start_outs(g, b):
            for k in range(K):
                out_copy(g, b, k).start()

        def wait_outs(g, b):
            for k in range(K):
                out_copy(g, b, k).wait()

        start_gathers(0, 0)
        wait_gathers(0, 0)
        start_gathers(1, 1)

        @plsc.parallel_loop(0, n_flat, 1, unroll=8)
        def rows_a0(f):
            sq_v[f, pl.ds(0, L)] = _sumsq(rows_v.at[0], f)

        _phase_b(sq_v, inv_v, 0, n_groups)

        def chunk_body(g, _):
            b = lax.rem(g, NBUF)
            bp = lax.rem(g + NBUF - 1, NBUF)
            p = lax.rem(g + 1, 2)
            q = lax.rem(g, 2)
            wait_gathers(g, b)

            @pl.when(g >= 2)
            def _drain():
                wait_outs(g - 2, lax.rem(g + NBUF - 2, NBUF))

            @pl.when(g + 1 < n_chunks)
            def _prefetch():
                start_gathers(g + 1, lax.rem(g + 1, NBUF))

            @plsc.parallel_loop(0, n_flat, 1, unroll=8)
            def rows_ac(f):
                sq_v[f, pl.ds(0, L)] = _sumsq(rows_v.at[b], f)
                iv = plsc.load_gather(
                    inv_v, [jnp.full((L,), 0, jnp.int32) + p,
                            jnp.full((L,), 0, jnp.int32) + f])
                _scale_row(rows_v.at[bp], f, iv)

            start_outs(g - 1, bp)
            _phase_b(sq_v, inv_v, q, n_groups)
            return _

        lax.fori_loop(1, n_chunks, chunk_body, None)

        gl = n_chunks - 1
        bl = gl % NBUF
        pq = gl % 2

        @plsc.parallel_loop(0, n_flat, 1, unroll=8)
        def rows_cl(f):
            iv = plsc.load_gather(
                inv_v, [jnp.full((L,), pq, jnp.int32),
                        jnp.full((L,), 0, jnp.int32) + f])
            _scale_row(rows_v.at[bl], f, iv)

        start_outs(gl, bl)
        wait_outs(gl - 1, (gl - 1) % NBUF)
        wait_outs(gl, bl)

    return sc_embed(tokens.astype(jnp.int32), table)

# --- scband reference (transcript-rebuilt; emitter-appended) ---
"""Pipeline reference for scband-token-embedding-3788161155348 (READ-ONLY COPY).

The authoritative reference and input builder live on the scoring server;
editing this copy changes nothing except your own understanding.
"""

import math
import jax, jax.numpy as jnp
import numpy as np

VOCAB_SIZE = 100000
EMB_SIZE = 128

def setup_inputs(seed: int = 0) -> dict:
    key = jax.random.key(seed)
    k_tok, k_tab = jax.random.split(key)
    tokens = jax.random.randint(k_tok, (4096, 50), 0, VOCAB_SIZE, dtype=jnp.int64 if jax.config.jax_enable_x64 else jnp.int32)
    table = jax.random.normal(k_tab, (VOCAB_SIZE, EMB_SIZE), dtype=jnp.float32)
    return {"tokens": tokens, "table": table}

def reference(tokens, table):
    emb = jnp.take(table, tokens, axis=0) * math.sqrt(EMB_SIZE)
    # F.normalize(p=2, dim=-1, eps=1e-12): x / max(||x||_2, eps)
    norm = jnp.sqrt(jnp.sum(emb * emb, axis=-1, keepdims=True))
    return emb / jnp.maximum(norm, 1e-12)

if __name__ == "__main__":
    import jax
    _d = setup_inputs()
    print(jax.jit(kernel)(*tuple(_d.values())))

</pallas_src>

<mosaic_0001>
#map = affine_map<(d0, d1) -> (0, 0)>
#map1 = affine_map<(d0, d1) -> (0, 0, 0)>
module attributes {stable_mosaic.version = 14 : i64} {
  func.func @sc_embed(%arg0: i32, %arg1: i32, %arg2: memref<4096x50xi32, #tpu.memory_space<hbm>>, %arg3: memref<100000x128xf32, #tpu.memory_space<hbm>>, %arg4: memref<4096x50x128xf32, #tpu.memory_space<hbm>>, %arg5: memref<128x50xi32, #tpu.memory_space<vmem>>, %arg6: memref<3x200x128xf32, #tpu.memory_space<vmem>>, %arg7: memref<208x17xf32, #tpu.memory_space<vmem>>, %arg8: memref<2x208xf32, #tpu.memory_space<vmem>>, %arg9: memref<3x!tpu.dma_semaphore, #tpu.memory_space<semaphore_mem>>, %arg10: memref<3x!tpu.dma_semaphore, #tpu.memory_space<semaphore_mem>>) attributes {dimension_semantics = [#tpu.dimension_semantics<core_parallel>, #tpu.dimension_semantics<subcore_parallel>], iteration_bounds = array<i64: 2, 16>, scalar_prefetch = 0 : i64, scratch_operands = 6 : i64, tpu.core_type = #tpu.core_type<sc_vector_subcore>, window_params = [{transform_indices = #map}, {transform_indices = #map}, {transform_indices = #map1}]} {
    %mul3A = arith.constant 2 : i32
    %mul3A_0 = arith.muli %arg1, %mul3A : i32
    %add3A = arith.addi %mul3A_0, %arg0 : i32
    %mul3A_1 = arith.constant 128 : i32
    %mul3A_2 = arith.muli %add3A, %mul3A_1 : i32
    "tpu.region"() ({
      %run_scoped3A = tpu.sem_alloc : memref<!tpu.dma_semaphore, #tpu.memory_space<semaphore_mem>>
      %dma_start3A_481 = arith.constant 0 : i32
      %dma_start3A_482 = tpu.memref_slice %arg2[%mul3A_2, %dma_start3A_481] : memref<4096x50xi32, #tpu.memory_space<hbm>> -> memref<128x50xi32, #tpu.memory_space<hbm>>
      %dma_start3A_483 = arith.constant 0 : i32
      %dma_start3A_484 = tpu.memref_slice %arg2[%mul3A_2, %dma_start3A_483] : memref<4096x50xi32, #tpu.memory_space<hbm>> -> memref<128x50xi32, #tpu.memory_space<hbm>>
      tpu.enqueue_dma source(%dma_start3A_484 : memref<128x50xi32, #tpu.memory_space<hbm>>) target(%arg5 : memref<128x50xi32, #tpu.memory_space<vmem>>) target_semaphore(%run_scoped3A : memref<!tpu.dma_semaphore, #tpu.memory_space<semaphore_mem>>)
      %dma_wait3A_485 = arith.constant 0 : i32
      %dma_wait3A_486 = tpu.memref_slice %arg2[%mul3A_2, %dma_wait3A_485] : memref<4096x50xi32, #tpu.memory_space<hbm>> -> memref<128x50xi32, #tpu.memory_space<hbm>>
      %dma_wait3A_487 = arith.constant 0 : i32
      %dma_wait3A_488 = tpu.memref_slice %arg2[%mul3A_2, %dma_wait3A_487] : memref<4096x50xi32, #tpu.memory_space<hbm>> -> memref<128x50xi32, #tpu.memory_space<hbm>>
      tpu.wait_dma2 semaphore(%run_scoped3A : memref<!tpu.dma_semaphore, #tpu.memory_space<semaphore_mem>>) src(%dma_wait3A_488 : memref<128x50xi32, #tpu.memory_space<hbm>>) dst(%arg5 : memref<128x50xi32, #tpu.memory_space<vmem>>)
      tpu.yield
    }) : () -> ()
    %dma_start3A = arith.constant 0 : i32
    %dma_start3A_3 = arith.constant 0 : i32
    %dma_start3A_4 = arith.constant 0 : i32
    %dma_start3A_5 = arith.constant 0 : i32
    %dma_start3A_6 = arith.constant 0 : i32
    %dma_start3A_7 = tpu.memref_slice %arg6[%dma_start3A_3, %dma_start3A_5, %dma_start3A_6] : memref<3x200x128xf32, #tpu.memory_space<vmem>> -> memref<1x50x128xf32, #tpu.memory_space<vmem>>
    %dma_start3A_8 = tpu.memref_squeeze %dma_start3A_7 : memref<1x50x128xf32, #tpu.memory_space<vmem>> -> memref<50x128xf32, #tpu.memory_space<vmem>>
    %dma_start3A_9 = arith.constant 0 : i32
    %dma_start3A_10 = tpu.memref_slice %arg5[%dma_start3A, %dma_start3A_9] : memref<128x50xi32, #tpu.memory_space<vmem>> -> memref<1x50xi32, #tpu.memory_space<vmem>>
    %dma_start3A_11 = tpu.memref_squeeze %dma_start3A_10 : memref<1x50xi32, #tpu.memory_space<vmem>> -> memref<50xi32, #tpu.memory_space<vmem>>
    %dma_start3A_12 = arith.constant 0 : i32
    %dma_start3A_13 = arith.constant 0 : i32
    %dma_start3A_14 = tpu.memref_slice %arg3[%dma_start3A_12, %dma_start3A_13] : memref<100000x128xf32, #tpu.memory_space<hbm>> -> memref<100000x128xf32, #tpu.memory_space<hbm>>
    %dma_start3A_15 = tpu.memref_slice %arg9[%dma_start3A_4] : memref<3x!tpu.dma_semaphore, #tpu.memory_space<semaphore_mem>> -> memref<1x!tpu.dma_semaphore, #tpu.memory_space<semaphore_mem>>
    %dma_start3A_16 = tpu.memref_squeeze %dma_start3A_15 : memref<1x!tpu.dma_semaphore, #tpu.memory_space<semaphore_mem>> -> memref<!tpu.dma_semaphore, #tpu.memory_space<semaphore_mem>>
    tpu.enqueue_indirect_dma source(%dma_start3A_14 : memref<100000x128xf32, #tpu.memory_space<hbm>>) target(%dma_start3A_8 : memref<50x128xf32, #tpu.memory_space<vmem>>) offsets(%dma_start3A_11 : memref<50xi32, #tpu.memory_space<vmem>>) semaphore(%dma_start3A_16 : memref<!tpu.dma_semaphore, #tpu.memory_space<semaphore_mem>>)
    %dma_start3A_17 = arith.constant 1 : i32
    %dma_start3A_18 = arith.constant 0 : i32
    %dma_start3A_19 = arith.constant 0 : i32
    %dma_start3A_20 = arith.constant 50 : i32
    %dma_start3A_21 = arith.constant 0 : i32
    %dma_start3A_22 = tpu.memref_slice %arg6[%dma_start3A_18, %dma_start3A_20, %dma_start3A_21] : memref<3x200x128xf32, #tpu.memory_space<vmem>> -> memref<1x50x128xf32, #tpu.memory_space<vmem>>
    %dma_start3A_23 = tpu.memref_squeeze %dma_start3A_22 : memref<1x50x128xf32, #tpu.memory_space<vmem>> -> memref<50x128xf32, #tpu.memory_space<vmem>>
    %dma_start3A_24 = arith.constant 0 : i32
    %dma_start3A_25 = tpu.memref_slice %arg5[%dma_start3A_17, %dma_start3A_24] : memref<128x50xi32, #tpu.memory_space<vmem>> -> memref<1x50xi32, #tpu.memory_space<vmem>>
    %dma_start3A_26 = tpu.memref_squeeze %dma_start3A_25 : memref<1x50xi32, #tpu.memory_space<vmem>> -> memref<50xi32, #tpu.memory_space<vmem>>
    %dma_start3A_27 = arith.constant 0 : i32
    %dma_start3A_28 = arith.constant 0 : i32
    %dma_start3A_29 = tpu.memref_slice %arg3[%dma_start3A_27, %dma_start3A_28] : memref<100000x128xf32, #tpu.memory_space<hbm>> -> memref<100000x128xf32, #tpu.memory_space<hbm>>
    %dma_start3A_30 = tpu.memref_slice %arg9[%dma_start3A_19] : memref<3x!tpu.dma_semaphore, #tpu.memory_space<semaphore_mem>> -> memref<1x!tpu.dma_semaphore, #tpu.memory_space<semaphore_mem>>
    %dma_start3A_31 = tpu.memref_squeeze %dma_start3A_30 : memref<1x!tpu.dma_semaphore, #tpu.memory_space<semaphore_mem>> -> memref<!tpu.dma_semaphore, #tpu.memory_space<semaphore_mem>>
    tpu.enqueue_indirect_dma source(%dma_start3A_29 : memref<100000x128xf32, #tpu.memory_space<hbm>>) target(%dma_start3A_23 : memref<50x128xf32, #tpu.memory_space<vmem>>) offsets(%dma_start3A_26 : memref<50xi32, #tpu.memory_space<vmem>>) semaphore(%dma_start3A_31 : memref<!tpu.dma_semaphore, #tpu.memory_space<semaphore_mem>>)
    %dma_start3A_32 = arith.constant 2 : i32
    %dma_start3A_33 = arith.constant 0 : i32
    %dma_start3A_34 = arith.constant 0 : i32
    %dma_start3A_35 = arith.constant 100 : i32
    %dma_start3A_36 = arith.constant 0 : i32
    %dma_start3A_37 = tpu.memref_slice %arg6[%dma_start3A_33, %dma_start3A_35, %dma_start3A_36] : memref<3x200x128xf32, #tpu.memory_space<vmem>> -> memref<1x50x128xf32, #tpu.memory_space<vmem>>
    %dma_start3A_38 = tpu.memref_squeeze %dma_start3A_37 : memref<1x50x128xf32, #tpu.memory_space<vmem>> -> memref<50x128xf32, #tpu.memory_space<vmem>>
    %dma_start3A_39 = arith.constant 0 : i32
    %dma_start3A_40 = tpu.memref_slice %arg5[%dma_start3A_32, %dma_start3A_39] : memref<128x50xi32, #tpu.memory_space<vmem>> -> memref<1x50xi32, #tpu.memory_space<vmem>>
    %dma_start3A_41 = tpu.memref_squeeze %dma_start3A_40 : memref<1x50xi32, #tpu.memory_space<vmem>> -> memref<50xi32, #tpu.memory_space<vmem>>
    %dma_start3A_42 = arith.constant 0 : i32
    %dma_start3A_43 = arith.constant 0 : i32
    %dma_start3A_44 = tpu.memref_slice %arg3[%dma_start3A_42, %dma_start3A_43] : memref<100000x128xf32, #tpu.memory_space<hbm>> -> memref<100000x128xf32, #tpu.memory_space<hbm>>
    %dma_start3A_45 = tpu.memref_slice %arg9[%dma_start3A_34] : memref<3x!tpu.dma_semaphore, #tpu.memory_space<semaphore_mem>> -> memref<1x!tpu.dma_semaphore, #tpu.memory_space<semaphore_mem>>
    %dma_start3A_46 = tpu.memref_squeeze %dma_start3A_45 : memref<1x!tpu.dma_semaphore, #tpu.memory_space<semaphore_mem>> -> memref<!tpu.dma_semaphore, #tpu.memory_space<semaphore_mem>>
    tpu.enqueue_indirect_dma source(%dma_start3A_44 : memref<100000x128xf32, #tpu.memory_space<hbm>>) target(%dma_start3A_38 : memref<50x128xf32, #tpu.memory_space<vmem>>) offsets(%dma_start3A_41 : memref<50xi32, #tpu.memory_space<vmem>>) semaphore(%dma_start3A_46 : memref<!tpu.dma_semaphore, #tpu.memory_space<semaphore_mem>>)
    %dma_start3A_47 = arith.constant 3 : i32
    %dma_start3A_48 = arith.constant 0 : i32
    %dma_start3A_49 = arith.constant 0 : i32
    %dma_start3A_50 = arith.constant 150 : i32
    %dma_start3A_51 = arith.constant 0 : i32
    %dma_start3A_52 = tpu.memref_slice %arg6[%dma_start3A_48, %dma_start3A_50, %dma_start3A_51] : memref<3x200x128xf32, #tpu.memory_space<vmem>> -> memref<1x50x128xf32, #tpu.memory_space<vmem>>
    %dma_start3A_53 = tpu.memref_squeeze %dma_start3A_52 : memref<1x50x128xf32, #tpu.memory_space<vmem>> -> memref<50x128xf32, #tpu.memory_space<vmem>>
    %dma_start3A_54 = arith.constant 0 : i32
    %dma_start3A_55 = tpu.memref_slice %arg5[%dma_start3A_47, %dma_start3A_54] : memref<128x50xi32, #tpu.memory_space<vmem>> -> memref<1x50xi32, #tpu.memory_space<vmem>>
    %dma_start3A_56 = tpu.memref_squeeze %dma_start3A_55 : memref<1x50xi32, #tpu.memory_space<vmem>> -> memref<50xi32, #tpu.memory_space<vmem>>
    %dma_start3A_57 = arith.constant 0 : i32
    %dma_start3A_58 = arith.constant 0 : i32
    %dma_start3A_59 = tpu.memref_slice %arg3[%dma_start3A_57, %dma_start3A_58] : memref<100000x128xf32, #tpu.memory_space<hbm>> -> memref<100000x128xf32, #tpu.memory_space<hbm>>
    %dma_start3A_60 = tpu.memref_slice %arg9[%dma_start3A_49] : memref<3x!tpu.dma_semaphore, #tpu.memory_space<semaphore_mem>> -> memref<1x!tpu.dma_semaphore, #tpu.memory_space<semaphore_mem>>
    %dma_start3A_61 = tpu.memref_squeeze %dma_start3A_60 : memref<1x!tpu.dma_semaphore, #tpu.memory_space<semaphore_mem>> -> memref<!tpu.dma_semaphore, #tpu.memory_space<semaphore_mem>>
    tpu.enqueue_indirect_dma source(%dma_start3A_59 : memref<100000x128xf32, #tpu.memory_space<hbm>>) target(%dma_start3A_53 : memref<50x128xf32, #tpu.memory_space<vmem>>) offsets(%dma_start3A_56 : memref<50xi32, #tpu.memory_space<vmem>>) semaphore(%dma_start3A_61 : memref<!tpu.dma_semaphore, #tpu.memory_space<semaphore_mem>>)
    %dma_wait3A = arith.constant 0 : i32
    %dma_wait3A_62 = arith.constant 0 : i32
    %dma_wait3A_63 = arith.constant 0 : i32
    %dma_wait3A_64 = arith.constant 0 : i32
    %dma_wait3A_65 = arith.constant 0 : i32
    %dma_wait3A_66 = tpu.memref_slice %arg6[%dma_wait3A_62, %dma_wait3A_64, %dma_wait3A_65] : memref<3x200x128xf32, #tpu.memory_space<vmem>> -> memref<1x50x128xf32, #tpu.memory_space<vmem>>
    %dma_wait3A_67 = tpu.memref_squeeze %dma_wait3A_66 : memref<1x50x128xf32, #tpu.memory_space<vmem>> -> memref<50x128xf32, #tpu.memory_space<vmem>>
    %dma_wait3A_68 = arith.constant 0 : i32
    %dma_wait3A_69 = tpu.memref_slice %arg5[%dma_wait3A, %dma_wait3A_68] : memref<128x50xi32, #tpu.memory_space<vmem>> -> memref<1x50xi32, #tpu.memory_space<vmem>>
    %dma_wait3A_70 = tpu.memref_squeeze %dma_wait3A_69 : memref<1x50xi32, #tpu.memory_space<vmem>> -> memref<50xi32, #tpu.memory_space<vmem>>
    %dma_wait3A_71 = arith.constant 0 : i32
    %dma_wait3A_72 = arith.constant 0 : i32
    %dma_wait3A_73 = tpu.memref_slice %arg3[%dma_wait3A_71, %dma_wait3A_72] : memref<100000x128xf32, #tpu.memory_space<hbm>> -> memref<100000x128xf32, #tpu.memory_space<hbm>>
    %dma_wait3A_74 = tpu.memref_slice %arg9[%dma_wait3A_63] : memref<3x!tpu.dma_semaphore, #tpu.memory_space<semaphore_mem>> -> memref<1x!tpu.dma_semaphore, #tpu.memory_space<semaphore_mem>>
    %dma_wait3A_75 = tpu.memref_squeeze %dma_wait3A_74 : memref<1x!tpu.dma_semaphore, #tpu.memory_space<semaphore_mem>> -> memref<!tpu.dma_semaphore, #tpu.memory_space<semaphore_mem>>
    tpu.wait_indirect_dma semaphore(%dma_wait3A_75 : memref<!tpu.dma_semaphore, #tpu.memory_space<semaphore_mem>>) src(%dma_wait3A_73 : memref<100000x128xf32, #tpu.memory_space<hbm>>) dst(%dma_wait3A_67 : memref<50x128xf32, #tpu.memory_space<vmem>>)
    %dma_wait3A_76 = arith.constant 1 : i32
    %dma_wait3A_77 = arith.constant 0 : i32
    %dma_wait3A_78 = arith.constant 0 : i32
    %dma_wait3A_79 = arith.constant 50 : i32
    %dma_wait3A_80 = arith.constant 0 : i32
    %dma_wait3A_81 = tpu.memref_slice %arg6[%dma_wait3A_77, %dma_wait3A_79, %dma_wait3A_80] : memref<3x200x128xf32, #tpu.memory_space<vmem>> -> memref<1x50x128xf32, #tpu.memory_space<vmem>>
    %dma_wait3A_82 = tpu.memref_squeeze %dma_wait3A_81 : memref<1x50x128xf32, #tpu.memory_space<vmem>> -> memref<50x128xf32, #tpu.memory_space<vmem>>
    %dma_wait3A_83 = arith.constant 0 : i32
    %dma_wait3A_84 = tpu.memref_slice %arg5[%dma_wait3A_76, %dma_wait3A_83] : memref<128x50xi32, #tpu.memory_space<vmem>> -> memref<1x50xi32, #tpu.memory_space<vmem>>
    %dma_wait3A_85 = tpu.memref_squeeze %dma_wait3A_84 : memref<1x50xi32, #tpu.memory_space<vmem>> -> memref<50xi32, #tpu.memory_space<vmem>>
    %dma_wait3A_86 = arith.constant 0 : i32
    %dma_wait3A_87 = arith.constant 0 : i32
    %dma_wait3A_88 = tpu.memref_slice %arg3[%dma_wait3A_86, %dma_wait3A_87] : memref<100000x128xf32, #tpu.memory_space<hbm>> -> memref<100000x128xf32, #tpu.memory_space<hbm>>
    %dma_wait3A_89 = tpu.memref_slice %arg9[%dma_wait3A_78] : memref<3x!tpu.dma_semaphore, #tpu.memory_space<semaphore_mem>> -> memref<1x!tpu.dma_semaphore, #tpu.memory_space<semaphore_mem>>
    %dma_wait3A_90 = tpu.memref_squeeze %dma_wait3A_89 : memref<1x!tpu.dma_semaphore, #tpu.memory_space<semaphore_mem>> -> memref<!tpu.dma_semaphore, #tpu.memory_space<semaphore_mem>>
    tpu.wait_indirect_dma semaphore(%dma_wait3A_90 : memref<!tpu.dma_semaphore, #tpu.memory_space<semaphore_mem>>) src(%dma_wait3A_88 : memref<100000x128xf32, #tpu.memory_space<hbm>>) dst(%dma_wait3A_82 : memref<50x128xf32, #tpu.memory_space<vmem>>)
    %dma_wait3A_91 = arith.constant 2 : i32
    %dma_wait3A_92 = arith.constant 0 : i32
    %dma_wait3A_93 = arith.constant 0 : i32
    %dma_wait3A_94 = arith.constant 100 : i32
    %dma_wait3A_95 = arith.constant 0 : i32
    %dma_wait3A_96 = tpu.memref_slice %arg6[%dma_wait3A_92, %dma_wait3A_94, %dma_wait3A_95] : memref<3x200x128xf32, #tpu.memory_space<vmem>> -> memref<1x50x128xf32, #tpu.memory_space<vmem>>
    %dma_wait3A_97 = tpu.memref_squeeze %dma_wait3A_96 : memref<1x50x128xf32, #tpu.memory_space<vmem>> -> memref<50x128xf32, #tpu.memory_space<vmem>>
    %dma_wait3A_98 = arith.constant 0 : i32
    %dma_wait3A_99 = tpu.memref_slice %arg5[%dma_wait3A_91, %dma_wait3A_98] : memref<128x50xi32, #tpu.memory_space<vmem>> -> memref<1x50xi32, #tpu.memory_space<vmem>>
    %dma_wait3A_100 = tpu.memref_squeeze %dma_wait3A_99 : memref<1x50xi32, #tpu.memory_space<vmem>> -> memref<50xi32, #tpu.memory_space<vmem>>
    %dma_wait3A_101 = arith.constant 0 : i32
    %dma_wait3A_102 = arith.constant 0 : i32
    %dma_wait3A_103 = tpu.memref_slice %arg3[%dma_wait3A_101, %dma_wait3A_102] : memref<100000x128xf32, #tpu.memory_space<hbm>> -> memref<100000x128xf32, #tpu.memory_space<hbm>>
    %dma_wait3A_104 = tpu.memref_slice %arg9[%dma_wait3A_93] : memref<3x!tpu.dma_semaphore, #tpu.memory_space<semaphore_mem>> -> memref<1x!tpu.dma_semaphore, #tpu.memory_space<semaphore_mem>>
    %dma_wait3A_105 = tpu.memref_squeeze %dma_wait3A_104 : memref<1x!tpu.dma_semaphore, #tpu.memory_space<semaphore_mem>> -> memref<!tpu.dma_semaphore, #tpu.memory_space<semaphore_mem>>
    tpu.wait_indirect_dma semaphore(%dma_wait3A_105 : memref<!tpu.dma_semaphore, #tpu.memory_space<semaphore_mem>>) src(%dma_wait3A_103 : memref<100000x128xf32, #tpu.memory_space<hbm>>) dst(%dma_wait3A_97 : memref<50x128xf32, #tpu.memory_space<vmem>>)
    %dma_wait3A_106 = arith.constant 3 : i32
    %dma_wait3A_107 = arith.constant 0 : i32
    %dma_wait3A_108 = arith.constant 0 : i32
    %dma_wait3A_109 = arith.constant 150 : i32
    %dma_wait3A_110 = arith.constant 0 : i32
    %dma_wait3A_111 = tpu.memref_slice %arg6[%dma_wait3A_107, %dma_wait3A_109, %dma_wait3A_110] : memref<3x200x128xf32, #tpu.memory_space<vmem>> -> memref<1x50x128xf32, #tpu.memory_space<vmem>>
    %dma_wait3A_112 = tpu.memref_squeeze %dma_wait3A_111 : memref<1x50x128xf32, #tpu.memory_space<vmem>> -> memref<50x128xf32, #tpu.memory_space<vmem>>
    %dma_wait3A_113 = arith.constant 0 : i32
    %dma_wait3A_114 = tpu.memref_slice %arg5[%dma_wait3A_106, %dma_wait3A_113] : memref<128x50xi32, #tpu.memory_space<vmem>> -> memref<1x50xi32, #tpu.memory_space<vmem>>
    %dma_wait3A_115 = tpu.memref_squeeze %dma_wait3A_114 : memref<1x50xi32, #tpu.memory_space<vmem>> -> memref<50xi32, #tpu.memory_space<vmem>>
    %dma_wait3A_116 = arith.constant 0 : i32
    %dma_wait3A_117 = arith.constant 0 : i32
    %dma_wait3A_118 = tpu.memref_slice %arg3[%dma_wait3A_116, %dma_wait3A_117] : memref<100000x128xf32, #tpu.memory_space<hbm>> -> memref<100000x128xf32, #tpu.memory_space<hbm>>
    %dma_wait3A_119 = tpu.memref_slice %arg9[%dma_wait3A_108] : memref<3x!tpu.dma_semaphore, #tpu.memory_space<semaphore_mem>> -> memref<1x!tpu.dma_semaphore, #tpu.memory_space<semaphore_mem>>
    %dma_wait3A_120 = tpu.memref_squeeze %dma_wait3A_119 : memref<1x!tpu.dma_semaphore, #tpu.memory_space<semaphore_mem>> -> memref<!tpu.dma_semaphore, #tpu.memory_space<semaphore_mem>>
    tpu.wait_indirect_dma semaphore(%dma_wait3A_120 : memref<!tpu.dma_semaphore, #tpu.memory_space<semaphore_mem>>) src(%dma_wait3A_118 : memref<100000x128xf32, #tpu.memory_space<hbm>>) dst(%dma_wait3A_112 : memref<50x128xf32, #tpu.memory_space<vmem>>)
    %dma_start3A_121 = arith.constant 4 : i32
    %dma_start3A_122 = arith.constant 1 : i32
    %dma_start3A_123 = arith.constant 1 : i32
    %dma_start3A_124 = arith.constant 0 : i32
    %dma_start3A_125 = arith.constant 0 : i32
    %dma_start3A_126 = tpu.memref_slice %arg6[%dma_start3A_122, %dma_start3A_124, %dma_start3A_125] : memref<3x200x128xf32, #tpu.memory_space<vmem>> -> memref<1x50x128xf32, #tpu.memory_space<vmem>>
    %dma_start3A_127 = tpu.memref_squeeze %dma_start3A_126 : memref<1x50x128xf32, #tpu.memory_space<vmem>> -> memref<50x128xf32, #tpu.memory_space<vmem>>
    %dma_start3A_128 = arith.constant 0 : i32
    %dma_start3A_129 = tpu.memref_slice %arg5[%dma_start3A_121, %dma_start3A_128] : memref<128x50xi32, #tpu.memory_space<vmem>> -> memref<1x50xi32, #tpu.memory_space<vmem>>
    %dma_start3A_130 = tpu.memref_squeeze %dma_start3A_129 : memref<1x50xi32, #tpu.memory_space<vmem>> -> memref<50xi32, #tpu.memory_space<vmem>>
    %dma_start3A_131 = arith.constant 0 : i32
    %dma_start3A_132 = arith.constant 0 : i32
    %dma_start3A_133 = tpu.memref_slice %arg3[%dma_start3A_131, %dma_start3A_132] : memref<100000x128xf32, #tpu.memory_space<hbm>> -> memref<100000x128xf32, #tpu.memory_space<hbm>>
    %dma_start3A_134 = tpu.memref_slice %arg9[%dma_start3A_123] : memref<3x!tpu.dma_semaphore, #tpu.memory_space<semaphore_mem>> -> memref<1x!tpu.dma_semaphore, #tpu.memory_space<semaphore_mem>>
    %dma_start3A_135 = tpu.memref_squeeze %dma_start3A_134 : memref<1x!tpu.dma_semaphore, #tpu.memory_space<semaphore_mem>> -> memref<!tpu.dma_semaphore, #tpu.memory_space<semaphore_mem>>
    tpu.enqueue_indirect_dma source(%dma_start3A_133 : memref<100000x128xf32, #tpu.memory_space<hbm>>) target(%dma_start3A_127 : memref<50x128xf32, #tpu.memory_space<vmem>>) offsets(%dma_start3A_130 : memref<50xi32, #tpu.memory_space<vmem>>) semaphore(%dma_start3A_135 : memref<!tpu.dma_semaphore, #tpu.memory_space<semaphore_mem>>)
    %dma_start3A_136 = arith.constant 5 : i32
    %dma_start3A_137 = arith.constant 1 : i32
    %dma_start3A_138 = arith.constant 1 : i32
    %dma_start3A_139 = arith.constant 50 : i32
    %dma_start3A_140 = arith.constant 0 : i32
    %dma_start3A_141 = tpu.memref_slice %arg6[%dma_start3A_137, %dma_start3A_139, %dma_start3A_140] : memref<3x200x128xf32, #tpu.memory_space<vmem>> -> memref<1x50x128xf32, #tpu.memory_space<vmem>>
    %dma_start3A_142 = tpu.memref_squeeze %dma_start3A_141 : memref<1x50x128xf32, #tpu.memory_space<vmem>> -> memref<50x128xf32, #tpu.memory_space<vmem>>
    %dma_start3A_143 = arith.constant 0 : i32
    %dma_start3A_144 = tpu.memref_slice %arg5[%dma_start3A_136, %dma_start3A_143] : memref<128x50xi32, #tpu.memory_space<vmem>> -> memref<1x50xi32, #tpu.memory_space<vmem>>
    %dma_start3A_145 = tpu.memref_squeeze %dma_start3A_144 : memref<1x50xi32, #tpu.memory_space<vmem>> -> memref<50xi32, #tpu.memory_space<vmem>>
    %dma_start3A_146 = arith.constant 0 : i32
    %dma_start3A_147 = arith.constant 0 : i32
    %dma_start3A_148 = tpu.memref_slice %arg3[%dma_start3A_146, %dma_start3A_147] : memref<100000x128xf32, #tpu.memory_space<hbm>> -> memref<100000x128xf32, #tpu.memory_space<hbm>>
    %dma_start3A_149 = tpu.memref_slice %arg9[%dma_start3A_138] : memref<3x!tpu.dma_semaphore, #tpu.memory_space<semaphore_mem>> -> memref<1x!tpu.dma_semaphore, #tpu.memory_space<semaphore_mem>>
    %dma_start3A_150 = tpu.memref_squeeze %dma_start3A_149 : memref<1x!tpu.dma_semaphore, #tpu.memory_space<semaphore_mem>> -> memref<!tpu.dma_semaphore, #tpu.memory_space<semaphore_mem>>
    tpu.enqueue_indirect_dma source(%dma_start3A_148 : memref<100000x128xf32, #tpu.memory_space<hbm>>) target(%dma_start3A_142 : memref<50x128xf32, #tpu.memory_space<vmem>>) offsets(%dma_start3A_145 : memref<50xi32, #tpu.memory_space<vmem>>) semaphore(%dma_start3A_150 : memref<!tpu.dma_semaphore, #tpu.memory_space<semaphore_mem>>)
    %dma_start3A_151 = arith.constant 6 : i32
    %dma_start3A_152 = arith.constant 1 : i32
    %dma_start3A_153 = arith.constant 1 : i32
    %dma_start3A_154 = arith.constant 100 : i32
    %dma_start3A_155 = arith.constant 0 : i32
    %dma_start3A_156 = tpu.memref_slice %arg6[%dma_start3A_152, %dma_start3A_154, %dma_start3A_155] : memref<3x200x128xf32, #tpu.memory_space<vmem>> -> memref<1x50x128xf32, #tpu.memory_space<vmem>>
    %dma_start3A_157 = tpu.memref_squeeze %dma_start3A_156 : memref<1x50x128xf32, #tpu.memory_space<vmem>> -> memref<50x128xf32, #tpu.memory_space<vmem>>
    %dma_start3A_158 = arith.constant 0 : i32
    %dma_start3A_159 = tpu.memref_slice %arg5[%dma_start3A_151, %dma_start3A_158] : memref<128x50xi32, #tpu.memory_space<vmem>> -> memref<1x50xi32, #tpu.memory_space<vmem>>
    %dma_start3A_160 = tpu.memref_squeeze %dma_start3A_159 : memref<1x50xi32, #tpu.memory_space<vmem>> -> memref<50xi32, #tpu.memory_space<vmem>>
    %dma_start3A_161 = arith.constant 0 : i32
    %dma_start3A_162 = arith.constant 0 : i32
    %dma_start3A_163 = tpu.memref_slice %arg3[%dma_start3A_161, %dma_start3A_162] : memref<100000x128xf32, #tpu.memory_space<hbm>> -> memref<100000x128xf32, #tpu.memory_space<hbm>>
    %dma_start3A_164 = tpu.memref_slice %arg9[%dma_start3A_153] : memref<3x!tpu.dma_semaphore, #tpu.memory_space<semaphore_mem>> -> memref<1x!tpu.dma_semaphore, #tpu.memory_space<semaphore_mem>>
    %dma_start3A_165 = tpu.memref_squeeze %dma_start3A_164 : memref<1x!tpu.dma_semaphore, #tpu.memory_space<semaphore_mem>> -> memref<!tpu.dma_semaphore, #tpu.memory_space<semaphore_mem>>
    tpu.enqueue_indirect_dma source(%dma_start3A_163 : memref<100000x128xf32, #tpu.memory_space<hbm>>) target(%dma_start3A_157 : memref<50x128xf32, #tpu.memory_space<vmem>>) offsets(%dma_start3A_160 : memref<50xi32, #tpu.memory_space<vmem>>) semaphore(%dma_start3A_165 : memref<!tpu.dma_semaphore, #tpu.memory_space<semaphore_mem>>)
    %dma_start3A_166 = arith.constant 7 : i32
    %dma_start3A_167 = arith.constant 1 : i32
    %dma_start3A_168 = arith.constant 1 : i32
    %dma_start3A_169 = arith.constant 150 : i32
    %dma_start3A_170 = arith.constant 0 : i32
    %dma_start3A_171 = tpu.memref_slice %arg6[%dma_start3A_167, %dma_start3A_169, %dma_start3A_170] : memref<3x200x128xf32, #tpu.memory_space<vmem>> -> memref<1x50x128xf32, #tpu.memory_space<vmem>>
    %dma_start3A_172 = tpu.memref_squeeze %dma_start3A_171 : memref<1x50x128xf32, #tpu.memory_space<vmem>> -> memref<50x128xf32, #tpu.memory_space<vmem>>
    %dma_start3A_173 = arith.constant 0 : i32
    %dma_start3A_174 = tpu.memref_slice %arg5[%dma_start3A_166, %dma_start3A_173] : memref<128x50xi32, #tpu.memory_space<vmem>> -> memref<1x50xi32, #tpu.memory_space<vmem>>
    %dma_start3A_175 = tpu.memref_squeeze %dma_start3A_174 : memref<1x50xi32, #tpu.memory_space<vmem>> -> memref<50xi32, #tpu.memory_space<vmem>>
    %dma_start3A_176 = arith.constant 0 : i32
    %dma_start3A_177 = arith.constant 0 : i32
    %dma_start3A_178 = tpu.memref_slice %arg3[%dma_start3A_176, %dma_start3A_177] : memref<100000x128xf32, #tpu.memory_space<hbm>> -> memref<100000x128xf32, #tpu.memory_space<hbm>>
    %dma_start3A_179 = tpu.memref_slice %arg9[%dma_start3A_168] : memref<3x!tpu.dma_semaphore, #tpu.memory_space<semaphore_mem>> -> memref<1x!tpu.dma_semaphore, #tpu.memory_space<semaphore_mem>>
    %dma_start3A_180 = tpu.memref_squeeze %dma_start3A_179 : memref<1x!tpu.dma_semaphore, #tpu.memory_space<semaphore_mem>> -> memref<!tpu.dma_semaphore, #tpu.memory_space<semaphore_mem>>
    tpu.enqueue_indirect_dma source(%dma_start3A_178 : memref<100000x128xf32, #tpu.memory_space<hbm>>) target(%dma_start3A_172 : memref<50x128xf32, #tpu.memory_space<vmem>>) offsets(%dma_start3A_175 : memref<50xi32, #tpu.memory_space<vmem>>) semaphore(%dma_start3A_180 : memref<!tpu.dma_semaphore, #tpu.memory_space<semaphore_mem>>)
    %parallel_loop3A = arith.constant 0 : i32
    %parallel_loop3A_181 = arith.constant 200 : i32
    %parallel_loop3A_182 = arith.constant 1 : i32
    scf.for %parallel_loop3A_481 = %parallel_loop3A to %parallel_loop3A_181 step %parallel_loop3A_182  : i32 {
      %parallel_loop3A_482 = arith.constant 0 : i32
      %parallel_loop3A_483 = arith.constant 0 : i32
      %parallel_loop3A_484 = arith.constant 0 : i32
      %parallel_loop3A_485 = tpu.memref_slice %arg6[%parallel_loop3A_482, %parallel_loop3A_483, %parallel_loop3A_484] : memref<3x200x128xf32, #tpu.memory_space<vmem>> -> memref<1x200x128xf32, #tpu.memory_space<vmem>>
      %parallel_loop3A_486 = tpu.memref_squeeze %parallel_loop3A_485 : memref<1x200x128xf32, #tpu.memory_space<vmem>> -> memref<200x128xf32, #tpu.memory_space<vmem>>
      %parallel_loop3A_487 = arith.index_cast %parallel_loop3A_481 : i32 to index
      %parallel_loop3A_488 = arith.constant 0 : index
      %parallel_loop3A_489 = tpu.vector_load %parallel_loop3A_486[%parallel_loop3A_487, %parallel_loop3A_488] {strides = array<i32>} : memref<200x128xf32, #tpu.memory_space<vmem>>, vector<16xf32>,
      %parallel_loop3A_490 = arith.mulf %parallel_loop3A_489, %parallel_loop3A_489 : vector<16xf32>
      %parallel_loop3A_491 = arith.constant 0 : i32
      %parallel_loop3A_492 = arith.constant 0 : i32
      %parallel_loop3A_493 = arith.constant 0 : i32
      %parallel_loop3A_494 = tpu.memref_slice %arg6[%parallel_loop3A_491, %parallel_loop3A_492, %parallel_loop3A_493] : memref<3x200x128xf32, #tpu.memory_space<vmem>> -> memref<1x200x128xf32, #tpu.memory_space<vmem>>
      %parallel_loop3A_495 = tpu.memref_squeeze %parallel_loop3A_494 : memref<1x200x128xf32, #tpu.memory_space<vmem>> -> memref<200x128xf32, #tpu.memory_space<vmem>>
      %parallel_loop3A_496 = arith.index_cast %parallel_loop3A_481 : i32 to index
      %parallel_loop3A_497 = arith.constant 16 : index
      %parallel_loop3A_498 = tpu.vector_load %parallel_loop3A_495[%parallel_loop3A_496, %parallel_loop3A_497] {strides = array<i32>} : memref<200x128xf32, #tpu.memory_space<vmem>>, vector<16xf32>,
      %parallel_loop3A_499 = arith.mulf %parallel_loop3A_498, %parallel_loop3A_498 : vector<16xf32>
      %parallel_loop3A_500 = arith.constant 0 : i32
      %parallel_loop3A_501 = arith.constant 0 : i32
      %parallel_loop3A_502 = arith.constant 0 : i32
      %parallel_loop3A_503 = tpu.memref_slice %arg6[%parallel_loop3A_500, %parallel_loop3A_501, %parallel_loop3A_502] : memref<3x200x128xf32, #tpu.memory_space<vmem>> -> memref<1x200x128xf32, #tpu.memory_space<vmem>>
      %parallel_loop3A_504 = tpu.memref_squeeze %parallel_loop3A_503 : memref<1x200x128xf32, #tpu.memory_space<vmem>> -> memref<200x128xf32, #tpu.memory_space<vmem>>
      %parallel_loop3A_505 = arith.index_cast %parallel_loop3A_481 : i32 to index
      %parallel_loop3A_506 = arith.constant 32 : index
      %parallel_loop3A_507 = tpu.vector_load %parallel_loop3A_504[%parallel_loop3A_505, %parallel_loop3A_506] {strides = array<i32>} : memref<200x128xf32, #tpu.memory_space<vmem>>, vector<16xf32>,
      %parallel_loop3A_508 = arith.mulf %parallel_loop3A_507, %parallel_loop3A_507 : vector<16xf32>
      %parallel_loop3A_509 = arith.constant 0 : i32
      %parallel_loop3A_510 = arith.constant 0 : i32
      %parallel_loop3A_511 = arith.constant 0 : i32
      %parallel_loop3A_512 = tpu.memref_slice %arg6[%parallel_loop3A_509, %parallel_loop3A_510, %parallel_loop3A_511] : memref<3x200x128xf32, #tpu.memory_space<vmem>> -> memref<1x200x128xf32, #tpu.memory_space<vmem>>
      %parallel_loop3A_513 = tpu.memref_squeeze %parallel_loop3A_512 : memref<1x200x128xf32, #tpu.memory_space<vmem>> -> memref<200x128xf32, #tpu.memory_space<vmem>>
      %parallel_loop3A_514 = arith.index_cast %parallel_loop3A_481 : i32 to index
      %parallel_loop3A_515 = arith.constant 48 : index
      %parallel_loop3A_516 = tpu.vector_load %parallel_loop3A_513[%parallel_loop3A_514, %parallel_loop3A_515] {strides = array<i32>} : memref<200x128xf32, #tpu.memory_space<vmem>>, vector<16xf32>,
      %parallel_loop3A_517 = arith.mulf %parallel_loop3A_516, %parallel_loop3A_516 : vector<16xf32>
      %parallel_loop3A_518 = arith.constant 0 : i32
      %parallel_loop3A_519 = arith.constant 0 : i32
      %parallel_loop3A_520 = arith.constant 0 : i32
      %parallel_loop3A_521 = tpu.memref_slice %arg6[%parallel_loop3A_518, %parallel_loop3A_519, %parallel_loop3A_520] : memref<3x200x128xf32, #tpu.memory_space<vmem>> -> memref<1x200x128xf32, #tpu.memory_space<vmem>>
      %parallel_loop3A_522 = tpu.memref_squeeze %parallel_loop3A_521 : memref<1x200x128xf32, #tpu.memory_space<vmem>> -> memref<200x128xf32, #tpu.memory_space<vmem>>
      %parallel_loop3A_523 = arith.index_cast %parallel_loop3A_481 : i32 to index
      %parallel_loop3A_524 = arith.constant 64 : index
      %parallel_loop3A_525 = tpu.vector_load %parallel_loop3A_522[%parallel_loop3A_523, %parallel_loop3A_524] {strides = array<i32>} : memref<200x128xf32, #tpu.memory_space<vmem>>, vector<16xf32>,
      %parallel_loop3A_526 = arith.mulf %parallel_loop3A_525, %parallel_loop3A_525 : vector<16xf32>
      %parallel_loop3A_527 = arith.constant 0 : i32
      %parallel_loop3A_528 = arith.constant 0 : i32
      %parallel_loop3A_529 = arith.constant 0 : i32
      %parallel_loop3A_530 = tpu.memref_slice %arg6[%parallel_loop3A_527, %parallel_loop3A_528, %parallel_loop3A_529] : memref<3x200x128xf32, #tpu.memory_space<vmem>> -> memref<1x200x128xf32, #tpu.memory_space<vmem>>
      %parallel_loop3A_531 = tpu.memref_squeeze %parallel_loop3A_530 : memref<1x200x128xf32, #tpu.memory_space<vmem>> -> memref<200x128xf32, #tpu.memory_space<vmem>>
      %parallel_loop3A_532 = arith.index_cast %parallel_loop3A_481 : i32 to index
      %parallel_loop3A_533 = arith.constant 80 : index
      %parallel_loop3A_534 = tpu.vector_load %parallel_loop3A_531[%parallel_loop3A_532, %parallel_loop3A_533] {strides = array<i32>} : memref<200x128xf32, #tpu.memory_space<vmem>>, vector<16xf32>,
      %parallel_loop3A_535 = arith.mulf %parallel_loop3A_534, %parallel_loop3A_534 : vector<16xf32>
      %parallel_loop3A_536 = arith.constant 0 : i32
      %parallel_loop3A_537 = arith.constant 0 : i32
      %parallel_loop3A_538 = arith.constant 0 : i32
      %parallel_loop3A_539 = tpu.memref_slice %arg6[%parallel_loop3A_536, %parallel_loop3A_537, %parallel_loop3A_538] : memref<3x200x128xf32, #tpu.memory_space<vmem>> -> memref<1x200x128xf32, #tpu.memory_space<vmem>>
      %parallel_loop3A_540 = tpu.memref_squeeze %parallel_loop3A_539 : memref<1x200x128xf32, #tpu.memory_space<vmem>> -> memref<200x128xf32, #tpu.memory_space<vmem>>
      %parallel_loop3A_541 = arith.index_cast %parallel_loop3A_481 : i32 to index
      %parallel_loop3A_542 = arith.constant 96 : index
      %parallel_loop3A_543 = tpu.vector_load %parallel_loop3A_540[%parallel_loop3A_541, %parallel_loop3A_542] {strides = array<i32>} : memref<200x128xf32, #tpu.memory_space<vmem>>, vector<16xf32>,
      %parallel_loop3A_544 = arith.mulf %parallel_loop3A_543, %parallel_loop3A_543 : vector<16xf32>
      %parallel_loop3A_545 = arith.constant 0 : i32
      %parallel_loop3A_546 = arith.constant 0 : i32
      %parallel_loop3A_547 = arith.constant 0 : i32
      %parallel_loop3A_548 = tpu.memref_slice %arg6[%parallel_loop3A_545, %parallel_loop3A_546, %parallel_loop3A_547] : memref<3x200x128xf32, #tpu.memory_space<vmem>> -> memref<1x200x128xf32, #tpu.memory_space<vmem>>
      %parallel_loop3A_549 = tpu.memref_squeeze %parallel_loop3A_548 : memref<1x200x128xf32, #tpu.memory_space<vmem>> -> memref<200x128xf32, #tpu.memory_space<vmem>>
      %parallel_loop3A_550 = arith.index_cast %parallel_loop3A_481 : i32 to index
      %parallel_loop3A_551 = arith.constant 112 : index
      %parallel_loop3A_552 = tpu.vector_load %parallel_loop3A_549[%parallel_loop3A_550, %parallel_loop3A_551] {strides = array<i32>} : memref<200x128xf32, #tpu.memory_space<vmem>>, vector<16xf32>,
      %parallel_loop3A_553 = arith.mulf %parallel_loop3A_552, %parallel_loop3A_552 : vector<16xf32>
      %parallel_loop3A_554 = arith.addf %parallel_loop3A_490, %parallel_loop3A_499 : vector<16xf32>
      %parallel_loop3A_555 = arith.addf %parallel_loop3A_508, %parallel_loop3A_517 : vector<16xf32>
      %parallel_loop3A_556 = arith.addf %parallel_loop3A_526, %parallel_loop3A_535 : vector<16xf32>
      %parallel_loop3A_557 = arith.addf %parallel_loop3A_544, %parallel_loop3A_553 : vector<16xf32>
      %parallel_loop3A_558 = arith.addf %parallel_loop3A_554, %parallel_loop3A_555 : vector<16xf32>
      %parallel_loop3A_559 = arith.addf %parallel_loop3A_556, %parallel_loop3A_557 : vector<16xf32>
      %parallel_loop3A_560 = arith.addf %parallel_loop3A_558, %parallel_loop3A_559 : vector<16xf32>
      %parallel_loop3A_561 = arith.index_cast %parallel_loop3A_481 : i32 to index
      %parallel_loop3A_562 = arith.constant 0 : index
      %parallel_loop3A_563 = tpu.vector_load %arg7[%parallel_loop3A_561, %parallel_loop3A_562] {strides = array<i32>} : memref<208x17xf32, #tpu.memory_space<vmem>>, vector<16xf32>,
      tpu.vector_store %arg7[%parallel_loop3A_561, %parallel_loop3A_562], %parallel_loop3A_560 {strides = array<i32>} : memref<208x17xf32, #tpu.memory_space<vmem>>, vector<16xf32>,
    } {sc.loop_unroll_factor = 8 : i64, sc.parallel_access}
    %iota3A = tpu.iota {dimensions = array<i32: 0>} : vector<16xi32>
    %parallel_loop3A_183 = arith.constant 0 : i32
    %parallel_loop3A_184 = arith.constant 13 : i32
    %parallel_loop3A_185 = arith.constant 1 : i32
    scf.for %parallel_loop3A_481 = %parallel_loop3A_183 to %parallel_loop3A_184 step %parallel_loop3A_185  : i32 {
      %parallel_loop3A_482 = arith.constant 16 : i32
      %parallel_loop3A_483 = arith.muli %parallel_loop3A_481, %parallel_loop3A_482 : i32
      %parallel_loop3A_484 = tpu.assume_multiple %parallel_loop3A_483, 16 : i32
      %parallel_loop3A_485 = vector.broadcast %parallel_loop3A_484 : i32 to vector<16xi32>
      %parallel_loop3A_486 = arith.addi %parallel_loop3A_485, %iota3A : vector<16xi32>
      %parallel_loop3A_487 = arith.constant 0 : i32
      %parallel_loop3A_488 = vector.broadcast %parallel_loop3A_487 : i32 to vector<16xi32>
      %parallel_loop3A_489 = tpu.vector_load_idx %arg7[%parallel_loop3A_486, %parallel_loop3A_488] : memref<208x17xf32, #tpu.memory_space<vmem>>[vector<16xi32>, vector<16xi32>], vector<16xf32>,
      %parallel_loop3A_490 = vector.broadcast %parallel_loop3A_484 : i32 to vector<16xi32>
      %parallel_loop3A_491 = arith.addi %parallel_loop3A_490, %iota3A : vector<16xi32>
      %parallel_loop3A_492 = arith.constant 1 : i32
      %parallel_loop3A_493 = vector.broadcast %parallel_loop3A_492 : i32 to vector<16xi32>
      %parallel_loop3A_494 = tpu.vector_load_idx %arg7[%parallel_loop3A_491, %parallel_loop3A_493] : memref<208x17xf32, #tpu.memory_space<vmem>>[vector<16xi32>, vector<16xi32>], vector<16xf32>,
      %parallel_loop3A_495 = vector.broadcast %parallel_loop3A_484 : i32 to vector<16xi32>
      %parallel_loop3A_496 = arith.addi %parallel_loop3A_495, %iota3A : vector<16xi32>
      %parallel_loop3A_497 = arith.constant 2 : i32
      %parallel_loop3A_498 = vector.broadcast %parallel_loop3A_497 : i32 to vector<16xi32>
      %parallel_loop3A_499 = tpu.vector_load_idx %arg7[%parallel_loop3A_496, %parallel_loop3A_498] : memref<208x17xf32, #tpu.memory_space<vmem>>[vector<16xi32>, vector<16xi32>], vector<16xf32>,
      %parallel_loop3A_500 = vector.broadcast %parallel_loop3A_484 : i32 to vector<16xi32>
      %parallel_loop3A_501 = arith.addi %parallel_loop3A_500, %iota3A : vector<16xi32>
      %parallel_loop3A_502 = arith.constant 3 : i32
      %parallel_loop3A_503 = vector.broadcast %parallel_loop3A_502 : i32 to vector<16xi32>
      %parallel_loop3A_504 = tpu.vector_load_idx %arg7[%parallel_loop3A_501, %parallel_loop3A_503] : memref<208x17xf32, #tpu.memory_space<vmem>>[vector<16xi32>, vector<16xi32>], vector<16xf32>,
      %parallel_loop3A_505 = vector.broadcast %parallel_loop3A_484 : i32 to vector<16xi32>
      %parallel_loop3A_506 = arith.addi %parallel_loop3A_505, %iota3A : vector<16xi32>
      %parallel_loop3A_507 = arith.constant 4 : i32
      %parallel_loop3A_508 = vector.broadcast %parallel_loop3A_507 : i32 to vector<16xi32>
      %parallel_loop3A_509 = tpu.vector_load_idx %arg7[%parallel_loop3A_506, %parallel_loop3A_508] : memref<208x17xf32, #tpu.memory_space<vmem>>[vector<16xi32>, vector<16xi32>], vector<16xf32>,
      %parallel_loop3A_510 = vector.broadcast %parallel_loop3A_484 : i32 to vector<16xi32>
      %parallel_loop3A_511 = arith.addi %parallel_loop3A_510, %iota3A : vector<16xi32>
      %parallel_loop3A_512 = arith.constant 5 : i32
      %parallel_loop3A_513 = vector.broadcast %parallel_loop3A_512 : i32 to vector<16xi32>
      %parallel_loop3A_514 = tpu.vector_load_idx %arg7[%parallel_loop3A_511, %parallel_loop3A_513] : memref<208x17xf32, #tpu.memory_space<vmem>>[vector<16xi32>, vector<16xi32>], vector<16xf32>,
      %parallel_loop3A_515 = vector.broadcast %parallel_loop3A_484 : i32 to vector<16xi32>
      %parallel_loop3A_516 = arith.addi %parallel_loop3A_515, %iota3A : vector<16xi32>
      %parallel_loop3A_517 = arith.constant 6 : i32
      %parallel_loop3A_518 = vector.broadcast %parallel_loop3A_517 : i32 to vector<16xi32>
      %parallel_loop3A_519 = tpu.vector_load_idx %arg7[%parallel_loop3A_516, %parallel_loop3A_518] : memref<208x17xf32, #tpu.memory_space<vmem>>[vector<16xi32>, vector<16xi32>], vector<16xf32>,
      %parallel_loop3A_520 = vector.broadcast %parallel_loop3A_484 : i32 to vector<16xi32>
      %parallel_loop3A_521 = arith.addi %parallel_loop3A_520, %iota3A : vector<16xi32>
      %parallel_loop3A_522 = arith.constant 7 : i32
      %parallel_loop3A_523 = vector.broadcast %parallel_loop3A_522 : i32 to vector<16xi32>
      %parallel_loop3A_524 = tpu.vector_load_idx %arg7[%parallel_loop3A_521, %parallel_loop3A_523] : memref<208x17xf32, #tpu.memory_space<vmem>>[vector<16xi32>, vector<16xi32>], vector<16xf32>,
      %parallel_loop3A_525 = vector.broadcast %parallel_loop3A_484 : i32 to vector<16xi32>
      %parallel_loop3A_526 = arith.addi %parallel_loop3A_525, %iota3A : vector<16xi32>
      %parallel_loop3A_527 = arith.constant 8 : i32
      %parallel_loop3A_528 = vector.broadcast %parallel_loop3A_527 : i32 to vector<16xi32>
      %parallel_loop3A_529 = tpu.vector_load_idx %arg7[%parallel_loop3A_526, %parallel_loop3A_528] : memref<208x17xf32, #tpu.memory_space<vmem>>[vector<16xi32>, vector<16xi32>], vector<16xf32>,
      %parallel_loop3A_530 = vector.broadcast %parallel_loop3A_484 : i32 to vector<16xi32>
      %parallel_loop3A_531 = arith.addi %parallel_loop3A_530, %iota3A : vector<16xi32>
      %parallel_loop3A_532 = arith.constant 9 : i32
      %parallel_loop3A_533 = vector.broadcast %parallel_loop3A_532 : i32 to vector<16xi32>
      %parallel_loop3A_534 = tpu.vector_load_idx %arg7[%parallel_loop3A_531, %parallel_loop3A_533] : memref<208x17xf32, #tpu.memory_space<vmem>>[vector<16xi32>, vector<16xi32>], vector<16xf32>,
      %parallel_loop3A_535 = vector.broadcast %parallel_loop3A_484 : i32 to vector<16xi32>
      %parallel_loop3A_536 = arith.addi %parallel_loop3A_535, %iota3A : vector<16xi32>
      %parallel_loop3A_537 = arith.constant 10 : i32
      %parallel_loop3A_538 = vector.broadcast %parallel_loop3A_537 : i32 to vector<16xi32>
      %parallel_loop3A_539 = tpu.vector_load_idx %arg7[%parallel_loop3A_536, %parallel_loop3A_538] : memref<208x17xf32, #tpu.memory_space<vmem>>[vector<16xi32>, vector<16xi32>], vector<16xf32>,
      %parallel_loop3A_540 = vector.broadcast %parallel_loop3A_484 : i32 to vector<16xi32>
      %parallel_loop3A_541 = arith.addi %parallel_loop3A_540, %iota3A : vector<16xi32>
      %parallel_loop3A_542 = arith.constant 11 : i32
      %parallel_loop3A_543 = vector.broadcast %parallel_loop3A_542 : i32 to vector<16xi32>
      %parallel_loop3A_544 = tpu.vector_load_idx %arg7[%parallel_loop3A_541, %parallel_loop3A_543] : memref<208x17xf32, #tpu.memory_space<vmem>>[vector<16xi32>, vector<16xi32>], vector<16xf32>,
      %parallel_loop3A_545 = vector.broadcast %parallel_loop3A_484 : i32 to vector<16xi32>
      %parallel_loop3A_546 = arith.addi %parallel_loop3A_545, %iota3A : vector<16xi32>
      %parallel_loop3A_547 = arith.constant 12 : i32
      %parallel_loop3A_548 = vector.broadcast %parallel_loop3A_547 : i32 to vector<16xi32>
      %parallel_loop3A_549 = tpu.vector_load_idx %arg7[%parallel_loop3A_546, %parallel_loop3A_548] : memref<208x17xf32, #tpu.memory_space<vmem>>[vector<16xi32>, vector<16xi32>], vector<16xf32>,
      %parallel_loop3A_550 = vector.broadcast %parallel_loop3A_484 : i32 to vector<16xi32>
      %parallel_loop3A_551 = arith.addi %parallel_loop3A_550, %iota3A : vector<16xi32>
      %parallel_loop3A_552 = arith.constant 13 : i32
      %parallel_loop3A_553 = vector.broadcast %parallel_loop3A_552 : i32 to vector<16xi32>
      %parallel_loop3A_554 = tpu.vector_load_idx %arg7[%parallel_loop3A_551, %parallel_loop3A_553] : memref<208x17xf32, #tpu.memory_space<vmem>>[vector<16xi32>, vector<16xi32>], vector<16xf32>,
      %parallel_loop3A_555 = vector.broadcast %parallel_loop3A_484 : i32 to vector<16xi32>
      %parallel_loop3A_556 = arith.addi %parallel_loop3A_555, %iota3A : vector<16xi32>
      %parallel_loop3A_557 = arith.constant 14 : i32
      %parallel_loop3A_558 = vector.broadcast %parallel_loop3A_557 : i32 to vector<16xi32>
      %parallel_loop3A_559 = tpu.vector_load_idx %arg7[%parallel_loop3A_556, %parallel_loop3A_558] : memref<208x17xf32, #tpu.memory_space<vmem>>[vector<16xi32>, vector<16xi32>], vector<16xf32>,
      %parallel_loop3A_560 = vector.broadcast %parallel_loop3A_484 : i32 to vector<16xi32>
      %parallel_loop3A_561 = arith.addi %parallel_loop3A_560, %iota3A : vector<16xi32>
      %parallel_loop3A_562 = arith.constant 15 : i32
      %parallel_loop3A_563 = vector.broadcast %parallel_loop3A_562 : i32 to vector<16xi32>
      %parallel_loop3A_564 = tpu.vector_load_idx %arg7[%parallel_loop3A_561, %parallel_loop3A_563] : memref<208x17xf32, #tpu.memory_space<vmem>>[vector<16xi32>, vector<16xi32>], vector<16xf32>,
      %parallel_loop3A_565 = arith.addf %parallel_loop3A_489, %parallel_loop3A_494 : vector<16xf32>
      %parallel_loop3A_566 = arith.addf %parallel_loop3A_499, %parallel_loop3A_504 : vector<16xf32>
      %parallel_loop3A_567 = arith.addf %parallel_loop3A_509, %parallel_loop3A_514 : vector<16xf32>
      %parallel_loop3A_568 = arith.addf %parallel_loop3A_519, %parallel_loop3A_524 : vector<16xf32>
      %parallel_loop3A_569 = arith.addf %parallel_loop3A_529, %parallel_loop3A_534 : vector<16xf32>
      %parallel_loop3A_570 = arith.addf %parallel_loop3A_539, %parallel_loop3A_544 : vector<16xf32>
      %parallel_loop3A_571 = arith.addf %parallel_loop3A_549, %parallel_loop3A_554 : vector<16xf32>
      %parallel_loop3A_572 = arith.addf %parallel_loop3A_559, %parallel_loop3A_564 : vector<16xf32>
      %parallel_loop3A_573 = arith.addf %parallel_loop3A_565, %parallel_loop3A_566 : vector<16xf32>
      %parallel_loop3A_574 = arith.addf %parallel_loop3A_567, %parallel_loop3A_568 : vector<16xf32>
      %parallel_loop3A_575 = arith.addf %parallel_loop3A_569, %parallel_loop3A_570 : vector<16xf32>
      %parallel_loop3A_576 = arith.addf %parallel_loop3A_571, %parallel_loop3A_572 : vector<16xf32>
      %parallel_loop3A_577 = arith.addf %parallel_loop3A_573, %parallel_loop3A_574 : vector<16xf32>
      %parallel_loop3A_578 = arith.addf %parallel_loop3A_575, %parallel_loop3A_576 : vector<16xf32>
      %parallel_loop3A_579 = arith.addf %parallel_loop3A_577, %parallel_loop3A_578 : vector<16xf32>
      %parallel_loop3A_580 = arith.constant 7.812500e-27 : f32
      %parallel_loop3A_581 = vector.broadcast %parallel_loop3A_580 : f32 to vector<16xf32>
      %parallel_loop3A_582 = arith.maximumf %parallel_loop3A_579, %parallel_loop3A_581 : vector<16xf32>
      %parallel_loop3A_583 = vector.bitcast %parallel_loop3A_582 : vector<16xf32> to vector<16xi32>
      %parallel_loop3A_584 = arith.constant 1 : i32
      %parallel_loop3A_585 = vector.broadcast %parallel_loop3A_584 : i32 to vector<16xi32>
      %parallel_loop3A_586 = arith.shrsi %parallel_loop3A_583, %parallel_loop3A_585 : vector<16xi32>
      %parallel_loop3A_587 = arith.constant 1597463007 : i32
      %parallel_loop3A_588 = vector.broadcast %parallel_loop3A_587 : i32 to vector<16xi32>
      %parallel_loop3A_589 = arith.subi %parallel_loop3A_588, %parallel_loop3A_586 : vector<16xi32>
      %parallel_loop3A_590 = vector.bitcast %parallel_loop3A_589 : vector<16xi32> to vector<16xf32>
      %parallel_loop3A_591 = arith.constant 5.000000e-01 : f32
      %parallel_loop3A_592 = vector.broadcast %parallel_loop3A_591 : f32 to vector<16xf32>
      %parallel_loop3A_593 = arith.mulf %parallel_loop3A_592, %parallel_loop3A_582 : vector<16xf32>
      %parallel_loop3A_594 = arith.mulf %parallel_loop3A_593, %parallel_loop3A_590 : vector<16xf32>
      %parallel_loop3A_595 = arith.mulf %parallel_loop3A_594, %parallel_loop3A_590 : vector<16xf32>
      %parallel_loop3A_596 = arith.constant 1.500000e+00 : f32
      %parallel_loop3A_597 = vector.broadcast %parallel_loop3A_596 : f32 to vector<16xf32>
      %parallel_loop3A_598 = arith.subf %parallel_loop3A_597, %parallel_loop3A_595 : vector<16xf32>
      %parallel_loop3A_599 = arith.mulf %parallel_loop3A_590, %parallel_loop3A_598 : vector<16xf32>
      %parallel_loop3A_600 = arith.constant 5.000000e-01 : f32
      %parallel_loop3A_601 = vector.broadcast %parallel_loop3A_600 : f32 to vector<16xf32>
      %parallel_loop3A_602 = arith.mulf %parallel_loop3A_601, %parallel_loop3A_582 : vector<16xf32>
      %parallel_loop3A_603 = arith.mulf %parallel_loop3A_602, %parallel_loop3A_599 : vector<16xf32>
      %parallel_loop3A_604 = arith.mulf %parallel_loop3A_603, %parallel_loop3A_599 : vector<16xf32>
      %parallel_loop3A_605 = arith.constant 1.500000e+00 : f32
      %parallel_loop3A_606 = vector.broadcast %parallel_loop3A_605 : f32 to vector<16xf32>
      %parallel_loop3A_607 = arith.subf %parallel_loop3A_606, %parallel_loop3A_604 : vector<16xf32>
      %parallel_loop3A_608 = arith.mulf %parallel_loop3A_599, %parallel_loop3A_607 : vector<16xf32>
      %parallel_loop3A_609 = arith.constant 0 : i32
      %parallel_loop3A_610 = arith.index_cast %parallel_loop3A_609 : i32 to index
      %parallel_loop3A_611 = arith.index_cast %parallel_loop3A_484 : i32 to index
      %parallel_loop3A_612 = tpu.vector_load %arg8[%parallel_loop3A_610, %parallel_loop3A_611] {strides = array<i32>} : memref<2x208xf32, #tpu.memory_space<vmem>>, vector<16xf32>,
      tpu.vector_store %arg8[%parallel_loop3A_610, %parallel_loop3A_611], %parallel_loop3A_608 {strides = array<i32>} : memref<2x208xf32, #tpu.memory_space<vmem>>, vector<16xf32>,
    } {sc.loop_unroll_factor = 2 : i64, sc.parallel_access}
    %scan3A = arith.constant 1 : i32
    %scan3A_186 = arith.constant 31 : i32
    %scan3A_187 = arith.addi %scan3A, %scan3A_186 : i32
    %scan3A_188 = arith.constant 1 : i32
    scf.for %scan3A_481 = %scan3A to %scan3A_187 step %scan3A_188  : i32 {
      %rem3A = arith.constant 3 : i32
      %rem3A_482 = arith.remsi %scan3A_481, %rem3A : i32
      %add3A_483 = arith.constant 3 : i32
      %add3A_484 = arith.addi %scan3A_481, %add3A_483 : i32
      %sub3A = arith.constant 1 : i32
      %sub3A_485 = arith.subi %add3A_484, %sub3A : i32
      %rem3A_486 = arith.constant 3 : i32
      %rem3A_487 = arith.remsi %sub3A_485, %rem3A_486 : i32
      %add3A_488 = arith.constant 1 : i32
      %add3A_489 = arith.addi %scan3A_481, %add3A_488 : i32
      %rem3A_490 = arith.constant 2 : i32
      %rem3A_491 = arith.remsi %add3A_489, %rem3A_490 : i32
      %rem3A_492 = arith.constant 2 : i32
      %rem3A_493 = arith.remsi %scan3A_481, %rem3A_492 : i32
      %mul3A_494 = arith.constant 4 : i32
      %mul3A_495 = arith.muli %scan3A_481, %mul3A_494 : i32
      %add3A_496 = arith.constant 0 : i32
      %add3A_497 = arith.addi %mul3A_495, %add3A_496 : i32
      %dma_wait3A_498 = arith.constant 0 : i32
      %dma_wait3A_499 = arith.constant 0 : i32
      %dma_wait3A_500 = tpu.memref_slice %arg6[%rem3A_482, %dma_wait3A_498, %dma_wait3A_499] : memref<3x200x128xf32, #tpu.memory_space<vmem>> -> memref<1x50x128xf32, #tpu.memory_space<vmem>>
      %dma_wait3A_501 = tpu.memref_squeeze %dma_wait3A_500 : memref<1x50x128xf32, #tpu.memory_space<vmem>> -> memref<50x128xf32, #tpu.memory_space<vmem>>
      %dma_wait3A_502 = arith.constant 0 : i32
      %dma_wait3A_503 = tpu.memref_slice %arg5[%add3A_497, %dma_wait3A_502] : memref<128x50xi32, #tpu.memory_space<vmem>> -> memref<1x50xi32, #tpu.memory_space<vmem>>
      %dma_wait3A_504 = tpu.memref_squeeze %dma_wait3A_503 : memref<1x50xi32, #tpu.memory_space<vmem>> -> memref<50xi32, #tpu.memory_space<vmem>>
      %dma_wait3A_505 = arith.constant 0 : i32
      %dma_wait3A_506 = arith.constant 0 : i32
      %dma_wait3A_507 = tpu.memref_slice %arg3[%dma_wait3A_505, %dma_wait3A_506] : memref<100000x128xf32, #tpu.memory_space<hbm>> -> memref<100000x128xf32, #tpu.memory_space<hbm>>
      %dma_wait3A_508 = tpu.memref_slice %arg9[%rem3A_482] : memref<3x!tpu.dma_semaphore, #tpu.memory_space<semaphore_mem>> -> memref<1x!tpu.dma_semaphore, #tpu.memory_space<semaphore_mem>>
      %dma_wait3A_509 = tpu.memref_squeeze %dma_wait3A_508 : memref<1x!tpu.dma_semaphore, #tpu.memory_space<semaphore_mem>> -> memref<!tpu.dma_semaphore, #tpu.memory_space<semaphore_mem>>
      tpu.wait_indirect_dma semaphore(%dma_wait3A_509 : memref<!tpu.dma_semaphore, #tpu.memory_space<semaphore_mem>>) src(%dma_wait3A_507 : memref<100000x128xf32, #tpu.memory_space<hbm>>) dst(%dma_wait3A_501 : memref<50x128xf32, #tpu.memory_space<vmem>>)
      %mul3A_510 = arith.constant 4 : i32
      %mul3A_511 = arith.muli %scan3A_481, %mul3A_510 : i32
      %add3A_512 = arith.constant 1 : i32
      %add3A_513 = arith.addi %mul3A_511, %add3A_512 : i32
      %dma_wait3A_514 = arith.constant 50 : i32
      %dma_wait3A_515 = arith.constant 0 : i32
      %dma_wait3A_516 = tpu.memref_slice %arg6[%rem3A_482, %dma_wait3A_514, %dma_wait3A_515] : memref<3x200x128xf32, #tpu.memory_space<vmem>> -> memref<1x50x128xf32, #tpu.memory_space<vmem>>
      %dma_wait3A_517 = tpu.memref_squeeze %dma_wait3A_516 : memref<1x50x128xf32, #tpu.memory_space<vmem>> -> memref<50x128xf32, #tpu.memory_space<vmem>>
      %dma_wait3A_518 = arith.constant 0 : i32
      %dma_wait3A_519 = tpu.memref_slice %arg5[%add3A_513, %dma_wait3A_518] : memref<128x50xi32, #tpu.memory_space<vmem>> -> memref<1x50xi32, #tpu.memory_space<vmem>>
      %dma_wait3A_520 = tpu.memref_squeeze %dma_wait3A_519 : memref<1x50xi32, #tpu.memory_space<vmem>> -> memref<50xi32, #tpu.memory_space<vmem>>
      %dma_wait3A_521 = arith.constant 0 : i32
      %dma_wait3A_522 = arith.constant 0 : i32
      %dma_wait3A_523 = tpu.memref_slice %arg3[%dma_wait3A_521, %dma_wait3A_522] : memref<100000x128xf32, #tpu.memory_space<hbm>> -> memref<100000x128xf32, #tpu.memory_space<hbm>>
      %dma_wait3A_524 = tpu.memref_slice %arg9[%rem3A_482] : memref<3x!tpu.dma_semaphore, #tpu.memory_space<semaphore_mem>> -> memref<1x!tpu.dma_semaphore, #tpu.memory_space<semaphore_mem>>
      %dma_wait3A_525 = tpu.memref_squeeze %dma_wait3A_524 : memref<1x!tpu.dma_semaphore, #tpu.memory_space<semaphore_mem>> -> memref<!tpu.dma_semaphore, #tpu.memory_space<semaphore_mem>>
      tpu.wait_indirect_dma semaphore(%dma_wait3A_525 : memref<!tpu.dma_semaphore, #tpu.memory_space<semaphore_mem>>) src(%dma_wait3A_523 : memref<100000x128xf32, #tpu.memory_space<hbm>>) dst(%dma_wait3A_517 : memref<50x128xf32, #tpu.memory_space<vmem>>)
      %mul3A_526 = arith.constant 4 : i32
      %mul3A_527 = arith.muli %scan3A_481, %mul3A_526 : i32
      %add3A_528 = arith.constant 2 : i32
      %add3A_529 = arith.addi %mul3A_527, %add3A_528 : i32
      %dma_wait3A_530 = arith.constant 100 : i32
      %dma_wait3A_531 = arith.constant 0 : i32
      %dma_wait3A_532 = tpu.memref_slice %arg6[%rem3A_482, %dma_wait3A_530, %dma_wait3A_531] : memref<3x200x128xf32, #tpu.memory_space<vmem>> -> memref<1x50x128xf32, #tpu.memory_space<vmem>>
      %dma_wait3A_533 = tpu.memref_squeeze %dma_wait3A_532 : memref<1x50x128xf32, #tpu.memory_space<vmem>> -> memref<50x128xf32, #tpu.memory_space<vmem>>
      %dma_wait3A_534 = arith.constant 0 : i32
      %dma_wait3A_535 = tpu.memref_slice %arg5[%add3A_529, %dma_wait3A_534] : memref<128x50xi32, #tpu.memory_space<vmem>> -> memref<1x50xi32, #tpu.memory_space<vmem>>
      %dma_wait3A_536 = tpu.memref_squeeze %dma_wait3A_535 : memref<1x50xi32, #tpu.memory_space<vmem>> -> memref<50xi32, #tpu.memory_space<vmem>>
      %dma_wait3A_537 = arith.constant 0 : i32
      %dma_wait3A_538 = arith.constant 0 : i32
      %dma_wait3A_539 = tpu.memref_slice %arg3[%dma_wait3A_537, %dma_wait3A_538] : memref<100000x128xf32, #tpu.memory_space<hbm>> -> memref<100000x128xf32, #tpu.memory_space<hbm>>
      %dma_wait3A_540 = tpu.memref_slice %arg9[%rem3A_482] : memref<3x!tpu.dma_semaphore, #tpu.memory_space<semaphore_mem>> -> memref<1x!tpu.dma_semaphore, #tpu.memory_space<semaphore_mem>>
      %dma_wait3A_541 = tpu.memref_squeeze %dma_wait3A_540 : memref<1x!tpu.dma_semaphore, #tpu.memory_space<semaphore_mem>> -> memref<!tpu.dma_semaphore, #tpu.memory_space<semaphore_mem>>
      tpu.wait_indirect_dma semaphore(%dma_wait3A_541 : memref<!tpu.dma_semaphore, #tpu.memory_space<semaphore_mem>>) src(%dma_wait3A_539 : memref<100000x128xf32, #tpu.memory_space<hbm>>) dst(%dma_wait3A_533 : memref<50x128xf32, #tpu.memory_space<vmem>>)
      %mul3A_542 = arith.constant 4 : i32
      %mul3A_543 = arith.muli %scan3A_481, %mul3A_542 : i32
      %add3A_544 = arith.constant 3 : i32
      %add3A_545 = arith.addi %mul3A_543, %add3A_544 : i32
      %dma_wait3A_546 = arith.constant 150 : i32
      %dma_wait3A_547 = arith.constant 0 : i32
      %dma_wait3A_548 = tpu.memref_slice %arg6[%rem3A_482, %dma_wait3A_546, %dma_wait3A_547] : memref<3x200x128xf32, #tpu.memory_space<vmem>> -> memref<1x50x128xf32, #tpu.memory_space<vmem>>
      %dma_wait3A_549 = tpu.memref_squeeze %dma_wait3A_548 : memref<1x50x128xf32, #tpu.memory_space<vmem>> -> memref<50x128xf32, #tpu.memory_space<vmem>>
      %dma_wait3A_550 = arith.constant 0 : i32
      %dma_wait3A_551 = tpu.memref_slice %arg5[%add3A_545, %dma_wait3A_550] : memref<128x50xi32, #tpu.memory_space<vmem>> -> memref<1x50xi32, #tpu.memory_space<vmem>>
      %dma_wait3A_552 = tpu.memref_squeeze %dma_wait3A_551 : memref<1x50xi32, #tpu.memory_space<vmem>> -> memref<50xi32, #tpu.memory_space<vmem>>
      %dma_wait3A_553 = arith.constant 0 : i32
      %dma_wait3A_554 = arith.constant 0 : i32
      %dma_wait3A_555 = tpu.memref_slice %arg3[%dma_wait3A_553, %dma_wait3A_554] : memref<100000x128xf32, #tpu.memory_space<hbm>> -> memref<100000x128xf32, #tpu.memory_space<hbm>>
      %dma_wait3A_556 = tpu.memref_slice %arg9[%rem3A_482] : memref<3x!tpu.dma_semaphore, #tpu.memory_space<semaphore_mem>> -> memref<1x!tpu.dma_semaphore, #tpu.memory_space<semaphore_mem>>
      %dma_wait3A_557 = tpu.memref_squeeze %dma_wait3A_556 : memref<1x!tpu.dma_semaphore, #tpu.memory_space<semaphore_mem>> -> memref<!tpu.dma_semaphore, #tpu.memory_space<semaphore_mem>>
      tpu.wait_indirect_dma semaphore(%dma_wait3A_557 : memref<!tpu.dma_semaphore, #tpu.memory_space<semaphore_mem>>) src(%dma_wait3A_555 : memref<100000x128xf32, #tpu.memory_space<hbm>>) dst(%dma_wait3A_549 : memref<50x128xf32, #tpu.memory_space<vmem>>)
      %ge3A = arith.constant 2 : i32
      %ge3A_558 = arith.cmpi sge, %scan3A_481, %ge3A : i32
      %convert_element_type3A = arith.extui %ge3A_558 : i1 to i32
      %cond3A = arith.constant 0 : i32
      %cond3A_559 = arith.cmpi ne, %convert_element_type3A, %cond3A : i32
      scf.if %cond3A_559 {
        %sub3A_667 = arith.constant 2 : i32
        %sub3A_668 = arith.subi %scan3A_481, %sub3A_667 : i32
        %add3A_669 = arith.constant 3 : i32
        %add3A_670 = arith.addi %scan3A_481, %add3A_669 : i32
        %sub3A_671 = arith.constant 2 : i32
        %sub3A_672 = arith.subi %add3A_670, %sub3A_671 : i32
        %rem3A_673 = arith.constant 3 : i32
        %rem3A_674 = arith.remsi %sub3A_672, %rem3A_673 : i32
        %mul3A_675 = arith.constant 4 : i32
        %mul3A_676 = arith.muli %sub3A_668, %mul3A_675 : i32
        %add3A_677 = arith.addi %mul3A_2, %mul3A_676 : i32
        %add3A_678 = arith.constant 0 : i32
        %add3A_679 = arith.addi %add3A_677, %add3A_678 : i32
        %dma_wait3A_680 = arith.constant 0 : i32
        %dma_wait3A_681 = arith.constant 0 : i32
        %dma_wait3A_682 = tpu.memref_slice %arg6[%rem3A_674, %dma_wait3A_680, %dma_wait3A_681] : memref<3x200x128xf32, #tpu.memory_space<vmem>> -> memref<1x50x128xf32, #tpu.memory_space<vmem>>
        %dma_wait3A_683 = tpu.memref_squeeze %dma_wait3A_682 : memref<1x50x128xf32, #tpu.memory_space<vmem>> -> memref<50x128xf32, #tpu.memory_space<vmem>>
        %dma_wait3A_684 = arith.constant 0 : i32
        %dma_wait3A_685 = arith.constant 0 : i32
        %dma_wait3A_686 = tpu.memref_slice %arg4[%add3A_679, %dma_wait3A_684, %dma_wait3A_685] : memref<4096x50x128xf32, #tpu.memory_space<hbm>> -> memref<1x50x128xf32, #tpu.memory_space<hbm>>
        %dma_wait3A_687 = tpu.memref_squeeze %dma_wait3A_686 : memref<1x50x128xf32, #tpu.memory_space<hbm>> -> memref<50x128xf32, #tpu.memory_space<hbm>>
        %dma_wait3A_688 = tpu.memref_slice %arg10[%rem3A_674] : memref<3x!tpu.dma_semaphore, #tpu.memory_space<semaphore_mem>> -> memref<1x!tpu.dma_semaphore, #tpu.memory_space<semaphore_mem>>
        %dma_wait3A_689 = tpu.memref_squeeze %dma_wait3A_688 : memref<1x!tpu.dma_semaphore, #tpu.memory_space<semaphore_mem>> -> memref<!tpu.dma_semaphore, #tpu.memory_space<semaphore_mem>>
        %dma_wait3A_690 = arith.constant 0 : i32
        %dma_wait3A_691 = arith.constant 0 : i32
        %dma_wait3A_692 = tpu.memref_slice %arg4[%add3A_679, %dma_wait3A_690, %dma_wait3A_691] : memref<4096x50x128xf32, #tpu.memory_space<hbm>> -> memref<1x50x128xf32, #tpu.memory_space<hbm>>
        %dma_wait3A_693 = tpu.memref_squeeze %dma_wait3A_692 : memref<1x50x128xf32, #tpu.memory_space<hbm>> -> memref<50x128xf32, #tpu.memory_space<hbm>>
        %dma_wait3A_694 = arith.constant 0 : i32
        %dma_wait3A_695 = arith.constant 0 : i32
        %dma_wait3A_696 = tpu.memref_slice %arg6[%rem3A_674, %dma_wait3A_694, %dma_wait3A_695] : memref<3x200x128xf32, #tpu.memory_space<vmem>> -> memref<1x50x128xf32, #tpu.memory_space<vmem>>
        %dma_wait3A_697 = tpu.memref_squeeze %dma_wait3A_696 : memref<1x50x128xf32, #tpu.memory_space<vmem>> -> memref<50x128xf32, #tpu.memory_space<vmem>>
        tpu.wait_dma2 semaphore(%dma_wait3A_689 : memref<!tpu.dma_semaphore, #tpu.memory_space<semaphore_mem>>) src(%dma_wait3A_697 : memref<50x128xf32, #tpu.memory_space<vmem>>) dst(%dma_wait3A_693 : memref<50x128xf32, #tpu.memory_space<hbm>>)
        %mul3A_698 = arith.constant 4 : i32
        %mul3A_699 = arith.muli %sub3A_668, %mul3A_698 : i32
        %add3A_700 = arith.addi %mul3A_2, %mul3A_699 : i32
        %add3A_701 = arith.constant 1 : i32
        %add3A_702 = arith.addi %add3A_700, %add3A_701 : i32
        %dma_wait3A_703 = arith.constant 50 : i32
        %dma_wait3A_704 = arith.constant 0 : i32
        %dma_wait3A_705 = tpu.memref_slice %arg6[%rem3A_674, %dma_wait3A_703, %dma_wait3A_704] : memref<3x200x128xf32, #tpu.memory_space<vmem>> -> memref<1x50x128xf32, #tpu.memory_space<vmem>>
        %dma_wait3A_706 = tpu.memref_squeeze %dma_wait3A_705 : memref<1x50x128xf32, #tpu.memory_space<vmem>> -> memref<50x128xf32, #tpu.memory_space<vmem>>
        %dma_wait3A_707 = arith.constant 0 : i32
        %dma_wait3A_708 = arith.constant 0 : i32
        %dma_wait3A_709 = tpu.memref_slice %arg4[%add3A_702, %dma_wait3A_707, %dma_wait3A_708] : memref<4096x50x128xf32, #tpu.memory_space<hbm>> -> memref<1x50x128xf32, #tpu.memory_space<hbm>>
        %dma_wait3A_710 = tpu.memref_squeeze %dma_wait3A_709 : memref<1x50x128xf32, #tpu.memory_space<hbm>> -> memref<50x128xf32, #tpu.memory_space<hbm>>
        %dma_wait3A_711 = tpu.memref_slice %arg10[%rem3A_674] : memref<3x!tpu.dma_semaphore, #tpu.memory_space<semaphore_mem>> -> memref<1x!tpu.dma_semaphore, #tpu.memory_space<semaphore_mem>>
        %dma_wait3A_712 = tpu.memref_squeeze %dma_wait3A_711 : memref<1x!tpu.dma_semaphore, #tpu.memory_space<semaphore_mem>> -> memref<!tpu.dma_semaphore, #tpu.memory_space<semaphore_mem>>
        %dma_wait3A_713 = arith.constant 0 : i32
        %dma_wait3A_714 = arith.constant 0 : i32
        %dma_wait3A_715 = tpu.memref_slice %arg4[%add3A_702, %dma_wait3A_713, %dma_wait3A_714] : memref<4096x50x128xf32, #tpu.memory_space<hbm>> -> memref<1x50x128xf32, #tpu.memory_space<hbm>>
        %dma_wait3A_716 = tpu.memref_squeeze %dma_wait3A_715 : memref<1x50x128xf32, #tpu.memory_space<hbm>> -> memref<50x128xf32, #tpu.memory_space<hbm>>
        %dma_wait3A_717 = arith.constant 50 : i32
        %dma_wait3A_718 = arith.constant 0 : i32
        %dma_wait3A_719 = tpu.memref_slice %arg6[%rem3A_674, %dma_wait3A_717, %dma_wait3A_718] : memref<3x200x128xf32, #tpu.memory_space<vmem>> -> memref<1x50x128xf32, #tpu.memory_space<vmem>>
        %dma_wait3A_720 = tpu.memref_squeeze %dma_wait3A_719 : memref<1x50x128xf32, #tpu.memory_space<vmem>> -> memref<50x128xf32, #tpu.memory_space<vmem>>
        tpu.wait_dma2 semaphore(%dma_wait3A_712 : memref<!tpu.dma_semaphore, #tpu.memory_space<semaphore_mem>>) src(%dma_wait3A_720 : memref<50x128xf32, #tpu.memory_space<vmem>>) dst(%dma_wait3A_716 : memref<50x128xf32, #tpu.memory_space<hbm>>)
        %mul3A_721 = arith.constant 4 : i32
        %mul3A_722 = arith.muli %sub3A_668, %mul3A_721 : i32
        %add3A_723 = arith.addi %mul3A_2, %mul3A_722 : i32
        %add3A_724 = arith.constant 2 : i32
        %add3A_725 = arith.addi %add3A_723, %add3A_724 : i32
        %dma_wait3A_726 = arith.constant 100 : i32
        %dma_wait3A_727 = arith.constant 0 : i32
        %dma_wait3A_728 = tpu.memref_slice %arg6[%rem3A_674, %dma_wait3A_726, %dma_wait3A_727] : memref<3x200x128xf32, #tpu.memory_space<vmem>> -> memref<1x50x128xf32, #tpu.memory_space<vmem>>
        %dma_wait3A_729 = tpu.memref_squeeze %dma_wait3A_728 : memref<1x50x128xf32, #tpu.memory_space<vmem>> -> memref<50x128xf32, #tpu.memory_space<vmem>>
        %dma_wait3A_730 = arith.constant 0 : i32
        %dma_wait3A_731 = arith.constant 0 : i32
        %dma_wait3A_732 = tpu.memref_slice %arg4[%add3A_725, %dma_wait3A_730, %dma_wait3A_731] : memref<4096x50x128xf32, #tpu.memory_space<hbm>> -> memref<1x50x128xf32, #tpu.memory_space<hbm>>
        %dma_wait3A_733 = tpu.memref_squeeze %dma_wait3A_732 : memref<1x50x128xf32, #tpu.memory_space<hbm>> -> memref<50x128xf32, #tpu.memory_space<hbm>>
        %dma_wait3A_734 = tpu.memref_slice %arg10[%rem3A_674] : memref<3x!tpu.dma_semaphore, #tpu.memory_space<semaphore_mem>> -> memref<1x!tpu.dma_semaphore, #tpu.memory_space<semaphore_mem>>
        %dma_wait3A_735 = tpu.memref_squeeze %dma_wait3A_734 : memref<1x!tpu.dma_semaphore, #tpu.memory_space<semaphore_mem>> -> memref<!tpu.dma_semaphore, #tpu.memory_space<semaphore_mem>>
        %dma_wait3A_736 = arith.constant 0 : i32
        %dma_wait3A_737 = arith.constant 0 : i32
        %dma_wait3A_738 = tpu.memref_slice %arg4[%add3A_725, %dma_wait3A_736, %dma_wait3A_737] : memref<4096x50x128xf32, #tpu.memory_space<hbm>> -> memref<1x50x128xf32, #tpu.memory_space<hbm>>
        %dma_wait3A_739 = tpu.memref_squeeze %dma_wait3A_738 : memref<1x50x128xf32, #tpu.memory_space<hbm>> -> memref<50x128xf32, #tpu.memory_space<hbm>>
        %dma_wait3A_740 = arith.constant 100 : i32
        %dma_wait3A_741 = arith.constant 0 : i32
        %dma_wait3A_742 = tpu.memref_slice %arg6[%rem3A_674, %dma_wait3A_740, %dma_wait3A_741] : memref<3x200x128xf32, #tpu.memory_space<vmem>> -> memref<1x50x128xf32, #tpu.memory_space<vmem>>
        %dma_wait3A_743 = tpu.memref_squeeze %dma_wait3A_742 : memref<1x50x128xf32, #tpu.memory_space<vmem>> -> memref<50x128xf32, #tpu.memory_space<vmem>>
        tpu.wait_dma2 semaphore(%dma_wait3A_735 : memref<!tpu.dma_semaphore, #tpu.memory_space<semaphore_mem>>) src(%dma_wait3A_743 : memref<50x128xf32, #tpu.memory_space<vmem>>) dst(%dma_wait3A_739 : memref<50x128xf32, #tpu.memory_space<hbm>>)
        %mul3A_744 = arith.constant 4 : i32
        %mul3A_745 = arith.muli %sub3A_668, %mul3A_744 : i32
        %add3A_746 = arith.addi %mul3A_2, %mul3A_745 : i32
        %add3A_747 = arith.constant 3 : i32
        %add3A_748 = arith.addi %add3A_746, %add3A_747 : i32
        %dma_wait3A_749 = arith.constant 150 : i32
        %dma_wait3A_750 = arith.constant 0 : i32
        %dma_wait3A_751 = tpu.memref_slice %arg6[%rem3A_674, %dma_wait3A_749, %dma_wait3A_750] : memref<3x200x128xf32, #tpu.memory_space<vmem>> -> memref<1x50x128xf32, #tpu.memory_space<vmem>>
        %dma_wait3A_752 = tpu.memref_squeeze %dma_wait3A_751 : memref<1x50x128xf32, #tpu.memory_space<vmem>> -> memref<50x128xf32, #tpu.memory_space<vmem>>
        %dma_wait3A_753 = arith.constant 0 : i32
        %dma_wait3A_754 = arith.constant 0 : i32
        %dma_wait3A_755 = tpu.memref_slice %arg4[%add3A_748, %dma_wait3A_753, %dma_wait3A_754] : memref<4096x50x128xf32, #tpu.memory_space<hbm>> -> memref<1x50x128xf32, #tpu.memory_space<hbm>>
        %dma_wait3A_756 = tpu.memref_squeeze %dma_wait3A_755 : memref<1x50x128xf32, #tpu.memory_space<hbm>> -> memref<50x128xf32, #tpu.memory_space<hbm>>
        %dma_wait3A_757 = tpu.memref_slice %arg10[%rem3A_674] : memref<3x!tpu.dma_semaphore, #tpu.memory_space<semaphore_mem>> -> memref<1x!tpu.dma_semaphore, #tpu.memory_space<semaphore_mem>>
        %dma_wait3A_758 = tpu.memref_squeeze %dma_wait3A_757 : memref<1x!tpu.dma_semaphore, #tpu.memory_space<semaphore_mem>> -> memref<!tpu.dma_semaphore, #tpu.memory_space<semaphore_mem>>
        %dma_wait3A_759 = arith.constant 0 : i32
        %dma_wait3A_760 = arith.constant 0 : i32
        %dma_wait3A_761 = tpu.memref_slice %arg4[%add3A_748, %dma_wait3A_759, %dma_wait3A_760] : memref<4096x50x128xf32, #tpu.memory_space<hbm>> -> memref<1x50x128xf32, #tpu.memory_space<hbm>>
        %dma_wait3A_762 = tpu.memref_squeeze %dma_wait3A_761 : memref<1x50x128xf32, #tpu.memory_space<hbm>> -> memref<50x128xf32, #tpu.memory_space<hbm>>
        %dma_wait3A_763 = arith.constant 150 : i32
        %dma_wait3A_764 = arith.constant 0 : i32
        %dma_wait3A_765 = tpu.memref_slice %arg6[%rem3A_674, %dma_wait3A_763, %dma_wait3A_764] : memref<3x200x128xf32, #tpu.memory_space<vmem>> -> memref<1x50x128xf32, #tpu.memory_space<vmem>>
        %dma_wait3A_766 = tpu.memref_squeeze %dma_wait3A_765 : memref<1x50x128xf32, #tpu.memory_space<vmem>> -> memref<50x128xf32, #tpu.memory_space<vmem>>
        tpu.wait_dma2 semaphore(%dma_wait3A_758 : memref<!tpu.dma_semaphore, #tpu.memory_space<semaphore_mem>>) src(%dma_wait3A_766 : memref<50x128xf32, #tpu.memory_space<vmem>>) dst(%dma_wait3A_762 : memref<50x128xf32, #tpu.memory_space<hbm>>)
      } else {
      }
      %add3A_560 = arith.constant 1 : i32
      %add3A_561 = arith.addi %scan3A_481, %add3A_560 : i32
      %lt3A = arith.constant 32 : i32
      %lt3A_562 = arith.cmpi slt, %add3A_561, %lt3A : i32
      %convert_element_type3A_563 = arith.extui %lt3A_562 : i1 to i32
      %cond3A_564 = arith.constant 0 : i32
      %cond3A_565 = arith.cmpi ne, %convert_element_type3A_563, %cond3A_564 : i32
      scf.if %cond3A_565 {
        %add3A_667 = arith.constant 1 : i32
        %add3A_668 = arith.addi %scan3A_481, %add3A_667 : i32
        %add3A_669 = arith.constant 1 : i32
        %add3A_670 = arith.addi %scan3A_481, %add3A_669 : i32
        %rem3A_671 = arith.constant 3 : i32
        %rem3A_672 = arith.remsi %add3A_670, %rem3A_671 : i32
        %mul3A_673 = arith.constant 4 : i32
        %mul3A_674 = arith.muli %add3A_668, %mul3A_673 : i32
        %add3A_675 = arith.constant 0 : i32
        %add3A_676 = arith.addi %mul3A_674, %add3A_675 : i32
        %dma_start3A_677 = arith.constant 0 : i32
        %dma_start3A_678 = arith.constant 0 : i32
        %dma_start3A_679 = tpu.memref_slice %arg6[%rem3A_672, %dma_start3A_677, %dma_start3A_678] : memref<3x200x128xf32, #tpu.memory_space<vmem>> -> memref<1x50x128xf32, #tpu.memory_space<vmem>>
        %dma_start3A_680 = tpu.memref_squeeze %dma_start3A_679 : memref<1x50x128xf32, #tpu.memory_space<vmem>> -> memref<50x128xf32, #tpu.memory_space<vmem>>
        %dma_start3A_681 = arith.constant 0 : i32
        %dma_start3A_682 = tpu.memref_slice %arg5[%add3A_676, %dma_start3A_681] : memref<128x50xi32, #tpu.memory_space<vmem>> -> memref<1x50xi32, #tpu.memory_space<vmem>>
        %dma_start3A_683 = tpu.memref_squeeze %dma_start3A_682 : memref<1x50xi32, #tpu.memory_space<vmem>> -> memref<50xi32, #tpu.memory_space<vmem>>
        %dma_start3A_684 = arith.constant 0 : i32
        %dma_start3A_685 = arith.constant 0 : i32
        %dma_start3A_686 = tpu.memref_slice %arg3[%dma_start3A_684, %dma_start3A_685] : memref<100000x128xf32, #tpu.memory_space<hbm>> -> memref<100000x128xf32, #tpu.memory_space<hbm>>
        %dma_start3A_687 = tpu.memref_slice %arg9[%rem3A_672] : memref<3x!tpu.dma_semaphore, #tpu.memory_space<semaphore_mem>> -> memref<1x!tpu.dma_semaphore, #tpu.memory_space<semaphore_mem>>
        %dma_start3A_688 = tpu.memref_squeeze %dma_start3A_687 : memref<1x!tpu.dma_semaphore, #tpu.memory_space<semaphore_mem>> -> memref<!tpu.dma_semaphore, #tpu.memory_space<semaphore_mem>>
        tpu.enqueue_indirect_dma source(%dma_start3A_686 : memref<100000x128xf32, #tpu.memory_space<hbm>>) target(%dma_start3A_680 : memref<50x128xf32, #tpu.memory_space<vmem>>) offsets(%dma_start3A_683 : memref<50xi32, #tpu.memory_space<vmem>>) semaphore(%dma_start3A_688 : memref<!tpu.dma_semaphore, #tpu.memory_space<semaphore_mem>>)
        %mul3A_689 = arith.constant 4 : i32
        %mul3A_690 = arith.muli %add3A_668, %mul3A_689 : i32
        %add3A_691 = arith.constant 1 : i32
        %add3A_692 = arith.addi %mul3A_690, %add3A_691 : i32
        %dma_start3A_693 = arith.constant 50 : i32
        %dma_start3A_694 = arith.constant 0 : i32
        %dma_start3A_695 = tpu.memref_slice %arg6[%rem3A_672, %dma_start3A_693, %dma_start3A_694] : memref<3x200x128xf32, #tpu.memory_space<vmem>> -> memref<1x50x128xf32, #tpu.memory_space<vmem>>
        %dma_start3A_696 = tpu.memref_squeeze %dma_start3A_695 : memref<1x50x128xf32, #tpu.memory_space<vmem>> -> memref<50x128xf32, #tpu.memory_space<vmem>>
        %dma_start3A_697 = arith.constant 0 : i32
        %dma_start3A_698 = tpu.memref_slice %arg5[%add3A_692, %dma_start3A_697] : memref<128x50xi32, #tpu.memory_space<vmem>> -> memref<1x50xi32, #tpu.memory_space<vmem>>
        %dma_start3A_699 = tpu.memref_squeeze %dma_start3A_698 : memref<1x50xi32, #tpu.memory_space<vmem>> -> memref<50xi32, #tpu.memory_space<vmem>>
        %dma_start3A_700 = arith.constant 0 : i32
        %dma_start3A_701 = arith.constant 0 : i32
        %dma_start3A_702 = tpu.memref_slice %arg3[%dma_start3A_700, %dma_start3A_701] : memref<100000x128xf32, #tpu.memory_space<hbm>> -> memref<100000x128xf32, #tpu.memory_space<hbm>>
        %dma_start3A_703 = tpu.memref_slice %arg9[%rem3A_672] : memref<3x!tpu.dma_semaphore, #tpu.memory_space<semaphore_mem>> -> memref<1x!tpu.dma_semaphore, #tpu.memory_space<semaphore_mem>>
        %dma_start3A_704 = tpu.memref_squeeze %dma_start3A_703 : memref<1x!tpu.dma_semaphore, #tpu.memory_space<semaphore_mem>> -> memref<!tpu.dma_semaphore, #tpu.memory_space<semaphore_mem>>
        tpu.enqueue_indirect_dma source(%dma_start3A_702 : memref<100000x128xf32, #tpu.memory_space<hbm>>) target(%dma_start3A_696 : memref<50x128xf32, #tpu.memory_space<vmem>>) offsets(%dma_start3A_699 : memref<50xi32, #tpu.memory_space<vmem>>) semaphore(%dma_start3A_704 : memref<!tpu.dma_semaphore, #tpu.memory_space<semaphore_mem>>)
        %mul3A_705 = arith.constant 4 : i32
        %mul3A_706 = arith.muli %add3A_668, %mul3A_705 : i32
        %add3A_707 = arith.constant 2 : i32
        %add3A_708 = arith.addi %mul3A_706, %add3A_707 : i32
        %dma_start3A_709 = arith.constant 100 : i32
        %dma_start3A_710 = arith.constant 0 : i32
        %dma_start3A_711 = tpu.memref_slice %arg6[%rem3A_672, %dma_start3A_709, %dma_start3A_710] : memref<3x200x128xf32, #tpu.memory_space<vmem>> -> memref<1x50x128xf32, #tpu.memory_space<vmem>>
        %dma_start3A_712 = tpu.memref_squeeze %dma_start3A_711 : memref<1x50x128xf32, #tpu.memory_space<vmem>> -> memref<50x128xf32, #tpu.memory_space<vmem>>
        %dma_start3A_713 = arith.constant 0 : i32
        %dma_start3A_714 = tpu.memref_slice %arg5[%add3A_708, %dma_start3A_713] : memref<128x50xi32, #tpu.memory_space<vmem>> -> memref<1x50xi32, #tpu.memory_space<vmem>>
        %dma_start3A_715 = tpu.memref_squeeze %dma_start3A_714 : memref<1x50xi32, #tpu.memory_space<vmem>> -> memref<50xi32, #tpu.memory_space<vmem>>
        %dma_start3A_716 = arith.constant 0 : i32
        %dma_start3A_717 = arith.constant 0 : i32
        %dma_start3A_718 = tpu.memref_slice %arg3[%dma_start3A_716, %dma_start3A_717] : memref<100000x128xf32, #tpu.memory_space<hbm>> -> memref<100000x128xf32, #tpu.memory_space<hbm>>
        %dma_start3A_719 = tpu.memref_slice %arg9[%rem3A_672] : memref<3x!tpu.dma_semaphore, #tpu.memory_space<semaphore_mem>> -> memref<1x!tpu.dma_semaphore, #tpu.memory_space<semaphore_mem>>
        %dma_start3A_720 = tpu.memref_squeeze %dma_start3A_719 : memref<1x!tpu.dma_semaphore, #tpu.memory_space<semaphore_mem>> -> memref<!tpu.dma_semaphore, #tpu.memory_space<semaphore_mem>>
        tpu.enqueue_indirect_dma source(%dma_start3A_718 : memref<100000x128xf32, #tpu.memory_space<hbm>>) target(%dma_start3A_712 : memref<50x128xf32, #tpu.memory_space<vmem>>) offsets(%dma_start3A_715 : memref<50xi32, #tpu.memory_space<vmem>>) semaphore(%dma_start3A_720 : memref<!tpu.dma_semaphore, #tpu.memory_space<semaphore_mem>>)
        %mul3A_721 = arith.constant 4 : i32
        %mul3A_722 = arith.muli %add3A_668, %mul3A_721 : i32
        %add3A_723 = arith.constant 3 : i32
        %add3A_724 = arith.addi %mul3A_722, %add3A_723 : i32
        %dma_start3A_725 = arith.constant 150 : i32
        %dma_start3A_726 = arith.constant 0 : i32
        %dma_start3A_727 = tpu.memref_slice %arg6[%rem3A_672, %dma_start3A_725, %dma_start3A_726] : memref<3x200x128xf32, #tpu.memory_space<vmem>> -> memref<1x50x128xf32, #tpu.memory_space<vmem>>
        %dma_start3A_728 = tpu.memref_squeeze %dma_start3A_727 : memref<1x50x128xf32, #tpu.memory_space<vmem>> -> memref<50x128xf32, #tpu.memory_space<vmem>>
        %dma_start3A_729 = arith.constant 0 : i32
        %dma_start3A_730 = tpu.memref_slice %arg5[%add3A_724, %dma_start3A_729] : memref<128x50xi32, #tpu.memory_space<vmem>> -> memref<1x50xi32, #tpu.memory_space<vmem>>
        %dma_start3A_731 = tpu.memref_squeeze %dma_start3A_730 : memref<1x50xi32, #tpu.memory_space<vmem>> -> memref<50xi32, #tpu.memory_space<vmem>>
        %dma_start3A_732 = arith.constant 0 : i32
        %dma_start3A_733 = arith.constant 0 : i32
        %dma_start3A_734 = tpu.memref_slice %arg3[%dma_start3A_732, %dma_start3A_733] : memref<100000x128xf32, #tpu.memory_space<hbm>> -> memref<100000x128xf32, #tpu.memory_space<hbm>>
        %dma_start3A_735 = tpu.memref_slice %arg9[%rem3A_672] : memref<3x!tpu.dma_semaphore, #tpu.memory_space<semaphore_mem>> -> memref<1x!tpu.dma_semaphore, #tpu.memory_space<semaphore_mem>>
        %dma_start3A_736 = tpu.memref_squeeze %dma_start3A_735 : memref<1x!tpu.dma_semaphore, #tpu.memory_space<semaphore_mem>> -> memref<!tpu.dma_semaphore, #tpu.memory_space<semaphore_mem>>
        tpu.enqueue_indirect_dma source(%dma_start3A_734 : memref<100000x128xf32, #tpu.memory_space<hbm>>) target(%dma_start3A_728 : memref<50x128xf32, #tpu.memory_space<vmem>>) offsets(%dma_start3A_731 : memref<50xi32, #tpu.memory_space<vmem>>) semaphore(%dma_start3A_736 : memref<!tpu.dma_semaphore, #tpu.memory_space<semaphore_mem>>)
      } else {
      }
      %parallel_loop3A_566 = arith.constant 0 : i32
      %parallel_loop3A_567 = arith.constant 200 : i32
      %parallel_loop3A_568 = arith.constant 1 : i32
      scf.for %parallel_loop3A_667 = %parallel_loop3A_566 to %parallel_loop3A_567 step %parallel_loop3A_568  : i32 {
        %parallel_loop3A_668 = arith.constant 0 : i32
        %parallel_loop3A_669 = arith.constant 0 : i32
        %parallel_loop3A_670 = tpu.memref_slice %arg6[%rem3A_482, %parallel_loop3A_668, %parallel_loop3A_669] : memref<3x200x128xf32, #tpu.memory_space<vmem>> -> memref<1x200x128xf32, #tpu.memory_space<vmem>>
        %parallel_loop3A_671 = tpu.memref_squeeze %parallel_loop3A_670 : memref<1x200x128xf32, #tpu.memory_space<vmem>> -> memref<200x128xf32, #tpu.memory_space<vmem>>
        %parallel_loop3A_672 = arith.index_cast %parallel_loop3A_667 : i32 to index
        %parallel_loop3A_673 = arith.constant 0 : index
        %parallel_loop3A_674 = tpu.vector_load %parallel_loop3A_671[%parallel_loop3A_672, %parallel_loop3A_673] {strides = array<i32>} : memref<200x128xf32, #tpu.memory_space<vmem>>, vector<16xf32>,
        %parallel_loop3A_675 = arith.mulf %parallel_loop3A_674, %parallel_loop3A_674 : vector<16xf32>
        %parallel_loop3A_676 = arith.constant 0 : i32
        %parallel_loop3A_677 = arith.constant 0 : i32
        %parallel_loop3A_678 = tpu.memref_slice %arg6[%rem3A_482, %parallel_loop3A_676, %parallel_loop3A_677] : memref<3x200x128xf32, #tpu.memory_space<vmem>> -> memref<1x200x128xf32, #tpu.memory_space<vmem>>
        %parallel_loop3A_679 = tpu.memref_squeeze %parallel_loop3A_678 : memref<1x200x128xf32, #tpu.memory_space<vmem>> -> memref<200x128xf32, #tpu.memory_space<vmem>>
        %parallel_loop3A_680 = arith.index_cast %parallel_loop3A_667 : i32 to index
        %parallel_loop3A_681 = arith.constant 16 : index
        %parallel_loop3A_682 = tpu.vector_load %parallel_loop3A_679[%parallel_loop3A_680, %parallel_loop3A_681] {strides = array<i32>} : memref<200x128xf32, #tpu.memory_space<vmem>>, vector<16xf32>,
        %parallel_loop3A_683 = arith.mulf %parallel_loop3A_682, %parallel_loop3A_682 : vector<16xf32>
        %parallel_loop3A_684 = arith.constant 0 : i32
        %parallel_loop3A_685 = arith.constant 0 : i32
        %parallel_loop3A_686 = tpu.memref_slice %arg6[%rem3A_482, %parallel_loop3A_684, %parallel_loop3A_685] : memref<3x200x128xf32, #tpu.memory_space<vmem>> -> memref<1x200x128xf32, #tpu.memory_space<vmem>>
        %parallel_loop3A_687 = tpu.memref_squeeze %parallel_loop3A_686 : memref<1x200x128xf32, #tpu.memory_space<vmem>> -> memref<200x128xf32, #tpu.memory_space<vmem>>
        %parallel_loop3A_688 = arith.index_cast %parallel_loop3A_667 : i32 to index
        %parallel_loop3A_689 = arith.constant 32 : index
        %parallel_loop3A_690 = tpu.vector_load %parallel_loop3A_687[%parallel_loop3A_688, %parallel_loop3A_689] {strides = array<i32>} : memref<200x128xf32, #tpu.memory_space<vmem>>, vector<16xf32>,
        %parallel_loop3A_691 = arith.mulf %parallel_loop3A_690, %parallel_loop3A_690 : vector<16xf32>
        %parallel_loop3A_692 = arith.constant 0 : i32
        %parallel_loop3A_693 = arith.constant 0 : i32
        %parallel_loop3A_694 = tpu.memref_slice %arg6[%rem3A_482, %parallel_loop3A_692, %parallel_loop3A_693] : memref<3x200x128xf32, #tpu.memory_space<vmem>> -> memref<1x200x128xf32, #tpu.memory_space<vmem>>
        %parallel_loop3A_695 = tpu.memref_squeeze %parallel_loop3A_694 : memref<1x200x128xf32, #tpu.memory_space<vmem>> -> memref<200x128xf32, #tpu.memory_space<vmem>>
        %parallel_loop3A_696 = arith.index_cast %parallel_loop3A_667 : i32 to index
        %parallel_loop3A_697 = arith.constant 48 : index
        %parallel_loop3A_698 = tpu.vector_load %parallel_loop3A_695[%parallel_loop3A_696, %parallel_loop3A_697] {strides = array<i32>} : memref<200x128xf32, #tpu.memory_space<vmem>>, vector<16xf32>,
        %parallel_loop3A_699 = arith.mulf %parallel_loop3A_698, %parallel_loop3A_698 : vector<16xf32>
        %parallel_loop3A_700 = arith.constant 0 : i32
        %parallel_loop3A_701 = arith.constant 0 : i32
        %parallel_loop3A_702 = tpu.memref_slice %arg6[%rem3A_482, %parallel_loop3A_700, %parallel_loop3A_701] : memref<3x200x128xf32, #tpu.memory_space<vmem>> -> memref<1x200x128xf32, #tpu.memory_space<vmem>>
        %parallel_loop3A_703 = tpu.memref_squeeze %parallel_loop3A_702 : memref<1x200x128xf32, #tpu.memory_space<vmem>> -> memref<200x128xf32, #tpu.memory_space<vmem>>
        %parallel_loop3A_704 = arith.index_cast %parallel_loop3A_667 : i32 to index
        %parallel_loop3A_705 = arith.constant 64 : index
        %parallel_loop3A_706 = tpu.vector_load %parallel_loop3A_703[%parallel_loop3A_704, %parallel_loop3A_705] {strides = array<i32>} : memref<200x128xf32, #tpu.memory_space<vmem>>, vector<16xf32>,
        %parallel_loop3A_707 = arith.mulf %parallel_loop3A_706, %parallel_loop3A_706 : vector<16xf32>
        %parallel_loop3A_708 = arith.constant 0 : i32
        %parallel_loop3A_709 = arith.constant 0 : i32
        %parallel_loop3A_710 = tpu.memref_slice %arg6[%rem3A_482, %parallel_loop3A_708, %parallel_loop3A_709] : memref<3x200x128xf32, #tpu.memory_space<vmem>> -> memref<1x200x128xf32, #tpu.memory_space<vmem>>
        %parallel_loop3A_711 = tpu.memref_squeeze %parallel_loop3A_710 : memref<1x200x128xf32, #tpu.memory_space<vmem>> -> memref<200x128xf32, #tpu.memory_space<vmem>>
        %parallel_loop3A_712 = arith.index_cast %parallel_loop3A_667 : i32 to index
        %parallel_loop3A_713 = arith.constant 80 : index
        %parallel_loop3A_714 = tpu.vector_load %parallel_loop3A_711[%parallel_loop3A_712, %parallel_loop3A_713] {strides = array<i32>} : memref<200x128xf32, #tpu.memory_space<vmem>>, vector<16xf32>,
        %parallel_loop3A_715 = arith.mulf %parallel_loop3A_714, %parallel_loop3A_714 : vector<16xf32>
        %parallel_loop3A_716 = arith.constant 0 : i32
        %parallel_loop3A_717 = arith.constant 0 : i32
        %parallel_loop3A_718 = tpu.memref_slice %arg6[%rem3A_482, %parallel_loop3A_716, %parallel_loop3A_717] : memref<3x200x128xf32, #tpu.memory_space<vmem>> -> memref<1x200x128xf32, #tpu.memory_space<vmem>>
        %parallel_loop3A_719 = tpu.memref_squeeze %parallel_loop3A_718 : memref<1x200x128xf32, #tpu.memory_space<vmem>> -> memref<200x128xf32, #tpu.memory_space<vmem>>
        %parallel_loop3A_720 = arith.index_cast %parallel_loop3A_667 : i32 to index
        %parallel_loop3A_721 = arith.constant 96 : index
        %parallel_loop3A_722 = tpu.vector_load %parallel_loop3A_719[%parallel_loop3A_720, %parallel_loop3A_721] {strides = array<i32>} : memref<200x128xf32, #tpu.memory_space<vmem>>, vector<16xf32>,
        %parallel_loop3A_723 = arith.mulf %parallel_loop3A_722, %parallel_loop3A_722 : vector<16xf32>
        %parallel_loop3A_724 = arith.constant 0 : i32
        %parallel_loop3A_725 = arith.constant 0 : i32
        %parallel_loop3A_726 = tpu.memref_slice %arg6[%rem3A_482, %parallel_loop3A_724, %parallel_loop3A_725] : memref<3x200x128xf32, #tpu.memory_space<vmem>> -> memref<1x200x128xf32, #tpu.memory_space<vmem>>
        %parallel_loop3A_727 = tpu.memref_squeeze %parallel_loop3A_726 : memref<1x200x128xf32, #tpu.memory_space<vmem>> -> memref<200x128xf32, #tpu.memory_space<vmem>>
        %parallel_loop3A_728 = arith.index_cast %parallel_loop3A_667 : i32 to index
        %parallel_loop3A_729 = arith.constant 112 : index
        %parallel_loop3A_730 = tpu.vector_load %parallel_loop3A_727[%parallel_loop3A_728, %parallel_loop3A_729] {strides = array<i32>} : memref<200x128xf32, #tpu.memory_space<vmem>>, vector<16xf32>,
        %parallel_loop3A_731 = arith.mulf %parallel_loop3A_730, %parallel_loop3A_730 : vector<16xf32>
        %parallel_loop3A_732 = arith.addf %parallel_loop3A_675, %parallel_loop3A_683 : vector<16xf32>
        %parallel_loop3A_733 = arith.addf %parallel_loop3A_691, %parallel_loop3A_699 : vector<16xf32>
        %parallel_loop3A_734 = arith.addf %parallel_loop3A_707, %parallel_loop3A_715 : vector<16xf32>
        %parallel_loop3A_735 = arith.addf %parallel_loop3A_723, %parallel_loop3A_731 : vector<16xf32>
        %parallel_loop3A_736 = arith.addf %parallel_loop3A_732, %parallel_loop3A_733 : vector<16xf32>
        %parallel_loop3A_737 = arith.addf %parallel_loop3A_734, %parallel_loop3A_735 : vector<16xf32>
        %parallel_loop3A_738 = arith.addf %parallel_loop3A_736, %parallel_loop3A_737 : vector<16xf32>
        %parallel_loop3A_739 = arith.index_cast %parallel_loop3A_667 : i32 to index
        %parallel_loop3A_740 = arith.constant 0 : index
        %parallel_loop3A_741 = tpu.vector_load %arg7[%parallel_loop3A_739, %parallel_loop3A_740] {strides = array<i32>} : memref<208x17xf32, #tpu.memory_space<vmem>>, vector<16xf32>,
        tpu.vector_store %arg7[%parallel_loop3A_739, %parallel_loop3A_740], %parallel_loop3A_738 {strides = array<i32>} : memref<208x17xf32, #tpu.memory_space<vmem>>, vector<16xf32>,
        %parallel_loop3A_742 = arith.constant 0 : i32
        %parallel_loop3A_743 = vector.broadcast %parallel_loop3A_742 : i32 to vector<16xi32>
        %parallel_loop3A_744 = vector.broadcast %rem3A_491 : i32 to vector<16xi32>
        %parallel_loop3A_745 = arith.addi %parallel_loop3A_743, %parallel_loop3A_744 : vector<16xi32>
        %parallel_loop3A_746 = arith.constant 0 : i32
        %parallel_loop3A_747 = vector.broadcast %parallel_loop3A_746 : i32 to vector<16xi32>
        %parallel_loop3A_748 = vector.broadcast %parallel_loop3A_667 : i32 to vector<16xi32>
        %parallel_loop3A_749 = arith.addi %parallel_loop3A_747, %parallel_loop3A_748 : vector<16xi32>
        %parallel_loop3A_750 = tpu.vector_load_idx %arg8[%parallel_loop3A_745, %parallel_loop3A_749] : memref<2x208xf32, #tpu.memory_space<vmem>>[vector<16xi32>, vector<16xi32>], vector<16xf32>,
        %parallel_loop3A_751 = arith.constant 0 : i32
        %parallel_loop3A_752 = arith.constant 0 : i32
        %parallel_loop3A_753 = tpu.memref_slice %arg6[%rem3A_487, %parallel_loop3A_751, %parallel_loop3A_752] : memref<3x200x128xf32, #tpu.memory_space<vmem>> -> memref<1x200x128xf32, #tpu.memory_space<vmem>>
        %parallel_loop3A_754 = tpu.memref_squeeze %parallel_loop3A_753 : memref<1x200x128xf32, #tpu.memory_space<vmem>> -> memref<200x128xf32, #tpu.memory_space<vmem>>
        %parallel_loop3A_755 = arith.index_cast %parallel_loop3A_667 : i32 to index
        %parallel_loop3A_756 = arith.constant 0 : index
        %parallel_loop3A_757 = tpu.vector_load %parallel_loop3A_754[%parallel_loop3A_755, %parallel_loop3A_756] {strides = array<i32>} : memref<200x128xf32, #tpu.memory_space<vmem>>, vector<16xf32>,
        %parallel_loop3A_758 = arith.mulf %parallel_loop3A_757, %parallel_loop3A_750 : vector<16xf32>
        %parallel_loop3A_759 = arith.constant 0 : i32
        %parallel_loop3A_760 = arith.constant 0 : i32
        %parallel_loop3A_761 = tpu.memref_slice %arg6[%rem3A_487, %parallel_loop3A_759, %parallel_loop3A_760] : memref<3x200x128xf32, #tpu.memory_space<vmem>> -> memref<1x200x128xf32, #tpu.memory_space<vmem>>
        %parallel_loop3A_762 = tpu.memref_squeeze %parallel_loop3A_761 : memref<1x200x128xf32, #tpu.memory_space<vmem>> -> memref<200x128xf32, #tpu.memory_space<vmem>>
        %parallel_loop3A_763 = arith.index_cast %parallel_loop3A_667 : i32 to index
        %parallel_loop3A_764 = arith.constant 0 : index
        %parallel_loop3A_765 = tpu.vector_load %parallel_loop3A_762[%parallel_loop3A_763, %parallel_loop3A_764] {strides = array<i32>} : memref<200x128xf32, #tpu.memory_space<vmem>>, vector<16xf32>,
        tpu.vector_store %parallel_loop3A_762[%parallel_loop3A_763, %parallel_loop3A_764], %parallel_loop3A_758 {strides = array<i32>} : memref<200x128xf32, #tpu.memory_space<vmem>>, vector<16xf32>,
        %parallel_loop3A_766 = arith.constant 0 : i32
        %parallel_loop3A_767 = arith.constant 0 : i32
        %parallel_loop3A_768 = tpu.memref_slice %arg6[%rem3A_487, %parallel_loop3A_766, %parallel_loop3A_767] : memref<3x200x128xf32, #tpu.memory_space<vmem>> -> memref<1x200x128xf32, #tpu.memory_space<vmem>>
        %parallel_loop3A_769 = tpu.memref_squeeze %parallel_loop3A_768 : memref<1x200x128xf32, #tpu.memory_space<vmem>> -> memref<200x128xf32, #tpu.memory_space<vmem>>
        %parallel_loop3A_770 = arith.index_cast %parallel_loop3A_667 : i32 to index
        %parallel_loop3A_771 = arith.constant 16 : index
        %parallel_loop3A_772 = tpu.vector_load %parallel_loop3A_769[%parallel_loop3A_770, %parallel_loop3A_771] {strides = array<i32>} : memref<200x128xf32, #tpu.memory_space<vmem>>, vector<16xf32>,
        %parallel_loop3A_773 = arith.mulf %parallel_loop3A_772, %parallel_loop3A_750 : vector<16xf32>
        %parallel_loop3A_774 = arith.constant 0 : i32
        %parallel_loop3A_775 = arith.constant 0 : i32
        %parallel_loop3A_776 = tpu.memref_slice %arg6[%rem3A_487, %parallel_loop3A_774, %parallel_loop3A_775] : memref<3x200x128xf32, #tpu.memory_space<vmem>> -> memref<1x200x128xf32, #tpu.memory_space<vmem>>
        %parallel_loop3A_777 = tpu.memref_squeeze %parallel_loop3A_776 : memref<1x200x128xf32, #tpu.memory_space<vmem>> -> memref<200x128xf32, #tpu.memory_space<vmem>>
        %parallel_loop3A_778 = arith.index_cast %parallel_loop3A_667 : i32 to index
        %parallel_loop3A_779 = arith.constant 16 : index
        %parallel_loop3A_780 = tpu.vector_load %parallel_loop3A_777[%parallel_loop3A_778, %parallel_loop3A_779] {strides = array<i32>} : memref<200x128xf32, #tpu.memory_space<vmem>>, vector<16xf32>,
        tpu.vector_store %parallel_loop3A_777[%parallel_loop3A_778, %parallel_loop3A_779], %parallel_loop3A_773 {strides = array<i32>} : memref<200x128xf32, #tpu.memory_space<vmem>>, vector<16xf32>,
        %parallel_loop3A_781 = arith.constant 0 : i32
        %parallel_loop3A_782 = arith.constant 0 : i32
        %parallel_loop3A_783 = tpu.memref_slice %arg6[%rem3A_487, %parallel_loop3A_781, %parallel_loop3A_782] : memref<3x200x128xf32, #tpu.memory_space<vmem>> -> memref<1x200x128xf32, #tpu.memory_space<vmem>>
        %parallel_loop3A_784 = tpu.memref_squeeze %parallel_loop3A_783 : memref<1x200x128xf32, #tpu.memory_space<vmem>> -> memref<200x128xf32, #tpu.memory_space<vmem>>
        %parallel_loop3A_785 = arith.index_cast %parallel_loop3A_667 : i32 to index
        %parallel_loop3A_786 = arith.constant 32 : index
        %parallel_loop3A_787 = tpu.vector_load %parallel_loop3A_784[%parallel_loop3A_785, %parallel_loop3A_786] {strides = array<i32>} : memref<200x128xf32, #tpu.memory_space<vmem>>, vector<16xf32>,
        %parallel_loop3A_788 = arith.mulf %parallel_loop3A_787, %parallel_loop3A_750 : vector<16xf32>
        %parallel_loop3A_789 = arith.constant 0 : i32
        %parallel_loop3A_790 = arith.constant 0 : i32
        %parallel_loop3A_791 = tpu.memref_slice %arg6[%rem3A_487, %parallel_loop3A_789, %parallel_loop3A_790] : memref<3x200x128xf32, #tpu.memory_space<vmem>> -> memref<1x200x128xf32, #tpu.memory_space<vmem>>
        %parallel_loop3A_792 = tpu.memref_squeeze %parallel_loop3A_791 : memref<1x200x128xf32, #tpu.memory_space<vmem>> -> memref<200x128xf32, #tpu.memory_space<vmem>>
        %parallel_loop3A_793 = arith.index_cast %parallel_loop3A_667 : i32 to index
        %parallel_loop3A_794 = arith.constant 32 : index
        %parallel_loop3A_795 = tpu.vector_load %parallel_loop3A_792[%parallel_loop3A_793, %parallel_loop3A_794] {strides = array<i32>} : memref<200x128xf32, #tpu.memory_space<vmem>>, vector<16xf32>,
        tpu.vector_store %parallel_loop3A_792[%parallel_loop3A_793, %parallel_loop3A_794], %parallel_loop3A_788 {strides = array<i32>} : memref<200x128xf32, #tpu.memory_space<vmem>>, vector<16xf32>,
        %parallel_loop3A_796 = arith.constant 0 : i32
        %parallel_loop3A_797 = arith.constant 0 : i32
        %parallel_loop3A_798 = tpu.memref_slice %arg6[%rem3A_487, %parallel_loop3A_796, %parallel_loop3A_797] : memref<3x200x128xf32, #tpu.memory_space<vmem>> -> memref<1x200x128xf32, #tpu.memory_space<vmem>>
        %parallel_loop3A_799 = tpu.memref_squeeze %parallel_loop3A_798 : memref<1x200x128xf32, #tpu.memory_space<vmem>> -> memref<200x128xf32, #tpu.memory_space<vmem>>
        %parallel_loop3A_800 = arith.index_cast %parallel_loop3A_667 : i32 to index
        %parallel_loop3A_801 = arith.constant 48 : index
        %parallel_loop3A_802 = tpu.vector_load %parallel_loop3A_799[%parallel_loop3A_800, %parallel_loop3A_801] {strides = array<i32>} : memref<200x128xf32, #tpu.memory_space<vmem>>, vector<16xf32>,
        %parallel_loop3A_803 = arith.mulf %parallel_loop3A_802, %parallel_loop3A_750 : vector<16xf32>
        %parallel_loop3A_804 = arith.constant 0 : i32
        %parallel_loop3A_805 = arith.constant 0 : i32
        %parallel_loop3A_806 = tpu.memref_slice %arg6[%rem3A_487, %parallel_loop3A_804, %parallel_loop3A_805] : memref<3x200x128xf32, #tpu.memory_space<vmem>> -> memref<1x200x128xf32, #tpu.memory_space<vmem>>
        %parallel_loop3A_807 = tpu.memref_squeeze %parallel_loop3A_806 : memref<1x200x128xf32, #tpu.memory_space<vmem>> -> memref<200x128xf32, #tpu.memory_space<vmem>>
        %parallel_loop3A_808 = arith.index_cast %parallel_loop3A_667 : i32 to index
        %parallel_loop3A_809 = arith.constant 48 : index
        %parallel_loop3A_810 = tpu.vector_load %parallel_loop3A_807[%parallel_loop3A_808, %parallel_loop3A_809] {strides = array<i32>} : memref<200x128xf32, #tpu.memory_space<vmem>>, vector<16xf32>,
        tpu.vector_store %parallel_loop3A_807[%parallel_loop3A_808, %parallel_loop3A_809], %parallel_loop3A_803 {strides = array<i32>} : memref<200x128xf32, #tpu.memory_space<vmem>>, vector<16xf32>,
        %parallel_loop3A_811 = arith.constant 0 : i32
        %parallel_loop3A_812 = arith.constant 0 : i32
        %parallel_loop3A_813 = tpu.memref_slice %arg6[%rem3A_487, %parallel_loop3A_811, %parallel_loop3A_812] : memref<3x200x128xf32, #tpu.memory_space<vmem>> -> memref<1x200x128xf32, #tpu.memory_space<vmem>>
        %parallel_loop3A_814 = tpu.memref_squeeze %parallel_loop3A_813 : memref<1x200x128xf32, #tpu.memory_space<vmem>> -> memref<200x128xf32, #tpu.memory_space<vmem>>
        %parallel_loop3A_815 = arith.index_cast %parallel_loop3A_667 : i32 to index
        %parallel_loop3A_816 = arith.constant 64 : index
        %parallel_loop3A_817 = tpu.vector_load %parallel_loop3A_814[%parallel_loop3A_815, %parallel_loop3A_816] {strides = array<i32>} : memref<200x128xf32, #tpu.memory_space<vmem>>, vector<16xf32>,
        %parallel_loop3A_818 = arith.mulf %parallel_loop3A_817, %parallel_loop3A_750 : vector<16xf32>
        %parallel_loop3A_819 = arith.constant 0 : i32
        %parallel_loop3A_820 = arith.constant 0 : i32
        %parallel_loop3A_821 = tpu.memref_slice %arg6[%rem3A_487, %parallel_loop3A_819, %parallel_loop3A_820] : memref<3x200x128xf32, #tpu.memory_space<vmem>> -> memref<1x200x128xf32, #tpu.memory_space<vmem>>
        %parallel_loop3A_822 = tpu.memref_squeeze %parallel_loop3A_821 : memref<1x200x128xf32, #tpu.memory_space<vmem>> -> memref<200x128xf32, #tpu.memory_space<vmem>>
        %parallel_loop3A_823 = arith.index_cast %parallel_loop3A_667 : i32 to index
        %parallel_loop3A_824 = arith.constant 64 : index
        %parallel_loop3A_825 = tpu.vector_load %parallel_loop3A_822[%parallel_loop3A_823, %parallel_loop3A_824] {strides = array<i32>} : memref<200x128xf32, #tpu.memory_space<vmem>>, vector<16xf32>,
        tpu.vector_store %parallel_loop3A_822[%parallel_loop3A_823, %parallel_loop3A_824], %parallel_loop3A_818 {strides = array<i32>} : memref<200x128xf32, #tpu.memory_space<vmem>>, vector<16xf32>,
        %parallel_loop3A_826 = arith.constant 0 : i32
        %parallel_loop3A_827 = arith.constant 0 : i32
        %parallel_loop3A_828 = tpu.memref_slice %arg6[%rem3A_487, %parallel_loop3A_826, %parallel_loop3A_827] : memref<3x200x128xf32, #tpu.memory_space<vmem>> -> memref<1x200x128xf32, #tpu.memory_space<vmem>>
        %parallel_loop3A_829 = tpu.memref_squeeze %parallel_loop3A_828 : memref<1x200x128xf32, #tpu.memory_space<vmem>> -> memref<200x128xf32, #tpu.memory_space<vmem>>
        %parallel_loop3A_830 = arith.index_cast %parallel_loop3A_667 : i32 to index
        %parallel_loop3A_831 = arith.constant 80 : index
        %parallel_loop3A_832 = tpu.vector_load %parallel_loop3A_829[%parallel_loop3A_830, %parallel_loop3A_831] {strides = array<i32>} : memref<200x128xf32, #tpu.memory_space<vmem>>, vector<16xf32>,
        %parallel_loop3A_833 = arith.mulf %parallel_loop3A_832, %parallel_loop3A_750 : vector<16xf32>
        %parallel_loop3A_834 = arith.constant 0 : i32
        %parallel_loop3A_835 = arith.constant 0 : i32
        %parallel_loop3A_836 = tpu.memref_slice %arg6[%rem3A_487, %parallel_loop3A_834, %parallel_loop3A_835] : memref<3x200x128xf32, #tpu.memory_space<vmem>> -> memref<1x200x128xf32, #tpu.memory_space<vmem>>
        %parallel_loop3A_837 = tpu.memref_squeeze %parallel_loop3A_836 : memref<1x200x128xf32, #tpu.memory_space<vmem>> -> memref<200x128xf32, #tpu.memory_space<vmem>>
        %parallel_loop3A_838 = arith.index_cast %parallel_loop3A_667 : i32 to index
        %parallel_loop3A_839 = arith.constant 80 : index
        %parallel_loop3A_840 = tpu.vector_load %parallel_loop3A_837[%parallel_loop3A_838, %parallel_loop3A_839] {strides = array<i32>} : memref<200x128xf32, #tpu.memory_space<vmem>>, vector<16xf32>,
        tpu.vector_store %parallel_loop3A_837[%parallel_loop3A_838, %parallel_loop3A_839], %parallel_loop3A_833 {strides = array<i32>} : memref<200x128xf32, #tpu.memory_space<vmem>>, vector<16xf32>,
        %parallel_loop3A_841 = arith.constant 0 : i32
        %parallel_loop3A_842 = arith.constant 0 : i32
        %parallel_loop3A_843 = tpu.memref_slice %arg6[%rem3A_487, %parallel_loop3A_841, %parallel_loop3A_842] : memref<3x200x128xf32, #tpu.memory_space<vmem>> -> memref<1x200x128xf32, #tpu.memory_space<vmem>>
        %parallel_loop3A_844 = tpu.memref_squeeze %parallel_loop3A_843 : memref<1x200x128xf32, #tpu.memory_space<vmem>> -> memref<200x128xf32, #tpu.memory_space<vmem>>
        %parallel_loop3A_845 = arith.index_cast %parallel_loop3A_667 : i32 to index
        %parallel_loop3A_846 = arith.constant 96 : index
        %parallel_loop3A_847 = tpu.vector_load %parallel_loop3A_844[%parallel_loop3A_845, %parallel_loop3A_846] {strides = array<i32>} : memref<200x128xf32, #tpu.memory_space<vmem>>, vector<16xf32>,
        %parallel_loop3A_848 = arith.mulf %parallel_loop3A_847, %parallel_loop3A_750 : vector<16xf32>
        %parallel_loop3A_849 = arith.constant 0 : i32
        %parallel_loop3A_850 = arith.constant 0 : i32
        %parallel_loop3A_851 = tpu.memref_slice %arg6[%rem3A_487, %parallel_loop3A_849, %parallel_loop3A_850] : memref<3x200x128xf32, #tpu.memory_space<vmem>> -> memref<1x200x128xf32, #tpu.memory_space<vmem>>
        %parallel_loop3A_852 = tpu.memref_squeeze %parallel_loop3A_851 : memref<1x200x128xf32, #tpu.memory_space<vmem>> -> memref<200x128xf32, #tpu.memory_space<vmem>>
        %parallel_loop3A_853 = arith.index_cast %parallel_loop3A_667 : i32 to index
        %parallel_loop3A_854 = arith.constant 96 : index
        %parallel_loop3A_855 = tpu.vector_load %parallel_loop3A_852[%parallel_loop3A_853, %parallel_loop3A_854] {strides = array<i32>} : memref<200x128xf32, #tpu.memory_space<vmem>>, vector<16xf32>,
        tpu.vector_store %parallel_loop3A_852[%parallel_loop3A_853, %parallel_loop3A_854], %parallel_loop3A_848 {strides = array<i32>} : memref<200x128xf32, #tpu.memory_space<vmem>>, vector<16xf32>,
        %parallel_loop3A_856 = arith.constant 0 : i32
        %parallel_loop3A_857 = arith.constant 0 : i32
        %parallel_loop3A_858 = tpu.memref_slice %arg6[%rem3A_487, %parallel_loop3A_856, %parallel_loop3A_857] : memref<3x200x128xf32, #tpu.memory_space<vmem>> -> memref<1x200x128xf32, #tpu.memory_space<vmem>>
        %parallel_loop3A_859 = tpu.memref_squeeze %parallel_loop3A_858 : memref<1x200x128xf32, #tpu.memory_space<vmem>> -> memref<200x128xf32, #tpu.memory_space<vmem>>
        %parallel_loop3A_860 = arith.index_cast %parallel_loop3A_667 : i32 to index
        %parallel_loop3A_861 = arith.constant 112 : index
        %parallel_loop3A_862 = tpu.vector_load %parallel_loop3A_859[%parallel_loop3A_860, %parallel_loop3A_861] {strides = array<i32>} : memref<200x128xf32, #tpu.memory_space<vmem>>, vector<16xf32>,
        %parallel_loop3A_863 = arith.mulf %parallel_loop3A_862, %parallel_loop3A_750 : vector<16xf32>
        %parallel_loop3A_864 = arith.constant 0 : i32
        %parallel_loop3A_865 = arith.constant 0 : i32
        %parallel_loop3A_866 = tpu.memref_slice %arg6[%rem3A_487, %parallel_loop3A_864, %parallel_loop3A_865] : memref<3x200x128xf32, #tpu.memory_space<vmem>> -> memref<1x200x128xf32, #tpu.memory_space<vmem>>
        %parallel_loop3A_867 = tpu.memref_squeeze %parallel_loop3A_866 : memref<1x200x128xf32, #tpu.memory_space<vmem>> -> memref<200x128xf32, #tpu.memory_space<vmem>>
        %parallel_loop3A_868 = arith.index_cast %parallel_loop3A_667 : i32 to index
        %parallel_loop3A_869 = arith.constant 112 : index
        %parallel_loop3A_870 = tpu.vector_load %parallel_loop3A_867[%parallel_loop3A_868, %parallel_loop3A_869] {strides = array<i32>} : memref<200x128xf32, #tpu.memory_space<vmem>>, vector<16xf32>,
        tpu.vector_store %parallel_loop3A_867[%parallel_loop3A_868, %parallel_loop3A_869], %parallel_loop3A_863 {strides = array<i32>} : memref<200x128xf32, #tpu.memory_space<vmem>>, vector<16xf32>,
      } {sc.loop_unroll_factor = 8 : i64, sc.parallel_access}
      %sub3A_569 = arith.constant 1 : i32
      %sub3A_570 = arith.subi %scan3A_481, %sub3A_569 : i32
      %mul3A_571 = arith.constant 4 : i32
      %mul3A_572 = arith.muli %sub3A_570, %mul3A_571 : i32
      %add3A_573 = arith.addi %mul3A_2, %mul3A_572 : i32
      %add3A_574 = arith.constant 0 : i32
      %add3A_575 = arith.addi %add3A_573, %add3A_574 : i32
      %dma_start3A_576 = arith.constant 0 : i32
      %dma_start3A_577 = arith.constant 0 : i32
      %dma_start3A_578 = tpu.memref_slice %arg6[%rem3A_487, %dma_start3A_576, %dma_start3A_577] : memref<3x200x128xf32, #tpu.memory_space<vmem>> -> memref<1x50x128xf32, #tpu.memory_space<vmem>>
      %dma_start3A_579 = tpu.memref_squeeze %dma_start3A_578 : memref<1x50x128xf32, #tpu.memory_space<vmem>> -> memref<50x128xf32, #tpu.memory_space<vmem>>
      %dma_start3A_580 = arith.constant 0 : i32
      %dma_start3A_581 = arith.constant 0 : i32
      %dma_start3A_582 = tpu.memref_slice %arg4[%add3A_575, %dma_start3A_580, %dma_start3A_581] : memref<4096x50x128xf32, #tpu.memory_space<hbm>> -> memref<1x50x128xf32, #tpu.memory_space<hbm>>
      %dma_start3A_583 = tpu.memref_squeeze %dma_start3A_582 : memref<1x50x128xf32, #tpu.memory_space<hbm>> -> memref<50x128xf32, #tpu.memory_space<hbm>>
      %dma_start3A_584 = tpu.memref_slice %arg10[%rem3A_487] : memref<3x!tpu.dma_semaphore, #tpu.memory_space<semaphore_mem>> -> memref<1x!tpu.dma_semaphore, #tpu.memory_space<semaphore_mem>>
      %dma_start3A_585 = tpu.memref_squeeze %dma_start3A_584 : memref<1x!tpu.dma_semaphore, #tpu.memory_space<semaphore_mem>> -> memref<!tpu.dma_semaphore, #tpu.memory_space<semaphore_mem>>
      %dma_start3A_586 = arith.constant 0 : i32
      %dma_start3A_587 = arith.constant 0 : i32
      %dma_start3A_588 = tpu.memref_slice %arg4[%add3A_575, %dma_start3A_586, %dma_start3A_587] : memref<4096x50x128xf32, #tpu.memory_space<hbm>> -> memref<1x50x128xf32, #tpu.memory_space<hbm>>
      %dma_start3A_589 = tpu.memref_squeeze %dma_start3A_588 : memref<1x50x128xf32, #tpu.memory_space<hbm>> -> memref<50x128xf32, #tpu.memory_space<hbm>>
      %dma_start3A_590 = arith.constant 0 : i32
      %dma_start3A_591 = arith.constant 0 : i32
      %dma_start3A_592 = tpu.memref_slice %arg6[%rem3A_487, %dma_start3A_590, %dma_start3A_591] : memref<3x200x128xf32, #tpu.memory_space<vmem>> -> memref<1x50x128xf32, #tpu.memory_space<vmem>>
      %dma_start3A_593 = tpu.memref_squeeze %dma_start3A_592 : memref<1x50x128xf32, #tpu.memory_space<vmem>> -> memref<50x128xf32, #tpu.memory_space<vmem>>
      tpu.enqueue_dma source(%dma_start3A_593 : memref<50x128xf32, #tpu.memory_space<vmem>>) target(%dma_start3A_589 : memref<50x128xf32, #tpu.memory_space<hbm>>) target_semaphore(%dma_start3A_585 : memref<!tpu.dma_semaphore, #tpu.memory_space<semaphore_mem>>)
      %mul3A_594 = arith.constant 4 : i32
      %mul3A_595 = arith.muli %sub3A_570, %mul3A_594 : i32
      %add3A_596 = arith.addi %mul3A_2, %mul3A_595 : i32
      %add3A_597 = arith.constant 1 : i32
      %add3A_598 = arith.addi %add3A_596, %add3A_597 : i32
      %dma_start3A_599 = arith.constant 50 : i32
      %dma_start3A_600 = arith.constant 0 : i32
      %dma_start3A_601 = tpu.memref_slice %arg6[%rem3A_487, %dma_start3A_599, %dma_start3A_600] : memref<3x200x128xf32, #tpu.memory_space<vmem>> -> memref<1x50x128xf32, #tpu.memory_space<vmem>>
      %dma_start3A_602 = tpu.memref_squeeze %dma_start3A_601 : memref<1x50x128xf32, #tpu.memory_space<vmem>> -> memref<50x128xf32, #tpu.memory_space<vmem>>
      %dma_start3A_603 = arith.constant 0 : i32
      %dma_start3A_604 = arith.constant 0 : i32
      %dma_start3A_605 = tpu.memref_slice %arg4[%add3A_598, %dma_start3A_603, %dma_start3A_604] : memref<4096x50x128xf32, #tpu.memory_space<hbm>> -> memref<1x50x128xf32, #tpu.memory_space<hbm>>
      %dma_start3A_606 = tpu.memref_squeeze %dma_start3A_605 : memref<1x50x128xf32, #tpu.memory_space<hbm>> -> memref<50x128xf32, #tpu.memory_space<hbm>>
      %dma_start3A_607 = tpu.memref_slice %arg10[%rem3A_487] : memref<3x!tpu.dma_semaphore, #tpu.memory_space<semaphore_mem>> -> memref<1x!tpu.dma_semaphore, #tpu.memory_space<semaphore_mem>>
      %dma_start3A_608 = tpu.memref_squeeze %dma_start3A_607 : memref<1x!tpu.dma_semaphore, #tpu.memory_space<semaphore_mem>> -> memref<!tpu.dma_semaphore, #tpu.memory_space<semaphore_mem>>
      %dma_start3A_609 = arith.constant 0 : i32
      %dma_start3A_610 = arith.constant 0 : i32
      %dma_start3A_611 = tpu.memref_slice %arg4[%add3A_598, %dma_start3A_609, %dma_start3A_610] : memref<4096x50x128xf32, #tpu.memory_space<hbm>> -> memref<1x50x128xf32, #tpu.memory_space<hbm>>
      %dma_start3A_612 = tpu.memref_squeeze %dma_start3A_611 : memref<1x50x128xf32, #tpu.memory_space<hbm>> -> memref<50x128xf32, #tpu.memory_space<hbm>>
      %dma_start3A_613 = arith.constant 50 : i32
      %dma_start3A_614 = arith.constant 0 : i32
      %dma_start3A_615 = tpu.memref_slice %arg6[%rem3A_487, %dma_start3A_613, %dma_start3A_614] : memref<3x200x128xf32, #tpu.memory_space<vmem>> -> memref<1x50x128xf32, #tpu.memory_space<vmem>>
      %dma_start3A_616 = tpu.memref_squeeze %dma_start3A_615 : memref<1x50x128xf32, #tpu.memory_space<vmem>> -> memref<50x128xf32, #tpu.memory_space<vmem>>
      tpu.enqueue_dma source(%dma_start3A_616 : memref<50x128xf32, #tpu.memory_space<vmem>>) target(%dma_start3A_612 : memref<50x128xf32, #tpu.memory_space<hbm>>) target_semaphore(%dma_start3A_608 : memref<!tpu.dma_semaphore, #tpu.memory_space<semaphore_mem>>)
      %mul3A_617 = arith.constant 4 : i32
      %mul3A_618 = arith.muli %sub3A_570, %mul3A_617 : i32
      %add3A_619 = arith.addi %mul3A_2, %mul3A_618 : i32
      %add3A_620 = arith.constant 2 : i32
      %add3A_621 = arith.addi %add3A_619, %add3A_620 : i32
      %dma_start3A_622 = arith.constant 100 : i32
      %dma_start3A_623 = arith.constant 0 : i32
      %dma_start3A_624 = tpu.memref_slice %arg6[%rem3A_487, %dma_start3A_622, %dma_start3A_623] : memref<3x200x128xf32, #tpu.memory_space<vmem>> -> memref<1x50x128xf32, #tpu.memory_space<vmem>>
      %dma_start3A_625 = tpu.memref_squeeze %dma_start3A_624 : memref<1x50x128xf32, #tpu.memory_space<vmem>> -> memref<50x128xf32, #tpu.memory_space<vmem>>
      %dma_start3A_626 = arith.constant 0 : i32
      %dma_start3A_627 = arith.constant 0 : i32
      %dma_start3A_628 = tpu.memref_slice %arg4[%add3A_621, %dma_start3A_626, %dma_start3A_627] : memref<4096x50x128xf32, #tpu.memory_space<hbm>> -> memref<1x50x128xf32, #tpu.memory_space<hbm>>
      %dma_start3A_629 = tpu.memref_squeeze %dma_start3A_628 : memref<1x50x128xf32, #tpu.memory_space<hbm>> -> memref<50x128xf32, #tpu.memory_space<hbm>>
      %dma_start3A_630 = tpu.memref_slice %arg10[%rem3A_487] : memref<3x!tpu.dma_semaphore, #tpu.memory_space<semaphore_mem>> -> memref<1x!tpu.dma_semaphore, #tpu.memory_space<semaphore_mem>>
      %dma_start3A_631 = tpu.memref_squeeze %dma_start3A_630 : memref<1x!tpu.dma_semaphore, #tpu.memory_space<semaphore_mem>> -> memref<!tpu.dma_semaphore, #tpu.memory_space<semaphore_mem>>
      %dma_start3A_632 = arith.constant 0 : i32
      %dma_start3A_633 = arith.constant 0 : i32
      %dma_start3A_634 = tpu.memref_slice %arg4[%add3A_621, %dma_start3A_632, %dma_start3A_633] : memref<4096x50x128xf32, #tpu.memory_space<hbm>> -> memref<1x50x128xf32, #tpu.memory_space<hbm>>
      %dma_start3A_635 = tpu.memref_squeeze %dma_start3A_634 : memref<1x50x128xf32, #tpu.memory_space<hbm>> -> memref<50x128xf32, #tpu.memory_space<hbm>>
      %dma_start3A_636 = arith.constant 100 : i32
      %dma_start3A_637 = arith.constant 0 : i32
      %dma_start3A_638 = tpu.memref_slice %arg6[%rem3A_487, %dma_start3A_636, %dma_start3A_637] : memref<3x200x128xf32, #tpu.memory_space<vmem>> -> memref<1x50x128xf32, #tpu.memory_space<vmem>>
      %dma_start3A_639 = tpu.memref_squeeze %dma_start3A_638 : memref<1x50x128xf32, #tpu.memory_space<vmem>> -> memref<50x128xf32, #tpu.memory_space<vmem>>
      tpu.enqueue_dma source(%dma_start3A_639 : memref<50x128xf32, #tpu.memory_space<vmem>>) target(%dma_start3A_635 : memref<50x128xf32, #tpu.memory_space<hbm>>) target_semaphore(%dma_start3A_631 : memref<!tpu.dma_semaphore, #tpu.memory_space<semaphore_mem>>)
      %mul3A_640 = arith.constant 4 : i32
      %mul3A_641 = arith.muli %sub3A_570, %mul3A_640 : i32
      %add3A_642 = arith.addi %mul3A_2, %mul3A_641 : i32
      %add3A_643 = arith.constant 3 : i32
      %add3A_644 = arith.addi %add3A_642, %add3A_643 : i32
      %dma_start3A_645 = arith.constant 150 : i32
      %dma_start3A_646 = arith.constant 0 : i32
      %dma_start3A_647 = tpu.memref_slice %arg6[%rem3A_487, %dma_start3A_645, %dma_start3A_646] : memref<3x200x128xf32, #tpu.memory_space<vmem>> -> memref<1x50x128xf32, #tpu.memory_space<vmem>>
      %dma_start3A_648 = tpu.memref_squeeze %dma_start3A_647 : memref<1x50x128xf32, #tpu.memory_space<vmem>> -> memref<50x128xf32, #tpu.memory_space<vmem>>
      %dma_start3A_649 = arith.constant 0 : i32
      %dma_start3A_650 = arith.constant 0 : i32
      %dma_start3A_651 = tpu.memref_slice %arg4[%add3A_644, %dma_start3A_649, %dma_start3A_650] : memref<4096x50x128xf32, #tpu.memory_space<hbm>> -> memref<1x50x128xf32, #tpu.memory_space<hbm>>
      %dma_start3A_652 = tpu.memref_squeeze %dma_start3A_651 : memref<1x50x128xf32, #tpu.memory_space<hbm>> -> memref<50x128xf32, #tpu.memory_space<hbm>>
      %dma_start3A_653 = tpu.memref_slice %arg10[%rem3A_487] : memref<3x!tpu.dma_semaphore, #tpu.memory_space<semaphore_mem>> -> memref<1x!tpu.dma_semaphore, #tpu.memory_space<semaphore_mem>>
      %dma_start3A_654 = tpu.memref_squeeze %dma_start3A_653 : memref<1x!tpu.dma_semaphore, #tpu.memory_space<semaphore_mem>> -> memref<!tpu.dma_semaphore, #tpu.memory_space<semaphore_mem>>
      %dma_start3A_655 = arith.constant 0 : i32
      %dma_start3A_656 = arith.constant 0 : i32
      %dma_start3A_657 = tpu.memref_slice %arg4[%add3A_644, %dma_start3A_655, %dma_start3A_656] : memref<4096x50x128xf32, #tpu.memory_space<hbm>> -> memref<1x50x128xf32, #tpu.memory_space<hbm>>
      %dma_start3A_658 = tpu.memref_squeeze %dma_start3A_657 : memref<1x50x128xf32, #tpu.memory_space<hbm>> -> memref<50x128xf32, #tpu.memory_space<hbm>>
      %dma_start3A_659 = arith.constant 150 : i32
      %dma_start3A_660 = arith.constant 0 : i32
      %dma_start3A_661 = tpu.memref_slice %arg6[%rem3A_487, %dma_start3A_659, %dma_start3A_660] : memref<3x200x128xf32, #tpu.memory_space<vmem>> -> memref<1x50x128xf32, #tpu.memory_space<vmem>>
      %dma_start3A_662 = tpu.memref_squeeze %dma_start3A_661 : memref<1x50x128xf32, #tpu.memory_space<vmem>> -> memref<50x128xf32, #tpu.memory_space<vmem>>
      tpu.enqueue_dma source(%dma_start3A_662 : memref<50x128xf32, #tpu.memory_space<vmem>>) target(%dma_start3A_658 : memref<50x128xf32, #tpu.memory_space<hbm>>) target_semaphore(%dma_start3A_654 : memref<!tpu.dma_semaphore, #tpu.memory_space<semaphore_mem>>)
      %iota3A_663 = tpu.iota {dimensions = array<i32: 0>} : vector<16xi32>
      %parallel_loop3A_664 = arith.constant 0 : i32
      %parallel_loop3A_665 = arith.constant 13 : i32
      %parallel_loop3A_666 = arith.constant 1 : i32
      scf.for %parallel_loop3A_667 = %parallel_loop3A_664 to %parallel_loop3A_665 step %parallel_loop3A_666  : i32 {
        %parallel_loop3A_668 = arith.constant 16 : i32
        %parallel_loop3A_669 = arith.muli %parallel_loop3A_667, %parallel_loop3A_668 : i32
        %parallel_loop3A_670 = tpu.assume_multiple %parallel_loop3A_669, 16 : i32
        %parallel_loop3A_671 = vector.broadcast %parallel_loop3A_670 : i32 to vector<16xi32>
        %parallel_loop3A_672 = arith.addi %parallel_loop3A_671, %iota3A_663 : vector<16xi32>
        %parallel_loop3A_673 = arith.constant 0 : i32
        %parallel_loop3A_674 = vector.broadcast %parallel_loop3A_673 : i32 to vector<16xi32>
        %parallel_loop3A_675 = tpu.vector_load_idx %arg7[%parallel_loop3A_672, %parallel_loop3A_674] : memref<208x17xf32, #tpu.memory_space<vmem>>[vector<16xi32>, vector<16xi32>], vector<16xf32>,
        %parallel_loop3A_676 = vector.broadcast %parallel_loop3A_670 : i32 to vector<16xi32>
        %parallel_loop3A_677 = arith.addi %parallel_loop3A_676, %iota3A_663 : vector<16xi32>
        %parallel_loop3A_678 = arith.constant 1 : i32
        %parallel_loop3A_679 = vector.broadcast %parallel_loop3A_678 : i32 to vector<16xi32>
        %parallel_loop3A_680 = tpu.vector_load_idx %arg7[%parallel_loop3A_677, %parallel_loop3A_679] : memref<208x17xf32, #tpu.memory_space<vmem>>[vector<16xi32>, vector<16xi32>], vector<16xf32>,
        %parallel_loop3A_681 = vector.broadcast %parallel_loop3A_670 : i32 to vector<16xi32>
        %parallel_loop3A_682 = arith.addi %parallel_loop3A_681, %iota3A_663 : vector<16xi32>
        %parallel_loop3A_683 = arith.constant 2 : i32
        %parallel_loop3A_684 = vector.broadcast %parallel_loop3A_683 : i32 to vector<16xi32>
        %parallel_loop3A_685 = tpu.vector_load_idx %arg7[%parallel_loop3A_682, %parallel_loop3A_684] : memref<208x17xf32, #tpu.memory_space<vmem>>[vector<16xi32>, vector<16xi32>], vector<16xf32>,
        %parallel_loop3A_686 = vector.broadcast %parallel_loop3A_670 : i32 to vector<16xi32>
        %parallel_loop3A_687 = arith.addi %parallel_loop3A_686, %iota3A_663 : vector<16xi32>
        %parallel_loop3A_688 = arith.constant 3 : i32
        %parallel_loop3A_689 = vector.broadcast %parallel_loop3A_688 : i32 to vector<16xi32>
        %parallel_loop3A_690 = tpu.vector_load_idx %arg7[%parallel_loop3A_687, %parallel_loop3A_689] : memref<208x17xf32, #tpu.memory_space<vmem>>[vector<16xi32>, vector<16xi32>], vector<16xf32>,
        %parallel_loop3A_691 = vector.broadcast %parallel_loop3A_670 : i32 to vector<16xi32>
        %parallel_loop3A_692 = arith.addi %parallel_loop3A_691, %iota3A_663 : vector<16xi32>
        %parallel_loop3A_693 = arith.constant 4 : i32
        %parallel_loop3A_694 = vector.broadcast %parallel_loop3A_693 : i32 to vector<16xi32>
        %parallel_loop3A_695 = tpu.vector_load_idx %arg7[%parallel_loop3A_692, %parallel_loop3A_694] : memref<208x17xf32, #tpu.memory_space<vmem>>[vector<16xi32>, vector<16xi32>], vector<16xf32>,
        %parallel_loop3A_696 = vector.broadcast %parallel_loop3A_670 : i32 to vector<16xi32>
        %parallel_loop3A_697 = arith.addi %parallel_loop3A_696, %iota3A_663 : vector<16xi32>
        %parallel_loop3A_698 = arith.constant 5 : i32
        %parallel_loop3A_699 = vector.broadcast %parallel_loop3A_698 : i32 to vector<16xi32>
        %parallel_loop3A_700 = tpu.vector_load_idx %arg7[%parallel_loop3A_697, %parallel_loop3A_699] : memref<208x17xf32, #tpu.memory_space<vmem>>[vector<16xi32>, vector<16xi32>], vector<16xf32>,
        %parallel_loop3A_701 = vector.broadcast %parallel_loop3A_670 : i32 to vector<16xi32>
        %parallel_loop3A_702 = arith.addi %parallel_loop3A_701, %iota3A_663 : vector<16xi32>
        %parallel_loop3A_703 = arith.constant 6 : i32
        %parallel_loop3A_704 = vector.broadcast %parallel_loop3A_703 : i32 to vector<16xi32>
        %parallel_loop3A_705 = tpu.vector_load_idx %arg7[%parallel_loop3A_702, %parallel_loop3A_704] : memref<208x17xf32, #tpu.memory_space<vmem>>[vector<16xi32>, vector<16xi32>], vector<16xf32>,
        %parallel_loop3A_706 = vector.broadcast %parallel_loop3A_670 : i32 to vector<16xi32>
        %parallel_loop3A_707 = arith.addi %parallel_loop3A_706, %iota3A_663 : vector<16xi32>
        %parallel_loop3A_708 = arith.constant 7 : i32
        %parallel_loop3A_709 = vector.broadcast %parallel_loop3A_708 : i32 to vector<16xi32>
        %parallel_loop3A_710 = tpu.vector_load_idx %arg7[%parallel_loop3A_707, %parallel_loop3A_709] : memref<208x17xf32, #tpu.memory_space<vmem>>[vector<16xi32>, vector<16xi32>], vector<16xf32>,
        %parallel_loop3A_711 = vector.broadcast %parallel_loop3A_670 : i32 to vector<16xi32>
        %parallel_loop3A_712 = arith.addi %parallel_loop3A_711, %iota3A_663 : vector<16xi32>
        %parallel_loop3A_713 = arith.constant 8 : i32
        %parallel_loop3A_714 = vector.broadcast %parallel_loop3A_713 : i32 to vector<16xi32>
        %parallel_loop3A_715 = tpu.vector_load_idx %arg7[%parallel_loop3A_712, %parallel_loop3A_714] : memref<208x17xf32, #tpu.memory_space<vmem>>[vector<16xi32>, vector<16xi32>], vector<16xf32>,
        %parallel_loop3A_716 = vector.broadcast %parallel_loop3A_670 : i32 to vector<16xi32>
        %parallel_loop3A_717 = arith.addi %parallel_loop3A_716, %iota3A_663 : vector<16xi32>
        %parallel_loop3A_718 = arith.constant 9 : i32
        %parallel_loop3A_719 = vector.broadcast %parallel_loop3A_718 : i32 to vector<16xi32>
        %parallel_loop3A_720 = tpu.vector_load_idx %arg7[%parallel_loop3A_717, %parallel_loop3A_719] : memref<208x17xf32, #tpu.memory_space<vmem>>[vector<16xi32>, vector<16xi32>], vector<16xf32>,
        %parallel_loop3A_721 = vector.broadcast %parallel_loop3A_670 : i32 to vector<16xi32>
        %parallel_loop3A_722 = arith.addi %parallel_loop3A_721, %iota3A_663 : vector<16xi32>
        %parallel_loop3A_723 = arith.constant 10 : i32
        %parallel_loop3A_724 = vector.broadcast %parallel_loop3A_723 : i32 to vector<16xi32>
        %parallel_loop3A_725 = tpu.vector_load_idx %arg7[%parallel_loop3A_722, %parallel_loop3A_724] : memref<208x17xf32, #tpu.memory_space<vmem>>[vector<16xi32>, vector<16xi32>], vector<16xf32>,
        %parallel_loop3A_726 = vector.broadcast %parallel_loop3A_670 : i32 to vector<16xi32>
        %parallel_loop3A_727 = arith.addi %parallel_loop3A_726, %iota3A_663 : vector<16xi32>
        %parallel_loop3A_728 = arith.constant 11 : i32
        %parallel_loop3A_729 = vector.broadcast %parallel_loop3A_728 : i32 to vector<16xi32>
        %parallel_loop3A_730 = tpu.vector_load_idx %arg7[%parallel_loop3A_727, %parallel_loop3A_729] : memref<208x17xf32, #tpu.memory_space<vmem>>[vector<16xi32>, vector<16xi32>], vector<16xf32>,
        %parallel_loop3A_731 = vector.broadcast %parallel_loop3A_670 : i32 to vector<16xi32>
        %parallel_loop3A_732 = arith.addi %parallel_loop3A_731, %iota3A_663 : vector<16xi32>
        %parallel_loop3A_733 = arith.constant 12 : i32
        %parallel_loop3A_734 = vector.broadcast %parallel_loop3A_733 : i32 to vector<16xi32>
        %parallel_loop3A_735 = tpu.vector_load_idx %arg7[%parallel_loop3A_732, %parallel_loop3A_734] : memref<208x17xf32, #tpu.memory_space<vmem>>[vector<16xi32>, vector<16xi32>], vector<16xf32>,
        %parallel_loop3A_736 = vector.broadcast %parallel_loop3A_670 : i32 to vector<16xi32>
        %parallel_loop3A_737 = arith.addi %parallel_loop3A_736, %iota3A_663 : vector<16xi32>
        %parallel_loop3A_738 = arith.constant 13 : i32
        %parallel_loop3A_739 = vector.broadcast %parallel_loop3A_738 : i32 to vector<16xi32>
        %parallel_loop3A_740 = tpu.vector_load_idx %arg7[%parallel_loop3A_737, %parallel_loop3A_739] : memref<208x17xf32, #tpu.memory_space<vmem>>[vector<16xi32>, vector<16xi32>], vector<16xf32>,
        %parallel_loop3A_741 = vector.broadcast %parallel_loop3A_670 : i32 to vector<16xi32>
        %parallel_loop3A_742 = arith.addi %parallel_loop3A_741, %iota3A_663 : vector<16xi32>
        %parallel_loop3A_743 = arith.constant 14 : i32
        %parallel_loop3A_744 = vector.broadcast %parallel_loop3A_743 : i32 to vector<16xi32>
        %parallel_loop3A_745 = tpu.vector_load_idx %arg7[%parallel_loop3A_742, %parallel_loop3A_744] : memref<208x17xf32, #tpu.memory_space<vmem>>[vector<16xi32>, vector<16xi32>], vector<16xf32>,
        %parallel_loop3A_746 = vector.broadcast %parallel_loop3A_670 : i32 to vector<16xi32>
        %parallel_loop3A_747 = arith.addi %parallel_loop3A_746, %iota3A_663 : vector<16xi32>
        %parallel_loop3A_748 = arith.constant 15 : i32
        %parallel_loop3A_749 = vector.broadcast %parallel_loop3A_748 : i32 to vector<16xi32>
        %parallel_loop3A_750 = tpu.vector_load_idx %arg7[%parallel_loop3A_747, %parallel_loop3A_749] : memref<208x17xf32, #tpu.memory_space<vmem>>[vector<16xi32>, vector<16xi32>], vector<16xf32>,
        %parallel_loop3A_751 = arith.addf %parallel_loop3A_675, %parallel_loop3A_680 : vector<16xf32>
        %parallel_loop3A_752 = arith.addf %parallel_loop3A_685, %parallel_loop3A_690 : vector<16xf32>
        %parallel_loop3A_753 = arith.addf %parallel_loop3A_695, %parallel_loop3A_700 : vector<16xf32>
        %parallel_loop3A_754 = arith.addf %parallel_loop3A_705, %parallel_loop3A_710 : vector<16xf32>
        %parallel_loop3A_755 = arith.addf %parallel_loop3A_715, %parallel_loop3A_720 : vector<16xf32>
        %parallel_loop3A_756 = arith.addf %parallel_loop3A_725, %parallel_loop3A_730 : vector<16xf32>
        %parallel_loop3A_757 = arith.addf %parallel_loop3A_735, %parallel_loop3A_740 : vector<16xf32>
        %parallel_loop3A_758 = arith.addf %parallel_loop3A_745, %parallel_loop3A_750 : vector<16xf32>
        %parallel_loop3A_759 = arith.addf %parallel_loop3A_751, %parallel_loop3A_752 : vector<16xf32>
        %parallel_loop3A_760 = arith.addf %parallel_loop3A_753, %parallel_loop3A_754 : vector<16xf32>
        %parallel_loop3A_761 = arith.addf %parallel_loop3A_755, %parallel_loop3A_756 : vector<16xf32>
        %parallel_loop3A_762 = arith.addf %parallel_loop3A_757, %parallel_loop3A_758 : vector<16xf32>
        %parallel_loop3A_763 = arith.addf %parallel_loop3A_759, %parallel_loop3A_760 : vector<16xf32>
        %parallel_loop3A_764 = arith.addf %parallel_loop3A_761, %parallel_loop3A_762 : vector<16xf32>
        %parallel_loop3A_765 = arith.addf %parallel_loop3A_763, %parallel_loop3A_764 : vector<16xf32>
        %parallel_loop3A_766 = arith.constant 7.812500e-27 : f32
        %parallel_loop3A_767 = vector.broadcast %parallel_loop3A_766 : f32 to vector<16xf32>
        %parallel_loop3A_768 = arith.maximumf %parallel_loop3A_765, %parallel_loop3A_767 : vector<16xf32>
        %parallel_loop3A_769 = vector.bitcast %parallel_loop3A_768 : vector<16xf32> to vector<16xi32>
        %parallel_loop3A_770 = arith.constant 1 : i32
        %parallel_loop3A_771 = vector.broadcast %parallel_loop3A_770 : i32 to vector<16xi32>
        %parallel_loop3A_772 = arith.shrsi %parallel_loop3A_769, %parallel_loop3A_771 : vector<16xi32>
        %parallel_loop3A_773 = arith.constant 1597463007 : i32
        %parallel_loop3A_774 = vector.broadcast %parallel_loop3A_773 : i32 to vector<16xi32>
        %parallel_loop3A_775 = arith.subi %parallel_loop3A_774, %parallel_loop3A_772 : vector<16xi32>
        %parallel_loop3A_776 = vector.bitcast %parallel_loop3A_775 : vector<16xi32> to vector<16xf32>
        %parallel_loop3A_777 = arith.constant 5.000000e-01 : f32
        %parallel_loop3A_778 = vector.broadcast %parallel_loop3A_777 : f32 to vector<16xf32>
        %parallel_loop3A_779 = arith.mulf %parallel_loop3A_778, %parallel_loop3A_768 : vector<16xf32>
        %parallel_loop3A_780 = arith.mulf %parallel_loop3A_779, %parallel_loop3A_776 : vector<16xf32>
        %parallel_loop3A_781 = arith.mulf %parallel_loop3A_780, %parallel_loop3A_776 : vector<16xf32>
        %parallel_loop3A_782 = arith.constant 1.500000e+00 : f32
        %parallel_loop3A_783 = vector.broadcast %parallel_loop3A_782 : f32 to vector<16xf32>
        %parallel_loop3A_784 = arith.subf %parallel_loop3A_783, %parallel_loop3A_781 : vector<16xf32>
        %parallel_loop3A_785 = arith.mulf %parallel_loop3A_776, %parallel_loop3A_784 : vector<16xf32>
        %parallel_loop3A_786 = arith.constant 5.000000e-01 : f32
        %parallel_loop3A_787 = vector.broadcast %parallel_loop3A_786 : f32 to vector<16xf32>
        %parallel_loop3A_788 = arith.mulf %parallel_loop3A_787, %parallel_loop3A_768 : vector<16xf32>
        %parallel_loop3A_789 = arith.mulf %parallel_loop3A_788, %parallel_loop3A_785 : vector<16xf32>
        %parallel_loop3A_790 = arith.mulf %parallel_loop3A_789, %parallel_loop3A_785 : vector<16xf32>
        %parallel_loop3A_791 = arith.constant 1.500000e+00 : f32
        %parallel_loop3A_792 = vector.broadcast %parallel_loop3A_791 : f32 to vector<16xf32>
        %parallel_loop3A_793 = arith.subf %parallel_loop3A_792, %parallel_loop3A_790 : vector<16xf32>
        %parallel_loop3A_794 = arith.mulf %parallel_loop3A_785, %parallel_loop3A_793 : vector<16xf32>
        %parallel_loop3A_795 = arith.index_cast %rem3A_493 : i32 to index
        %parallel_loop3A_796 = arith.index_cast %parallel_loop3A_670 : i32 to index
        %parallel_loop3A_797 = tpu.vector_load %arg8[%parallel_loop3A_795, %parallel_loop3A_796] {strides = array<i32>} : memref<2x208xf32, #tpu.memory_space<vmem>>, vector<16xf32>,
        tpu.vector_store %arg8[%parallel_loop3A_795, %parallel_loop3A_796], %parallel_loop3A_794 {strides = array<i32>} : memref<2x208xf32, #tpu.memory_space<vmem>>, vector<16xf32>,
      } {sc.loop_unroll_factor = 2 : i64, sc.parallel_access}
    }
    %scan3A_189 = arith.constant 31 : i32
    %parallel_loop3A_190 = arith.constant 0 : i32
    %parallel_loop3A_191 = arith.constant 200 : i32
    %parallel_loop3A_192 = arith.constant 1 : i32
    scf.for %parallel_loop3A_481 = %parallel_loop3A_190 to %parallel_loop3A_191 step %parallel_loop3A_192  : i32 {
      %parallel_loop3A_482 = arith.constant 1 : i32
      %parallel_loop3A_483 = vector.broadcast %parallel_loop3A_482 : i32 to vector<16xi32>
      %parallel_loop3A_484 = arith.constant 0 : i32
      %parallel_loop3A_485 = vector.broadcast %parallel_loop3A_484 : i32 to vector<16xi32>
      %parallel_loop3A_486 = vector.broadcast %parallel_loop3A_481 : i32 to vector<16xi32>
      %parallel_loop3A_487 = arith.addi %parallel_loop3A_485, %parallel_loop3A_486 : vector<16xi32>
      %parallel_loop3A_488 = tpu.vector_load_idx %arg8[%parallel_loop3A_483, %parallel_loop3A_487] : memref<2x208xf32, #tpu.memory_space<vmem>>[vector<16xi32>, vector<16xi32>], vector<16xf32>,
      %parallel_loop3A_489 = arith.constant 1 : i32
      %parallel_loop3A_490 = arith.constant 0 : i32
      %parallel_loop3A_491 = arith.constant 0 : i32
      %parallel_loop3A_492 = tpu.memref_slice %arg6[%parallel_loop3A_489, %parallel_loop3A_490, %parallel_loop3A_491] : memref<3x200x128xf32, #tpu.memory_space<vmem>> -> memref<1x200x128xf32, #tpu.memory_space<vmem>>
      %parallel_loop3A_493 = tpu.memref_squeeze %parallel_loop3A_492 : memref<1x200x128xf32, #tpu.memory_space<vmem>> -> memref<200x128xf32, #tpu.memory_space<vmem>>
      %parallel_loop3A_494 = arith.index_cast %parallel_loop3A_481 : i32 to index
      %parallel_loop3A_495 = arith.constant 0 : index
      %parallel_loop3A_496 = tpu.vector_load %parallel_loop3A_493[%parallel_loop3A_494, %parallel_loop3A_495] {strides = array<i32>} : memref<200x128xf32, #tpu.memory_space<vmem>>, vector<16xf32>,
      %parallel_loop3A_497 = arith.mulf %parallel_loop3A_496, %parallel_loop3A_488 : vector<16xf32>
      %parallel_loop3A_498 = arith.constant 1 : i32
      %parallel_loop3A_499 = arith.constant 0 : i32
      %parallel_loop3A_500 = arith.constant 0 : i32
      %parallel_loop3A_501 = tpu.memref_slice %arg6[%parallel_loop3A_498, %parallel_loop3A_499, %parallel_loop3A_500] : memref<3x200x128xf32, #tpu.memory_space<vmem>> -> memref<1x200x128xf32, #tpu.memory_space<vmem>>
      %parallel_loop3A_502 = tpu.memref_squeeze %parallel_loop3A_501 : memref<1x200x128xf32, #tpu.memory_space<vmem>> -> memref<200x128xf32, #tpu.memory_space<vmem>>
      %parallel_loop3A_503 = arith.index_cast %parallel_loop3A_481 : i32 to index
      %parallel_loop3A_504 = arith.constant 0 : index
      %parallel_loop3A_505 = tpu.vector_load %parallel_loop3A_502[%parallel_loop3A_503, %parallel_loop3A_504] {strides = array<i32>} : memref<200x128xf32, #tpu.memory_space<vmem>>, vector<16xf32>,
      tpu.vector_store %parallel_loop3A_502[%parallel_loop3A_503, %parallel_loop3A_504], %parallel_loop3A_497 {strides = array<i32>} : memref<200x128xf32, #tpu.memory_space<vmem>>, vector<16xf32>,
      %parallel_loop3A_506 = arith.constant 1 : i32
      %parallel_loop3A_507 = arith.constant 0 : i32
      %parallel_loop3A_508 = arith.constant 0 : i32
      %parallel_loop3A_509 = tpu.memref_slice %arg6[%parallel_loop3A_506, %parallel_loop3A_507, %parallel_loop3A_508] : memref<3x200x128xf32, #tpu.memory_space<vmem>> -> memref<1x200x128xf32, #tpu.memory_space<vmem>>
      %parallel_loop3A_510 = tpu.memref_squeeze %parallel_loop3A_509 : memref<1x200x128xf32, #tpu.memory_space<vmem>> -> memref<200x128xf32, #tpu.memory_space<vmem>>
      %parallel_loop3A_511 = arith.index_cast %parallel_loop3A_481 : i32 to index
      %parallel_loop3A_512 = arith.constant 16 : index
      %parallel_loop3A_513 = tpu.vector_load %parallel_loop3A_510[%parallel_loop3A_511, %parallel_loop3A_512] {strides = array<i32>} : memref<200x128xf32, #tpu.memory_space<vmem>>, vector<16xf32>,
      %parallel_loop3A_514 = arith.mulf %parallel_loop3A_513, %parallel_loop3A_488 : vector<16xf32>
      %parallel_loop3A_515 = arith.constant 1 : i32
      %parallel_loop3A_516 = arith.constant 0 : i32
      %parallel_loop3A_517 = arith.constant 0 : i32
      %parallel_loop3A_518 = tpu.memref_slice %arg6[%parallel_loop3A_515, %parallel_loop3A_516, %parallel_loop3A_517] : memref<3x200x128xf32, #tpu.memory_space<vmem>> -> memref<1x200x128xf32, #tpu.memory_space<vmem>>
      %parallel_loop3A_519 = tpu.memref_squeeze %parallel_loop3A_518 : memref<1x200x128xf32, #tpu.memory_space<vmem>> -> memref<200x128xf32, #tpu.memory_space<vmem>>
      %parallel_loop3A_520 = arith.index_cast %parallel_loop3A_481 : i32 to index
      %parallel_loop3A_521 = arith.constant 16 : index
      %parallel_loop3A_522 = tpu.vector_load %parallel_loop3A_519[%parallel_loop3A_520, %parallel_loop3A_521] {strides = array<i32>} : memref<200x128xf32, #tpu.memory_space<vmem>>, vector<16xf32>,
      tpu.vector_store %parallel_loop3A_519[%parallel_loop3A_520, %parallel_loop3A_521], %parallel_loop3A_514 {strides = array<i32>} : memref<200x128xf32, #tpu.memory_space<vmem>>, vector<16xf32>,
      %parallel_loop3A_523 = arith.constant 1 : i32
      %parallel_loop3A_524 = arith.constant 0 : i32
      %parallel_loop3A_525 = arith.constant 0 : i32
      %parallel_loop3A_526 = tpu.memref_slice %arg6[%parallel_loop3A_523, %parallel_loop3A_524, %parallel_loop3A_525] : memref<3x200x128xf32, #tpu.memory_space<vmem>> -> memref<1x200x128xf32, #tpu.memory_space<vmem>>
      %parallel_loop3A_527 = tpu.memref_squeeze %parallel_loop3A_526 : memref<1x200x128xf32, #tpu.memory_space<vmem>> -> memref<200x128xf32, #tpu.memory_space<vmem>>
      %parallel_loop3A_528 = arith.index_cast %parallel_loop3A_481 : i32 to index
      %parallel_loop3A_529 = arith.constant 32 : index
      %parallel_loop3A_530 = tpu.vector_load %parallel_loop3A_527[%parallel_loop3A_528, %parallel_loop3A_529] {strides = array<i32>} : memref<200x128xf32, #tpu.memory_space<vmem>>, vector<16xf32>,
      %parallel_loop3A_531 = arith.mulf %parallel_loop3A_530, %parallel_loop3A_488 : vector<16xf32>
      %parallel_loop3A_532 = arith.constant 1 : i32
      %parallel_loop3A_533 = arith.constant 0 : i32
      %parallel_loop3A_534 = arith.constant 0 : i32
      %parallel_loop3A_535 = tpu.memref_slice %arg6[%parallel_loop3A_532, %parallel_loop3A_533, %parallel_loop3A_534] : memref<3x200x128xf32, #tpu.memory_space<vmem>> -> memref<1x200x128xf32, #tpu.memory_space<vmem>>
      %parallel_loop3A_536 = tpu.memref_squeeze %parallel_loop3A_535 : memref<1x200x128xf32, #tpu.memory_space<vmem>> -> memref<200x128xf32, #tpu.memory_space<vmem>>
      %parallel_loop3A_537 = arith.index_cast %parallel_loop3A_481 : i32 to index
      %parallel_loop3A_538 = arith.constant 32 : index
      %parallel_loop3A_539 = tpu.vector_load %parallel_loop3A_536[%parallel_loop3A_537, %parallel_loop3A_538] {strides = array<i32>} : memref<200x128xf32, #tpu.memory_space<vmem>>, vector<16xf32>,
      tpu.vector_store %parallel_loop3A_536[%parallel_loop3A_537, %parallel_loop3A_538], %parallel_loop3A_531 {strides = array<i32>} : memref<200x128xf32, #tpu.memory_space<vmem>>, vector<16xf32>,
      %parallel_loop3A_540 = arith.constant 1 : i32
      %parallel_loop3A_541 = arith.constant 0 : i32
      %parallel_loop3A_542 = arith.constant 0 : i32
      %parallel_loop3A_543 = tpu.memref_slice %arg6[%parallel_loop3A_540, %parallel_loop3A_541, %parallel_loop3A_542] : memref<3x200x128xf32, #tpu.memory_space<vmem>> -> memref<1x200x128xf32, #tpu.memory_space<vmem>>
      %parallel_loop3A_544 = tpu.memref_squeeze %parallel_loop3A_543 : memref<1x200x128xf32, #tpu.memory_space<vmem>> -> memref<200x128xf32, #tpu.memory_space<vmem>>
      %parallel_loop3A_545 = arith.index_cast %parallel_loop3A_481 : i32 to index
      %parallel_loop3A_546 = arith.constant 48 : index
      %parallel_loop3A_547 = tpu.vector_load %parallel_loop3A_544[%parallel_loop3A_545, %parallel_loop3A_546] {strides = array<i32>} : memref<200x128xf32, #tpu.memory_space<vmem>>, vector<16xf32>,
      %parallel_loop3A_548 = arith.mulf %parallel_loop3A_547, %parallel_loop3A_488 : vector<16xf32>
      %parallel_loop3A_549 = arith.constant 1 : i32
      %parallel_loop3A_550 = arith.constant 0 : i32
      %parallel_loop3A_551 = arith.constant 0 : i32
      %parallel_loop3A_552 = tpu.memref_slice %arg6[%parallel_loop3A_549, %parallel_loop3A_550, %parallel_loop3A_551] : memref<3x200x128xf32, #tpu.memory_space<vmem>> -> memref<1x200x128xf32, #tpu.memory_space<vmem>>
      %parallel_loop3A_553 = tpu.memref_squeeze %parallel_loop3A_552 : memref<1x200x128xf32, #tpu.memory_space<vmem>> -> memref<200x128xf32, #tpu.memory_space<vmem>>
      %parallel_loop3A_554 = arith.index_cast %parallel_loop3A_481 : i32 to index
      %parallel_loop3A_555 = arith.constant 48 : index
      %parallel_loop3A_556 = tpu.vector_load %parallel_loop3A_553[%parallel_loop3A_554, %parallel_loop3A_555] {strides = array<i32>} : memref<200x128xf32, #tpu.memory_space<vmem>>, vector<16xf32>,
      tpu.vector_store %parallel_loop3A_553[%parallel_loop3A_554, %parallel_loop3A_555], %parallel_loop3A_548 {strides = array<i32>} : memref<200x128xf32, #tpu.memory_space<vmem>>, vector<16xf32>,
      %parallel_loop3A_557 = arith.constant 1 : i32
      %parallel_loop3A_558 = arith.constant 0 : i32
      %parallel_loop3A_559 = arith.constant 0 : i32
      %parallel_loop3A_560 = tpu.memref_slice %arg6[%parallel_loop3A_557, %parallel_loop3A_558, %parallel_loop3A_559] : memref<3x200x128xf32, #tpu.memory_space<vmem>> -> memref<1x200x128xf32, #tpu.memory_space<vmem>>
      %parallel_loop3A_561 = tpu.memref_squeeze %parallel_loop3A_560 : memref<1x200x128xf32, #tpu.memory_space<vmem>> -> memref<200x128xf32, #tpu.memory_space<vmem>>
      %parallel_loop3A_562 = arith.index_cast %parallel_loop3A_481 : i32 to index
      %parallel_loop3A_563 = arith.constant 64 : index
      %parallel_loop3A_564 = tpu.vector_load %parallel_loop3A_561[%parallel_loop3A_562, %parallel_loop3A_563] {strides = array<i32>} : memref<200x128xf32, #tpu.memory_space<vmem>>, vector<16xf32>,
      %parallel_loop3A_565 = arith.mulf %parallel_loop3A_564, %parallel_loop3A_488 : vector<16xf32>
      %parallel_loop3A_566 = arith.constant 1 : i32
      %parallel_loop3A_567 = arith.constant 0 : i32
      %parallel_loop3A_568 = arith.constant 0 : i32
      %parallel_loop3A_569 = tpu.memref_slice %arg6[%parallel_loop3A_566, %parallel_loop3A_567, %parallel_loop3A_568] : memref<3x200x128xf32, #tpu.memory_space<vmem>> -> memref<1x200x128xf32, #tpu.memory_space<vmem>>
      %parallel_loop3A_570 = tpu.memref_squeeze %parallel_loop3A_569 : memref<1x200x128xf32, #tpu.memory_space<vmem>> -> memref<200x128xf32, #tpu.memory_space<vmem>>
      %parallel_loop3A_571 = arith.index_cast %parallel_loop3A_481 : i32 to index
      %parallel_loop3A_572 = arith.constant 64 : index
      %parallel_loop3A_573 = tpu.vector_load %parallel_loop3A_570[%parallel_loop3A_571, %parallel_loop3A_572] {strides = array<i32>} : memref<200x128xf32, #tpu.memory_space<vmem>>, vector<16xf32>,
      tpu.vector_store %parallel_loop3A_570[%parallel_loop3A_571, %parallel_loop3A_572], %parallel_loop3A_565 {strides = array<i32>} : memref<200x128xf32, #tpu.memory_space<vmem>>, vector<16xf32>,
      %parallel_loop3A_574 = arith.constant 1 : i32
      %parallel_loop3A_575 = arith.constant 0 : i32
      %parallel_loop3A_576 = arith.constant 0 : i32
      %parallel_loop3A_577 = tpu.memref_slice %arg6[%parallel_loop3A_574, %parallel_loop3A_575, %parallel_loop3A_576] : memref<3x200x128xf32, #tpu.memory_space<vmem>> -> memref<1x200x128xf32, #tpu.memory_space<vmem>>
      %parallel_loop3A_578 = tpu.memref_squeeze %parallel_loop3A_577 : memref<1x200x128xf32, #tpu.memory_space<vmem>> -> memref<200x128xf32, #tpu.memory_space<vmem>>
      %parallel_loop3A_579 = arith.index_cast %parallel_loop3A_481 : i32 to index
      %parallel_loop3A_580 = arith.constant 80 : index
      %parallel_loop3A_581 = tpu.vector_load %parallel_loop3A_578[%parallel_loop3A_579, %parallel_loop3A_580] {strides = array<i32>} : memref<200x128xf32, #tpu.memory_space<vmem>>, vector<16xf32>,
      %parallel_loop3A_582 = arith.mulf %parallel_loop3A_581, %parallel_loop3A_488 : vector<16xf32>
      %parallel_loop3A_583 = arith.constant 1 : i32
      %parallel_loop3A_584 = arith.constant 0 : i32
      %parallel_loop3A_585 = arith.constant 0 : i32
      %parallel_loop3A_586 = tpu.memref_slice %arg6[%parallel_loop3A_583, %parallel_loop3A_584, %parallel_loop3A_585] : memref<3x200x128xf32, #tpu.memory_space<vmem>> -> memref<1x200x128xf32, #tpu.memory_space<vmem>>
      %parallel_loop3A_587 = tpu.memref_squeeze %parallel_loop3A_586 : memref<1x200x128xf32, #tpu.memory_space<vmem>> -> memref<200x128xf32, #tpu.memory_space<vmem>>
      %parallel_loop3A_588 = arith.index_cast %parallel_loop3A_481 : i32 to index
      %parallel_loop3A_589 = arith.constant 80 : index
      %parallel_loop3A_590 = tpu.vector_load %parallel_loop3A_587[%parallel_loop3A_588, %parallel_loop3A_589] {strides = array<i32>} : memref<200x128xf32, #tpu.memory_space<vmem>>, vector<16xf32>,
      tpu.vector_store %parallel_loop3A_587[%parallel_loop3A_588, %parallel_loop3A_589], %parallel_loop3A_582 {strides = array<i32>} : memref<200x128xf32, #tpu.memory_space<vmem>>, vector<16xf32>,
      %parallel_loop3A_591 = arith.constant 1 : i32
      %parallel_loop3A_592 = arith.constant 0 : i32
      %parallel_loop3A_593 = arith.constant 0 : i32
      %parallel_loop3A_594 = tpu.memref_slice %arg6[%parallel_loop3A_591, %parallel_loop3A_592, %parallel_loop3A_593] : memref<3x200x128xf32, #tpu.memory_space<vmem>> -> memref<1x200x128xf32, #tpu.memory_space<vmem>>
      %parallel_loop3A_595 = tpu.memref_squeeze %parallel_loop3A_594 : memref<1x200x128xf32, #tpu.memory_space<vmem>> -> memref<200x128xf32, #tpu.memory_space<vmem>>
      %parallel_loop3A_596 = arith.index_cast %parallel_loop3A_481 : i32 to index
      %parallel_loop3A_597 = arith.constant 96 : index
      %parallel_loop3A_598 = tpu.vector_load %parallel_loop3A_595[%parallel_loop3A_596, %parallel_loop3A_597] {strides = array<i32>} : memref<200x128xf32, #tpu.memory_space<vmem>>, vector<16xf32>,
      %parallel_loop3A_599 = arith.mulf %parallel_loop3A_598, %parallel_loop3A_488 : vector<16xf32>
      %parallel_loop3A_600 = arith.constant 1 : i32
      %parallel_loop3A_601 = arith.constant 0 : i32
      %parallel_loop3A_602 = arith.constant 0 : i32
      %parallel_loop3A_603 = tpu.memref_slice %arg6[%parallel_loop3A_600, %parallel_loop3A_601, %parallel_loop3A_602] : memref<3x200x128xf32, #tpu.memory_space<vmem>> -> memref<1x200x128xf32, #tpu.memory_space<vmem>>
      %parallel_loop3A_604 = tpu.memref_squeeze %parallel_loop3A_603 : memref<1x200x128xf32, #tpu.memory_space<vmem>> -> memref<200x128xf32, #tpu.memory_space<vmem>>
      %parallel_loop3A_605 = arith.index_cast %parallel_loop3A_481 : i32 to index
      %parallel_loop3A_606 = arith.constant 96 : index
      %parallel_loop3A_607 = tpu.vector_load %parallel_loop3A_604[%parallel_loop3A_605, %parallel_loop3A_606] {strides = array<i32>} : memref<200x128xf32, #tpu.memory_space<vmem>>, vector<16xf32>,
      tpu.vector_store %parallel_loop3A_604[%parallel_loop3A_605, %parallel_loop3A_606], %parallel_loop3A_599 {strides = array<i32>} : memref<200x128xf32, #tpu.memory_space<vmem>>, vector<16xf32>,
      %parallel_loop3A_608 = arith.constant 1 : i32
      %parallel_loop3A_609 = arith.constant 0 : i32
      %parallel_loop3A_610 = arith.constant 0 : i32
      %parallel_loop3A_611 = tpu.memref_slice %arg6[%parallel_loop3A_608, %parallel_loop3A_609, %parallel_loop3A_610] : memref<3x200x128xf32, #tpu.memory_space<vmem>> -> memref<1x200x128xf32, #tpu.memory_space<vmem>>
      %parallel_loop3A_612 = tpu.memref_squeeze %parallel_loop3A_611 : memref<1x200x128xf32, #tpu.memory_space<vmem>> -> memref<200x128xf32, #tpu.memory_space<vmem>>
      %parallel_loop3A_613 = arith.index_cast %parallel_loop3A_481 : i32 to index
      %parallel_loop3A_614 = arith.constant 112 : index
      %parallel_loop3A_615 = tpu.vector_load %parallel_loop3A_612[%parallel_loop3A_613, %parallel_loop3A_614] {strides = array<i32>} : memref<200x128xf32, #tpu.memory_space<vmem>>, vector<16xf32>,
      %parallel_loop3A_616 = arith.mulf %parallel_loop3A_615, %parallel_loop3A_488 : vector<16xf32>
      %parallel_loop3A_617 = arith.constant 1 : i32
      %parallel_loop3A_618 = arith.constant 0 : i32
      %parallel_loop3A_619 = arith.constant 0 : i32
      %parallel_loop3A_620 = tpu.memref_slice %arg6[%parallel_loop3A_617, %parallel_loop3A_618, %parallel_loop3A_619] : memref<3x200x128xf32, #tpu.memory_space<vmem>> -> memref<1x200x128xf32, #tpu.memory_space<vmem>>
      %parallel_loop3A_621 = tpu.memref_squeeze %parallel_loop3A_620 : memref<1x200x128xf32, #tpu.memory_space<vmem>> -> memref<200x128xf32, #tpu.memory_space<vmem>>
      %parallel_loop3A_622 = arith.index_cast %parallel_loop3A_481 : i32 to index
      %parallel_loop3A_623 = arith.constant 112 : index
      %parallel_loop3A_624 = tpu.vector_load %parallel_loop3A_621[%parallel_loop3A_622, %parallel_loop3A_623] {strides = array<i32>} : memref<200x128xf32, #tpu.memory_space<vmem>>, vector<16xf32>,
      tpu.vector_store %parallel_loop3A_621[%parallel_loop3A_622, %parallel_loop3A_623], %parallel_loop3A_616 {strides = array<i32>} : memref<200x128xf32, #tpu.memory_space<vmem>>, vector<16xf32>,
    } {sc.loop_unroll_factor = 8 : i64, sc.parallel_access}
    %add3A_193 = arith.constant 124 : i32
    %add3A_194 = arith.addi %mul3A_2, %add3A_193 : i32
    %add3A_195 = arith.constant 0 : i32
    %add3A_196 = arith.addi %add3A_194, %add3A_195 : i32
    %dma_start3A_197 = arith.constant 1 : i32
    %dma_start3A_198 = arith.constant 1 : i32
    %dma_start3A_199 = arith.constant 0 : i32
    %dma_start3A_200 = arith.constant 0 : i32
    %dma_start3A_201 = tpu.memref_slice %arg6[%dma_start3A_197, %dma_start3A_199, %dma_start3A_200] : memref<3x200x128xf32, #tpu.memory_space<vmem>> -> memref<1x50x128xf32, #tpu.memory_space<vmem>>
    %dma_start3A_202 = tpu.memref_squeeze %dma_start3A_201 : memref<1x50x128xf32, #tpu.memory_space<vmem>> -> memref<50x128xf32, #tpu.memory_space<vmem>>
    %dma_start3A_203 = arith.constant 0 : i32
    %dma_start3A_204 = arith.constant 0 : i32
    %dma_start3A_205 = tpu.memref_slice %arg4[%add3A_196, %dma_start3A_203, %dma_start3A_204] : memref<4096x50x128xf32, #tpu.memory_space<hbm>> -> memref<1x50x128xf32, #tpu.memory_space<hbm>>
    %dma_start3A_206 = tpu.memref_squeeze %dma_start3A_205 : memref<1x50x128xf32, #tpu.memory_space<hbm>> -> memref<50x128xf32, #tpu.memory_space<hbm>>
    %dma_start3A_207 = tpu.memref_slice %arg10[%dma_start3A_198] : memref<3x!tpu.dma_semaphore, #tpu.memory_space<semaphore_mem>> -> memref<1x!tpu.dma_semaphore, #tpu.memory_space<semaphore_mem>>
    %dma_start3A_208 = tpu.memref_squeeze %dma_start3A_207 : memref<1x!tpu.dma_semaphore, #tpu.memory_space<semaphore_mem>> -> memref<!tpu.dma_semaphore, #tpu.memory_space<semaphore_mem>>
    %dma_start3A_209 = arith.constant 0 : i32
    %dma_start3A_210 = arith.constant 0 : i32
    %dma_start3A_211 = tpu.memref_slice %arg4[%add3A_196, %dma_start3A_209, %dma_start3A_210] : memref<4096x50x128xf32, #tpu.memory_space<hbm>> -> memref<1x50x128xf32, #tpu.memory_space<hbm>>
    %dma_start3A_212 = tpu.memref_squeeze %dma_start3A_211 : memref<1x50x128xf32, #tpu.memory_space<hbm>> -> memref<50x128xf32, #tpu.memory_space<hbm>>
    %dma_start3A_213 = arith.constant 0 : i32
    %dma_start3A_214 = arith.constant 0 : i32
    %dma_start3A_215 = tpu.memref_slice %arg6[%dma_start3A_197, %dma_start3A_213, %dma_start3A_214] : memref<3x200x128xf32, #tpu.memory_space<vmem>> -> memref<1x50x128xf32, #tpu.memory_space<vmem>>
    %dma_start3A_216 = tpu.memref_squeeze %dma_start3A_215 : memref<1x50x128xf32, #tpu.memory_space<vmem>> -> memref<50x128xf32, #tpu.memory_space<vmem>>
    tpu.enqueue_dma source(%dma_start3A_216 : memref<50x128xf32, #tpu.memory_space<vmem>>) target(%dma_start3A_212 : memref<50x128xf32, #tpu.memory_space<hbm>>) target_semaphore(%dma_start3A_208 : memref<!tpu.dma_semaphore, #tpu.memory_space<semaphore_mem>>)
    %add3A_217 = arith.constant 124 : i32
    %add3A_218 = arith.addi %mul3A_2, %add3A_217 : i32
    %add3A_219 = arith.constant 1 : i32
    %add3A_220 = arith.addi %add3A_218, %add3A_219 : i32
    %dma_start3A_221 = arith.constant 1 : i32
    %dma_start3A_222 = arith.constant 1 : i32
    %dma_start3A_223 = arith.constant 50 : i32
    %dma_start3A_224 = arith.constant 0 : i32
    %dma_start3A_225 = tpu.memref_slice %arg6[%dma_start3A_221, %dma_start3A_223, %dma_start3A_224] : memref<3x200x128xf32, #tpu.memory_space<vmem>> -> memref<1x50x128xf32, #tpu.memory_space<vmem>>
    %dma_start3A_226 = tpu.memref_squeeze %dma_start3A_225 : memref<1x50x128xf32, #tpu.memory_space<vmem>> -> memref<50x128xf32, #tpu.memory_space<vmem>>
    %dma_start3A_227 = arith.constant 0 : i32
    %dma_start3A_228 = arith.constant 0 : i32
    %dma_start3A_229 = tpu.memref_slice %arg4[%add3A_220, %dma_start3A_227, %dma_start3A_228] : memref<4096x50x128xf32, #tpu.memory_space<hbm>> -> memref<1x50x128xf32, #tpu.memory_space<hbm>>
    %dma_start3A_230 = tpu.memref_squeeze %dma_start3A_229 : memref<1x50x128xf32, #tpu.memory_space<hbm>> -> memref<50x128xf32, #tpu.memory_space<hbm>>
    %dma_start3A_231 = tpu.memref_slice %arg10[%dma_start3A_222] : memref<3x!tpu.dma_semaphore, #tpu.memory_space<semaphore_mem>> -> memref<1x!tpu.dma_semaphore, #tpu.memory_space<semaphore_mem>>
    %dma_start3A_232 = tpu.memref_squeeze %dma_start3A_231 : memref<1x!tpu.dma_semaphore, #tpu.memory_space<semaphore_mem>> -> memref<!tpu.dma_semaphore, #tpu.memory_space<semaphore_mem>>
    %dma_start3A_233 = arith.constant 0 : i32
    %dma_start3A_234 = arith.constant 0 : i32
    %dma_start3A_235 = tpu.memref_slice %arg4[%add3A_220, %dma_start3A_233, %dma_start3A_234] : memref<4096x50x128xf32, #tpu.memory_space<hbm>> -> memref<1x50x128xf32, #tpu.memory_space<hbm>>
    %dma_start3A_236 = tpu.memref_squeeze %dma_start3A_235 : memref<1x50x128xf32, #tpu.memory_space<hbm>> -> memref<50x128xf32, #tpu.memory_space<hbm>>
    %dma_start3A_237 = arith.constant 50 : i32
    %dma_start3A_238 = arith.constant 0 : i32
    %dma_start3A_239 = tpu.memref_slice %arg6[%dma_start3A_221, %dma_start3A_237, %dma_start3A_238] : memref<3x200x128xf32, #tpu.memory_space<vmem>> -> memref<1x50x128xf32, #tpu.memory_space<vmem>>
    %dma_start3A_240 = tpu.memref_squeeze %dma_start3A_239 : memref<1x50x128xf32, #tpu.memory_space<vmem>> -> memref<50x128xf32, #tpu.memory_space<vmem>>
    tpu.enqueue_dma source(%dma_start3A_240 : memref<50x128xf32, #tpu.memory_space<vmem>>) target(%dma_start3A_236 : memref<50x128xf32, #tpu.memory_space<hbm>>) target_semaphore(%dma_start3A_232 : memref<!tpu.dma_semaphore, #tpu.memory_space<semaphore_mem>>)
    %add3A_241 = arith.constant 124 : i32
    %add3A_242 = arith.addi %mul3A_2, %add3A_241 : i32
    %add3A_243 = arith.constant 2 : i32
    %add3A_244 = arith.addi %add3A_242, %add3A_243 : i32
    %dma_start3A_245 = arith.constant 1 : i32
    %dma_start3A_246 = arith.constant 1 : i32
    %dma_start3A_247 = arith.constant 100 : i32
    %dma_start3A_248 = arith.constant 0 : i32
    %dma_start3A_249 = tpu.memref_slice %arg6[%dma_start3A_245, %dma_start3A_247, %dma_start3A_248] : memref<3x200x128xf32, #tpu.memory_space<vmem>> -> memref<1x50x128xf32, #tpu.memory_space<vmem>>
    %dma_start3A_250 = tpu.memref_squeeze %dma_start3A_249 : memref<1x50x128xf32, #tpu.memory_space<vmem>> -> memref<50x128xf32, #tpu.memory_space<vmem>>
    %dma_start3A_251 = arith.constant 0 : i32
    %dma_start3A_252 = arith.constant 0 : i32
    %dma_start3A_253 = tpu.memref_slice %arg4[%add3A_244, %dma_start3A_251, %dma_start3A_252] : memref<4096x50x128xf32, #tpu.memory_space<hbm>> -> memref<1x50x128xf32, #tpu.memory_space<hbm>>
    %dma_start3A_254 = tpu.memref_squeeze %dma_start3A_253 : memref<1x50x128xf32, #tpu.memory_space<hbm>> -> memref<50x128xf32, #tpu.memory_space<hbm>>
    %dma_start3A_255 = tpu.memref_slice %arg10[%dma_start3A_246] : memref<3x!tpu.dma_semaphore, #tpu.memory_space<semaphore_mem>> -> memref<1x!tpu.dma_semaphore, #tpu.memory_space<semaphore_mem>>
    %dma_start3A_256 = tpu.memref_squeeze %dma_start3A_255 : memref<1x!tpu.dma_semaphore, #tpu.memory_space<semaphore_mem>> -> memref<!tpu.dma_semaphore, #tpu.memory_space<semaphore_mem>>
    %dma_start3A_257 = arith.constant 0 : i32
    %dma_start3A_258 = arith.constant 0 : i32
    %dma_start3A_259 = tpu.memref_slice %arg4[%add3A_244, %dma_start3A_257, %dma_start3A_258] : memref<4096x50x128xf32, #tpu.memory_space<hbm>> -> memref<1x50x128xf32, #tpu.memory_space<hbm>>
    %dma_start3A_260 = tpu.memref_squeeze %dma_start3A_259 : memref<1x50x128xf32, #tpu.memory_space<hbm>> -> memref<50x128xf32, #tpu.memory_space<hbm>>
    %dma_start3A_261 = arith.constant 100 : i32
    %dma_start3A_262 = arith.constant 0 : i32
    %dma_start3A_263 = tpu.memref_slice %arg6[%dma_start3A_245, %dma_start3A_261, %dma_start3A_262] : memref<3x200x128xf32, #tpu.memory_space<vmem>> -> memref<1x50x128xf32, #tpu.memory_space<vmem>>
    %dma_start3A_264 = tpu.memref_squeeze %dma_start3A_263 : memref<1x50x128xf32, #tpu.memory_space<vmem>> -> memref<50x128xf32, #tpu.memory_space<vmem>>
    tpu.enqueue_dma source(%dma_start3A_264 : memref<50x128xf32, #tpu.memory_space<vmem>>) target(%dma_start3A_260 : memref<50x128xf32, #tpu.memory_space<hbm>>) target_semaphore(%dma_start3A_256 : memref<!tpu.dma_semaphore, #tpu.memory_space<semaphore_mem>>)
    %add3A_265 = arith.constant 124 : i32
    %add3A_266 = arith.addi %mul3A_2, %add3A_265 : i32
    %add3A_267 = arith.constant 3 : i32
    %add3A_268 = arith.addi %add3A_266, %add3A_267 : i32
    %dma_start3A_269 = arith.constant 1 : i32
    %dma_start3A_270 = arith.constant 1 : i32
    %dma_start3A_271 = arith.constant 150 : i32
    %dma_start3A_272 = arith.constant 0 : i32
    %dma_start3A_273 = tpu.memref_slice %arg6[%dma_start3A_269, %dma_start3A_271, %dma_start3A_272] : memref<3x200x128xf32, #tpu.memory_space<vmem>> -> memref<1x50x128xf32, #tpu.memory_space<vmem>>
    %dma_start3A_274 = tpu.memref_squeeze %dma_start3A_273 : memref<1x50x128xf32, #tpu.memory_space<vmem>> -> memref<50x128xf32, #tpu.memory_space<vmem>>
    %dma_start3A_275 = arith.constant 0 : i32
    %dma_start3A_276 = arith.constant 0 : i32
    %dma_start3A_277 = tpu.memref_slice %arg4[%add3A_268, %dma_start3A_275, %dma_start3A_276] : memref<4096x50x128xf32, #tpu.memory_space<hbm>> -> memref<1x50x128xf32, #tpu.memory_space<hbm>>
    %dma_start3A_278 = tpu.memref_squeeze %dma_start3A_277 : memref<1x50x128xf32, #tpu.memory_space<hbm>> -> memref<50x128xf32, #tpu.memory_space<hbm>>
    %dma_start3A_279 = tpu.memref_slice %arg10[%dma_start3A_270] : memref<3x!tpu.dma_semaphore, #tpu.memory_space<semaphore_mem>> -> memref<1x!tpu.dma_semaphore, #tpu.memory_space<semaphore_mem>>
    %dma_start3A_280 = tpu.memref_squeeze %dma_start3A_279 : memref<1x!tpu.dma_semaphore, #tpu.memory_space<semaphore_mem>> -> memref<!tpu.dma_semaphore, #tpu.memory_space<semaphore_mem>>
    %dma_start3A_281 = arith.constant 0 : i32
    %dma_start3A_282 = arith.constant 0 : i32
    %dma_start3A_283 = tpu.memref_slice %arg4[%add3A_268, %dma_start3A_281, %dma_start3A_282] : memref<4096x50x128xf32, #tpu.memory_space<hbm>> -> memref<1x50x128xf32, #tpu.memory_space<hbm>>
    %dma_start3A_284 = tpu.memref_squeeze %dma_start3A_283 : memref<1x50x128xf32, #tpu.memory_space<hbm>> -> memref<50x128xf32, #tpu.memory_space<hbm>>
    %dma_start3A_285 = arith.constant 150 : i32
    %dma_start3A_286 = arith.constant 0 : i32
    %dma_start3A_287 = tpu.memref_slice %arg6[%dma_start3A_269, %dma_start3A_285, %dma_start3A_286] : memref<3x200x128xf32, #tpu.memory_space<vmem>> -> memref<1x50x128xf32, #tpu.memory_space<vmem>>
    %dma_start3A_288 = tpu.memref_squeeze %dma_start3A_287 : memref<1x50x128xf32, #tpu.memory_space<vmem>> -> memref<50x128xf32, #tpu.memory_space<vmem>>
    tpu.enqueue_dma source(%dma_start3A_288 : memref<50x128xf32, #tpu.memory_space<vmem>>) target(%dma_start3A_284 : memref<50x128xf32, #tpu.memory_space<hbm>>) target_semaphore(%dma_start3A_280 : memref<!tpu.dma_semaphore, #tpu.memory_space<semaphore_mem>>)
    %add3A_289 = arith.constant 120 : i32
    %add3A_290 = arith.addi %mul3A_2, %add3A_289 : i32
    %add3A_291 = arith.constant 0 : i32
    %add3A_292 = arith.addi %add3A_290, %add3A_291 : i32
    %dma_wait3A_293 = arith.constant 0 : i32
    %dma_wait3A_294 = arith.constant 0 : i32
    %dma_wait3A_295 = arith.constant 0 : i32
    %dma_wait3A_296 = arith.constant 0 : i32
    %dma_wait3A_297 = tpu.memref_slice %arg6[%dma_wait3A_293, %dma_wait3A_295, %dma_wait3A_296] : memref<3x200x128xf32, #tpu.memory_space<vmem>> -> memref<1x50x128xf32, #tpu.memory_space<vmem>>
    %dma_wait3A_298 = tpu.memref_squeeze %dma_wait3A_297 : memref<1x50x128xf32, #tpu.memory_space<vmem>> -> memref<50x128xf32, #tpu.memory_space<vmem>>
    %dma_wait3A_299 = arith.constant 0 : i32
    %dma_wait3A_300 = arith.constant 0 : i32
    %dma_wait3A_301 = tpu.memref_slice %arg4[%add3A_292, %dma_wait3A_299, %dma_wait3A_300] : memref<4096x50x128xf32, #tpu.memory_space<hbm>> -> memref<1x50x128xf32, #tpu.memory_space<hbm>>
    %dma_wait3A_302 = tpu.memref_squeeze %dma_wait3A_301 : memref<1x50x128xf32, #tpu.memory_space<hbm>> -> memref<50x128xf32, #tpu.memory_space<hbm>>
    %dma_wait3A_303 = tpu.memref_slice %arg10[%dma_wait3A_294] : memref<3x!tpu.dma_semaphore, #tpu.memory_space<semaphore_mem>> -> memref<1x!tpu.dma_semaphore, #tpu.memory_space<semaphore_mem>>
    %dma_wait3A_304 = tpu.memref_squeeze %dma_wait3A_303 : memref<1x!tpu.dma_semaphore, #tpu.memory_space<semaphore_mem>> -> memref<!tpu.dma_semaphore, #tpu.memory_space<semaphore_mem>>
    %dma_wait3A_305 = arith.constant 0 : i32
    %dma_wait3A_306 = arith.constant 0 : i32
    %dma_wait3A_307 = tpu.memref_slice %arg4[%add3A_292, %dma_wait3A_305, %dma_wait3A_306] : memref<4096x50x128xf32, #tpu.memory_space<hbm>> -> memref<1x50x128xf32, #tpu.memory_space<hbm>>
    %dma_wait3A_308 = tpu.memref_squeeze %dma_wait3A_307 : memref<1x50x128xf32, #tpu.memory_space<hbm>> -> memref<50x128xf32, #tpu.memory_space<hbm>>
    %dma_wait3A_309 = arith.constant 0 : i32
    %dma_wait3A_310 = arith.constant 0 : i32
    %dma_wait3A_311 = tpu.memref_slice %arg6[%dma_wait3A_293, %dma_wait3A_309, %dma_wait3A_310] : memref<3x200x128xf32, #tpu.memory_space<vmem>> -> memref<1x50x128xf32, #tpu.memory_space<vmem>>
    %dma_wait3A_312 = tpu.memref_squeeze %dma_wait3A_311 : memref<1x50x128xf32, #tpu.memory_space<vmem>> -> memref<50x128xf32, #tpu.memory_space<vmem>>
    tpu.wait_dma2 semaphore(%dma_wait3A_304 : memref<!tpu.dma_semaphore, #tpu.memory_space<semaphore_mem>>) src(%dma_wait3A_312 : memref<50x128xf32, #tpu.memory_space<vmem>>) dst(%dma_wait3A_308 : memref<50x128xf32, #tpu.memory_space<hbm>>)
    %add3A_313 = arith.constant 120 : i32
    %add3A_314 = arith.addi %mul3A_2, %add3A_313 : i32
    %add3A_315 = arith.constant 1 : i32
    %add3A_316 = arith.addi %add3A_314, %add3A_315 : i32
    %dma_wait3A_317 = arith.constant 0 : i32
    %dma_wait3A_318 = arith.constant 0 : i32
    %dma_wait3A_319 = arith.constant 50 : i32
    %dma_wait3A_320 = arith.constant 0 : i32
    %dma_wait3A_321 = tpu.memref_slice %arg6[%dma_wait3A_317, %dma_wait3A_319, %dma_wait3A_320] : memref<3x200x128xf32, #tpu.memory_space<vmem>> -> memref<1x50x128xf32, #tpu.memory_space<vmem>>
    %dma_wait3A_322 = tpu.memref_squeeze %dma_wait3A_321 : memref<1x50x128xf32, #tpu.memory_space<vmem>> -> memref<50x128xf32, #tpu.memory_space<vmem>>
    %dma_wait3A_323 = arith.constant 0 : i32
    %dma_wait3A_324 = arith.constant 0 : i32
    %dma_wait3A_325 = tpu.memref_slice %arg4[%add3A_316, %dma_wait3A_323, %dma_wait3A_324] : memref<4096x50x128xf32, #tpu.memory_space<hbm>> -> memref<1x50x128xf32, #tpu.memory_space<hbm>>
    %dma_wait3A_326 = tpu.memref_squeeze %dma_wait3A_325 : memref<1x50x128xf32, #tpu.memory_space<hbm>> -> memref<50x128xf32, #tpu.memory_space<hbm>>
    %dma_wait3A_327 = tpu.memref_slice %arg10[%dma_wait3A_318] : memref<3x!tpu.dma_semaphore, #tpu.memory_space<semaphore_mem>> -> memref<1x!tpu.dma_semaphore, #tpu.memory_space<semaphore_mem>>
    %dma_wait3A_328 = tpu.memref_squeeze %dma_wait3A_327 : memref<1x!tpu.dma_semaphore, #tpu.memory_space<semaphore_mem>> -> memref<!tpu.dma_semaphore, #tpu.memory_space<semaphore_mem>>
    %dma_wait3A_329 = arith.constant 0 : i32
    %dma_wait3A_330 = arith.constant 0 : i32
    %dma_wait3A_331 = tpu.memref_slice %arg4[%add3A_316, %dma_wait3A_329, %dma_wait3A_330] : memref<4096x50x128xf32, #tpu.memory_space<hbm>> -> memref<1x50x128xf32, #tpu.memory_space<hbm>>
    %dma_wait3A_332 = tpu.memref_squeeze %dma_wait3A_331 : memref<1x50x128xf32, #tpu.memory_space<hbm>> -> memref<50x128xf32, #tpu.memory_space<hbm>>
    %dma_wait3A_333 = arith.constant 50 : i32
    %dma_wait3A_334 = arith.constant 0 : i32
    %dma_wait3A_335 = tpu.memref_slice %arg6[%dma_wait3A_317, %dma_wait3A_333, %dma_wait3A_334] : memref<3x200x128xf32, #tpu.memory_space<vmem>> -> memref<1x50x128xf32, #tpu.memory_space<vmem>>
    %dma_wait3A_336 = tpu.memref_squeeze %dma_wait3A_335 : memref<1x50x128xf32, #tpu.memory_space<vmem>> -> memref<50x128xf32, #tpu.memory_space<vmem>>
    tpu.wait_dma2 semaphore(%dma_wait3A_328 : memref<!tpu.dma_semaphore, #tpu.memory_space<semaphore_mem>>) src(%dma_wait3A_336 : memref<50x128xf32, #tpu.memory_space<vmem>>) dst(%dma_wait3A_332 : memref<50x128xf32, #tpu.memory_space<hbm>>)
    %add3A_337 = arith.constant 120 : i32
    %add3A_338 = arith.addi %mul3A_2, %add3A_337 : i32
    %add3A_339 = arith.constant 2 : i32
    %add3A_340 = arith.addi %add3A_338, %add3A_339 : i32
    %dma_wait3A_341 = arith.constant 0 : i32
    %dma_wait3A_342 = arith.constant 0 : i32
    %dma_wait3A_343 = arith.constant 100 : i32
    %dma_wait3A_344 = arith.constant 0 : i32
    %dma_wait3A_345 = tpu.memref_slice %arg6[%dma_wait3A_341, %dma_wait3A_343, %dma_wait3A_344] : memref<3x200x128xf32, #tpu.memory_space<vmem>> -> memref<1x50x128xf32, #tpu.memory_space<vmem>>
    %dma_wait3A_346 = tpu.memref_squeeze %dma_wait3A_345 : memref<1x50x128xf32, #tpu.memory_space<vmem>> -> memref<50x128xf32, #tpu.memory_space<vmem>>
    %dma_wait3A_347 = arith.constant 0 : i32
    %dma_wait3A_348 = arith.constant 0 : i32
    %dma_wait3A_349 = tpu.memref_slice %arg4[%add3A_340, %dma_wait3A_347, %dma_wait3A_348] : memref<4096x50x128xf32, #tpu.memory_space<hbm>> -> memref<1x50x128xf32, #tpu.memory_space<hbm>>
    %dma_wait3A_350 = tpu.memref_squeeze %dma_wait3A_349 : memref<1x50x128xf32, #tpu.memory_space<hbm>> -> memref<50x128xf32, #tpu.memory_space<hbm>>
    %dma_wait3A_351 = tpu.memref_slice %arg10[%dma_wait3A_342] : memref<3x!tpu.dma_semaphore, #tpu.memory_space<semaphore_mem>> -> memref<1x!tpu.dma_semaphore, #tpu.memory_space<semaphore_mem>>
    %dma_wait3A_352 = tpu.memref_squeeze %dma_wait3A_351 : memref<1x!tpu.dma_semaphore, #tpu.memory_space<semaphore_mem>> -> memref<!tpu.dma_semaphore, #tpu.memory_space<semaphore_mem>>
    %dma_wait3A_353 = arith.constant 0 : i32
    %dma_wait3A_354 = arith.constant 0 : i32
    %dma_wait3A_355 = tpu.memref_slice %arg4[%add3A_340, %dma_wait3A_353, %dma_wait3A_354] : memref<4096x50x128xf32, #tpu.memory_space<hbm>> -> memref<1x50x128xf32, #tpu.memory_space<hbm>>
    %dma_wait3A_356 = tpu.memref_squeeze %dma_wait3A_355 : memref<1x50x128xf32, #tpu.memory_space<hbm>> -> memref<50x128xf32, #tpu.memory_space<hbm>>
    %dma_wait3A_357 = arith.constant 100 : i32
    %dma_wait3A_358 = arith.constant 0 : i32
    %dma_wait3A_359 = tpu.memref_slice %arg6[%dma_wait3A_341, %dma_wait3A_357, %dma_wait3A_358] : memref<3x200x128xf32, #tpu.memory_space<vmem>> -> memref<1x50x128xf32, #tpu.memory_space<vmem>>
    %dma_wait3A_360 = tpu.memref_squeeze %dma_wait3A_359 : memref<1x50x128xf32, #tpu.memory_space<vmem>> -> memref<50x128xf32, #tpu.memory_space<vmem>>
    tpu.wait_dma2 semaphore(%dma_wait3A_352 : memref<!tpu.dma_semaphore, #tpu.memory_space<semaphore_mem>>) src(%dma_wait3A_360 : memref<50x128xf32, #tpu.memory_space<vmem>>) dst(%dma_wait3A_356 : memref<50x128xf32, #tpu.memory_space<hbm>>)
    %add3A_361 = arith.constant 120 : i32
    %add3A_362 = arith.addi %mul3A_2, %add3A_361 : i32
    %add3A_363 = arith.constant 3 : i32
    %add3A_364 = arith.addi %add3A_362, %add3A_363 : i32
    %dma_wait3A_365 = arith.constant 0 : i32
    %dma_wait3A_366 = arith.constant 0 : i32
    %dma_wait3A_367 = arith.constant 150 : i32
    %dma_wait3A_368 = arith.constant 0 : i32
    %dma_wait3A_369 = tpu.memref_slice %arg6[%dma_wait3A_365, %dma_wait3A_367, %dma_wait3A_368] : memref<3x200x128xf32, #tpu.memory_space<vmem>> -> memref<1x50x128xf32, #tpu.memory_space<vmem>>
    %dma_wait3A_370 = tpu.memref_squeeze %dma_wait3A_369 : memref<1x50x128xf32, #tpu.memory_space<vmem>> -> memref<50x128xf32, #tpu.memory_space<vmem>>
    %dma_wait3A_371 = arith.constant 0 : i32
    %dma_wait3A_372 = arith.constant 0 : i32
    %dma_wait3A_373 = tpu.memref_slice %arg4[%add3A_364, %dma_wait3A_371, %dma_wait3A_372] : memref<4096x50x128xf32, #tpu.memory_space<hbm>> -> memref<1x50x128xf32, #tpu.memory_space<hbm>>
    %dma_wait3A_374 = tpu.memref_squeeze %dma_wait3A_373 : memref<1x50x128xf32, #tpu.memory_space<hbm>> -> memref<50x128xf32, #tpu.memory_space<hbm>>
    %dma_wait3A_375 = tpu.memref_slice %arg10[%dma_wait3A_366] : memref<3x!tpu.dma_semaphore, #tpu.memory_space<semaphore_mem>> -> memref<1x!tpu.dma_semaphore, #tpu.memory_space<semaphore_mem>>
    %dma_wait3A_376 = tpu.memref_squeeze %dma_wait3A_375 : memref<1x!tpu.dma_semaphore, #tpu.memory_space<semaphore_mem>> -> memref<!tpu.dma_semaphore, #tpu.memory_space<semaphore_mem>>
    %dma_wait3A_377 = arith.constant 0 : i32
    %dma_wait3A_378 = arith.constant 0 : i32
    %dma_wait3A_379 = tpu.memref_slice %arg4[%add3A_364, %dma_wait3A_377, %dma_wait3A_378] : memref<4096x50x128xf32, #tpu.memory_space<hbm>> -> memref<1x50x128xf32, #tpu.memory_space<hbm>>
    %dma_wait3A_380 = tpu.memref_squeeze %dma_wait3A_379 : memref<1x50x128xf32, #tpu.memory_space<hbm>> -> memref<50x128xf32, #tpu.memory_space<hbm>>
    %dma_wait3A_381 = arith.constant 150 : i32
    %dma_wait3A_382 = arith.constant 0 : i32
    %dma_wait3A_383 = tpu.memref_slice %arg6[%dma_wait3A_365, %dma_wait3A_381, %dma_wait3A_382] : memref<3x200x128xf32, #tpu.memory_space<vmem>> -> memref<1x50x128xf32, #tpu.memory_space<vmem>>
    %dma_wait3A_384 = tpu.memref_squeeze %dma_wait3A_383 : memref<1x50x128xf32, #tpu.memory_space<vmem>> -> memref<50x128xf32, #tpu.memory_space<vmem>>
    tpu.wait_dma2 semaphore(%dma_wait3A_376 : memref<!tpu.dma_semaphore, #tpu.memory_space<semaphore_mem>>) src(%dma_wait3A_384 : memref<50x128xf32, #tpu.memory_space<vmem>>) dst(%dma_wait3A_380 : memref<50x128xf32, #tpu.memory_space<hbm>>)
    %add3A_385 = arith.constant 124 : i32
    %add3A_386 = arith.addi %mul3A_2, %add3A_385 : i32
    %add3A_387 = arith.constant 0 : i32
    %add3A_388 = arith.addi %add3A_386, %add3A_387 : i32
    %dma_wait3A_389 = arith.constant 1 : i32
    %dma_wait3A_390 = arith.constant 1 : i32
    %dma_wait3A_391 = arith.constant 0 : i32
    %dma_wait3A_392 = arith.constant 0 : i32
    %dma_wait3A_393 = tpu.memref_slice %arg6[%dma_wait3A_389, %dma_wait3A_391, %dma_wait3A_392] : memref<3x200x128xf32, #tpu.memory_space<vmem>> -> memref<1x50x128xf32, #tpu.memory_space<vmem>>
    %dma_wait3A_394 = tpu.memref_squeeze %dma_wait3A_393 : memref<1x50x128xf32, #tpu.memory_space<vmem>> -> memref<50x128xf32, #tpu.memory_space<vmem>>
    %dma_wait3A_395 = arith.constant 0 : i32
    %dma_wait3A_396 = arith.constant 0 : i32
    %dma_wait3A_397 = tpu.memref_slice %arg4[%add3A_388, %dma_wait3A_395, %dma_wait3A_396] : memref<4096x50x128xf32, #tpu.memory_space<hbm>> -> memref<1x50x128xf32, #tpu.memory_space<hbm>>
    %dma_wait3A_398 = tpu.memref_squeeze %dma_wait3A_397 : memref<1x50x128xf32, #tpu.memory_space<hbm>> -> memref<50x128xf32, #tpu.memory_space<hbm>>
    %dma_wait3A_399 = tpu.memref_slice %arg10[%dma_wait3A_390] : memref<3x!tpu.dma_semaphore, #tpu.memory_space<semaphore_mem>> -> memref<1x!tpu.dma_semaphore, #tpu.memory_space<semaphore_mem>>
    %dma_wait3A_400 = tpu.memref_squeeze %dma_wait3A_399 : memref<1x!tpu.dma_semaphore, #tpu.memory_space<semaphore_mem>> -> memref<!tpu.dma_semaphore, #tpu.memory_space<semaphore_mem>>
    %dma_wait3A_401 = arith.constant 0 : i32
    %dma_wait3A_402 = arith.constant 0 : i32
    %dma_wait3A_403 = tpu.memref_slice %arg4[%add3A_388, %dma_wait3A_401, %dma_wait3A_402] : memref<4096x50x128xf32, #tpu.memory_space<hbm>> -> memref<1x50x128xf32, #tpu.memory_space<hbm>>
    %dma_wait3A_404 = tpu.memref_squeeze %dma_wait3A_403 : memref<1x50x128xf32, #tpu.memory_space<hbm>> -> memref<50x128xf32, #tpu.memory_space<hbm>>
    %dma_wait3A_405 = arith.constant 0 : i32
    %dma_wait3A_406 = arith.constant 0 : i32
    %dma_wait3A_407 = tpu.memref_slice %arg6[%dma_wait3A_389, %dma_wait3A_405, %dma_wait3A_406] : memref<3x200x128xf32, #tpu.memory_space<vmem>> -> memref<1x50x128xf32, #tpu.memory_space<vmem>>
    %dma_wait3A_408 = tpu.memref_squeeze %dma_wait3A_407 : memref<1x50x128xf32, #tpu.memory_space<vmem>> -> memref<50x128xf32, #tpu.memory_space<vmem>>
    tpu.wait_dma2 semaphore(%dma_wait3A_400 : memref<!tpu.dma_semaphore, #tpu.memory_space<semaphore_mem>>) src(%dma_wait3A_408 : memref<50x128xf32, #tpu.memory_space<vmem>>) dst(%dma_wait3A_404 : memref<50x128xf32, #tpu.memory_space<hbm>>)
    %add3A_409 = arith.constant 124 : i32
    %add3A_410 = arith.addi %mul3A_2, %add3A_409 : i32
    %add3A_411 = arith.constant 1 : i32
    %add3A_412 = arith.addi %add3A_410, %add3A_411 : i32
    %dma_wait3A_413 = arith.constant 1 : i32
    %dma_wait3A_414 = arith.constant 1 : i32
    %dma_wait3A_415 = arith.constant 50 : i32
    %dma_wait3A_416 = arith.constant 0 : i32
    %dma_wait3A_417 = tpu.memref_slice %arg6[%dma_wait3A_413, %dma_wait3A_415, %dma_wait3A_416] : memref<3x200x128xf32, #tpu.memory_space<vmem>> -> memref<1x50x128xf32, #tpu.memory_space<vmem>>
    %dma_wait3A_418 = tpu.memref_squeeze %dma_wait3A_417 : memref<1x50x128xf32, #tpu.memory_space<vmem>> -> memref<50x128xf32, #tpu.memory_space<vmem>>
    %dma_wait3A_419 = arith.constant 0 : i32
    %dma_wait3A_420 = arith.constant 0 : i32
    %dma_wait3A_421 = tpu.memref_slice %arg4[%add3A_412, %dma_wait3A_419, %dma_wait3A_420] : memref<4096x50x128xf32, #tpu.memory_space<hbm>> -> memref<1x50x128xf32, #tpu.memory_space<hbm>>
    %dma_wait3A_422 = tpu.memref_squeeze %dma_wait3A_421 : memref<1x50x128xf32, #tpu.memory_space<hbm>> -> memref<50x128xf32, #tpu.memory_space<hbm>>
    %dma_wait3A_423 = tpu.memref_slice %arg10[%dma_wait3A_414] : memref<3x!tpu.dma_semaphore, #tpu.memory_space<semaphore_mem>> -> memref<1x!tpu.dma_semaphore, #tpu.memory_space<semaphore_mem>>
    %dma_wait3A_424 = tpu.memref_squeeze %dma_wait3A_423 : memref<1x!tpu.dma_semaphore, #tpu.memory_space<semaphore_mem>> -> memref<!tpu.dma_semaphore, #tpu.memory_space<semaphore_mem>>
    %dma_wait3A_425 = arith.constant 0 : i32
    %dma_wait3A_426 = arith.constant 0 : i32
    %dma_wait3A_427 = tpu.memref_slice %arg4[%add3A_412, %dma_wait3A_425, %dma_wait3A_426] : memref<4096x50x128xf32, #tpu.memory_space<hbm>> -> memref<1x50x128xf32, #tpu.memory_space<hbm>>
    %dma_wait3A_428 = tpu.memref_squeeze %dma_wait3A_427 : memref<1x50x128xf32, #tpu.memory_space<hbm>> -> memref<50x128xf32, #tpu.memory_space<hbm>>
    %dma_wait3A_429 = arith.constant 50 : i32
    %dma_wait3A_430 = arith.constant 0 : i32
    %dma_wait3A_431 = tpu.memref_slice %arg6[%dma_wait3A_413, %dma_wait3A_429, %dma_wait3A_430] : memref<3x200x128xf32, #tpu.memory_space<vmem>> -> memref<1x50x128xf32, #tpu.memory_space<vmem>>
    %dma_wait3A_432 = tpu.memref_squeeze %dma_wait3A_431 : memref<1x50x128xf32, #tpu.memory_space<vmem>> -> memref<50x128xf32, #tpu.memory_space<vmem>>
    tpu.wait_dma2 semaphore(%dma_wait3A_424 : memref<!tpu.dma_semaphore, #tpu.memory_space<semaphore_mem>>) src(%dma_wait3A_432 : memref<50x128xf32, #tpu.memory_space<vmem>>) dst(%dma_wait3A_428 : memref<50x128xf32, #tpu.memory_space<hbm>>)
    %add3A_433 = arith.constant 124 : i32
    %add3A_434 = arith.addi %mul3A_2, %add3A_433 : i32
    %add3A_435 = arith.constant 2 : i32
    %add3A_436 = arith.addi %add3A_434, %add3A_435 : i32
    %dma_wait3A_437 = arith.constant 1 : i32
    %dma_wait3A_438 = arith.constant 1 : i32
    %dma_wait3A_439 = arith.constant 100 : i32
    %dma_wait3A_440 = arith.constant 0 : i32
    %dma_wait3A_441 = tpu.memref_slice %arg6[%dma_wait3A_437, %dma_wait3A_439, %dma_wait3A_440] : memref<3x200x128xf32, #tpu.memory_space<vmem>> -> memref<1x50x128xf32, #tpu.memory_space<vmem>>
    %dma_wait3A_442 = tpu.memref_squeeze %dma_wait3A_441 : memref<1x50x128xf32, #tpu.memory_space<vmem>> -> memref<50x128xf32, #tpu.memory_space<vmem>>
    %dma_wait3A_443 = arith.constant 0 : i32
    %dma_wait3A_444 = arith.constant 0 : i32
    %dma_wait3A_445 = tpu.memref_slice %arg4[%add3A_436, %dma_wait3A_443, %dma_wait3A_444] : memref<4096x50x128xf32, #tpu.memory_space<hbm>> -> memref<1x50x128xf32, #tpu.memory_space<hbm>>
    %dma_wait3A_446 = tpu.memref_squeeze %dma_wait3A_445 : memref<1x50x128xf32, #tpu.memory_space<hbm>> -> memref<50x128xf32, #tpu.memory_space<hbm>>
    %dma_wait3A_447 = tpu.memref_slice %arg10[%dma_wait3A_438] : memref<3x!tpu.dma_semaphore, #tpu.memory_space<semaphore_mem>> -> memref<1x!tpu.dma_semaphore, #tpu.memory_space<semaphore_mem>>
    %dma_wait3A_448 = tpu.memref_squeeze %dma_wait3A_447 : memref<1x!tpu.dma_semaphore, #tpu.memory_space<semaphore_mem>> -> memref<!tpu.dma_semaphore, #tpu.memory_space<semaphore_mem>>
    %dma_wait3A_449 = arith.constant 0 : i32
    %dma_wait3A_450 = arith.constant 0 : i32
    %dma_wait3A_451 = tpu.memref_slice %arg4[%add3A_436, %dma_wait3A_449, %dma_wait3A_450] : memref<4096x50x128xf32, #tpu.memory_space<hbm>> -> memref<1x50x128xf32, #tpu.memory_space<hbm>>
    %dma_wait3A_452 = tpu.memref_squeeze %dma_wait3A_451 : memref<1x50x128xf32, #tpu.memory_space<hbm>> -> memref<50x128xf32, #tpu.memory_space<hbm>>
    %dma_wait3A_453 = arith.constant 100 : i32
    %dma_wait3A_454 = arith.constant 0 : i32
    %dma_wait3A_455 = tpu.memref_slice %arg6[%dma_wait3A_437, %dma_wait3A_453, %dma_wait3A_454] : memref<3x200x128xf32, #tpu.memory_space<vmem>> -> memref<1x50x128xf32, #tpu.memory_space<vmem>>
    %dma_wait3A_456 = tpu.memref_squeeze %dma_wait3A_455 : memref<1x50x128xf32, #tpu.memory_space<vmem>> -> memref<50x128xf32, #tpu.memory_space<vmem>>
    tpu.wait_dma2 semaphore(%dma_wait3A_448 : memref<!tpu.dma_semaphore, #tpu.memory_space<semaphore_mem>>) src(%dma_wait3A_456 : memref<50x128xf32, #tpu.memory_space<vmem>>) dst(%dma_wait3A_452 : memref<50x128xf32, #tpu.memory_space<hbm>>)
    %add3A_457 = arith.constant 124 : i32
    %add3A_458 = arith.addi %mul3A_2, %add3A_457 : i32
    %add3A_459 = arith.constant 3 : i32
    %add3A_460 = arith.addi %add3A_458, %add3A_459 : i32
    %dma_wait3A_461 = arith.constant 1 : i32
    %dma_wait3A_462 = arith.constant 1 : i32
    %dma_wait3A_463 = arith.constant 150 : i32
    %dma_wait3A_464 = arith.constant 0 : i32
    %dma_wait3A_465 = tpu.memref_slice %arg6[%dma_wait3A_461, %dma_wait3A_463, %dma_wait3A_464] : memref<3x200x128xf32, #tpu.memory_space<vmem>> -> memref<1x50x128xf32, #tpu.memory_space<vmem>>
    %dma_wait3A_466 = tpu.memref_squeeze %dma_wait3A_465 : memref<1x50x128xf32, #tpu.memory_space<vmem>> -> memref<50x128xf32, #tpu.memory_space<vmem>>
    %dma_wait3A_467 = arith.constant 0 : i32
    %dma_wait3A_468 = arith.constant 0 : i32
    %dma_wait3A_469 = tpu.memref_slice %arg4[%add3A_460, %dma_wait3A_467, %dma_wait3A_468] : memref<4096x50x128xf32, #tpu.memory_space<hbm>> -> memref<1x50x128xf32, #tpu.memory_space<hbm>>
    %dma_wait3A_470 = tpu.memref_squeeze %dma_wait3A_469 : memref<1x50x128xf32, #tpu.memory_space<hbm>> -> memref<50x128xf32, #tpu.memory_space<hbm>>
    %dma_wait3A_471 = tpu.memref_slice %arg10[%dma_wait3A_462] : memref<3x!tpu.dma_semaphore, #tpu.memory_space<semaphore_mem>> -> memref<1x!tpu.dma_semaphore, #tpu.memory_space<semaphore_mem>>
    %dma_wait3A_472 = tpu.memref_squeeze %dma_wait3A_471 : memref<1x!tpu.dma_semaphore, #tpu.memory_space<semaphore_mem>> -> memref<!tpu.dma_semaphore, #tpu.memory_space<semaphore_mem>>
    %dma_wait3A_473 = arith.constant 0 : i32
    %dma_wait3A_474 = arith.constant 0 : i32
    %dma_wait3A_475 = tpu.memref_slice %arg4[%add3A_460, %dma_wait3A_473, %dma_wait3A_474] : memref<4096x50x128xf32, #tpu.memory_space<hbm>> -> memref<1x50x128xf32, #tpu.memory_space<hbm>>
    %dma_wait3A_476 = tpu.memref_squeeze %dma_wait3A_475 : memref<1x50x128xf32, #tpu.memory_space<hbm>> -> memref<50x128xf32, #tpu.memory_space<hbm>>
    %dma_wait3A_477 = arith.constant 150 : i32
    %dma_wait3A_478 = arith.constant 0 : i32
    %dma_wait3A_479 = tpu.memref_slice %arg6[%dma_wait3A_461, %dma_wait3A_477, %dma_wait3A_478] : memref<3x200x128xf32, #tpu.memory_space<vmem>> -> memref<1x50x128xf32, #tpu.memory_space<vmem>>
    %dma_wait3A_480 = tpu.memref_squeeze %dma_wait3A_479 : memref<1x50x128xf32, #tpu.memory_space<vmem>> -> memref<50x128xf32, #tpu.memory_space<vmem>>
    tpu.wait_dma2 semaphore(%dma_wait3A_472 : memref<!tpu.dma_semaphore, #tpu.memory_space<semaphore_mem>>) src(%dma_wait3A_480 : memref<50x128xf32, #tpu.memory_space<vmem>>) dst(%dma_wait3A_476 : memref<50x128xf32, #tpu.memory_space<hbm>>)
    return
  }
}

</mosaic_0001>

<sc_bundles>
// kernel: kernel.3.cloned.1.call-start
scs
__scs_entry_jumppad:
0x0: {  	(pc) =	sbr.rel $0x88, $3  }
0x1: {  	(tag) =	ssettag $0x0;
	lr =	simm.s32 $0x1  }
0x2: {  	[smem:$0x3F9F] =	sst lr;
	_ =	strace $0xD0000000  }
0x3: {  	_ = 	snop  }
0x4: {  	_ = 	snop  }
0x5: {  	_ = 	snop  }
0x6: {  	_ = 	snop  }
0x7: {  	_ = 	snop  }
__scs_overlays_trampoline_lowered:
0x8: {  	[smem:$0x3FAE] =	sst s0  }
0x9: {  	[smem:$0x3FAF] =	sst s1  }
0xa: {  	[smem:$0x3FB0] =	sst s2  }
0xb: {  	[smem:$0x3FB1] =	sst s3  }
0xc: {  	[smem:$0x3FB2] =	sst s4  }
0xd: {  	[smem:$0x3FB3] =	sst s5  }
0xe: {  	[smem:$0x3FB4] =	sst s6  }
0xf: {  	[smem:$0x3FB5] =	sst s7  }
0x10: {  	[smem:$0x3FB6] =	sst s8  }
0x11: {  	[smem:$0x3FB7] =	sst s9;
	s0 =	simm.s32 @!p0 $0x0  }
0x12: {  	s1 =	sld [smem:$0x3F9D];
	s0 =	simm.s32 @p0 $0x1  }
0x13: {  	[smem:$0x3FB8] =	sst s0;
	s0 =	simm.s32 @!p1 $0x0  }
0x14: {  	s2 =	sld [smem:$0x3F9C];
	s0 =	simm.s32 @p1 $0x1  }
0x15: {  	[smem:$0x3FB9] =	sst s0;
	s0 =	simm.s32 @!p2 $0x0  }
0x16: {  	s3 =	sld [smem:$0x3FDB];
	s0 =	simm.s32 @p2 $0x1  }
0x17: {  	s4 =	simm.s32 $0x1BF5;
	[smem:$0x3FBB] =	sst s0  }
0x18: {  	s0 =	sld [smem:$0x3F9E];
	_ =	swait.ge [sflag:s4], $0x0  }
0x19: {  	s7 =	sld [smem:$0x3F9F]  }
0x1a: {  	s8 =	sadd.s32 $0xFFFFE003, lr  }
0x1b: {  	s9 =	sadd.s32 $0xFFFFFEF7, lr;
	s5 =	simm.s32 $0xFFFFFFFF;
	p2 =	slt.u32 s8, $0xFFFFF086  }
0x1c: {  	p1 =	slt.u32 s9, $0xF7A;
	s5 =	simm.s32 @!p2 $0x0  }
0x1d: {  	s5 =	simm.s32 @p1 $0x1;
	p0 =	seq.s32 s7, s2  }
0x1e: {  	s7 =	smul.u32 @!p0 $0xF7A, s2;
	p2 =	seq.s32 @!p0 s5, $0x0  }
0x1f: {  	s9 =	smul.u32 $0xF7A, s1;
	s8 =	simm.s32 @!p0 $0x1BF5;
	p2 =	por !p2, p0  }
0x20: {  	[sflag:s8] =	ssyncset.s32 @!p0 $0xFFFFF086;
	s6 =	sadd.s32 @!p0 s3, s7;
	s7 =	simm.s32 @!p0 $0x108  }
0x21: {  	s3 =	sadd.s32 s3, s9;
	s6 =	sadd.s32 @!p0 $0x88, s6;
	s7 =	simm.s32 @p2 $0x1082  }
0x22: {  	[simem:s7], [sflag:s8] =	dma.local @!p0 [hbm:s6], $0xF7A  }
0x23: {  	s9 =	sor.u32 $0xD0000000, s2;
	s6 =	simm.s32 $0x108;
	_ =	swait.ge @!p0 [sflag:s8], $0x0  }
0x24: {  	s3 =	sadd.s32 $0x88, s3;
	s6 =	simm.s32 @!p1 $0x1082;
	[sflag:s4] =	ssyncset.s32 $0xFFFFF086  }
0x25: {  	[simem:s6], [sflag:s4] =	dma.local [hbm:s3], $0xF7A  }
0x26: {  	[smem:$0x3F9F] =	sst s1;
	(tag) =	ssettag s2;
	_ =	strace s9  }
0x27: {  	s1 =	sld [smem:$0x3FAF]  }
0x28: {  	s2 =	sld [smem:$0x3FB0]  }
0x29: {  	s4 =	sld [smem:$0x3FB2]  }
0x2a: {  	p0 =	seq.s32 s5, $0x0;
	s5 =	sld [smem:$0x3FB3]  }
0x2b: {  	s6 =	sld [smem:$0x3FB4]  }
0x2c: {  	s7 =	sld [smem:$0x3FB5]  }
0x2d: {  	s3 =	simm.s32 $0x108;
	s8 =	sld [smem:$0x3FB6]  }
0x2e: {  	s3 =	simm.s32 @!p0 $0x1082;
	s9 =	sld [smem:$0x3FB7]  }
0x2f: {  	lr =	sadd.s32 s0, s3;
	s0 =	sld [smem:$0x3FAE]  }
0x30: {  	s3 =	sld [smem:$0x3FB1]  }
0x31: {  	[smem:$0x3FBA] =	sst s10  }
0x32: {  	s10 =	sld [smem:$0x3FB8];
	_ =	sdelay $0x3  }
0x33: {  	p0 =	seq.s32 s10, $0x1;
	s10 =	sld [smem:$0x3FBA];
	_ =	sdelay $0x3  }
0x34: {  	[smem:$0x3FBA] =	sst s10  }
0x35: {  	s10 =	sld [smem:$0x3FB9];
	_ =	sdelay $0x3  }
0x36: {  	p1 =	seq.s32 s10, $0x1;
	s10 =	sld [smem:$0x3FBA];
	_ =	sdelay $0x3  }
0x37: {  	[smem:$0x3FBA] =	sst s10  }
0x38: {  	s10 =	sld [smem:$0x3FBB]  }
0x39: {  	_ = 	snop;
	(pc) =	sbr.ind lr, $3  }
0x3a: {  	_ = 	snop  }
0x3b: {  	_ = 	snop  }
0x3c: {  	p2 =	seq.s32 s10, $0x1;
	s10 =	sld [smem:$0x3FBA]  }
0x3d: {  	_ =	shalt  }
0x3e: {  	_ =	shalt  }
0x3f: {  	_ =	shalt  }
0x40: {  	_ =	shalt  }
0x41: {  	_ =	shalt  }
0x42: {  	_ =	shalt  }
0x43: {  	_ =	shalt  }
0x44: {  	_ =	shalt  }
0x45: {  	_ =	shalt  }
0x46: {  	_ =	shalt  }
0x47: {  	_ =	shalt  }
0x48: {  	_ =	shalt  }
0x49: {  	_ =	shalt  }
0x4a: {  	_ =	shalt  }
0x4b: {  	_ =	shalt  }
0x4c: {  	_ =	shalt  }
0x4d: {  	_ =	shalt  }
0x4e: {  	_ =	shalt  }
0x4f: {  	_ =	shalt  }
0x50: {  	_ =	shalt  }
0x51: {  	_ =	shalt  }
0x52: {  	_ =	shalt  }
0x53: {  	_ =	shalt  }
0x54: {  	_ =	shalt  }
0x55: {  	_ =	shalt  }
0x56: {  	_ =	shalt  }
0x57: {  	_ =	shalt  }
0x58: {  	_ =	shalt  }
0x59: {  	_ =	shalt  }
0x5a: {  	_ =	shalt  }
0x5b: {  	_ =	shalt  }
0x5c: {  	_ =	shalt  }
0x5d: {  	_ =	shalt  }
0x5e: {  	_ =	shalt  }
0x5f: {  	_ =	shalt  }
0x60: {  	_ =	shalt  }
0x61: {  	_ =	shalt  }
0x62: {  	_ =	shalt  }
0x63: {  	_ =	shalt  }
0x64: {  	_ =	shalt  }
0x65: {  	_ =	shalt  }
0x66: {  	_ =	shalt  }
0x67: {  	_ =	shalt  }
0x68: {  	_ =	shalt  }
0x69: {  	_ =	shalt  }
0x6a: {  	_ =	shalt  }
0x6b: {  	_ =	shalt  }
0x6c: {  	_ =	shalt  }
0x6d: {  	_ =	shalt  }
0x6e: {  	_ =	shalt  }
0x6f: {  	_ =	shalt  }
0x70: {  	_ =	shalt  }
0x71: {  	_ =	shalt  }
0x72: {  	_ =	shalt  }
0x73: {  	_ =	shalt  }
0x74: {  	_ =	shalt  }
0x75: {  	_ =	shalt  }
0x76: {  	_ =	shalt  }
0x77: {  	_ =	shalt  }
0x78: {  	_ =	shalt  }
0x79: {  	_ =	shalt  }
0x7a: {  	_ =	shalt  }
0x7b: {  	_ =	shalt  }
0x7c: {  	_ =	shalt  }
0x7d: {  	_ =	shalt  }
0x7e: {  	_ =	shalt  }
0x7f: {  	_ =	shalt  }
0x80: {  	_ =	shalt  }
0x81: {  	_ =	shalt  }
0x82: {  	_ =	shalt  }
0x83: {  	_ =	shalt  }
0x84: {  	_ =	shalt  }
0x85: {  	_ =	shalt  }
0x86: {  	_ =	shalt  }
0x87: {  	_ =	shalt  }
.Lfunc_end0:
.L_simem_size_0:
called_computation_lowered:
.L_overlay_start_0:
0x88: {  	s2 =	sld [smem:$0x3FD9]  }
0x89: {  	s3 =	sld [smem:$0x3FFE];
	_ =	sdelay $0x1  }
0x8a: {  	s1 =	srdreg.scid  }
0x8b: {  	s0 =	sand.u32 $0x1, s1  }
0x8c: {  	s17 =	sshll.u32 s0, $0xA;
	s2 =	sadd.s32 s3, s2  }
0x8d: {  	s2 =	sadd.s32 s2, s17  }
0x8e: {  	[smem:$0x3FC6] =	sst s2  }
0x8f: {  	_ = 	snop  }
0x90: {  	s2 =	sld [smem:$0x3FC8]  }
0x91: {  	s18 =	sld [smem:$0x3FD0];
	(tm) =	ssettm $0x1  }
0x92: {  	s4 =	sld [smem:$0x3FFB];
	_ =	sdelay $0x3  }
0x93: {  	_ =	strace s4  }
0x94: {  	s4 =	sld [smem:$0x3FFC];
	_ =	sdelay $0x3  }
0x95: {  	_ =	strace s4  }
0x96: {  	s4 =	sld [smem:$0x3FFD];
	_ =	sdelay $0x3  }
0x97: {  	_ =	strace s4  }
0x98: {  	_ =	strace $0x8FFFFFFF  }
0x99: {  	s19 =	sld [smem:$0x3FDB];
	_ =	sdelay $0x1  }
0x9a: {  	s5 =	simm.s32 $_scs_section_size  }
0x9b: {  	s6 =	simm.s32 $_size__tile_overlayer_lowered;
	s7 =	simm.s32 $_tile_overlayer_lowered  }
0x9c: {  	s22 =	simm.s32 $0x1BFF;
	s21 =	sshll.u32 s7, $0x1;
	s4 =	sadd.s32 s5, s19  }
0x9d: {  	s8 =	simm.s32 $0x0;
	s20 =	sshll.u32 s6, $0x1;
	s6 =	sadd.s32 s21, s4  }
0x9e: {  	[timem:s8], [sflag:s22] =	dma.local [hbm:s6], s20  }
0x9f: {  	_ =	swait.ge [sflag:s22], s20  }
0xa0: {  	s5 =	ssub.s32 $0x0, s20;
	[sflag:s22] =	ssyncset.done $0x0  }
0xa1: {  	[sflag:s22] =	ssyncadd.s32 s5;
	_ =	sdelay $0x1  }
0xa2: {  	s23 =	simm.s32 $0x1B8B  }
0xa3: {  	_ =	swait.ge [sflag:s23], $0x1  }
0xa4: {  	[sflag:s23] =	ssyncset.done $0x0  }
0xa5: {  	s25 =	simm.s32 $0x1B8E;
	s24 =	sld [smem:$0x3FFE];
	[sflag:s23] =	ssyncadd.s32 $0xFFFFFFFF  }
0xa6: {  	s26 =	simm.s32 $execute0_lowered;
	[smem:$0x3FD2] =	sst s25  }
0xa7: {  	s6 =	sshll.u32 s26, $0x1;
	_ =	strace $0x80000046;
	[dreg:$0x1] =	wrdreg $0xFFFFFFFF  }
0xa8: {  	s28 =	simm.s32 $_size_execute0_lowered;
	s4 =	sadd.s32 s4, s6;
	[dreg:$0x0] =	wrdreg $0x0  }
0xa9: {  	s6 =	sshll.u32 s28, $0x1;
	[dreg:$0x2] =	wrdreg s4  }
0xaa: {  	[dreg:$0x3] =	wrdreg s6  }
0xab: {  	[dreg:$0x4] =	wrdreg $0xC0  }
0xac: {  	_ =	task [dreg:s8], $0x5FFFF  }
0xad: {  	[dreg:$0x1] =	wrdreg $0xFFFFFFFF  }
0xae: {  	[dreg:$0x0] =	wrdreg $0x60  }
0xaf: {  	[dreg:$0x2] =	wrdreg s18  }
0xb0: {  	[dreg:$0x3] =	wrdreg s2  }
0xb1: {  	[dreg:$0x4] =	wrdreg s24  }
0xb2: {  	[dreg:$0x5] =	wrdreg $0x9  }
0xb3: {  	_ =	task.clear_ibuf [dreg:s8], $0x6FFFF;
	_ =	strace $0x90000046  }
0xb4: {  	s29 =	simm.s32 $0x9;
	_ =	strace $0x80000048  }
0xb5: {  	_ =	swait.ge [sflag:s29], $0x1  }
0xb6: {  	[sflag:s29] =	ssyncadd.s32 $0xFFFFFFFF  }
0xb7: {  	_ =	strace $0x90000048  }
0xb8: {  	_ =	sfence  }
0xb9: {  	s30 =	sld [smem:$0x0];
	_ =	sdelay $0x2  }
0xba: {  	s31 =	sshll.u32 s1, $0xD;
	s1 =	sshrl.u32 s1, $0x2  }
0xbb: {  	s3 =	sand.u32 $0x4000, s31;
	s1 =	sadd.s32 s1, s30  }
0xbc: {  	s0 =	sor.u32 s3, s0;
	s1 =	sshll.u32 s1, $0x11  }
0xbd: {  	s0 =	sor.u32 s1, s0  }
0xbe: {  	s0 =	sadd.s32 $0x8F2B, s0  }
0xbf: {  	[sflag:s0] =	ssyncadd.remote.s32 $0x1  }
0xc0: {  	_ =	sfence.sel $0xFFFF  }
0xc1: {  	[dreg:$0x0] =	wrdreg $0xFFFFFFFF;
	(pc) =	sbr.abs _section_cstart, $3  }
0xc2: {  	[dreg:$0x1] =	wrdreg $0xFFFFFFFF  }
0xc3: {  	_ =	task.clear_ibuf [dreg:s8], $0x2FFFF;
	_ =	strace $0x9FFFFFFF  }
0xc4: {  	(tm) =	ssettm $0x7FFFFFFF  }
0xc5: {  	_ =	shalt  }
tec
execute0_lowered:
.L_overlay_start_1:
0x0: {  	(tag) =	ssettag $0x1  }
0x1: {  	s0 =	rddreg [dreg:$0x0];
	s1 =	srdreg.scid  }
0x2: {  	s3 =	stileid.u32;
	s2 =	rddreg [dreg:$0x2]  }
0x3: {  	s5 =	simm.s32 $0x0;
	s1 =	sand.u32 $0x1, s1;
	s3 =	sshll.u32 s3, $0x8  }
0x4: {  	[smem:$0x7FF] =	sst s5;
	s6 =	sadd.s32 $0x400, s2;
	s4 =	sshll.u32 s1, $0x7  }
0x5: {  	_ =	strace $0x80000047;
	s1 =	ssub.s32 $0x2, s1;
	s3 =	sor.u32 s4, s3  }
0x6: {  	[dreg:$0x4] =	wrdreg s6;
	s22 =	sshrl.u32 s1, $0x1;
	s4 =	smul.u32 $0x1C00, s3  }
0x7: {  	s1 =	ssub.s32 s1, s22;
	s23 =	sshll.u32 s3, $0x4;
	s24 =	sadd.s32 $0xFFFFFFFC, s3  }
0x8: {  	s0 =	sadd.s32 s0, s23;
	[dreg:$0x6] =	wrdreg s24;
	s4 =	sshrl.u32 s4, $0x3  }
0x9: {  	s30 =	smax.u32 s1, $0x1;
	[dreg:$0x5] =	wrdreg s0;
	s4 =	sadd.s32 s6, s4  }
0xa: {  	s7 =	simm.s32 $0xD600;
	[dreg:$0xb] =	wrdreg s30;
	s25 =	sadd.s32 $0x1B200, s4  }
0xb: {  	s8 =	simm.s32 $0xEF00;
	s26 =	sadd.s32 $0x1B580, s4;
	[dreg:$0x7] =	wrdreg s25  }
0xc: {  	s31 =	simm.s32 $0x16C00;
	s28 =	sadd.s32 $0x1B900, s4;
	[dreg:$0x8] =	wrdreg s26  }
0xd: {  	v0 =	vlaneseq.u32;
	s2 =	simm.s32 $0x0;
	s29 =	sadd.s32 $0x1BC80, s4;
	[dreg:$0x9] =	wrdreg s28  }
0xe: {  	v0 =	vmul.u32 $0x80, v0;
	s6 =	simm.s32 $0xBD00;
	s4 =	simm.s32 $0xA400;
	[dreg:$0xa] =	wrdreg s29  }
.LBB2_1:
0xf: {  	[dreg:$0xc] =	wrdreg s2  }
0x10: {  	s0 =	rddreg [dreg:$0x5];
	s17 =	simm.s32 $0x7  }
0x11: {  	[tilespmem:s5], [sflag:$0x7] =	stream.linear.gather [hbm4b:s0+s5], $0x4000, $0x38;
	[tilespmem:$0x1D600] =	vst v63  }
0x12: {  	_ =	swait.ge [sflag:s17], $0x4000  }
0x13: {  	[sflag:s17] =	ssyncset.done $0x0  }
0x14: {  	[sflag:s17] =	ssyncadd.s32 $0xFFFFC000  }
0x15: {  	s1 =	simm.s32 $0x32;
	s18 =	simm.s32 $0x4000;
	s0 =	rddreg [dreg:$0x1]  }
0x16: {  	[tilespmem:s18], [sflag:$0x1] =	stream.indirect.gather [hbm4b:s0+s1], $0x80, s5, s1, $0xb8;
	[tilespmem:$0x1D600] =	vst v63  }
0x17: {  	s19 =	simm.s32 $0x80;
	s3 =	simm.s32 $0x5900  }
0x18: {  	[tilespmem:s3], [sflag:$0x1] =	stream.indirect.gather [hbm4b:s0+s1], $0x80, s19, s1, $0xb8;
	[tilespmem:$0x1D600] =	vst v63  }
0x19: {  	s20 =	simm.s32 $0x100;
	s21 =	simm.s32 $0x7200  }
0x1a: {  	[tilespmem:s21], [sflag:$0x1] =	stream.indirect.gather [hbm4b:s0+s1], $0x80, s20, s1, $0xb8;
	[tilespmem:$0x1D600] =	vst v63  }
0x1b: {  	s22 =	simm.s32 $0x180;
	s23 =	simm.s32 $0x8B00;
	s24 =	simm.s32 $0x1  }
0x1c: {  	[tilespmem:s23], [sflag:$0x1] =	stream.indirect.gather [hbm4b:s0+s1], $0x80, s22, s1, $0xb8;
	[tilespmem:$0x1D600] =	vst v63  }
0x1d: {  	_ =	swait.ge [sflag:s24], $0x1900  }
0x1e: {  	[sflag:s24] =	ssyncset.done $0x0  }
0x1f: {  	[sflag:s24] =	ssyncadd.s32 $0xFFFFE700  }
0x20: {  	_ =	swait.ge [sflag:s24], $0x1900  }
0x21: {  	[sflag:s24] =	ssyncset.done $0x0  }
0x22: {  	[sflag:s24] =	ssyncadd.s32 $0xFFFFE700  }
0x23: {  	_ =	swait.ge [sflag:s24], $0x1900  }
0x24: {  	[sflag:s24] =	ssyncset.done $0x0  }
0x25: {  	[sflag:s24] =	ssyncadd.s32 $0xFFFFE700  }
0x26: {  	_ =	swait.ge [sflag:s24], $0x1900  }
0x27: {  	[sflag:s24] =	ssyncset.done $0x0  }
0x28: {  	s25 =	simm.s32 $0x200;
	[sflag:s24] =	ssyncadd.s32 $0xFFFFE700  }
0x29: {  	[tilespmem:s4], [sflag:$0x2] =	stream.indirect.gather [hbm4b:s0+s1], $0x80, s25, s1, $0xb8;
	[tilespmem:$0x1D600] =	vst v63  }
0x2a: {  	s26 =	simm.s32 $0x280  }
0x2b: {  	[tilespmem:s6], [sflag:$0x2] =	stream.indirect.gather [hbm4b:s0+s1], $0x80, s26, s1, $0xb8;
	[tilespmem:$0x1D600] =	vst v63  }
0x2c: {  	s28 =	simm.s32 $0x300  }
0x2d: {  	[tilespmem:s7], [sflag:$0x2] =	stream.indirect.gather [hbm4b:s0+s1], $0x80, s28, s1, $0xb8;
	[tilespmem:$0x1D600] =	vst v63  }
0x2e: {  	s29 =	simm.s32 $0x380;
	s30 =	simm.s32 $0x4200  }
0x2f: {  	[tilespmem:s8], [sflag:$0x2] =	stream.indirect.gather [hbm4b:s0+s1], $0x80, s29, s1, $0xb8;
	[tilespmem:$0x1D600] =	vst v63  }
0x30: {  	v1 =	vld [tilespmem:s30+$0x180]  }
0x31: {  	v2 =	vld [tilespmem:s30+$0x190]  }
0x32: {  	v4 =	vld [tilespmem:s30+$0x1A0]  }
0x33: {  	v5 =	vld [tilespmem:s30+$0x1B0]  }
0x34: {  	v6 =	vld [tilespmem:s30+$0x1C0]  }
0x35: {  	v7 =	vld [tilespmem:s30+$0x1D0]  }
0x36: {  	v8 =	vld [tilespmem:s30+$0x1E0]  }
0x37: {  	v9 =	vld [tilespmem:s30+$0x1F0]  }
0x38: {  	v3 =	vld [tilespmem:s30+$0xFFFFFE10]  }
0x39: {  	v10 =	vld [tilespmem:s30+$0xFFFFFE20]  }
0x3a: {  	v11 =	vld [tilespmem:s30+$0xFFFFFE30]  }
0x3b: {  	v12 =	vld [tilespmem:s30+$0xFFFFFE40]  }
0x3c: {  	v13 =	vld [tilespmem:s30+$0xFFFFFE50]  }
0x3d: {  	v14 =	vld [tilespmem:s30+$0xFFFFFE60]  }
0x3e: {  	v15 =	vld [tilespmem:s30+$0xFFFFFE70]  }
0x3f: {  	v16 =	vld [tilespmem:s30+$0xFFFFFE80]  }
0x40: {  	v17 =	vld [tilespmem:s30+$0xFFFFFE90]  }
0x41: {  	v18 =	vld [tilespmem:s30+$0xFFFFFEA0]  }
0x42: {  	v19 =	vld [tilespmem:s30+$0xFFFFFEB0]  }
0x43: {  	v20 =	vld [tilespmem:s30+$0xFFFFFEC0]  }
0x44: {  	v21 =	vld [tilespmem:s30+$0xFFFFFED0]  }
0x45: {  	v22 =	vld [tilespmem:s30+$0xFFFFFEE0]  }
0x46: {  	v23 =	vld [tilespmem:s30+$0xFFFFFEF0]  }
0x47: {  	v24 =	vld [tilespmem:s30+$0xFFFFFF00]  }
0x48: {  	v25 =	vld [tilespmem:s30+$0xFFFFFF10]  }
0x49: {  	v26 =	vld [tilespmem:s30+$0xFFFFFF20];
	v1 =	vmul.f32 v1, v1  }
0x4a: {  	v27 =	vld [tilespmem:s30+$0xFFFFFF30];
	v2 =	vmul.f32 v2, v2;
	v4 =	vmul.f32 v4, v4  }
0x4b: {  	v28 =	vld [tilespmem:s30+$0xFFFFFF40];
	v5 =	vmul.f32 v5, v5;
	v6 =	vmul.f32 v6, v6  }
0x4c: {  	v29 =	vld [tilespmem:s30+$0xFFFFFF50];
	v7 =	vmul.f32 v7, v7;
	v8 =	vmul.f32 v8, v8  }
0x4d: {  	v39 =	vld [tilespmem:s30+$0xFFFFFFC0];
	v9 =	vmul.f32 v9, v9;
	v38 =	vmul.f32 v19, v19;
	v1 =	vadd.f32 v2, v1  }
0x4e: {  	v40 =	vld [tilespmem:s30+$0xFFFFFFD0];
	v2 =	vadd.f32 v5, v4;
	v4 =	vadd.f32 v7, v6;
	v6 =	vmul.f32 v10, v10  }
0x4f: {  	v42 =	vld [tilespmem:s30+$0xFFFFFFE0];
	v7 =	vadd.f32 v9, v8;
	v8 =	vmul.f32 v11, v11;
	v10 =	vmul.f32 v12, v12  }
0x50: {  	v45 =	vld [tilespmem:s30+$0x0];
	v11 =	vmul.f32 v13, v13;
	v13 =	vmul.f32 v15, v15;
	v2 =	vadd.f32 v2, v1  }
0x51: {  	v47 =	vld [tilespmem:s30+$0x10];
	v4 =	vadd.f32 v7, v4;
	v7 =	vmul.f32 v14, v14;
	v1 =	vadd.f32 v8, v6  }
0x52: {  	v49 =	vld [tilespmem:s30+$0x20];
	v6 =	vadd.f32 v11, v10;
	v10 =	vmul.f32 v16, v16;
	v11 =	vmul.f32 v17, v17  }
0x53: {  	v41 =	vmul.f32 v23, v23;
	v5 =	vld [tilespmem:s30+$0xFFFFFF60];
	v15 =	vmul.f32 v18, v18;
	v7 =	vadd.f32 v13, v7  }
0x54: {  	v9 =	vld [tilespmem:s30+$0xFFFFFF70];
	v4 =	vadd.f32 v4, v2;
	v10 =	vadd.f32 v11, v10;
	v11 =	vmul.f32 v22, v22  }
0x55: {  	v50 =	vld [tilespmem:s30+$0x30];
	v2 =	vadd.f32 v7, v6;
	v6 =	vmul.f32 v20, v20;
	v7 =	vmul.f32 v21, v21  }
0x56: {  	v51 =	vld [tilespmem:s30+$0x60];
	v43 =	vmul.f32 v24, v24;
	v44 =	vmul.f32 v25, v25;
	v15 =	vadd.f32 v38, v15  }
0x57: {  	v46 =	vmul.f32 v27, v27;
	v12 =	vld [tilespmem:s30+$0xFFFFFF80];
	v11 =	vadd.f32 v41, v11;
	v6 =	vadd.f32 v7, v6  }
0x58: {  	v48 =	vmul.f32 v29, v29;
	v14 =	vld [tilespmem:s30+$0xFFFFFF90];
	v5 =	vmul.f32 v5, v5  }
0x59: {  	v8 =	vld [tilespmem:s30+$0xFFFFFFA0];
	v9 =	vmul.f32 v9, v9;
	v10 =	vadd.f32 v15, v10;
	v6 =	vadd.f32 v11, v6  }
0x5a: {  	v16 =	vadd.f32 v44, v43;
	v13 =	vld [tilespmem:s30+$0xFFFFFFB0];
	v15 =	vmul.f32 v26, v26;
	v11 =	vmul.f32 v28, v28  }
0x5b: {  	v5 =	vadd.f32 v9, v5;
	v7 =	vld [tilespmem:s30+$0xFFFFFFF0];
	v6 =	vadd.f32 v6, v10  }
0x5c: {  	v53 =	vld [tilespmem:s30+$0x80];
	v52 =	vmul.f32 v40, v40;
	v10 =	vadd.f32 v46, v15;
	v11 =	vadd.f32 v48, v11  }
0x5d: {  	v12 =	vmul.f32 v12, v12;
	v9 =	vld [tilespmem:s30+$0x50];
	v14 =	vmul.f32 v14, v14  }
0x5e: {  	v54 =	vld [tilespmem:s30+$0x90];
	v8 =	vmul.f32 v8, v8;
	v10 =	vadd.f32 v10, v16;
	v5 =	vadd.f32 v5, v11  }
0x5f: {  	v12 =	vadd.f32 v14, v12;
	v14 =	vmul.f32 v39, v39;
	v15 =	vld [tilespmem:s30+$0x40];
	v11 =	vmul.f32 v13, v13  }
0x60: {  	v7 =	vmul.f32 v7, v7;
	v13 =	vld [tilespmem:s30+$0x70];
	v10 =	vadd.f32 v5, v10;
	v5 =	vmul.f32 v42, v42  }
0x61: {  	v56 =	vld [tilespmem:s30+$0xB0];
	v55 =	vmul.f32 v45, v45;
	v19 =	vmul.f32 v50, v50;
	v8 =	vadd.f32 v11, v8  }
0x62: {  	v57 =	vld [tilespmem:s30+$0xC0];
	v9 =	vmul.f32 v9, v9;
	v11 =	vadd.f32 v52, v14;
	v5 =	vadd.f32 v7, v5  }
0x63: {  	v58 =	vld [tilespmem:s30+$0xE0];
	v16 =	vmul.f32 v51, v51;
	v7 =	vmul.f32 v47, v47  }
0x64: {  	v14 =	vld [tilespmem:s30+$0xA0];
	v8 =	vadd.f32 v8, v12;
	v12 =	vmul.f32 v49, v49;
	v5 =	vadd.f32 v5, v11  }
0x65: {  	v13 =	vmul.f32 v13, v13;
	v11 =	vmul.f32 v15, v15;
	v15 =	vld [tilespmem:s30+$0xD0];
	v7 =	vadd.f32 v7, v55  }
0x66: {  	v8 =	vadd.f32 v5, v8;
	v5 =	vadd.f32 v19, v12;
	v12 =	vld [tilespmem:s30+$0xF0]  }
0x67: {  	v60 =	vld [tilespmem:s30+$0x110];
	v9 =	vadd.f32 v9, v11;
	v11 =	vadd.f32 v13, v16  }
0x68: {  	s0 =	simm.s32 $0x16E00;
	v59 =	vmul.f32 v54, v54;
	v13 =	vld [tilespmem:s30+$0x100];
	v5 =	vadd.f32 v5, v7;
	v7 =	vmul.f32 v53, v53  }
0x69: {  	v61 =	vld [tilespmem:s30+$0x120];
	[tilespmem:s0+$0x180] =	vst v4;
	v4 =	vmul.f32 v58, v58;
	v14 =	vmul.f32 v14, v14;
	v9 =	vadd.f32 v11, v9  }
0x6a: {  	v62 =	vld [tilespmem:s30+$0x130];
	v11 =	vmul.f32 v56, v56;
	v15 =	vmul.f32 v15, v15;
	v16 =	vadd.f32 v59, v7  }
0x6b: {  	v7 =	vmul.f32 v57, v57;
	v63 =	vadd.f32 v9, v5;
	v5 =	vld [tilespmem:s30+$0x140];
	v9 =	vmul.f32 v12, v12  }
0x6c: {  	[tilespmem:s0+$0xFFFFFE80] =	vst v6;
	v6 =	vld [tilespmem:s30+$0x150];
	v11 =	vadd.f32 v11, v14;
	v14 =	vmul.f32 v60, v60  }
0x6d: {  	[tilespmem:s0+$0xFFFFFF00] =	vst v10;
	v10 =	vmul.f32 v13, v13;
	v12 =	vadd.f32 v15, v7;
	v7 =	vld [tilespmem:s30+$0x160];
	v13 =	vadd.f32 v9, v4  }
0x6e: {  	v3 =	vmul.f32 v3, v3;
	[tilespmem:s0+$0xFFFFFF80] =	vst v8;
	v4 =	vadd.f32 v11, v16;
	v11 =	vmul.f32 v61, v61;
	v9 =	vld [tilespmem:s30+$0x170]  }
0x6f: {  	s16 =	simm.s32 $0x10;
	s2 =	simm.s32 $0x4600;
	s1 =	simm.s32 $0x0;
	v8 =	vld [tilespmem:s30+$0xFFFFFE00];
	[tilespmem:s0+$0x0] =	vst v63;
	v10 =	vadd.f32 v14, v10;
	v12 =	vadd.f32 v13, v12;
	v13 =	vmul.f32 v62, v62  }
.LBB2_2:
0x70: {  	v14 =	vld [tilespmem:s2+$0x180];
	v5 =	vmul.f32 v5, v5  }
0x71: {  	v15 =	vld [tilespmem:s2+$0x190];
	v4 =	vadd.f32 v12, v4;
	v6 =	vmul.f32 v6, v6;
	v11 =	vadd.f32 v13, v11  }
0x72: {  	v12 =	vld [tilespmem:s2+$0x1A0];
	v7 =	vmul.f32 v7, v7  }
0x73: {  	v13 =	vld [tilespmem:s2+$0x1B0];
	[tilespmem:s0+$0x80] =	vst v4;
	v4 =	vmul.f32 v9, v9;
	v5 =	vadd.f32 v6, v5;
	v6 =	vadd.f32 v11, v10  }
0x74: {  	v9 =	vld [tilespmem:s2+$0x1C0];
	v8 =	vmul.f32 v8, v8  }
0x75: {  	v10 =	vld [tilespmem:s2+$0x1D0];
	v4 =	vadd.f32 v4, v7  }
0x76: {  	v7 =	vld [tilespmem:s2+$0x1E0];
	v3 =	vadd.f32 v3, v8  }
0x77: {  	s1 =	sadd.s32 $0x8, s1;
	v8 =	vld [tilespmem:s2+$0x1F0];
	v4 =	vadd.f32 v4, v5  }
0x78: {  	p0 =	slt.u32 s1, $0xC0;
	v5 =	vld [tilespmem:s2+$0xFFFFFE10];
	v1 =	vadd.f32 v1, v3  }
0x79: {  	v14 =	vmul.f32 v14, v14;
	v15 =	vmul.f32 v15, v15;
	v11 =	vld [tilespmem:s2+$0xFFFFFE20];
	v3 =	vadd.f32 v4, v6  }
0x7a: {  	v6 =	vmul.f32 v12, v12;
	v12 =	vmul.f32 v13, v13;
	v4 =	vld [tilespmem:s2+$0xFFFFFE30];
	v1 =	vadd.f32 v2, v1  }
0x7b: {  	v9 =	vmul.f32 v9, v9;
	v10 =	vmul.f32 v10, v10;
	v2 =	vld [tilespmem:s2+$0xFFFFFE40];
	[tilespmem:s0+$0x100] =	vst v3  }
0x7c: {  	v7 =	vmul.f32 v7, v7;
	v13 =	vld [tilespmem:s2+$0xFFFFFE50];
	v8 =	vmul.f32 v8, v8;
	[tilespmem:s0+$0xFFFFFE00] =	vst v1  }
0x7d: {  	v6 =	vadd.f32 v12, v6;
	v1 =	vadd.f32 v15, v14;
	v3 =	vmul.f32 v5, v5;
	v5 =	vld [tilespmem:s2+$0xFFFFFE60]  }
0x7e: {  	v9 =	vadd.f32 v10, v9;
	v11 =	vmul.f32 v11, v11;
	v12 =	vld [tilespmem:s2+$0xFFFFFE70];
	v7 =	vadd.f32 v8, v7  }
0x7f: {  	v4 =	vmul.f32 v4, v4;
	v8 =	vld [tilespmem:s2+$0xFFFFFE80]  }
0x80: {  	v6 =	vadd.f32 v6, v1;
	v2 =	vmul.f32 v2, v2;
	v10 =	vld [tilespmem:s2+$0xFFFFFE90];
	v7 =	vadd.f32 v7, v9  }
0x81: {  	v9 =	vmul.f32 v13, v13;
	v1 =	vadd.f32 v4, v11;
	v4 =	vld [tilespmem:s2+$0xFFFFFEA0]  }
0x82: {  	v5 =	vmul.f32 v5, v5;
	v11 =	vld [tilespmem:s2+$0xFFFFFEB0];
	v6 =	vadd.f32 v7, v6  }
0x83: {  	s0 =	sadd.s32 $0x400, s0;
	v7 =	vmul.f32 v12, v12;
	v2 =	vadd.f32 v9, v2;
	v9 =	vld [tilespmem:s2+$0xFFFFFEC0]  }
0x84: {  	s17 =	simm.s32 $0x0;
	v8 =	vmul.f32 v8, v8;
	v12 =	vld [tilespmem:s2+$0xFFFFFED0];
	[tilespmem:s0+$0x180] =	vst v6  }
0x85: {  	v5 =	vadd.f32 v7, v5;
	v6 =	vmul.f32 v10, v10;
	v7 =	vld [tilespmem:s2+$0xFFFFFEE0]  }
0x86: {  	v4 =	vmul.f32 v4, v4;
	v10 =	vld [tilespmem:s2+$0xFFFFFEF0]  }
0x87: {  	v2 =	vadd.f32 v5, v2;
	v5 =	vmul.f32 v11, v11;
	v6 =	vadd.f32 v6, v8;
	v8 =	vld [tilespmem:s2+$0xFFFFFF00]  }
0x88: {  	v9 =	vmul.f32 v9, v9;
	v11 =	vld [tilespmem:s2+$0xFFFFFF10]  }
0x89: {  	v12 =	vmul.f32 v12, v12;
	v4 =	vadd.f32 v5, v4;
	v5 =	vld [tilespmem:s2+$0xFFFFFF20]  }
0x8a: {  	v7 =	vmul.f32 v7, v7;
	v13 =	vld [tilespmem:s2+$0xFFFFFF30]  }
0x8b: {  	v10 =	vmul.f32 v10, v10;
	v9 =	vadd.f32 v12, v9;
	v4 =	vadd.f32 v4, v6;
	v6 =	vld [tilespmem:s2+$0xFFFFFF40]  }
0x8c: {  	v8 =	vmul.f32 v8, v8;
	v12 =	vld [tilespmem:s2+$0xFFFFFF50]  }
0x8d: {  	v7 =	vadd.f32 v10, v7;
	v10 =	vmul.f32 v11, v11;
	v11 =	vld [tilespmem:s2+$0xFFFFFF60]  }
0x8e: {  	v5 =	vmul.f32 v5, v5;
	v14 =	vld [tilespmem:s2+$0xFFFFFF70]  }
0x8f: {  	v7 =	vadd.f32 v7, v9;
	v9 =	vmul.f32 v13, v13;
	v8 =	vadd.f32 v10, v8;
	v10 =	vld [tilespmem:s2+$0xFFFFFF80]  }
0x90: {  	v6 =	vmul.f32 v6, v6;
	v13 =	vld [tilespmem:s2+$0xFFFFFF90]  }
0x91: {  	v4 =	vadd.f32 v7, v4;
	v7 =	vmul.f32 v12, v12;
	v5 =	vadd.f32 v9, v5;
	v9 =	vld [tilespmem:s2+$0xFFFFFFA0]  }
0x92: {  	v11 =	vmul.f32 v11, v11;
	v12 =	vld [tilespmem:s2+$0xFFFFFFB0]  }
0x93: {  	[tilespmem:s0+$0xFFFFFE80] =	vst v4;
	v4 =	vmul.f32 v14, v14;
	v6 =	vadd.f32 v7, v6;
	v5 =	vadd.f32 v5, v8;
	v7 =	vld [tilespmem:s2+$0xFFFFFFC0]  }
0x94: {  	v8 =	vmul.f32 v10, v10;
	v10 =	vld [tilespmem:s2+$0xFFFFFFD0]  }
0x95: {  	v4 =	vadd.f32 v4, v11;
	v11 =	vmul.f32 v13, v13;
	v13 =	vld [tilespmem:s2+$0xFFFFFFE0]  }
0x96: {  	v9 =	vmul.f32 v9, v9;
	v14 =	vld [tilespmem:s2+$0xFFFFFFF0]  }
0x97: {  	v4 =	vadd.f32 v4, v6;
	v6 =	vmul.f32 v12, v12;
	v8 =	vadd.f32 v11, v8;
	v11 =	vld [tilespmem:s2+$0x0]  }
0x98: {  	v7 =	vmul.f32 v7, v7;
	v12 =	vld [tilespmem:s2+$0x10]  }
0x99: {  	v4 =	vadd.f32 v4, v5;
	v5 =	vmul.f32 v10, v10;
	v6 =	vadd.f32 v6, v9;
	v9 =	vld [tilespmem:s2+$0x20]  }
0x9a: {  	v10 =	vmul.f32 v13, v13;
	v13 =	vld [tilespmem:s2+$0x30]  }
0x9b: {  	[tilespmem:s0+$0xFFFFFF00] =	vst v4;
	v4 =	vmul.f32 v14, v14;
	v5 =	vadd.f32 v5, v7;
	v6 =	vadd.f32 v6, v8;
	v7 =	vld [tilespmem:s2+$0x40]  }
0x9c: {  	v8 =	vmul.f32 v11, v11;
	v11 =	vld [tilespmem:s2+$0x50]  }
0x9d: {  	v4 =	vadd.f32 v4, v10;
	v10 =	vmul.f32 v12, v12;
	v12 =	vld [tilespmem:s2+$0x60]  }
0x9e: {  	v9 =	vmul.f32 v9, v9;
	v14 =	vld [tilespmem:s2+$0x70]  }
0x9f: {  	v4 =	vadd.f32 v4, v5;
	v5 =	vmul.f32 v13, v13;
	v8 =	vadd.f32 v10, v8;
	v10 =	vld [tilespmem:s2+$0x80]  }
0xa0: {  	v7 =	vmul.f32 v7, v7;
	v13 =	vld [tilespmem:s2+$0x90]  }
0xa1: {  	v4 =	vadd.f32 v4, v6;
	v6 =	vmul.f32 v11, v11;
	v5 =	vadd.f32 v5, v9;
	v9 =	vld [tilespmem:s2+$0xA0]  }
0xa2: {  	v11 =	vmul.f32 v12, v12;
	v12 =	vld [tilespmem:s2+$0xB0]  }
0xa3: {  	[tilespmem:s0+$0xFFFFFF80] =	vst v4;
	v4 =	vmul.f32 v14, v14;
	v6 =	vadd.f32 v6, v7;
	v5 =	vadd.f32 v5, v8;
	v7 =	vld [tilespmem:s2+$0xC0]  }
0xa4: {  	v8 =	vmul.f32 v10, v10;
	v10 =	vld [tilespmem:s2+$0xD0]  }
0xa5: {  	v4 =	vadd.f32 v4, v11;
	v11 =	vmul.f32 v13, v13;
	v13 =	vld [tilespmem:s2+$0xE0]  }
0xa6: {  	v9 =	vmul.f32 v9, v9;
	v14 =	vld [tilespmem:s2+$0xF0]  }
0xa7: {  	v4 =	vadd.f32 v4, v6;
	v6 =	vmul.f32 v12, v12;
	v8 =	vadd.f32 v11, v8;
	v11 =	vld [tilespmem:s2+$0x100]  }
0xa8: {  	v7 =	vmul.f32 v7, v7;
	v12 =	vld [tilespmem:s2+$0x110]  }
0xa9: {  	v4 =	vadd.f32 v4, v5;
	v5 =	vmul.f32 v10, v10;
	v6 =	vadd.f32 v6, v9;
	v9 =	vld [tilespmem:s2+$0x120]  }
0xaa: {  	v10 =	vmul.f32 v13, v13;
	v13 =	vld [tilespmem:s2+$0x130]  }
.Ltmp0:
0xab: {  	[tilespmem:s0+$0x0] =	vst v4;
	v14 =	vmul.f32 v14, v14;
	v15 =	vadd.f32 v5, v7;
	v4 =	vadd.f32 v6, v8;
	v5 =	vld [tilespmem:s2+$0x140];
	(pc) =	sbr.rel @p0 .LBB2_2-.Ltmp0, $4  }
0xac: {  	v16 =	vmul.f32 v11, v11;
	v6 =	vld [tilespmem:s2+$0x150]  }
0xad: {  	v10 =	vadd.f32 v14, v10;
	v14 =	vmul.f32 v12, v12;
	v7 =	vld [tilespmem:s2+$0x160]  }
0xae: {  	v11 =	vmul.f32 v9, v9;
	v9 =	vld [tilespmem:s2+$0x170]  }
0xaf: {  	v8 =	vld [tilespmem:s2+$0xFFFFFE00];
	v12 =	vadd.f32 v10, v15;
	v13 =	vmul.f32 v13, v13;
	v10 =	vadd.f32 v14, v16;
	s2 =	sadd.s32 $0x400, s2  }
0xb0: {  	_ =	sdelay $0x1  }
0xb1: {  	v5 =	vmul.f32 v5, v5;
	v6 =	vmul.f32 v6, v6  }
0xb2: {  	v7 =	vmul.f32 v7, v7;
	v9 =	vmul.f32 v9, v9  }
0xb3: {  	v11 =	vadd.f32 v13, v11;
	v4 =	vadd.f32 v12, v4;
	v8 =	vmul.f32 v8, v8  }
0xb4: {  	s1 =	simm.s32 $0x0;
	v15 =	vmov s16;
	v5 =	vadd.f32 v6, v5;
	v6 =	vadd.f32 v9, v7  }
0xb5: {  	v15 =	vshll.u32 v15, $0x7;
	v7 =	vmov s1;
	v3 =	vadd.f32 v3, v8  }
0xb6: {  	v8 =	vadd.f32 v11, v10;
	v5 =	vadd.f32 v6, v5;
	v6 =	vshll.u32 v7, $0x7  }
0xb7: {  	v15 =	vor.u32 v0, v15;
	v1 =	vadd.f32 v1, v3;
	v3 =	vor.u32 v0, v6  }
0xb8: {  	v18 =	vor.u32 $0x1, v15;
	v5 =	vadd.f32 v5, v8  }
0xb9: {  	[tilespmem:s0+$0x80] =	vst v4;
	v19 =	vor.u32 $0x2, v15;
	v1 =	vadd.f32 v2, v1  }
0xba: {  	v20 =	vor.u32 $0x3, v15;
	[tilespmem:s0+$0x100] =	vst v5  }
0xbb: {  	v21 =	vor.u32 $0x4, v15;
	[tilespmem:s0+$0xFFFFFE00] =	vst v1  }
0xbc: {  	v22 =	vor.u32 $0x5, v15;
	v5 =	vld.idx.msk [tilespmem:v3+s31+$0x0], $0xffff  }
0xbd: {  	v23 =	vor.u32 $0x6, v15;
	v18 =	vld.idx.msk [tilespmem:v18+s31+$0x0], $0xffff  }
0xbe: {  	v6 =	vor.u32 $0x1, v3;
	v19 =	vld.idx.msk [tilespmem:v19+s31+$0x0], $0xffff  }
0xbf: {  	v4 =	vor.u32 $0x3, v3;
	v20 =	vld.idx.msk [tilespmem:v20+s31+$0x0], $0xffff  }
0xc0: {  	v7 =	vor.u32 $0x5, v3;
	v21 =	vld.idx.msk [tilespmem:v21+s31+$0x0], $0xffff  }
0xc1: {  	v8 =	vor.u32 $0x6, v3;
	v22 =	vld.idx.msk [tilespmem:v22+s31+$0x0], $0xffff  }
0xc2: {  	v9 =	vor.u32 $0x7, v3;
	v23 =	vld.idx.msk [tilespmem:v23+s31+$0x0], $0xffff  }
0xc3: {  	v10 =	vor.u32 $0x8, v3;
	v6 =	vld.idx.msk [tilespmem:v6+s31+$0x0], $0xffff  }
0xc4: {  	v11 =	vor.u32 $0x9, v3;
	v4 =	vld.idx.msk [tilespmem:v4+s31+$0x0], $0xffff  }
0xc5: {  	v12 =	vor.u32 $0xA, v3;
	v7 =	vld.idx.msk [tilespmem:v7+s31+$0x0], $0xffff  }
0xc6: {  	v13 =	vor.u32 $0xB, v3;
	v8 =	vld.idx.msk [tilespmem:v8+s31+$0x0], $0xffff  }
0xc7: {  	v14 =	vor.u32 $0xC, v3;
	v9 =	vld.idx.msk [tilespmem:v9+s31+$0x0], $0xffff  }
0xc8: {  	v16 =	vor.u32 $0xD, v3;
	v10 =	vld.idx.msk [tilespmem:v10+s31+$0x0], $0xffff  }
0xc9: {  	v2 =	vor.u32 $0x2, v3;
	v11 =	vld.idx.msk [tilespmem:v11+s31+$0x0], $0xffff  }
0xca: {  	v1 =	vor.u32 $0x4, v3;
	v12 =	vld.idx.msk [tilespmem:v12+s31+$0x0], $0xffff  }
0xcb: {  	v17 =	vor.u32 $0xE, v3;
	v13 =	vld.idx.msk [tilespmem:v13+s31+$0x0], $0xffff  }
0xcc: {  	v3 =	vor.u32 $0xF, v3;
	v14 =	vld.idx.msk [tilespmem:v14+s31+$0x0], $0xffff  }
0xcd: {  	v24 =	vor.u32 $0x7, v15;
	v16 =	vld.idx.msk [tilespmem:v16+s31+$0x0], $0xffff  }
0xce: {  	v2 =	vld.idx.msk [tilespmem:v2+s31+$0x0], $0xffff  }
0xcf: {  	v25 =	vor.u32 $0x8, v15;
	v1 =	vld.idx.msk [tilespmem:v1+s31+$0x0], $0xffff  }
0xd0: {  	v26 =	vor.u32 $0x9, v15;
	v17 =	vld.idx.msk [tilespmem:v17+s31+$0x0], $0xffff  }
0xd1: {  	v27 =	vor.u32 $0xA, v15;
	v28 =	vor.u32 $0xB, v15;
	v3 =	vld.idx.msk [tilespmem:v3+s31+$0x0], $0xffff  }
0xd2: {  	v29 =	vor.u32 $0xC, v15;
	v30 =	vor.u32 $0xD, v15;
	v31 =	vor.u32 $0xE, v15;
	v24 =	vld.idx.msk [tilespmem:v24+s31+$0x0], $0xffff  }
0xd3: {  	v5 =	vadd.f32 v6, v5;
	v6 =	vor.u32 $0xF, v15;
	v15 =	vld.idx.msk [tilespmem:v15+s31+$0x0], $0xffff;
	v2 =	vadd.f32 v4, v2  }
0xd4: {  	s2 =	simm.s32 $0x20;
	v4 =	vld.idx.msk [tilespmem:v25+s31+$0x0], $0xffff;
	v1 =	vadd.f32 v7, v1;
	v7 =	vadd.f32 v9, v8  }
0xd5: {  	v8 =	vld.idx.msk [tilespmem:v26+s31+$0x0], $0xffff;
	v9 =	vadd.f32 v11, v10;
	v10 =	vadd.f32 v13, v12;
	v11 =	vmov s2  }
0xd6: {  	v12 =	vld.idx.msk [tilespmem:v27+s31+$0x0], $0xffff;
	v13 =	vadd.f32 v16, v14;
	v3 =	vadd.f32 v3, v17;
	v11 =	vshll.u32 v11, $0x7  }
0xd7: {  	v14 =	vld.idx.msk [tilespmem:v28+s31+$0x0], $0xffff;
	v2 =	vadd.f32 v2, v5;
	v1 =	vadd.f32 v7, v1;
	v5 =	vor.u32 v0, v11  }
0xd8: {  	v16 =	vld.idx.msk [tilespmem:v31+s31+$0x0], $0xffff;
	v9 =	vadd.f32 v10, v9;
	v3 =	vadd.f32 v3, v13;
	v10 =	vor.u32 $0x1, v5  }
0xd9: {  	v7 =	vld.idx.msk [tilespmem:v29+s31+$0x0], $0xffff;
	v13 =	vor.u32 $0x2, v5  }
0xda: {  	v11 =	vld.idx.msk [tilespmem:v30+s31+$0x0], $0xffff;
	v17 =	vor.u32 $0x5, v5;
	v1 =	vadd.f32 v1, v2;
	v2 =	vadd.f32 v3, v9  }
0xdb: {  	v6 =	vld.idx.msk [tilespmem:v6+s31+$0x0], $0xffff;
	v25 =	vor.u32 $0x6, v5  }
0xdc: {  	v26 =	vor.u32 $0x7, v5;
	v1 =	vadd.f32 v2, v1;
	v2 =	vld.idx.msk [tilespmem:v5+s31+$0x0], $0xffff  }
0xdd: {  	v46 =	vor.u32 $0x8, v5;
	v10 =	vld.idx.msk [tilespmem:v10+s31+$0x0], $0xffff  }
0xde: {  	s4 =	simm.s32 $0x30;
	v47 =	vor.u32 $0x9, v5;
	v13 =	vld.idx.msk [tilespmem:v13+s31+$0x0], $0xffff  }
0xdf: {  	v48 =	vmov s4;
	v32 =	vor.u32 $0xA, v5;
	v17 =	vld.idx.msk [tilespmem:v17+s31+$0x0], $0xffff  }
0xe0: {  	v19 =	vadd.f32 v20, v19;
	v20 =	vshll.u32 v48, $0x7;
	v50 =	vor.u32 $0xB, v5;
	v25 =	vld.idx.msk [tilespmem:v25+s31+$0x0], $0xffff  }
0xe1: {  	v21 =	vadd.f32 v22, v21;
	v20 =	vor.u32 v0, v20;
	v33 =	vor.u32 $0xC, v5;
	v26 =	vld.idx.msk [tilespmem:v26+s31+$0x0], $0xffff  }
0xe2: {  	v22 =	vor.u32 $0x1, v20;
	v15 =	vadd.f32 v18, v15;
	v34 =	vor.u32 $0xD, v5;
	v28 =	vld.idx.msk [tilespmem:v46+s31+$0x0], $0xffff  }
0xe3: {  	v18 =	vadd.f32 v24, v23;
	v36 =	vor.u32 $0xE, v5;
	v3 =	vor.u32 $0x3, v5;
	v29 =	vld.idx.msk [tilespmem:v47+s31+$0x0], $0xffff  }
0xe4: {  	v9 =	vor.u32 $0x4, v5;
	v4 =	vadd.f32 v8, v4;
	v23 =	vld.idx.msk [tilespmem:v32+s31+$0x0], $0xffff;
	v1 =	vmax.f32 v1, $7.812500150e-27  }
0xe5: {  	v8 =	vadd.f32 v14, v12;
	v12 =	vld.idx.msk [tilespmem:v50+s31+$0x0], $0xffff;
	v27 =	vshra.s32 v1, $0x1;
	v1 =	vmul.f32 $5.000000000e-01, v1  }
0xe6: {  	v7 =	vadd.f32 v11, v7;
	v6 =	vadd.f32 v6, v16;
	v11 =	vld.idx.msk [tilespmem:v33+s31+$0x0], $0xffff;
	v27 =	vsub.s32 $0x5F3759DF, v27  }
0xe7: {  	v15 =	vadd.f32 v19, v15;
	v5 =	vor.u32 $0xF, v5;
	v19 =	vld.idx.msk [tilespmem:v34+s31+$0x0], $0xffff;
	v49 =	vmul.f32 v27, v1  }
0xe8: {  	v24 =	vor.u32 $0x3, v20;
	v18 =	vadd.f32 v18, v21;
	v6 =	vadd.f32 v6, v7;
	v7 =	vld.idx.msk [tilespmem:v36+s31+$0x0], $0xffff  }
0xe9: {  	v16 =	vor.u32 $0x4, v20;
	v4 =	vadd.f32 v8, v4;
	v3 =	vld.idx.msk [tilespmem:v3+s31+$0x0], $0xffff;
	v31 =	vmul.f32 v27, v49  }
0xea: {  	v35 =	vor.u32 $0x2, v20;
	v21 =	vor.u32 $0x6, v20;
	v15 =	vadd.f32 v18, v15;
	v9 =	vld.idx.msk [tilespmem:v9+s31+$0x0], $0xffff  }
0xeb: {  	v8 =	vor.u32 $0x5, v20;
	v4 =	vadd.f32 v6, v4;
	v6 =	vld.idx.msk [tilespmem:v22+s31+$0x0], $0xffff;
	v31 =	vsub.f32 $1.500000000e+00, v31  }
0xec: {  	v51 =	vor.u32 $0x9, v20;
	v18 =	vor.u32 $0x7, v20;
	v22 =	vor.u32 $0x8, v20;
	v5 =	vld.idx.msk [tilespmem:v5+s31+$0x0], $0xffff  }
0xed: {  	v4 =	vadd.f32 v4, v15;
	v15 =	vld.idx.msk [tilespmem:v24+s31+$0x0], $0xffff;
	v2 =	vadd.f32 v10, v2;
	v14 =	vmul.f32 v27, v31  }
0xee: {  	v24 =	vor.u32 $0xA, v20;
	v10 =	vld.idx.msk [tilespmem:v16+s31+$0x0], $0xffff;
	v16 =	vadd.f32 v26, v25;
	v25 =	vadd.f32 v29, v28  }
0xef: {  	v21 =	vld.idx.msk [tilespmem:v21+s31+$0x0], $0xffff;
	v12 =	vadd.f32 v12, v23;
	v11 =	vadd.f32 v19, v11;
	v1 =	vmul.f32 v14, v1  }
0xf0: {  	v8 =	vld.idx.msk [tilespmem:v8+s31+$0x0], $0xffff;
	v23 =	vor.u32 $0xD, v20;
	v3 =	vadd.f32 v3, v13;
	v9 =	vadd.f32 v17, v9  }
0xf1: {  	v13 =	vor.u32 $0xB, v20;
	v5 =	vadd.f32 v5, v7;
	v7 =	vld.idx.msk [tilespmem:v18+s31+$0x0], $0xffff;
	v1 =	vmul.f32 v1, v14  }
0xf2: {  	v17 =	vor.u32 $0xC, v20;
	v2 =	vadd.f32 v3, v2;
	v3 =	vadd.f32 v16, v9;
	v9 =	vld.idx.msk [tilespmem:v22+s31+$0x0], $0xffff  }
0xf3: {  	v18 =	vor.u32 $0xE, v20;
	v16 =	vor.u32 $0xF, v20;
	v20 =	vld.idx.msk [tilespmem:v20+s31+$0x0], $0xffff;
	v1 =	vsub.f32 $1.500000000e+00, v1  }
0xf4: {  	s3 =	simm.s32 $0x40;
	v12 =	vadd.f32 v12, v25;
	v27 =	vld.idx.msk [tilespmem:v35+s31+$0x0], $0xffff;
	v5 =	vadd.f32 v5, v11  }
0xf5: {  	v19 =	vld.idx.msk [tilespmem:v24+s31+$0x0], $0xffff;
	v14 =	vmul.f32 v1, v14;
	v1 =	vmax.f32 v4, $7.812500150e-27;
	v4 =	vmov s3  }
0xf6: {  	v11 =	vld.idx.msk [tilespmem:v51+s31+$0x0], $0xffff;
	v2 =	vadd.f32 v3, v2;
	v3 =	vadd.f32 v5, v12;
	v4 =	vshll.u32 v4, $0x7  }
0xf7: {  	v8 =	vadd.f32 v8, v10;
	v17 =	vld.idx.msk [tilespmem:v17+s31+$0x0], $0xffff;
	v12 =	vshra.s32 v1, $0x1;
	v22 =	vor.u32 v0, v4  }
0xf8: {  	v5 =	vld.idx.msk [tilespmem:v13+s31+$0x0], $0xffff;
	v13 =	vmul.f32 $5.000000000e-01, v1;
	v1 =	vadd.f32 v3, v2;
	v2 =	vor.u32 $0x1, v22  }
0xf9: {  	s5 =	simm.s32 $0x50;
	v18 =	vld.idx.msk [tilespmem:v18+s31+$0x0], $0xffff;
	v7 =	vadd.f32 v7, v21;
	v15 =	vadd.f32 v15, v27;
	v24 =	vor.u32 $0x2, v22  }
0xfa: {  	v16 =	vld.idx.msk [tilespmem:v16+s31+$0x0], $0xffff;
	v4 =	vmov s5;
	v1 =	vmax.f32 v1, $7.812500150e-27;
	v25 =	vor.u32 $0x3, v22  }
0xfb: {  	v3 =	vld.idx.msk [tilespmem:v23+s31+$0x0], $0xffff;
	v52 =	vor.u32 $0x4, v22;
	v26 =	vshra.s32 v1, $0x1;
	v27 =	vmul.f32 $5.000000000e-01, v1  }
0xfc: {  	v53 =	vor.u32 $0x5, v22;
	v1 =	vshll.u32 v4, $0x7;
	v4 =	vsub.s32 $0x5F3759DF, v26;
	v26 =	vld.idx.msk [tilespmem:v22+s31+$0x0], $0xffff  }
0xfd: {  	v6 =	vadd.f32 v6, v20;
	v10 =	vor.u32 $0x7, v22;
	v54 =	vmul.f32 v4, v27;
	v55 =	vld.idx.msk [tilespmem:v2+s31+$0x0], $0xffff  }
0xfe: {  	v9 =	vadd.f32 v11, v9;
	v8 =	vadd.f32 v7, v8;
	v2 =	vor.u32 $0x6, v22;
	v24 =	vld.idx.msk [tilespmem:v24+s31+$0x0], $0xffff  }
0xff: {  	v5 =	vadd.f32 v5, v19;
	v58 =	vor.u32 $0x8, v22;
	v30 =	vmul.f32 v4, v54;
	v25 =	vld.idx.msk [tilespmem:v25+s31+$0x0], $0xffff  }
0x100: {  	v6 =	vadd.f32 v15, v6;
	v12 =	vsub.s32 $0x5F3759DF, v12;
	v39 =	vor.u32 $0xA, v22;
	v28 =	vld.idx.msk [tilespmem:v52+s31+$0x0], $0xffff  }
0x101: {  	v5 =	vadd.f32 v5, v9;
	v61 =	vor.u32 $0xE, v22;
	v29 =	vld.idx.msk [tilespmem:v53+s31+$0x0], $0xffff;
	v30 =	vsub.f32 $1.500000000e+00, v30  }
0x102: {  	v23 =	vmul.f32 v12, v13;
	v37 =	vor.u32 $0x9, v22;
	v19 =	vor.u32 $0xF, v22;
	v44 =	vld.idx.msk [tilespmem:v10+s31+$0x0], $0xffff  }
0x103: {  	v1 =	vor.u32 v0, v1;
	v30 =	vmul.f32 v4, v30;
	v42 =	vld.idx.msk [tilespmem:v2+s31+$0x0], $0xffff;
	v2 =	vor.u32 $0xB, v22  }
0x104: {  	v20 =	vor.u32 $0xD, v22;
	v15 =	vmul.f32 v12, v23;
	v56 =	vor.u32 $0x1, v1;
	v34 =	vld.idx.msk [tilespmem:v58+s31+$0x0], $0xffff  }
0x105: {  	v57 =	vor.u32 $0x2, v1;
	v10 =	vor.u32 $0xC, v22;
	v39 =	vld.idx.msk [tilespmem:v39+s31+$0x0], $0xffff;
	v27 =	vmul.f32 v30, v27  }
0x106: {  	v59 =	vor.u32 $0x3, v1;
	v60 =	vor.u32 $0x4, v1;
	v38 =	vor.u32 $0x5, v1;
	v23 =	vld.idx.msk [tilespmem:v61+s31+$0x0], $0xffff  }
0x107: {  	v40 =	vor.u32 $0x6, v1;
	v41 =	vor.u32 $0x7, v1;
	v11 =	vmul.f32 v27, v30;
	v27 =	vld.idx.msk [tilespmem:v19+s31+$0x0], $0xffff  }
0x108: {  	v43 =	vor.u32 $0x8, v1;
	v3 =	vadd.f32 v3, v17;
	v17 =	vld.idx.msk [tilespmem:v2+s31+$0x0], $0xffff;
	v2 =	vadd.f32 v16, v18  }
0x109: {  	s6 =	sand.u32 $0x100, s17;
	v7 =	vor.u32 $0xA, v1;
	v9 =	vor.u32 $0xB, v1;
	v15 =	vsub.f32 $1.500000000e+00, v15;
	v22 =	vld.idx.msk [tilespmem:v20+s31+$0x0], $0xffff  }
0x10a: {  	s6 =	sor.u32 $0x1D400, s6;
	s1 =	sand.u32 $0x60, s1;
	v4 =	vor.u32 $0x9, v1;
	v20 =	vadd.f32 v8, v6;
	v16 =	vld.idx.msk [tilespmem:v10+s31+$0x0], $0xffff;
	v2 =	vadd.f32 v2, v3  }
0x10b: {  	s1 =	sor.u32 s1, s6;
	v21 =	vld.idx.msk [tilespmem:v37+s31+$0x0], $0xffff;
	v8 =	vor.u32 $0xE, v1;
	v24 =	vadd.f32 v25, v24;
	v25 =	vadd.f32 v44, v42  }
0x10c: {  	[tilespmem:s1+$0x0] =	vst v14;
	v14 =	vld.idx.msk [tilespmem:v40+s31+$0x0], $0xffff;
	v10 =	vor.u32 $0xD, v1;
	v3 =	vsub.f32 $1.500000000e+00, v11;
	v5 =	vadd.f32 v2, v5  }
0x10d: {  	v6 =	vld.idx.msk [tilespmem:v56+s31+$0x0], $0xffff;
	v11 =	vor.u32 $0xC, v1;
	v27 =	vadd.f32 v27, v23;
	v2 =	vmul.f32 v12, v15  }
0x10e: {  	s0 =	simm.s32 $0x40;
	v18 =	vld.idx.msk [tilespmem:v57+s31+$0x0], $0xffff;
	v30 =	vmul.f32 v3, v30;
	v17 =	vadd.f32 v17, v39;
	v3 =	vadd.f32 v5, v20  }
0x10f: {  	s7 =	sand.u32 $0x100, s0;
	v12 =	vor.u32 $0xF, v1;
	v63 =	vadd.f32 v22, v16;
	v5 =	vadd.f32 v55, v26;
	v20 =	vld.idx.msk [tilespmem:v59+s31+$0x0], $0xffff  }
0x110: {  	s7 =	sor.u32 $0x1D400, s7;
	s2 =	sand.u32 $0x60, s2;
	v19 =	vld.idx.msk [tilespmem:v60+s31+$0x0], $0xffff;
	v15 =	vmul.f32 v2, v13;
	v13 =	vadd.f32 v29, v28;
	v3 =	vmax.f32 v3, $7.812500150e-27  }
0x111: {  	s30 =	sand.u32 $0x70, s16;
	s4 =	sand.u32 $0x70, s4;
	s8 =	sor.u32 s2, s7;
	v26 =	vadd.f32 v21, v34;
	v21 =	vld.idx.msk [tilespmem:v38+s31+$0x0], $0xffff;
	v62 =	vshra.s32 v3, $0x1;
	v3 =	vmul.f32 $5.000000000e-01, v3  }
0x112: {  	s4 =	sor.u32 s4, s7;
	s2 =	sor.u32 s30, s6;
	v16 =	vld.idx.msk [tilespmem:v41+s31+$0x0], $0xffff;
	[tilespmem:s8+$0x0] =	vst v30;
	v22 =	vadd.f32 v24, v5;
	v23 =	vadd.f32 v25, v13;
	v5 =	vsub.s32 $0x5F3759DF, v62  }
0x113: {  	s6 =	simm.s32 $0x70;
	s1 =	sand.u32 $0x70, s5;
	s5 =	simm.s32 $0x4;
	v24 =	vadd.f32 v17, v26;
	v25 =	vadd.f32 v27, v63;
	v17 =	vld.idx.msk [tilespmem:v43+s31+$0x0], $0xffff;
	v13 =	vmul.f32 v5, v3  }
.LBB2_4:
0x114: {  	s8 =	sadd.s32 $0xFFFFFFF0, s6;
	v26 =	vmov s6;
	s7 =	sand.u32 $0x70, s6;
	v27 =	vld.idx.msk [tilespmem:v4+s31+$0x0], $0xffff;
	v18 =	vadd.f32 v20, v18;
	v15 =	vmul.f32 v15, v2  }
0x115: {  	v20 =	vadd.f32 v23, v22;
	v4 =	vmov s8;
	v22 =	vadd.f32 v25, v24;
	v23 =	vld.idx.msk [tilespmem:v7+s31+$0x0], $0xffff  }
0x116: {  	v7 =	vshll.u32 v26, $0x7;
	v19 =	vadd.f32 v21, v19;
	v4 =	vshll.u32 v4, $0x7;
	v24 =	vld.idx.msk [tilespmem:v9+s31+$0x0], $0xffff  }
0x117: {  	v21 =	vor.u32 v0, v4;
	v4 =	vor.u32 v0, v7;
	v7 =	vadd.f32 v22, v20;
	v20 =	vld.idx.msk [tilespmem:v11+s31+$0x0], $0xffff  }
0x118: {  	v9 =	vor.u32 $0x1, v21;
	v22 =	vor.u32 $0x1, v4;
	v25 =	vor.u32 $0x2, v4;
	v26 =	vld.idx.msk [tilespmem:v10+s31+$0x0], $0xffff  }
0x119: {  	v10 =	vor.u32 $0x2, v21;
	v28 =	vor.u32 $0x3, v4;
	v7 =	vmax.f32 v7, $7.812500150e-27;
	v29 =	vld.idx.msk [tilespmem:v8+s31+$0x0], $0xffff  }
0x11a: {  	v8 =	vor.u32 $0x3, v21;
	v11 =	vshra.s32 v7, $0x1;
	v30 =	vmul.f32 $5.000000000e-01, v7;
	v31 =	vld.idx.msk [tilespmem:v12+s31+$0x0], $0xffff  }
0x11b: {  	v32 =	vor.u32 $0x4, v4;
	v12 =	vor.u32 $0x4, v21;
	v33 =	vsub.s32 $0x5F3759DF, v11;
	v34 =	vld.idx.msk [tilespmem:v1+s31+$0x0], $0xffff;
	v1 =	vmovc v4  }
0x11c: {  	v11 =	vor.u32 $0x5, v21;
	v35 =	vld.idx.msk [tilespmem:v21+s31+$0x0], $0xffff;
	v36 =	vor.u32 $0x5, v1;
	v4 =	vmul.f32 v33, v30  }
0x11d: {  	v38 =	vor.u32 $0x6, v21;
	v39 =	vor.u32 $0x6, v1;
	v40 =	vor.u32 $0x7, v1;
	v37 =	vld.idx.msk [tilespmem:v9+s31+$0x0], $0xffff  }
0x11e: {  	v42 =	vor.u32 $0x7, v21;
	v43 =	vor.u32 $0x8, v1;
	v41 =	vld.idx.msk [tilespmem:v10+s31+$0x0], $0xffff;
	v10 =	vmul.f32 v33, v4  }
0x11f: {  	v45 =	vor.u32 $0x8, v21;
	v7 =	vor.u32 $0xA, v1;
	v4 =	vor.u32 $0x9, v1;
	v44 =	vld.idx.msk [tilespmem:v8+s31+$0x0], $0xffff  }
0x120: {  	v47 =	vor.u32 $0x9, v21;
	v9 =	vor.u32 $0xB, v1;
	v46 =	vld.idx.msk [tilespmem:v12+s31+$0x0], $0xffff;
	v12 =	vsub.f32 $1.500000000e+00, v10  }
0x121: {  	v49 =	vor.u32 $0xA, v21;
	v10 =	vor.u32 $0xD, v1;
	v48 =	vld.idx.msk [tilespmem:v11+s31+$0x0], $0xffff;
	v11 =	vor.u32 $0xC, v1  }
0x122: {  	s5 =	sadd.s32 $0x2, s5;
	v50 =	vor.u32 $0xB, v21;
	v8 =	vor.u32 $0xE, v1;
	v38 =	vld.idx.msk [tilespmem:v38+s31+$0x0], $0xffff;
	v33 =	vmul.f32 v33, v12  }
0x123: {  	p0 =	slt.u32 s5, $0xA;
	v51 =	vor.u32 $0xC, v21;
	v6 =	vadd.f32 v6, v34;
	v12 =	vor.u32 $0xF, v1;
	v42 =	vld.idx.msk [tilespmem:v42+s31+$0x0], $0xffff  }
0x124: {  	v14 =	vadd.f32 v16, v14;
	v34 =	vld.idx.msk [tilespmem:v45+s31+$0x0], $0xffff;
	v45 =	vor.u32 $0xD, v21;
	v30 =	vmul.f32 v33, v30  }
0x125: {  	v17 =	vadd.f32 v27, v17;
	v23 =	vadd.f32 v24, v23;
	v16 =	vld.idx.msk [tilespmem:v47+s31+$0x0], $0xffff;
	v47 =	vor.u32 $0xE, v21  }
0x126: {  	v20 =	vadd.f32 v26, v20;
	v21 =	vor.u32 $0xF, v21;
	v24 =	vld.idx.msk [tilespmem:v49+s31+$0x0], $0xffff;
	v27 =	vmul.f32 v30, v33  }
0x127: {  	v13 =	vmul.f32 v5, v13;
	v29 =	vadd.f32 v31, v29;
	v6 =	vadd.f32 v18, v6;
	v26 =	vld.idx.msk [tilespmem:v50+s31+$0x0], $0xffff  }
0x128: {  	s0 =	sadd.s32 $0x40, s0;
	v14 =	vadd.f32 v14, v19;
	v30 =	vld.idx.msk [tilespmem:v51+s31+$0x0], $0xffff;
	v18 =	vsub.f32 $1.500000000e+00, v27  }
0x129: {  	s9 =	sand.u32 $0x100, s0;
	v17 =	vadd.f32 v23, v17;
	v19 =	vadd.f32 v29, v20;
	v27 =	vld.idx.msk [tilespmem:v45+s31+$0x0], $0xffff  }
0x12a: {  	s10 =	sand.u32 $0x60, s3;
	s3 =	smov.u32 s8;
	s9 =	sor.u32 $0x1D400, s9;
	v13 =	vsub.f32 $1.500000000e+00, v13;
	v14 =	vadd.f32 v14, v6;
	v23 =	vld.idx.msk [tilespmem:v47+s31+$0x0], $0xffff;
	v18 =	vmul.f32 v18, v33  }
0x12b: {  	v15 =	vsub.f32 $1.500000000e+00, v15;
	s8 =	sor.u32 s10, s9;
	s9 =	sor.u32 s1, s9;
	s1 =	smov.u32 s7;
	v17 =	vadd.f32 v19, v17;
	v29 =	vld.idx.msk [tilespmem:v21+s31+$0x0], $0xffff  }
0x12c: {  	v5 =	vmul.f32 v5, v13;
	v6 =	vld.idx.msk [tilespmem:v22+s31+$0x0], $0xffff;
	[tilespmem:s8+$0x0] =	vst v18  }
0x12d: {  	v13 =	vadd.f32 v17, v14;
	v14 =	vmul.f32 v15, v2;
	v18 =	vld.idx.msk [tilespmem:v25+s31+$0x0], $0xffff  }
0x12e: {  	v17 =	vadd.f32 v37, v35;
	v15 =	vmul.f32 v5, v3;
	v22 =	vadd.f32 v44, v41;
	v20 =	vld.idx.msk [tilespmem:v28+s31+$0x0], $0xffff  }
.Ltmp1:
0x12f: {  	v3 =	vmax.f32 v13, $7.812500150e-27;
	v25 =	vadd.f32 v48, v46;
	v28 =	vadd.f32 v42, v38;
	v19 =	vld.idx.msk [tilespmem:v32+s31+$0x0], $0xffff;
	[tilespmem:s2+$0x0] =	vst v14;
	s2 =	smov.u32 s4;
	s4 =	smov.u32 s9;
	(pc) =	sbr.rel @p0 .LBB2_4-.Ltmp1, $4  }
0x130: {  	v2 =	vmovc v5;
	v13 =	vadd.f32 v16, v34;
	v24 =	vadd.f32 v26, v24;
	v26 =	vshra.s32 v3, $0x1;
	v21 =	vld.idx.msk [tilespmem:v36+s31+$0x0], $0xffff  }
0x131: {  	v3 =	vmul.f32 $5.000000000e-01, v3;
	v27 =	vadd.f32 v27, v30;
	v29 =	vadd.f32 v29, v23;
	v14 =	vld.idx.msk [tilespmem:v39+s31+$0x0], $0xffff  }
0x132: {  	v5 =	vsub.s32 $0x5F3759DF, v26;
	v22 =	vadd.f32 v22, v17;
	v23 =	vadd.f32 v28, v25;
	v16 =	vld.idx.msk [tilespmem:v40+s31+$0x0], $0xffff  }
0x133: {  	s6 =	sadd.s32 $0x20, s6;
	v24 =	vadd.f32 v24, v13;
	v13 =	vmul.f32 v5, v3;
	v25 =	vadd.f32 v29, v27;
	v17 =	vld.idx.msk [tilespmem:v43+s31+$0x0], $0xffff  }
0x134: {  	_ =	sdelay $0x3  }
0x135: {  	v4 =	vld.idx.msk [tilespmem:v4+s31+$0x0], $0xffff  }
0x136: {  	v7 =	vld.idx.msk [tilespmem:v7+s31+$0x0], $0xffff  }
0x137: {  	v9 =	vld.idx.msk [tilespmem:v9+s31+$0x0], $0xffff  }
0x138: {  	v11 =	vld.idx.msk [tilespmem:v11+s31+$0x0], $0xffff  }
0x139: {  	v10 =	vld.idx.msk [tilespmem:v10+s31+$0x0], $0xffff  }
0x13a: {  	v1 =	vld.idx.msk [tilespmem:v1+s31+$0x0], $0xffff  }
0x13b: {  	v8 =	vld.idx.msk [tilespmem:v8+s31+$0x0], $0xffff  }
0x13c: {  	v12 =	vld.idx.msk [tilespmem:v12+s31+$0x0], $0xffff  }
0x13d: {  	v18 =	vadd.f32 v20, v18;
	v50 =	vadd.f32 v23, v22  }
0x13e: {  	v51 =	vadd.f32 v25, v24;
	v19 =	vadd.f32 v21, v19  }
0x13f: {  	v1 =	vadd.f32 v6, v1;
	v6 =	vadd.f32 v16, v14  }
0x140: {  	v4 =	vadd.f32 v4, v17;
	v7 =	vadd.f32 v9, v7  }
0x141: {  	v9 =	vadd.f32 v10, v11;
	v8 =	vadd.f32 v12, v8  }
0x142: {  	v1 =	vadd.f32 v18, v1;
	v6 =	vadd.f32 v6, v19  }
0x143: {  	v4 =	vadd.f32 v7, v4;
	v7 =	vadd.f32 v8, v9  }
0x144: {  	v8 =	vadd.f32 v51, v50  }
0x145: {  	v1 =	vadd.f32 v6, v1;
	v4 =	vadd.f32 v7, v4  }
0x146: {  	v6 =	vmax.f32 v8, $7.812500150e-27  }
0x147: {  	v7 =	vshra.s32 v6, $0x1;
	v6 =	vmul.f32 $5.000000000e-01, v6;
	v1 =	vadd.f32 v4, v1  }
0x148: {  	v4 =	vsub.s32 $0x5F3759DF, v7  }
0x149: {  	v7 =	vmul.f32 v4, v6;
	v1 =	vmax.f32 v1, $7.812500150e-27  }
0x14a: {  	v8 =	vshra.s32 v1, $0x1;
	v1 =	vmul.f32 $5.000000000e-01, v1  }
0x14b: {  	v7 =	vmul.f32 v4, v7;
	v8 =	vsub.s32 $0x5F3759DF, v8  }
0x14c: {  	v9 =	vmul.f32 v8, v1  }
0x14d: {  	v10 =	vmul.f32 v5, v13;
	v7 =	vsub.f32 $1.500000000e+00, v7  }
0x14e: {  	v9 =	vmul.f32 v8, v9  }
0x14f: {  	v4 =	vmul.f32 v4, v7;
	v7 =	vsub.f32 $1.500000000e+00, v10  }
0x150: {  	v9 =	vsub.f32 $1.500000000e+00, v9  }
0x151: {  	v6 =	vmul.f32 v4, v6;
	v5 =	vmul.f32 v5, v7  }
0x152: {  	v7 =	vmul.f32 v8, v9  }
0x153: {  	v6 =	vmul.f32 v6, v4;
	v3 =	vmul.f32 v5, v3  }
0x154: {  	v8 =	vmul.f32 v15, v2;
	v1 =	vmul.f32 v7, v1  }
0x155: {  	s0 =	sadd.s32 $0x40, s0;
	v6 =	vsub.f32 $1.500000000e+00, v6;
	v3 =	vmul.f32 v3, v5  }
0x156: {  	s0 =	sand.u32 $0x100, s0;
	v8 =	vsub.f32 $1.500000000e+00, v8;
	v1 =	vmul.f32 v1, v7  }
0x157: {  	s3 =	sand.u32 $0x60, s3;
	s0 =	sor.u32 $0x1D400, s0;
	v4 =	vmul.f32 v6, v4;
	v3 =	vsub.f32 $1.500000000e+00, v3  }
0x158: {  	s3 =	sor.u32 s3, s0;
	v6 =	vmul.f32 v8, v2;
	v8 =	vsub.f32 $1.500000000e+00, v1;
	v1 =	vor.u32 $0x6000, v0  }
0x159: {  	v2 =	vor.u32 $0x6001, v0;
	[tilespmem:s3+$0x0] =	vst v4;
	v4 =	vmul.f32 v3, v5  }
0x15a: {  	[tilespmem:s2+$0x0] =	vst v6;
	v3 =	vor.u32 $0x6002, v0;
	v5 =	vmul.f32 v8, v7  }
0x15b: {  	s0 =	sor.u32 s1, s0;
	v6 =	vor.u32 $0x6005, v0;
	[tilespmem:s4+$0x0] =	vst v4  }
0x15c: {  	v9 =	vor.u32 $0x6008, v0;
	[tilespmem:s0+$0x0] =	vst v5  }
0x15d: {  	v10 =	vor.u32 $0x6009, v0;
	v17 =	vld.idx.msk [tilespmem:v1+s31+$0x0], $0xffff  }
0x15e: {  	v11 =	vor.u32 $0x600A, v0;
	v18 =	vld.idx.msk [tilespmem:v2+s31+$0x0], $0xffff  }
0x15f: {  	v12 =	vor.u32 $0x600B, v0;
	v19 =	vld.idx.msk [tilespmem:v3+s31+$0x0], $0xffff  }
0x160: {  	v13 =	vor.u32 $0x600C, v0;
	v54 =	vld.idx.msk [tilespmem:v6+s31+$0x0], $0xffff  }
0x161: {  	v14 =	vor.u32 $0x600D, v0;
	v57 =	vld.idx.msk [tilespmem:v9+s31+$0x0], $0xffff  }
0x162: {  	v15 =	vor.u32 $0x600E, v0;
	v26 =	vld.idx.msk [tilespmem:v10+s31+$0x0], $0xffff  }
0x163: {  	v16 =	vor.u32 $0x600F, v0;
	v27 =	vld.idx.msk [tilespmem:v11+s31+$0x0], $0xffff  }
0x164: {  	v4 =	vor.u32 $0x6003, v0;
	v28 =	vld.idx.msk [tilespmem:v12+s31+$0x0], $0xffff  }
0x165: {  	v7 =	vor.u32 $0x6006, v0;
	v29 =	vld.idx.msk [tilespmem:v13+s31+$0x0], $0xffff  }
0x166: {  	v8 =	vor.u32 $0x6007, v0;
	v30 =	vld.idx.msk [tilespmem:v14+s31+$0x0], $0xffff  }
0x167: {  	v5 =	vor.u32 $0x6004, v0;
	v31 =	vld.idx.msk [tilespmem:v15+s31+$0x0], $0xffff  }
0x168: {  	v32 =	vld.idx.msk [tilespmem:v16+s31+$0x0], $0xffff  }
0x169: {  	v52 =	vld.idx.msk [tilespmem:v4+s31+$0x0], $0xffff  }
0x16a: {  	v55 =	vld.idx.msk [tilespmem:v7+s31+$0x0], $0xffff  }
0x16b: {  	v56 =	vld.idx.msk [tilespmem:v8+s31+$0x0], $0xffff  }
0x16c: {  	v53 =	vld.idx.msk [tilespmem:v5+s31+$0x0], $0xffff;
	_ =	sdelay $0x1  }
0x16d: {  	v17 =	vadd.f32 v18, v17;
	v59 =	vadd.f32 v26, v57  }
0x16e: {  	v60 =	vadd.f32 v28, v27;
	v61 =	vadd.f32 v30, v29  }
0x16f: {  	v62 =	vadd.f32 v32, v31;
	v18 =	vadd.f32 v52, v19  }
0x170: {  	v58 =	vadd.f32 v56, v55;
	v19 =	vadd.f32 v54, v53  }
0x171: {  	v63 =	vadd.f32 v62, v61;
	v17 =	vadd.f32 v18, v17  }
0x172: {  	v18 =	vadd.f32 v58, v19;
	v19 =	vadd.f32 v60, v59;
	_ =	sdelay $0x1  }
0x173: {  	v17 =	vadd.f32 v18, v17;
	v18 =	vadd.f32 v63, v19;
	_ =	sdelay $0x1  }
0x174: {  	v17 =	vadd.f32 v18, v17;
	_ =	sdelay $0x1  }
0x175: {  	v17 =	vmax.f32 v17, $7.812500150e-27  }
0x176: {  	v18 =	vshra.s32 v17, $0x1;
	v17 =	vmul.f32 $5.000000000e-01, v17  }
0x177: {  	v18 =	vsub.s32 $0x5F3759DF, v18  }
0x178: {  	v19 =	vmul.f32 v18, v17;
	_ =	sdelay $0x1  }
0x179: {  	v19 =	vmul.f32 v18, v19;
	_ =	sdelay $0x1  }
0x17a: {  	v19 =	vsub.f32 $1.500000000e+00, v19;
	_ =	sdelay $0x1  }
0x17b: {  	v18 =	vmul.f32 v18, v19;
	_ =	sdelay $0x1  }
0x17c: {  	v17 =	vmul.f32 v18, v17;
	_ =	sdelay $0x1  }
0x17d: {  	v17 =	vmul.f32 v17, v18  }
0x17e: {  	[tilespmem:$0x1FFB0] =	vst v1  }
0x17f: {  	[tilespmem:$0x1FFC0] =	vst v2;
	v17 =	vsub.f32 $1.500000000e+00, v17  }
0x180: {  	[tilespmem:$0x1FFD0] =	vst v3  }
0x181: {  	[tilespmem:$0x1FFE0] =	vst v4;
	v17 =	vmul.f32 v17, v18  }
0x182: {  	[tilespmem:$0x1FFF0] =	vst v5  }
0x183: {  	s9 =	simm.s32 $0x1;
	[tilespmem:$0x1D540] =	vst v17  }
.LBB2_6:
0x184: {  	s0 =	smul.u32 $0xAB, s9;
	_ =	sdelay $0x1  }
0x185: {  	s0 =	sshrl.u32 s0, $0x9  }
0x186: {  	s0 =	sand.u32 $0x7F, s0  }
0x187: {  	s0 =	smul.u32 $0x3, s0;
	_ =	sdelay $0x1  }
0x188: {  	s0 =	ssub.s32 s9, s0  }
0x189: {  	s0 =	sand.u32 $0xFF, s0  }
0x18a: {  	s2 =	sadd.s32 $0x1, s0  }
0x18b: {  	_ =	swait.ge [sflag:s2], $0x1900  }
0x18c: {  	[sflag:s2] =	ssyncset.done $0x0  }
0x18d: {  	s8 =	sadd.s32 $0x1, s9;
	p0 =	slt.u32 s9, $0x2;
	[sflag:s2] =	ssyncadd.s32 $0xFFFFE700  }
0x18e: {  	s1 =	smul.u32 @!p0 $0xAB, s8;
	_ =	swait.ge [sflag:s2], $0x1900  }
0x18f: {  	[sflag:s2] =	ssyncset.done $0x0  }
0x190: {  	s1 =	sshrl.u32 @!p0 s1, $0x9;
	[sflag:s2] =	ssyncadd.s32 $0xFFFFE700  }
0x191: {  	s1 =	sand.u32 @!p0 $0x7F, s1;
	_ =	swait.ge [sflag:s2], $0x1900  }
0x192: {  	s1 =	smul.u32 @!p0 $0x3, s1;
	[sflag:s2] =	ssyncset.done $0x0  }
0x193: {  	[sflag:s2] =	ssyncadd.s32 $0xFFFFE700  }
0x194: {  	s1 =	ssub.s32 @!p0 s8, s1;
	_ =	swait.ge [sflag:s2], $0x1900  }
0x195: {  	s1 =	sand.u32 @!p0 $0xFF, s1;
	[sflag:s2] =	ssyncset.done $0x0  }
0x196: {  	[sflag:s2] =	ssyncadd.s32 $0xFFFFE700;
	s2 =	sor.u32 @!p0 $0x4, s1  }
0x197: {  	_ =	swait.ge @!p0 [sflag:s2], $0x1900  }
0x198: {  	[sflag:s2] =	ssyncset.done @!p0 $0x0  }
0x199: {  	[sflag:s2] =	ssyncadd.s32 @!p0 $0xFFFFE700  }
0x19a: {  	_ =	swait.ge @!p0 [sflag:s2], $0x1900  }
0x19b: {  	[sflag:s2] =	ssyncset.done @!p0 $0x0  }
0x19c: {  	p1 =	seq.s32 @!p0 s9, $0x1F;
	[sflag:s2] =	ssyncadd.s32 @!p0 $0xFFFFE700  }
0x19d: {  	p1 =	por p0, !p1;
	_ =	swait.ge @!p0 [sflag:s2], $0x1900  }
.Ltmp2:
0x19e: {  	[sflag:s2] =	ssyncset.done @!p0 $0x0;
	(pc) =	sbr.rel @!p1 .LBB2_8-.Ltmp2, $4  }
0x19f: {  	[sflag:s2] =	ssyncadd.s32 @!p0 $0xFFFFE700  }
0x1a0: {  	_ =	swait.ge @!p0 [sflag:s2], $0x1900  }
0x1a1: {  	[sflag:s2] =	ssyncset.done @!p0 $0x0  }
0x1a2: {  	[sflag:s2] =	ssyncadd.s32 @!p0 $0xFFFFE700  }
0x1a3: {  	s1 =	smov.u32 @p0 s8  }
0x1a4: {  	s2 =	smul.u32 $0x19000, s1  }
0x1a5: {  	s3 =	sshll.u32 s8, $0x9  }
0x1a6: {  	s6 =	rddreg [dreg:$0x1];
	s7 =	simm.s32 $0x32;
	s2 =	sshra.s32 s2, $0x2  }
0x1a7: {  	s3 =	sand.u32 $0x3FFFFE00, s3;
	s1 =	sadd.s32 $0x1, s1;
	s4 =	sadd.s32 $0x4000, s2  }
0x1a8: {  	[tilespmem:s4], [sflag:s1] =	stream.indirect.gather [hbm4b:s6+s7], $0x80, s3, s7, $0xb8;
	[tilespmem:$0x1D600] =	vst v63  }
0x1a9: {  	s5 =	sor.u32 $0x80, s3;
	s28 =	sadd.s32 $0x5900, s2  }
0x1aa: {  	[tilespmem:s28], [sflag:s1] =	stream.indirect.gather [hbm4b:s6+s7], $0x80, s5, s7, $0xb8;
	[tilespmem:$0x1D600] =	vst v63  }
0x1ab: {  	s30 =	sor.u32 $0x100, s3;
	s29 =	sadd.s32 $0x7200, s2  }
0x1ac: {  	[tilespmem:s29], [sflag:s1] =	stream.indirect.gather [hbm4b:s6+s7], $0x80, s30, s7, $0xb8;
	[tilespmem:$0x1D600] =	vst v63  }
0x1ad: {  	s2 =	sadd.s32 $0x8B00, s2;
	s3 =	sor.u32 $0x180, s3  }
0x1ae: {  	[tilespmem:s2], [sflag:s1] =	stream.indirect.gather [hbm4b:s6+s7], $0x80, s3, s7, $0xb8;
	[tilespmem:$0x1D600] =	vst v63  }
.LBB2_8:
0x1af: {  	s1 =	sadd.s32 $0x2, s9  }
0x1b0: {  	s2 =	sand.u32 $0xFF, s1  }
0x1b1: {  	s2 =	smul.u32 $0xAB, s2;
	_ =	sdelay $0x1  }
0x1b2: {  	s2 =	sshrl.u32 s2, $0x9  }
0x1b3: {  	s2 =	smul.u32 $0x3, s2  }
0x1b4: {  	s0 =	smul.u32 $0x19000, s0  }
0x1b5: {  	s1 =	ssub.s32 s1, s2  }
0x1b6: {  	s0 =	sshrl.u32 s0, $0x2;
	s1 =	sand.u32 $0xFF, s1  }
0x1b7: {  	s0 =	sadd.s32 $0x4000, s0;
	[dreg:$0x10] =	wrdreg s1;
	s1 =	smul.u32 $0x19000, s1  }
0x1b8: {  	[dreg:$0xe] =	wrdreg s9;
	v17 =	vmov s8;
	v18 =	vmov s0  }
0x1b9: {  	[dreg:$0xd] =	wrdreg s8;
	v17 =	vshll.u32 v17, $0x7;
	s1 =	sshrl.u32 s1, $0x2  }
0x1ba: {  	v17 =	vand.u32 $0x80, v17;
	[dreg:$0xf] =	wrdreg s1;
	s1 =	sadd.s32 $0x4000, s1  }
0x1bb: {  	s26 =	simm.s32 $0x0;
	v17 =	vbroadcast v17, $0x0;
	[dreg:$0x11] =	wrdreg s1;
	v19 =	vmov s1  }
.LBB2_9:
0x1bc: {  	s18 =	sshll.u32 s26, $0x7  }
0x1bd: {  	v20 =	vld.idx.msk [tilespmem:v18+s18+$0x0 ss:$0x1], $0xffff;
	s0 =	sor.u32 $0x10, s18  }
0x1be: {  	s30 =	sor.u32 $0x20, s18;
	v21 =	vld.idx.msk [tilespmem:v18+s0+$0x0 ss:$0x1], $0xffff  }
0x1bf: {  	s1 =	sor.u32 $0x30, s18;
	v22 =	vld.idx.msk [tilespmem:v18+s30+$0x0 ss:$0x1], $0xffff  }
0x1c0: {  	s2 =	sor.u32 $0x40, s18;
	v23 =	vld.idx.msk [tilespmem:v18+s1+$0x0 ss:$0x1], $0xffff  }
0x1c1: {  	s3 =	sor.u32 $0x50, s18;
	v24 =	vld.idx.msk [tilespmem:v18+s2+$0x0 ss:$0x1], $0xffff  }
0x1c2: {  	s4 =	sor.u32 $0x60, s18;
	v25 =	vld.idx.msk [tilespmem:v18+s3+$0x0 ss:$0x1], $0xffff  }
0x1c3: {  	s11 =	sor.u32 $0x2, s26;
	s5 =	sor.u32 $0x70, s18;
	v26 =	vld.idx.msk [tilespmem:v18+s4+$0x0 ss:$0x1], $0xffff  }
0x1c4: {  	s22 =	sshll.u32 s11, $0x7;
	v27 =	vld.idx.msk [tilespmem:v18+s5+$0x0 ss:$0x1], $0xffff  }
0x1c5: {  	v36 =	vld.idx.msk [tilespmem:v18+s22+$0x0 ss:$0x1], $0xffff;
	s12 =	sor.u32 $0x10, s22  }
0x1c6: {  	s13 =	sor.u32 $0x20, s22;
	v37 =	vld.idx.msk [tilespmem:v18+s12+$0x0 ss:$0x1], $0xffff  }
0x1c7: {  	s14 =	sor.u32 $0x30, s22;
	v38 =	vld.idx.msk [tilespmem:v18+s13+$0x0 ss:$0x1], $0xffff  }
0x1c8: {  	s20 =	sor.u32 $0x3, s26;
	[smem:$0x7E8] =	sst s0;
	s15 =	sor.u32 $0x40, s22;
	v39 =	vld.idx.msk [tilespmem:v18+s14+$0x0 ss:$0x1], $0xffff  }
0x1c9: {  	[dreg:$0x1e] =	wrdreg s1;
	s1 =	sor.u32 $0x1, s26;
	s17 =	sor.u32 $0x60, s22;
	v40 =	vld.idx.msk [tilespmem:v18+s15+$0x0 ss:$0x1], $0xffff  }
0x1ca: {  	[smem:$0x7EC] =	sst s30;
	s30 =	sshll.u32 s20, $0x7;
	s0 =	sshll.u32 s1, $0x7;
	v41 =	vld.idx.msk [tilespmem:v18+s17+$0x0 ss:$0x1], $0xffff  }
0x1cb: {  	s25 =	sor.u32 $0x40, s30;
	v28 =	vld.idx.msk [tilespmem:v18+s0+$0x0 ss:$0x1], $0xffff  }
0x1cc: {  	s28 =	sor.u32 $0x50, s30;
	v59 =	vld.idx.msk [tilespmem:v18+s25+$0x0 ss:$0x1], $0xffff  }
0x1cd: {  	[dreg:$0x1a] =	wrdreg s2;
	s2 =	sor.u32 $0x10, s0;
	v62 =	vld.idx.msk [tilespmem:v18+s28+$0x0 ss:$0x1], $0xffff  }
0x1ce: {  	s6 =	sor.u32 $0x20, s0;
	v29 =	vld.idx.msk [tilespmem:v18+s2+$0x0 ss:$0x1], $0xffff  }
0x1cf: {  	v56 =	vmov s26;
	v42 =	vmov s11;
	s7 =	sor.u32 $0x30, s0;
	v30 =	vld.idx.msk [tilespmem:v18+s6+$0x0 ss:$0x1], $0xffff  }
0x1d0: {  	v57 =	vshll.u32 v56, $0x1;
	s8 =	sor.u32 $0x40, s0;
	v31 =	vld.idx.msk [tilespmem:v18+s7+$0x0 ss:$0x1], $0xffff;
	v20 =	vmul.f32 v20, v20;
	v21 =	vmul.f32 v21, v21  }
0x1d1: {  	v60 =	vand.u32 $0x78, v56;
	s9 =	sor.u32 $0x50, s0;
	v32 =	vld.idx.msk [tilespmem:v18+s8+$0x0 ss:$0x1], $0xffff;
	v22 =	vmul.f32 v22, v22;
	v23 =	vmul.f32 v23, v23  }
0x1d2: {  	[dreg:$0x16] =	wrdreg s3;
	v61 =	vand.u32 $0x100, v57;
	s3 =	sor.u32 $0x70, s0;
	v33 =	vld.idx.msk [tilespmem:v18+s9+$0x0 ss:$0x1], $0xffff;
	v24 =	vmul.f32 v24, v24;
	v25 =	vmul.f32 v25, v25  }
0x1d3: {  	v49 =	vmov s1;
	s10 =	sor.u32 $0x60, s0;
	[dreg:$0x13] =	wrdreg s3;
	v35 =	vld.idx.msk [tilespmem:v18+s3+$0x0 ss:$0x1], $0xffff;
	s3 =	sor.u32 $0x4, s26;
	v26 =	vmul.f32 v26, v26;
	v27 =	vmul.f32 v27, v27  }
0x1d4: {  	s1 =	sor.u32 $0x70, s30;
	v34 =	vld.idx.msk [tilespmem:v18+s10+$0x0 ss:$0x1], $0xffff;
	v44 =	vmov s3;
	v36 =	vmul.f32 v36, v36;
	v37 =	vmul.f32 v37, v37  }
0x1d5: {  	s16 =	sor.u32 $0x50, s22;
	v43 =	vld.idx.msk [tilespmem:v18+s1+$0x0 ss:$0x1], $0xffff;
	v40 =	vmul.f32 v40, v40;
	v41 =	vmul.f32 v41, v41;
	v20 =	vadd.f32 v21, v20  }
0x1d6: {  	s19 =	sor.u32 $0x70, s22;
	v63 =	vadd.f32 v23, v22;
	v45 =	vmul.f32 v28, v28;
	v28 =	vld.idx.msk [tilespmem:v18+s16+$0x0 ss:$0x1], $0xffff;
	v46 =	vmul.f32 v29, v29  }
0x1d7: {  	v24 =	vadd.f32 v25, v24;
	v47 =	vmul.f32 v30, v30;
	v51 =	vmul.f32 v33, v33;
	v33 =	vld.idx.msk [tilespmem:v18+s19+$0x0 ss:$0x1], $0xffff  }
0x1d8: {  	s21 =	sor.u32 $0x10, s30;
	v26 =	vadd.f32 v27, v26;
	v48 =	vmul.f32 v31, v31;
	v53 =	vmul.f32 v35, v35;
	v35 =	vld.idx.msk [tilespmem:v18+s30+$0x0 ss:$0x1], $0xffff  }
0x1d9: {  	s23 =	sor.u32 $0x20, s30;
	v50 =	vmul.f32 v32, v32;
	v52 =	vmul.f32 v34, v34;
	v29 =	vld.idx.msk [tilespmem:v18+s21+$0x0 ss:$0x1], $0xffff;
	v30 =	vmov s20  }
0x1da: {  	s24 =	sor.u32 $0x30, s30;
	[dreg:$0x1b] =	wrdreg s8;
	s8 =	sor.u32 $0x5, s26;
	v32 =	vld.idx.msk [tilespmem:v18+s23+$0x0 ss:$0x1], $0xffff;
	v20 =	vadd.f32 v63, v20;
	v55 =	vadd.f32 v26, v24;
	v24 =	vor.u32 v61, v60  }
0x1db: {  	s29 =	sor.u32 $0x60, s30;
	[smem:$0x7F6] =	sst s28;
	s28 =	sshll.u32 s8, $0x7;
	v26 =	vld.idx.msk [tilespmem:v18+s24+$0x0 ss:$0x1], $0xffff;
	v63 =	vand.u32 $0x79, v49;
	v49 =	vshll.u32 v49, $0x1;
	v22 =	vadd.f32 v46, v45  }
0x1dc: {  	[smem:$0x7F0] =	sst s14;
	s14 =	sor.u32 $0x30, s28;
	v61 =	vmul.f32 v43, v43;
	v54 =	vadd.f32 v48, v47;
	v25 =	vadd.f32 v51, v50;
	v48 =	vld.idx.msk [tilespmem:v18+s29+$0x0 ss:$0x1], $0xffff  }
0x1dd: {  	[smem:$0x7F9] =	sst s29;
	v27 =	vadd.f32 v53, v52;
	s29 =	sshll.u32 s3, $0x7;
	v50 =	vmul.f32 v38, v38;
	v23 =	vand.u32 $0x100, v49;
	v49 =	vld.idx.msk [tilespmem:v18+s14+$0x0 ss:$0x1], $0xffff  }
0x1de: {  	[dreg:$0x1c] =	wrdreg s16;
	v51 =	vmul.f32 v39, v39;
	v53 =	vadd.f32 v37, v36;
	v20 =	vadd.f32 v55, v20;
	v52 =	vld.idx.msk [tilespmem:v18+s29+$0x0 ss:$0x1], $0xffff;
	s16 =	sor.u32 $0x10, s29  }
0x1df: {  	[dreg:$0x14] =	wrdreg s4;
	s20 =	sor.u32 $0x20, s29;
	v22 =	vadd.f32 v54, v22;
	v58 =	vadd.f32 v27, v25;
	v28 =	vmul.f32 v28, v28;
	v45 =	vld.idx.msk [tilespmem:v18+s16+$0x0 ss:$0x1], $0xffff  }
0x1e0: {  	[dreg:$0x1d] =	wrdreg s1;
	s1 =	sor.u32 $0x30, s29;
	v46 =	vld.idx.msk [tilespmem:v18+s20+$0x0 ss:$0x1], $0xffff;
	v31 =	vadd.f32 v51, v50;
	v25 =	vmul.f32 v59, v59;
	v27 =	vmul.f32 v62, v62  }
0x1e1: {  	[dreg:$0x12] =	wrdreg s5;
	s4 =	sor.u32 $0x40, s29;
	v54 =	vld.idx.msk [tilespmem:v18+s1+$0x0 ss:$0x1], $0xffff;
	v62 =	vand.u32 $0x7A, v42;
	v33 =	vmul.f32 v33, v33;
	v56 =	vmul.f32 v35, v35  }
0x1e2: {  	[smem:$0x7EA] =	sst s12;
	s5 =	sor.u32 $0x50, s29;
	v55 =	vld.idx.msk [tilespmem:v18+s4+$0x0 ss:$0x1], $0xffff;
	v42 =	vshll.u32 v42, $0x1;
	v29 =	vmul.f32 v29, v29;
	v32 =	vmul.f32 v32, v32  }
0x1e3: {  	[dreg:$0x1f] =	wrdreg s7;
	s7 =	sor.u32 $0x70, s29;
	v57 =	vld.idx.msk [tilespmem:v18+s5+$0x0 ss:$0x1], $0xffff;
	v47 =	vand.u32 $0x100, v42;
	v21 =	vadd.f32 v58, v22;
	v22 =	vor.u32 v23, v63  }
0x1e4: {  	[smem:$0x7ED] =	sst s6;
	s6 =	sor.u32 $0x60, s29;
	v59 =	vld.idx.msk [tilespmem:v18+s7+$0x0 ss:$0x1], $0xffff;
	v23 =	vor.u32 v17, v24;
	v28 =	vadd.f32 v28, v40;
	v24 =	vadd.f32 v31, v53  }
0x1e5: {  	[smem:$0x7FC] =	sst s7;
	s7 =	sor.u32 $0x10, s28;
	v26 =	vmul.f32 v26, v26;
	v58 =	vld.idx.msk [tilespmem:v18+s6+$0x0 ss:$0x1], $0xffff;
	v40 =	vmov s8;
	v25 =	vadd.f32 v27, v25  }
0x1e6: {  	[smem:$0x7EE] =	sst s13;
	v63 =	vld.idx.msk [tilespmem:v18+s7+$0x0 ss:$0x1], $0xffff;
	v31 =	vor.u32 v47, v62;
	v22 =	vor.u32 v17, v22;
	v33 =	vadd.f32 v33, v41  }
0x1e7: {  	[dreg:$0x19] =	wrdreg s17;
	s17 =	sor.u32 $0x40, s28;
	v60 =	vmul.f32 v48, v48;
	v41 =	vld.idx.msk [tilespmem:v18+s28+$0x0 ss:$0x1], $0xffff;
	v29 =	vadd.f32 v29, v56;
	v47 =	vmul.f32 v49, v49  }
0x1e8: {  	[smem:$0x7F2] =	sst s1;
	s1 =	sor.u32 $0x50, s28;
	[tilespmem:s18+$0x16C00] =	vst v20;
	v20 =	vand.u32 $0x7D, v40;
	v31 =	vor.u32 v17, v31;
	v48 =	vmul.f32 v52, v52;
	v52 =	vld.idx.msk [tilespmem:v18+s17+$0x0 ss:$0x1], $0xffff  }
0x1e9: {  	s12 =	sor.u32 $0x6, s26;
	[dreg:$0x18] =	wrdreg s9;
	s9 =	sor.u32 $0x60, s28;
	v26 =	vadd.f32 v26, v32;
	v53 =	vmul.f32 v54, v54;
	v54 =	vmul.f32 v55, v55;
	v55 =	vld.idx.msk [tilespmem:v18+s1+$0x0 ss:$0x1], $0xffff  }
0x1ea: {  	s13 =	sor.u32 $0x7, s26;
	[smem:$0x7F4] =	sst s25;
	s25 =	sshll.u32 s12, $0x7;
	v28 =	vadd.f32 v33, v28;
	v50 =	vmul.f32 v45, v45;
	v56 =	vmul.f32 v57, v57;
	v57 =	vld.idx.msk [tilespmem:v18+s9+$0x0 ss:$0x1], $0xffff  }
0x1eb: {  	[smem:$0x7F1] =	sst s24;
	s24 =	sshll.u32 s13, $0x7;
	s3 =	sor.u32 $0x10, s25;
	v43 =	vadd.f32 v61, v60;
	v51 =	vmul.f32 v46, v46;
	v38 =	vmul.f32 v59, v59;
	v60 =	vld.idx.msk [tilespmem:v18+s25+$0x0 ss:$0x1], $0xffff  }
0x1ec: {  	[smem:$0x7E9] =	sst s2;
	s2 =	sor.u32 $0x20, s24;
	v45 =	vmov s12;
	v59 =	vshll.u32 v30, $0x1;
	v30 =	vand.u32 $0x7B, v30;
	v61 =	vld.idx.msk [tilespmem:v18+s3+$0x0 ss:$0x1], $0xffff  }
0x1ed: {  	[smem:$0x7FB] =	sst s9;
	s9 =	sor.u32 $0x50, s24;
	v26 =	vadd.f32 v26, v29;
	v42 =	vand.u32 $0x100, v59;
	v59 =	vld.idx.msk [tilespmem:v18+s2+$0x0 ss:$0x1], $0xffff;
	v24 =	vadd.f32 v28, v24  }
0x1ee: {  	s11 =	sor.u32 $0x20, s28;
	v46 =	vld.idx.msk [tilespmem:v18+s9+$0x0 ss:$0x1], $0xffff;
	v25 =	vadd.f32 v43, v25;
	v33 =	vmul.f32 v58, v58;
	v27 =	vadd.f32 v50, v48  }
0x1ef: {  	[dreg:$0x15] =	wrdreg s10;
	s10 =	sor.u32 $0x70, s28;
	v28 =	vld.idx.msk [tilespmem:v18+s11+$0x0 ss:$0x1], $0xffff;
	v34 =	vadd.f32 v53, v51;
	v32 =	vmul.f32 v63, v63;
	v30 =	vor.u32 v42, v30  }
0x1f0: {  	[smem:$0x7F7] =	sst s5;
	s5 =	sor.u32 $0x20, s25;
	v58 =	vld.idx.msk [tilespmem:v18+s10+$0x0 ss:$0x1], $0xffff;
	v53 =	vshll.u32 v44, $0x1;
	v42 =	vmov s13;
	v44 =	vand.u32 $0x7C, v44  }
0x1f1: {  	s8 =	sor.u32 $0x30, s25;
	v63 =	vld.idx.msk [tilespmem:v18+s5+$0x0 ss:$0x1], $0xffff;
	v62 =	vmul.f32 v41, v41;
	v25 =	vadd.f32 v25, v26;
	v26 =	vadd.f32 v56, v54  }
0x1f2: {  	[smem:$0x7FD] =	sst s10;
	v48 =	vld.idx.msk [tilespmem:v18+s8+$0x0 ss:$0x1], $0xffff;
	s10 =	sor.u32 $0x40, s25;
	v33 =	vadd.f32 v38, v33;
	v27 =	vadd.f32 v34, v27;
	v49 =	vmul.f32 v52, v52  }
0x1f3: {  	[smem:$0x7F3] =	sst s15;
	s15 =	sor.u32 $0x50, s25;
	[tilespmem:s0+$0x16C00] =	vst v21;
	v50 =	vld.idx.msk [tilespmem:v18+s10+$0x0 ss:$0x1], $0xffff;
	v34 =	vand.u32 $0x100, v53;
	v53 =	vand.u32 $0x7E, v45;
	v37 =	vmul.f32 v55, v55  }
0x1f4: {  	[dreg:$0x17] =	wrdreg s19;
	s19 =	sor.u32 $0x60, s25;
	v52 =	vld.idx.msk [tilespmem:v18+s15+$0x0 ss:$0x1], $0xffff;
	v51 =	vmul.f32 v57, v57;
	v32 =	vadd.f32 v32, v62;
	v36 =	vmul.f32 v60, v60  }
0x1f5: {  	[smem:$0x7EF] =	sst s23;
	s23 =	simm.s32 $0x1D400;
	v54 =	vld.idx.msk [tilespmem:v18+s19+$0x0 ss:$0x1], $0xffff;
	v57 =	vmul.f32 v61, v61;
	v34 =	vor.u32 v34, v44;
	v26 =	vadd.f32 v33, v26  }
0x1f6: {  	[smem:$0x7EB] =	sst s21;
	s21 =	sor.u32 $0x70, s25;
	v21 =	vld.idx.msk [tilespmem:v22+s23+$0x0], $0xffff;
	v28 =	vmul.f32 v28, v28;
	v29 =	vmul.f32 v58, v58;
	v37 =	vadd.f32 v37, v49  }
0x1f7: {  	v55 =	vld.idx.msk [tilespmem:v18+s21+$0x0 ss:$0x1], $0xffff;
	v41 =	vmul.f32 v63, v63;
	v39 =	vmul.f32 v48, v48;
	v36 =	vadd.f32 v57, v36  }
0x1f8: {  	[smem:$0x7F5] =	sst s4;
	s4 =	sor.u32 $0x30, s24;
	v56 =	vld.idx.msk [tilespmem:v18+s24+$0x0 ss:$0x1], $0xffff;
	v63 =	vshll.u32 v40, $0x1;
	v26 =	vadd.f32 v26, v27;
	v60 =	vmul.f32 v50, v50  }
0x1f9: {  	[smem:$0x7FA] =	sst s6;
	s6 =	sor.u32 $0x40, s24;
	v61 =	vld.idx.msk [tilespmem:v18+s4+$0x0 ss:$0x1], $0xffff;
	v50 =	vor.u32 v17, v30;
	v28 =	vadd.f32 v47, v28;
	v27 =	vadd.f32 v29, v51  }
0x1fa: {  	[smem:$0x7F8] =	sst s1;
	s1 =	sor.u32 $0x10, s24;
	v62 =	vld.idx.msk [tilespmem:v18+s6+$0x0 ss:$0x1], $0xffff;
	v35 =	vmul.f32 v52, v52;
	v33 =	vmul.f32 v54, v54;
	v39 =	vadd.f32 v39, v41  }
0x1fb: {  	s12 =	sor.u32 $0x60, s24;
	v58 =	vld.idx.msk [tilespmem:v18+s1+$0x0 ss:$0x1], $0xffff;
	v47 =	vand.u32 $0x100, v63;
	v51 =	vor.u32 v17, v34;
	v54 =	vshll.u32 v45, $0x1  }
0x1fc: {  	s13 =	sor.u32 $0x70, s24;
	v48 =	vld.idx.msk [tilespmem:v18+s12+$0x0 ss:$0x1], $0xffff;
	v45 =	vand.u32 $0x7F, v42;
	v29 =	vmul.f32 v55, v55;
	v40 =	vor.u32 v47, v20  }
0x1fd: {  	[tilespmem:s22+$0x16C00] =	vst v24;
	v49 =	vld.idx.msk [tilespmem:v18+s13+$0x0 ss:$0x1], $0xffff;
	v55 =	vmul.f32 v59, v59;
	v22 =	vand.u32 $0x100, v54;
	v28 =	vadd.f32 v28, v32  }
0x1fe: {  	v57 =	vld.idx.msk [tilespmem:v19+s0+$0x0 ss:$0x1], $0xffff;
	v27 =	vadd.f32 v27, v37;
	v36 =	vadd.f32 v39, v36;
	v32 =	vmul.f32 v56, v56  }
0x1ff: {  	v52 =	vld.idx.msk [tilespmem:v19+s18+$0x0 ss:$0x1], $0xffff;
	v56 =	vmul.f32 v61, v61;
	v34 =	vor.u32 v22, v53;
	v63 =	vor.u32 v17, v40  }
0x200: {  	[tilespmem:s30+$0x16C00] =	vst v25;
	v20 =	vld.idx.msk [tilespmem:v23+s23+$0x0], $0xffff;
	v40 =	vshll.u32 v42, $0x1;
	v29 =	vadd.f32 v29, v33;
	v38 =	vmul.f32 v58, v58  }
0x201: {  	v41 =	vld.idx.msk [tilespmem:v19+s30+$0x0 ss:$0x1], $0xffff;
	v58 =	vmul.f32 v62, v62;
	v59 =	vmul.f32 v48, v48;
	v44 =	vor.u32 v17, v34  }
0x202: {  	[tilespmem:s29+$0x16C00] =	vst v26;
	v22 =	vld.idx.msk [tilespmem:v31+s23+$0x0], $0xffff;
	v24 =	vand.u32 $0x100, v40;
	v27 =	vadd.f32 v27, v28;
	v28 =	vadd.f32 v35, v60  }
0x203: {  	v62 =	vld.idx.msk [tilespmem:v19+s22+$0x0 ss:$0x1], $0xffff;
	v35 =	vmul.f32 v46, v46;
	v60 =	vmul.f32 v49, v49;
	v61 =	vadd.f32 v56, v55  }
0x204: {  	v23 =	vld.idx.msk [tilespmem:v50+s23+$0x0], $0xffff;
	v47 =	vor.u32 v24, v45;
	v32 =	vadd.f32 v38, v32;
	v28 =	vadd.f32 v29, v28  }
0x205: {  	v49 =	vld.idx.msk [tilespmem:v19+s29+$0x0 ss:$0x1], $0xffff;
	v25 =	vadd.f32 v35, v58;
	v31 =	vadd.f32 v60, v59;
	v29 =	vmul.f32 v52, v20  }
0x206: {  	v24 =	vld.idx.msk [tilespmem:v51+s23+$0x0], $0xffff;
	[tilespmem:s28+$0x16C00] =	vst v27;
	v48 =	vadd.f32 v61, v32;
	v46 =	vadd.f32 v28, v36  }
0x207: {  	v51 =	vld.idx.msk [tilespmem:v19+s28+$0x0 ss:$0x1], $0xffff;
	v31 =	vadd.f32 v31, v25;
	v28 =	vor.u32 v17, v47;
	[tilespmem:v19+s18+$0x0 ss:$0x1] =	vst.idx.msk $0xffff, v29  }
0x208: {  	v25 =	vld.idx.msk [tilespmem:v63+s23+$0x0], $0xffff;
	v54 =	vmul.f32 v62, v22;
	s18 =	sld [smem:$0x7E8];
	[tilespmem:s25+$0x16C00] =	vst v46  }
0x209: {  	v50 =	vadd.f32 v31, v48;
	v26 =	vld.idx.msk [tilespmem:v44+s23+$0x0], $0xffff  }
0x20a: {  	v53 =	vmul.f32 v57, v21;
	[tilespmem:v19+s22+$0x0 ss:$0x1] =	vst.idx.msk $0xffff, v54;
	v52 =	vld.idx.msk [tilespmem:v19+s25+$0x0 ss:$0x1], $0xffff  }
0x20b: {  	v33 =	vmul.f32 v41, v23;
	s22 =	sld [smem:$0x7E9];
	v56 =	vld.idx.msk [tilespmem:v19+s18+$0x0 ss:$0x1], $0xffff;
	[tilespmem:s24+$0x16C00] =	vst v50  }
0x20c: {  	[tilespmem:v19+s0+$0x0 ss:$0x1] =	vst.idx.msk $0xffff, v53;
	v32 =	vmul.f32 v49, v24;
	v27 =	vld.idx.msk [tilespmem:v28+s23+$0x0], $0xffff  }
0x20d: {  	[tilespmem:v19+s30+$0x0 ss:$0x1] =	vst.idx.msk $0xffff, v33;
	s30 =	sld [smem:$0x7EB];
	v55 =	vld.idx.msk [tilespmem:v19+s24+$0x0 ss:$0x1], $0xffff  }
0x20e: {  	[tilespmem:v19+s29+$0x0 ss:$0x1] =	vst.idx.msk $0xffff, v32;
	v57 =	vld.idx.msk [tilespmem:v19+s22+$0x0 ss:$0x1], $0xffff;
	s23 =	sld [smem:$0x7EA]  }
0x20f: {  	v30 =	vmul.f32 v51, v25;
	v60 =	vld.idx.msk [tilespmem:v19+s16+$0x0 ss:$0x1], $0xffff  }
0x210: {  	v59 =	vld.idx.msk [tilespmem:v19+s30+$0x0 ss:$0x1], $0xffff;
	v31 =	vmul.f32 v52, v26  }
0x211: {  	[tilespmem:v19+s28+$0x0 ss:$0x1] =	vst.idx.msk $0xffff, v30;
	v58 =	vld.idx.msk [tilespmem:v19+s23+$0x0 ss:$0x1], $0xffff;
	v61 =	vmul.f32 v56, v20  }
0x212: {  	v29 =	vmul.f32 v55, v27;
	[tilespmem:v19+s25+$0x0 ss:$0x1] =	vst.idx.msk $0xffff, v31  }
0x213: {  	v28 =	vmul.f32 v57, v21;
	[tilespmem:v19+s18+$0x0 ss:$0x1] =	vst.idx.msk $0xffff, v61;
	s25 =	sld [smem:$0x7EC];
	v63 =	vld.idx.msk [tilespmem:v19+s3+$0x0 ss:$0x1], $0xffff  }
0x214: {  	s28 =	sld [smem:$0x7ED];
	v62 =	vld.idx.msk [tilespmem:v19+s7+$0x0 ss:$0x1], $0xffff;
	v30 =	vmul.f32 v60, v24;
	[tilespmem:v19+s24+$0x0 ss:$0x1] =	vst.idx.msk $0xffff, v29  }
0x215: {  	v32 =	vmul.f32 v59, v23;
	[tilespmem:v19+s22+$0x0 ss:$0x1] =	vst.idx.msk $0xffff, v28;
	v37 =	vld.idx.msk [tilespmem:v19+s1+$0x0 ss:$0x1], $0xffff  }
0x216: {  	s29 =	sld [smem:$0x7EE];
	[tilespmem:v19+s16+$0x0 ss:$0x1] =	vst.idx.msk $0xffff, v30;
	v36 =	vmul.f32 v58, v22;
	v38 =	vld.idx.msk [tilespmem:v19+s25+$0x0 ss:$0x1], $0xffff  }
0x217: {  	v39 =	vld.idx.msk [tilespmem:v19+s28+$0x0 ss:$0x1], $0xffff;
	[tilespmem:v19+s30+$0x0 ss:$0x1] =	vst.idx.msk $0xffff, v32;
	s30 =	sld [smem:$0x7EF]  }
0x218: {  	v42 =	vld.idx.msk [tilespmem:v19+s20+$0x0 ss:$0x1], $0xffff;
	[tilespmem:v19+s23+$0x0 ss:$0x1] =	vst.idx.msk $0xffff, v36;
	v29 =	vmul.f32 v63, v26  }
0x219: {  	v34 =	vmul.f32 v62, v25;
	v40 =	vld.idx.msk [tilespmem:v19+s29+$0x0 ss:$0x1], $0xffff  }
0x21a: {  	v41 =	vld.idx.msk [tilespmem:v19+s30+$0x0 ss:$0x1], $0xffff;
	v33 =	vmul.f32 v37, v27;
	[tilespmem:v19+s3+$0x0 ss:$0x1] =	vst.idx.msk $0xffff, v29  }
0x21b: {  	s18 =	sld [smem:$0x7F0];
	[tilespmem:v19+s7+$0x0 ss:$0x1] =	vst.idx.msk $0xffff, v34;
	v28 =	vmul.f32 v38, v20;
	v44 =	vld.idx.msk [tilespmem:v19+s5+$0x0 ss:$0x1], $0xffff  }
0x21c: {  	s23 =	sld [smem:$0x7F2];
	v43 =	vld.idx.msk [tilespmem:v19+s11+$0x0 ss:$0x1], $0xffff;
	v31 =	vmul.f32 v39, v21;
	[tilespmem:v19+s1+$0x0 ss:$0x1] =	vst.idx.msk $0xffff, v33  }
0x21d: {  	s3 =	rddreg [dreg:$0x1e];
	v34 =	vmul.f32 v42, v24;
	[tilespmem:v19+s25+$0x0 ss:$0x1] =	vst.idx.msk $0xffff, v28;
	v46 =	vld.idx.msk [tilespmem:v19+s2+$0x0 ss:$0x1], $0xffff  }
0x21e: {  	s7 =	rddreg [dreg:$0x1f];
	[tilespmem:v19+s28+$0x0 ss:$0x1] =	vst.idx.msk $0xffff, v31;
	v45 =	vmul.f32 v40, v22;
	v47 =	vld.idx.msk [tilespmem:v19+s3+$0x0 ss:$0x1], $0xffff  }
0x21f: {  	s22 =	sld [smem:$0x7F1];
	[tilespmem:v19+s20+$0x0 ss:$0x1] =	vst.idx.msk $0xffff, v34;
	v30 =	vmul.f32 v41, v23;
	v48 =	vld.idx.msk [tilespmem:v19+s7+$0x0 ss:$0x1], $0xffff  }
0x220: {  	v51 =	vld.idx.msk [tilespmem:v19+s23+$0x0 ss:$0x1], $0xffff;
	[tilespmem:v19+s29+$0x0 ss:$0x1] =	vst.idx.msk $0xffff, v45;
	v33 =	vmul.f32 v44, v26  }
0x221: {  	v29 =	vmul.f32 v43, v25;
	[tilespmem:v19+s30+$0x0 ss:$0x1] =	vst.idx.msk $0xffff, v30;
	v49 =	vld.idx.msk [tilespmem:v19+s18+$0x0 ss:$0x1], $0xffff  }
0x222: {  	v50 =	vld.idx.msk [tilespmem:v19+s22+$0x0 ss:$0x1], $0xffff;
	v32 =	vmul.f32 v46, v27;
	[tilespmem:v19+s5+$0x0 ss:$0x1] =	vst.idx.msk $0xffff, v33  }
0x223: {  	s24 =	rddreg [dreg:$0x1a];
	[tilespmem:v19+s11+$0x0 ss:$0x1] =	vst.idx.msk $0xffff, v29;
	v31 =	vmul.f32 v47, v20;
	v53 =	vld.idx.msk [tilespmem:v19+s8+$0x0 ss:$0x1], $0xffff  }
0x224: {  	s25 =	rddreg [dreg:$0x1b];
	v52 =	vld.idx.msk [tilespmem:v19+s14+$0x0 ss:$0x1], $0xffff;
	v28 =	vmul.f32 v48, v21;
	[tilespmem:v19+s2+$0x0 ss:$0x1] =	vst.idx.msk $0xffff, v32  }
0x225: {  	s30 =	sld [smem:$0x7F5];
	v29 =	vmul.f32 v51, v24;
	[tilespmem:v19+s3+$0x0 ss:$0x1] =	vst.idx.msk $0xffff, v31;
	v54 =	vld.idx.msk [tilespmem:v19+s4+$0x0 ss:$0x1], $0xffff  }
0x226: {  	s28 =	sld [smem:$0x7F3];
	[tilespmem:v19+s7+$0x0 ss:$0x1] =	vst.idx.msk $0xffff, v28;
	v30 =	vmul.f32 v49, v22;
	v55 =	vld.idx.msk [tilespmem:v19+s24+$0x0 ss:$0x1], $0xffff  }
0x227: {  	s29 =	sld [smem:$0x7F4];
	[tilespmem:v19+s23+$0x0 ss:$0x1] =	vst.idx.msk $0xffff, v29;
	v34 =	vmul.f32 v50, v23;
	v56 =	vld.idx.msk [tilespmem:v19+s25+$0x0 ss:$0x1], $0xffff  }
0x228: {  	v59 =	vld.idx.msk [tilespmem:v19+s30+$0x0 ss:$0x1], $0xffff;
	[tilespmem:v19+s18+$0x0 ss:$0x1] =	vst.idx.msk $0xffff, v30;
	v32 =	vmul.f32 v53, v26  }
0x229: {  	v33 =	vmul.f32 v52, v25;
	[tilespmem:v19+s22+$0x0 ss:$0x1] =	vst.idx.msk $0xffff, v34;
	v57 =	vld.idx.msk [tilespmem:v19+s28+$0x0 ss:$0x1], $0xffff  }
0x22a: {  	v58 =	vld.idx.msk [tilespmem:v19+s29+$0x0 ss:$0x1], $0xffff;
	v31 =	vmul.f32 v54, v27;
	[tilespmem:v19+s8+$0x0 ss:$0x1] =	vst.idx.msk $0xffff, v32  }
0x22b: {  	[tilespmem:v19+s14+$0x0 ss:$0x1] =	vst.idx.msk $0xffff, v33;
	v28 =	vmul.f32 v55, v20;
	v61 =	vld.idx.msk [tilespmem:v19+s10+$0x0 ss:$0x1], $0xffff  }
0x22c: {  	s1 =	rddreg [dreg:$0x16];
	v30 =	vmul.f32 v56, v21;
	[tilespmem:v19+s4+$0x0 ss:$0x1] =	vst.idx.msk $0xffff, v31  }
0x22d: {  	s2 =	rddreg [dreg:$0x18];
	v60 =	vld.idx.msk [tilespmem:v19+s17+$0x0 ss:$0x1], $0xffff;
	v33 =	vmul.f32 v59, v24;
	[tilespmem:v19+s24+$0x0 ss:$0x1] =	vst.idx.msk $0xffff, v28  }
0x22e: {  	s7 =	sld [smem:$0x7F6];
	[tilespmem:v19+s25+$0x0 ss:$0x1] =	vst.idx.msk $0xffff, v30;
	v62 =	vmul.f32 v57, v22;
	v63 =	vld.idx.msk [tilespmem:v19+s6+$0x0 ss:$0x1], $0xffff  }
0x22f: {  	s8 =	sld [smem:$0x7F7];
	[tilespmem:v19+s30+$0x0 ss:$0x1] =	vst.idx.msk $0xffff, v33;
	v36 =	vld.idx.msk [tilespmem:v19+s1+$0x0 ss:$0x1], $0xffff;
	v29 =	vmul.f32 v58, v23  }
0x230: {  	s4 =	rddreg [dreg:$0x1c];
	v37 =	vld.idx.msk [tilespmem:v19+s2+$0x0 ss:$0x1], $0xffff;
	[tilespmem:v19+s28+$0x0 ss:$0x1] =	vst.idx.msk $0xffff, v62;
	v31 =	vmul.f32 v61, v26  }
0x231: {  	[tilespmem:v19+s29+$0x0 ss:$0x1] =	vst.idx.msk $0xffff, v29;
	v38 =	vld.idx.msk [tilespmem:v19+s4+$0x0 ss:$0x1], $0xffff  }
0x232: {  	v32 =	vmul.f32 v60, v25;
	v40 =	vld.idx.msk [tilespmem:v19+s8+$0x0 ss:$0x1], $0xffff;
	[tilespmem:v19+s10+$0x0 ss:$0x1] =	vst.idx.msk $0xffff, v31;
	s10 =	sld [smem:$0x7F8]  }
0x233: {  	v39 =	vld.idx.msk [tilespmem:v19+s7+$0x0 ss:$0x1], $0xffff;
	v34 =	vmul.f32 v63, v27  }
0x234: {  	s16 =	rddreg [dreg:$0x19];
	[tilespmem:v19+s17+$0x0 ss:$0x1] =	vst.idx.msk $0xffff, v32;
	v30 =	vmul.f32 v36, v20;
	v42 =	vld.idx.msk [tilespmem:v19+s15+$0x0 ss:$0x1], $0xffff  }
0x235: {  	s11 =	rddreg [dreg:$0x14];
	v28 =	vmul.f32 v37, v21;
	[tilespmem:v19+s6+$0x0 ss:$0x1] =	vst.idx.msk $0xffff, v34;
	v41 =	vld.idx.msk [tilespmem:v19+s10+$0x0 ss:$0x1], $0xffff  }
0x236: {  	s14 =	rddreg [dreg:$0x15];
	[tilespmem:v19+s1+$0x0 ss:$0x1] =	vst.idx.msk $0xffff, v30;
	v29 =	vmul.f32 v38, v22;
	v43 =	vld.idx.msk [tilespmem:v19+s9+$0x0 ss:$0x1], $0xffff  }
0x237: {  	s18 =	sld [smem:$0x7FA];
	v32 =	vmul.f32 v40, v24;
	[tilespmem:v19+s2+$0x0 ss:$0x1] =	vst.idx.msk $0xffff, v28;
	v44 =	vld.idx.msk [tilespmem:v19+s11+$0x0 ss:$0x1], $0xffff  }
0x238: {  	s17 =	sld [smem:$0x7F9];
	v33 =	vmul.f32 v39, v23;
	v45 =	vld.idx.msk [tilespmem:v19+s14+$0x0 ss:$0x1], $0xffff;
	[tilespmem:v19+s4+$0x0 ss:$0x1] =	vst.idx.msk $0xffff, v29  }
0x239: {  	[tilespmem:v19+s8+$0x0 ss:$0x1] =	vst.idx.msk $0xffff, v32;
	v46 =	vld.idx.msk [tilespmem:v19+s16+$0x0 ss:$0x1], $0xffff;
	v34 =	vmul.f32 v42, v26  }
0x23a: {  	s20 =	sld [smem:$0x7FB];
	v48 =	vld.idx.msk [tilespmem:v19+s18+$0x0 ss:$0x1], $0xffff;
	[tilespmem:v19+s7+$0x0 ss:$0x1] =	vst.idx.msk $0xffff, v33;
	v31 =	vmul.f32 v41, v25  }
0x23b: {  	v47 =	vld.idx.msk [tilespmem:v19+s17+$0x0 ss:$0x1], $0xffff;
	v30 =	vmul.f32 v43, v27;
	[tilespmem:v19+s15+$0x0 ss:$0x1] =	vst.idx.msk $0xffff, v34  }
0x23c: {  	v28 =	vmul.f32 v44, v20;
	v50 =	vld.idx.msk [tilespmem:v19+s19+$0x0 ss:$0x1], $0xffff;
	[tilespmem:v19+s10+$0x0 ss:$0x1] =	vst.idx.msk $0xffff, v31  }
0x23d: {  	v29 =	vmul.f32 v45, v21;
	[tilespmem:v19+s9+$0x0 ss:$0x1] =	vst.idx.msk $0xffff, v30;
	v49 =	vld.idx.msk [tilespmem:v19+s20+$0x0 ss:$0x1], $0xffff  }
0x23e: {  	s22 =	rddreg [dreg:$0x12];
	[tilespmem:v19+s11+$0x0 ss:$0x1] =	vst.idx.msk $0xffff, v28;
	v51 =	vmul.f32 v46, v22;
	v52 =	vld.idx.msk [tilespmem:v19+s12+$0x0 ss:$0x1], $0xffff  }
0x23f: {  	s24 =	rddreg [dreg:$0x17];
	[tilespmem:v19+s14+$0x0 ss:$0x1] =	vst.idx.msk $0xffff, v29;
	v31 =	vmul.f32 v48, v24;
	v53 =	vld.idx.msk [tilespmem:v19+s22+$0x0 ss:$0x1], $0xffff  }
0x240: {  	s28 =	sld [smem:$0x7FC];
	v32 =	vmul.f32 v47, v23;
	[tilespmem:v19+s16+$0x0 ss:$0x1] =	vst.idx.msk $0xffff, v51  }
0x241: {  	s23 =	rddreg [dreg:$0x13];
	[tilespmem:v19+s18+$0x0 ss:$0x1] =	vst.idx.msk $0xffff, v31;
	v55 =	vld.idx.msk [tilespmem:v19+s24+$0x0 ss:$0x1], $0xffff;
	v30 =	vmul.f32 v50, v26  }
0x242: {  	s25 =	rddreg [dreg:$0x1d];
	v54 =	vld.idx.msk [tilespmem:v19+s23+$0x0 ss:$0x1], $0xffff;
	[tilespmem:v19+s17+$0x0 ss:$0x1] =	vst.idx.msk $0xffff, v32;
	v34 =	vmul.f32 v49, v25  }
0x243: {  	s29 =	sld [smem:$0x7FD];
	v57 =	vld.idx.msk [tilespmem:v19+s28+$0x0 ss:$0x1], $0xffff;
	v33 =	vmul.f32 v52, v27;
	[tilespmem:v19+s19+$0x0 ss:$0x1] =	vst.idx.msk $0xffff, v30  }
0x244: {  	v56 =	vld.idx.msk [tilespmem:v19+s25+$0x0 ss:$0x1], $0xffff;
	v20 =	vmul.f32 v53, v20;
	[tilespmem:v19+s20+$0x0 ss:$0x1] =	vst.idx.msk $0xffff, v34  }
0x245: {  	v59 =	vld.idx.msk [tilespmem:v19+s21+$0x0 ss:$0x1], $0xffff;
	[tilespmem:v19+s12+$0x0 ss:$0x1] =	vst.idx.msk $0xffff, v33  }
0x246: {  	[tilespmem:v19+s22+$0x0 ss:$0x1] =	vst.idx.msk $0xffff, v20;
	v58 =	vld.idx.msk [tilespmem:v19+s29+$0x0 ss:$0x1], $0xffff;
	v20 =	vmul.f32 v55, v22  }
0x247: {  	v21 =	vmul.f32 v54, v21;
	v60 =	vld.idx.msk [tilespmem:v19+s13+$0x0 ss:$0x1], $0xffff  }
0x248: {  	[tilespmem:v19+s24+$0x0 ss:$0x1] =	vst.idx.msk $0xffff, v20;
	v20 =	vmul.f32 v57, v24  }
0x249: {  	p0 =	slt.u32 s26, $0xC0;
	[tilespmem:v19+s23+$0x0 ss:$0x1] =	vst.idx.msk $0xffff, v21;
	v61 =	vmul.f32 v56, v23  }
.Ltmp3:
0x24a: {  	[tilespmem:v19+s28+$0x0 ss:$0x1] =	vst.idx.msk $0xffff, v20;
	v20 =	vmul.f32 v59, v26;
	(pc) =	sbr.rel @p0 .LBB2_9-.Ltmp3, $4  }
0x24b: {  	[tilespmem:v19+s25+$0x0 ss:$0x1] =	vst.idx.msk $0xffff, v61;
	v62 =	vmul.f32 v58, v25  }
0x24c: {  	v63 =	vmul.f32 v60, v27;
	[tilespmem:v19+s21+$0x0 ss:$0x1] =	vst.idx.msk $0xffff, v20  }
0x24d: {  	s30 =	sadd.s32 $0x8, s26;
	[tilespmem:v19+s29+$0x0 ss:$0x1] =	vst.idx.msk $0xffff, v62  }
0x24e: {  	s26 =	smov.u32 s30;
	[tilespmem:v19+s13+$0x0 ss:$0x1] =	vst.idx.msk $0xffff, v63  }
0x24f: {  	s6 =	rddreg [dreg:$0xe]  }
0x250: {  	s1 =	rddreg [dreg:$0x6];
	s0 =	sshll.u32 s6, $0x2  }
0x251: {  	s0 =	sadd.s32 s0, s1  }
0x252: {  	s14 =	rddreg [dreg:$0x10];
	s0 =	smul.u32 $0x1C00, s0  }
0x253: {  	s2 =	rddreg [dreg:$0x4];
	s15 =	simm.s32 $0x0  }
0x254: {  	s3 =	simm.s32 $0x0;
	s4 =	rddreg [dreg:$0x11];
	s0 =	sshrl.u32 s0, $0x3  }
0x255: {  	s7 =	rddreg [dreg:$0xf];
	s1 =	sadd.s32 $0x4, s14;
	s2 =	sadd.s32 s2, s0  }
0x256: {  	v17 =	vmov s3;
	[hbm4b:s2+s15] =	stream.linear.scatter [tilespmem:s4], [sflag:s1], $0x1900, $0x38;
	[tilespmem:$0x1D600] =	vst v63  }
0x257: {  	s5 =	sadd.s32 $0x5900, s7;
	v17 =	vshll.u32 v17, $0x7;
	s16 =	sadd.s32 $0x380, s2  }
0x258: {  	v17 =	vor.u32 v0, v17;
	[hbm4b:s16+s15] =	stream.linear.scatter [tilespmem:s5], [sflag:s1], $0x1900, $0x38;
	[tilespmem:$0x1D600] =	vst v63  }
0x259: {  	s18 =	sadd.s32 $0x7200, s7;
	v18 =	vor.u32 $0x1, v17;
	s17 =	sadd.s32 $0x700, s2  }
0x25a: {  	v19 =	vor.u32 $0x2, v17;
	[hbm4b:s17+s15] =	stream.linear.scatter [tilespmem:s18], [sflag:s1], $0x1900, $0x38;
	[tilespmem:$0x1D600] =	vst v63  }
0x25b: {  	s19 =	sadd.s32 $0x8B00, s7;
	v20 =	vor.u32 $0x3, v17;
	s2 =	sadd.s32 $0xA80, s2  }
0x25c: {  	v21 =	vor.u32 $0x4, v17;
	[hbm4b:s2+s15] =	stream.linear.scatter [tilespmem:s19], [sflag:s1], $0x1900, $0x38;
	[tilespmem:$0x1D600] =	vst v63  }
0x25d: {  	v23 =	vor.u32 $0x5, v17;
	v22 =	vld.idx.msk [tilespmem:v17+s31+$0x0], $0xffff  }
0x25e: {  	v24 =	vor.u32 $0x6, v17;
	v18 =	vld.idx.msk [tilespmem:v18+s31+$0x0], $0xffff  }
0x25f: {  	v25 =	vor.u32 $0x7, v17;
	v19 =	vld.idx.msk [tilespmem:v19+s31+$0x0], $0xffff  }
0x260: {  	v26 =	vor.u32 $0x8, v17;
	v20 =	vld.idx.msk [tilespmem:v20+s31+$0x0], $0xffff  }
0x261: {  	v27 =	vor.u32 $0x9, v17;
	v21 =	vld.idx.msk [tilespmem:v21+s31+$0x0], $0xffff  }
0x262: {  	v28 =	vor.u32 $0xA, v17;
	v23 =	vld.idx.msk [tilespmem:v23+s31+$0x0], $0xffff  }
0x263: {  	s20 =	simm.s32 $0x10;
	v29 =	vor.u32 $0xB, v17;
	v24 =	vld.idx.msk [tilespmem:v24+s31+$0x0], $0xffff  }
0x264: {  	v31 =	vmov s20;
	v30 =	vor.u32 $0xC, v17;
	v25 =	vld.idx.msk [tilespmem:v25+s31+$0x0], $0xffff  }
0x265: {  	v31 =	vshll.u32 v31, $0x7;
	v32 =	vor.u32 $0xD, v17;
	v26 =	vld.idx.msk [tilespmem:v26+s31+$0x0], $0xffff  }
0x266: {  	v31 =	vor.u32 v0, v31;
	v33 =	vor.u32 $0xE, v17;
	v27 =	vld.idx.msk [tilespmem:v27+s31+$0x0], $0xffff  }
0x267: {  	v34 =	vor.u32 $0x1, v31;
	v28 =	vld.idx.msk [tilespmem:v28+s31+$0x0], $0xffff  }
0x268: {  	v35 =	vor.u32 $0x2, v31;
	v29 =	vld.idx.msk [tilespmem:v29+s31+$0x0], $0xffff  }
0x269: {  	v36 =	vor.u32 $0x3, v31;
	v30 =	vld.idx.msk [tilespmem:v30+s31+$0x0], $0xffff  }
0x26a: {  	v37 =	vor.u32 $0x4, v31;
	v32 =	vld.idx.msk [tilespmem:v32+s31+$0x0], $0xffff  }
0x26b: {  	v38 =	vor.u32 $0x5, v31;
	v33 =	vld.idx.msk [tilespmem:v33+s31+$0x0], $0xffff  }
0x26c: {  	v39 =	vor.u32 $0x6, v31;
	v34 =	vld.idx.msk [tilespmem:v34+s31+$0x0], $0xffff  }
0x26d: {  	v40 =	vor.u32 $0x7, v31;
	v35 =	vld.idx.msk [tilespmem:v35+s31+$0x0], $0xffff  }
0x26e: {  	v41 =	vor.u32 $0x8, v31;
	v36 =	vld.idx.msk [tilespmem:v36+s31+$0x0], $0xffff  }
0x26f: {  	v42 =	vor.u32 $0x9, v31;
	v37 =	vld.idx.msk [tilespmem:v37+s31+$0x0], $0xffff  }
0x270: {  	v43 =	vor.u32 $0xA, v31;
	v38 =	vld.idx.msk [tilespmem:v38+s31+$0x0], $0xffff  }
0x271: {  	v44 =	vor.u32 $0xB, v31;
	v39 =	vld.idx.msk [tilespmem:v39+s31+$0x0], $0xffff  }
0x272: {  	v45 =	vor.u32 $0xC, v31;
	v40 =	vld.idx.msk [tilespmem:v40+s31+$0x0], $0xffff  }
0x273: {  	v46 =	vor.u32 $0xD, v31;
	v41 =	vld.idx.msk [tilespmem:v41+s31+$0x0], $0xffff  }
0x274: {  	v47 =	vor.u32 $0xE, v31;
	v42 =	vld.idx.msk [tilespmem:v42+s31+$0x0], $0xffff  }
0x275: {  	s21 =	simm.s32 $0x20;
	v17 =	vor.u32 $0xF, v17;
	v43 =	vld.idx.msk [tilespmem:v43+s31+$0x0], $0xffff  }
0x276: {  	v49 =	vmov s21;
	v48 =	vor.u32 $0xF, v31;
	v44 =	vld.idx.msk [tilespmem:v44+s31+$0x0], $0xffff  }
0x277: {  	v49 =	vshll.u32 v49, $0x7;
	v45 =	vld.idx.msk [tilespmem:v45+s31+$0x0], $0xffff  }
0x278: {  	v49 =	vor.u32 v0, v49;
	v46 =	vld.idx.msk [tilespmem:v46+s31+$0x0], $0xffff  }
0x279: {  	v50 =	vor.u32 $0x1, v49;
	v47 =	vld.idx.msk [tilespmem:v47+s31+$0x0], $0xffff  }
0x27a: {  	v60 =	vor.u32 $0x6, v49;
	v17 =	vld.idx.msk [tilespmem:v17+s31+$0x0], $0xffff  }
0x27b: {  	v63 =	vor.u32 $0xE, v49;
	v18 =	vadd.f32 v18, v22;
	v22 =	vld.idx.msk [tilespmem:v48+s31+$0x0], $0xffff  }
0x27c: {  	v51 =	vor.u32 $0x2, v49;
	v21 =	vadd.f32 v23, v21;
	v23 =	vadd.f32 v25, v24;
	v25 =	vld.idx.msk [tilespmem:v31+s31+$0x0], $0xffff  }
0x27d: {  	v26 =	vadd.f32 v27, v26;
	v27 =	vadd.f32 v29, v28;
	v28 =	vld.idx.msk [tilespmem:v49+s31+$0x0], $0xffff;
	v29 =	vor.u32 $0x5, v49  }
0x27e: {  	v19 =	vadd.f32 v20, v19;
	v20 =	vor.u32 $0x3, v49;
	v31 =	vld.idx.msk [tilespmem:v50+s31+$0x0], $0xffff  }
0x27f: {  	v24 =	vor.u32 $0x4, v49;
	v30 =	vadd.f32 v32, v30;
	v32 =	vld.idx.msk [tilespmem:v60+s31+$0x0], $0xffff;
	v59 =	vadd.f32 v42, v41  }
0x280: {  	v61 =	vor.u32 $0xB, v49;
	v42 =	vld.idx.msk [tilespmem:v63+s31+$0x0], $0xffff;
	v18 =	vadd.f32 v19, v18;
	v19 =	vadd.f32 v23, v21  }
0x281: {  	s22 =	simm.s32 $0x30;
	v62 =	vor.u32 $0xD, v49;
	v21 =	vld.idx.msk [tilespmem:v51+s31+$0x0], $0xffff;
	v26 =	vadd.f32 v27, v26;
	v27 =	vor.u32 $0x8, v49  }
0x282: {  	v18 =	vadd.f32 v19, v18;
	v17 =	vadd.f32 v17, v33;
	v19 =	vld.idx.msk [tilespmem:v29+s31+$0x0], $0xffff;
	v29 =	vmov s22  }
0x283: {  	v23 =	vor.u32 $0x7, v49;
	v20 =	vld.idx.msk [tilespmem:v20+s31+$0x0], $0xffff;
	v29 =	vshll.u32 v29, $0x7  }
0x284: {  	v24 =	vld.idx.msk [tilespmem:v24+s31+$0x0], $0xffff;
	v17 =	vadd.f32 v17, v30;
	v30 =	vor.u32 $0x9, v49;
	v29 =	vor.u32 v0, v29  }
0x285: {  	v33 =	vadd.f32 v36, v35;
	v36 =	vadd.f32 v38, v37;
	v35 =	vld.idx.msk [tilespmem:v61+s31+$0x0], $0xffff;
	v38 =	vor.u32 $0x1, v29  }
0x286: {  	v58 =	vadd.f32 v40, v39;
	v37 =	vld.idx.msk [tilespmem:v62+s31+$0x0], $0xffff;
	v51 =	vor.u32 $0x2, v29;
	v17 =	vadd.f32 v17, v26  }
0x287: {  	v60 =	vadd.f32 v44, v43;
	v25 =	vadd.f32 v34, v25;
	v27 =	vld.idx.msk [tilespmem:v27+s31+$0x0], $0xffff;
	v52 =	vor.u32 $0x3, v29  }
0x288: {  	v61 =	vadd.f32 v46, v45;
	v53 =	vor.u32 $0x4, v29;
	v17 =	vadd.f32 v17, v18;
	v18 =	vld.idx.msk [tilespmem:v23+s31+$0x0], $0xffff  }
0x289: {  	v22 =	vadd.f32 v22, v47;
	v28 =	vadd.f32 v31, v28;
	v54 =	vor.u32 $0x5, v29;
	v30 =	vld.idx.msk [tilespmem:v30+s31+$0x0], $0xffff  }
0x28a: {  	v25 =	vadd.f32 v33, v25;
	v26 =	vor.u32 $0xA, v49;
	v17 =	vmax.f32 v17, $7.812500150e-27;
	v34 =	vld.idx.msk [tilespmem:v38+s31+$0x0], $0xffff  }
0x28b: {  	v23 =	vor.u32 $0xC, v49;
	v40 =	vld.idx.msk [tilespmem:v51+s31+$0x0], $0xffff;
	v57 =	vshra.s32 v17, $0x1;
	v17 =	vmul.f32 $5.000000000e-01, v17  }
0x28c: {  	v63 =	vadd.f32 v58, v36;
	v49 =	vor.u32 $0xF, v49;
	v47 =	vld.idx.msk [tilespmem:v52+s31+$0x0], $0xffff;
	v50 =	vsub.s32 $0x5F3759DF, v57  }
0x28d: {  	v22 =	vadd.f32 v22, v61;
	v56 =	vor.u32 $0x6, v29;
	v61 =	vld.idx.msk [tilespmem:v53+s31+$0x0], $0xffff;
	v55 =	vmul.f32 v50, v17  }
0x28e: {  	v39 =	vor.u32 $0x7, v29;
	v31 =	vor.u32 $0xE, v29;
	v20 =	vadd.f32 v20, v21;
	v21 =	vld.idx.msk [tilespmem:v54+s31+$0x0], $0xffff  }
0x28f: {  	v43 =	vor.u32 $0x8, v29;
	v25 =	vadd.f32 v63, v25;
	v26 =	vld.idx.msk [tilespmem:v26+s31+$0x0], $0xffff;
	v62 =	vmul.f32 v50, v55  }
0x290: {  	v58 =	vor.u32 $0xA, v29;
	v19 =	vadd.f32 v19, v24;
	v57 =	vadd.f32 v60, v59;
	v23 =	vld.idx.msk [tilespmem:v23+s31+$0x0], $0xffff  }
0x291: {  	v59 =	vor.u32 $0xB, v29;
	v45 =	vld.idx.msk [tilespmem:v49+s31+$0x0], $0xffff;
	v18 =	vadd.f32 v18, v32;
	v46 =	vsub.f32 $1.500000000e+00, v62  }
0x292: {  	v20 =	vadd.f32 v20, v28;
	v24 =	vld.idx.msk [tilespmem:v56+s31+$0x0], $0xffff;
	v60 =	vor.u32 $0xC, v29;
	v22 =	vadd.f32 v22, v57  }
0x293: {  	v31 =	vld.idx.msk [tilespmem:v31+s31+$0x0], $0xffff;
	v27 =	vadd.f32 v30, v27;
	v18 =	vadd.f32 v18, v19;
	v63 =	vmul.f32 v50, v46  }
0x294: {  	v30 =	vld.idx.msk [tilespmem:v39+s31+$0x0], $0xffff;
	v55 =	vor.u32 $0x9, v29;
	v26 =	vadd.f32 v35, v26;
	v22 =	vadd.f32 v22, v25  }
0x295: {  	s23 =	simm.s32 $0x40;
	v39 =	vld.idx.msk [tilespmem:v43+s31+$0x0], $0xffff;
	v62 =	vor.u32 $0xD, v29;
	v23 =	vadd.f32 v37, v23;
	v17 =	vmul.f32 v63, v17  }
0x296: {  	v25 =	vld.idx.msk [tilespmem:v59+s31+$0x0], $0xffff;
	v49 =	vadd.f32 v45, v42;
	v19 =	vadd.f32 v26, v27;
	v26 =	vmov s23  }
0x297: {  	v27 =	vld.idx.msk [tilespmem:v58+s31+$0x0], $0xffff;
	v46 =	vor.u32 $0xF, v29;
	v50 =	vmul.f32 v17, v63;
	v17 =	vshll.u32 v26, $0x7  }
0x298: {  	v18 =	vadd.f32 v18, v20;
	v29 =	vld.idx.msk [tilespmem:v29+s31+$0x0], $0xffff;
	v23 =	vadd.f32 v49, v23;
	v20 =	vor.u32 v0, v17  }
0x299: {  	v28 =	vld.idx.msk [tilespmem:v55+s31+$0x0], $0xffff;
	v51 =	vor.u32 $0x1, v20  }
0x29a: {  	v19 =	vadd.f32 v23, v19;
	v23 =	vld.idx.msk [tilespmem:v60+s31+$0x0], $0xffff;
	v52 =	vor.u32 $0x2, v20  }
0x29b: {  	v37 =	vld.idx.msk [tilespmem:v62+s31+$0x0], $0xffff;
	v53 =	vor.u32 $0x3, v20  }
0x29c: {  	v21 =	vadd.f32 v21, v61;
	v24 =	vadd.f32 v30, v24;
	v35 =	vld.idx.msk [tilespmem:v46+s31+$0x0], $0xffff;
	v54 =	vor.u32 $0x4, v20  }
0x29d: {  	s24 =	simm.s32 $0x50;
	s6 =	sshll.u32 s6, $0x7;
	v40 =	vadd.f32 v47, v40;
	v22 =	vmax.f32 v22, $7.812500150e-27;
	v56 =	vor.u32 $0x5, v20;
	v43 =	vld.idx.msk [tilespmem:v20+s31+$0x0], $0xffff  }
0x29e: {  	s16 =	sand.u32 $0x80, s6;
	v21 =	vadd.f32 v24, v21;
	v62 =	vmov s24;
	v57 =	vor.u32 $0x6, v20;
	v36 =	vld.idx.msk [tilespmem:v51+s31+$0x0], $0xffff  }
0x29f: {  	v25 =	vadd.f32 v25, v27;
	v17 =	vmov s16;
	v59 =	vor.u32 $0x7, v20;
	v38 =	vld.idx.msk [tilespmem:v52+s31+$0x0], $0xffff  }
0x2a0: {  	v18 =	vadd.f32 v19, v18;
	v29 =	vadd.f32 v34, v29;
	v60 =	vor.u32 $0xA, v20;
	v32 =	vld.idx.msk [tilespmem:v53+s31+$0x0], $0xffff  }
0x2a1: {  	v26 =	vsub.f32 $1.500000000e+00, v50;
	v50 =	vshll.u32 v62, $0x7;
	v61 =	vor.u32 $0xB, v20;
	v41 =	vld.idx.msk [tilespmem:v54+s31+$0x0], $0xffff  }
0x2a2: {  	v62 =	vor.u32 $0xC, v20;
	v28 =	vadd.f32 v28, v39;
	v18 =	vmax.f32 v18, $7.812500150e-27;
	v44 =	vld.idx.msk [tilespmem:v56+s31+$0x0], $0xffff  }
0x2a3: {  	v33 =	vor.u32 v0, v50;
	v19 =	vmul.f32 v26, v63;
	v63 =	vor.u32 $0x8, v20;
	v45 =	vld.idx.msk [tilespmem:v57+s31+$0x0], $0xffff  }
0x2a4: {  	v55 =	vshra.s32 v18, $0x1;
	v18 =	vmul.f32 $5.000000000e-01, v18;
	v24 =	vor.u32 $0x6, v33;
	v49 =	vld.idx.msk [tilespmem:v59+s31+$0x0], $0xffff  }
0x2a5: {  	v29 =	vadd.f32 v40, v29;
	v42 =	vsub.s32 $0x5F3759DF, v55;
	v51 =	vor.u32 $0x9, v20;
	v27 =	vld.idx.msk [tilespmem:v60+s31+$0x0], $0xffff  }
0x2a6: {  	v25 =	vadd.f32 v25, v28;
	v28 =	vor.u32 $0x7, v33;
	v58 =	vmul.f32 v42, v18;
	v59 =	vld.idx.msk [tilespmem:v61+s31+$0x0], $0xffff  }
0x2a7: {  	v26 =	vshra.s32 v22, $0x1;
	v22 =	vmul.f32 $5.000000000e-01, v22;
	v52 =	vor.u32 $0x1, v33;
	v60 =	vld.idx.msk [tilespmem:v62+s31+$0x0], $0xffff  }
0x2a8: {  	v23 =	vadd.f32 v37, v23;
	v55 =	vor.u32 $0x3, v33;
	v48 =	vmul.f32 v42, v58;
	v47 =	vld.idx.msk [tilespmem:v63+s31+$0x0], $0xffff  }
0x2a9: {  	v26 =	vsub.s32 $0x5F3759DF, v26;
	v21 =	vadd.f32 v21, v29;
	v63 =	vor.u32 $0xD, v20;
	v24 =	vld.idx.msk [tilespmem:v24+s31+$0x0], $0xffff  }
0x2aa: {  	v31 =	vadd.f32 v35, v31;
	v48 =	vsub.f32 $1.500000000e+00, v48;
	v30 =	vld.idx.msk [tilespmem:v51+s31+$0x0], $0xffff;
	v51 =	vor.u32 $0xE, v20  }
0x2ab: {  	v29 =	vor.u32 $0xA, v33;
	v46 =	vmul.f32 v26, v22;
	v28 =	vld.idx.msk [tilespmem:v28+s31+$0x0], $0xffff;
	v20 =	vor.u32 $0xF, v20  }
0x2ac: {  	v54 =	vor.u32 $0x2, v33;
	v23 =	vadd.f32 v31, v23;
	v42 =	vmul.f32 v42, v48;
	v48 =	vld.idx.msk [tilespmem:v52+s31+$0x0], $0xffff  }
0x2ad: {  	v57 =	vor.u32 $0x4, v33;
	v62 =	vor.u32 $0xB, v33;
	v46 =	vmul.f32 v26, v46;
	v52 =	vld.idx.msk [tilespmem:v55+s31+$0x0], $0xffff  }
0x2ae: {  	v53 =	vor.u32 $0xD, v33;
	v58 =	vor.u32 $0x5, v33;
	v23 =	vadd.f32 v23, v25;
	v61 =	vld.idx.msk [tilespmem:v63+s31+$0x0], $0xffff  }
0x2af: {  	v56 =	vor.u32 $0xE, v33;
	v31 =	vor.u32 $0x8, v33;
	v46 =	vsub.f32 $1.500000000e+00, v46;
	v34 =	vld.idx.msk [tilespmem:v51+s31+$0x0], $0xffff  }
0x2b0: {  	v21 =	vadd.f32 v23, v21;
	v36 =	vadd.f32 v36, v43;
	v18 =	vmul.f32 v42, v18;
	v20 =	vld.idx.msk [tilespmem:v20+s31+$0x0], $0xffff  }
0x2b1: {  	v25 =	vor.u32 $0x9, v33;
	v41 =	vadd.f32 v44, v41;
	v63 =	vld.idx.msk [tilespmem:v54+s31+$0x0], $0xffff;
	v54 =	vadd.f32 v49, v45  }
0x2b2: {  	v32 =	vadd.f32 v32, v38;
	v55 =	vld.idx.msk [tilespmem:v57+s31+$0x0], $0xffff;
	v27 =	vadd.f32 v59, v27;
	v18 =	vmul.f32 v18, v42  }
0x2b3: {  	v23 =	vor.u32 $0xC, v33;
	v57 =	vld.idx.msk [tilespmem:v58+s31+$0x0], $0xffff;
	v24 =	vadd.f32 v28, v24;
	v59 =	vadd.f32 v54, v41  }
0x2b4: {  	v58 =	vor.u32 $0xF, v33;
	v33 =	vld.idx.msk [tilespmem:v33+s31+$0x0], $0xffff;
	v30 =	vadd.f32 v30, v47;
	v18 =	vsub.f32 $1.500000000e+00, v18  }
0x2b5: {  	v21 =	vmax.f32 v21, $7.812500150e-27;
	v35 =	vadd.f32 v61, v60;
	v20 =	vadd.f32 v20, v34  }
0x2b6: {  	s7 =	simm.s32 $0x60;
	v27 =	vadd.f32 v27, v30;
	v30 =	vld.idx.msk [tilespmem:v31+s31+$0x0], $0xffff;
	v31 =	vmul.f32 v26, v46;
	v26 =	vshra.s32 v21, $0x1  }
0x2b7: {  	v40 =	vld.idx.msk [tilespmem:v53+s31+$0x0], $0xffff;
	v20 =	vadd.f32 v20, v35;
	v35 =	vmul.f32 $5.000000000e-01, v21;
	v21 =	vmov s7  }
0x2b8: {  	v25 =	vld.idx.msk [tilespmem:v25+s31+$0x0], $0xffff;
	v34 =	vmul.f32 v18, v42;
	v18 =	vadd.f32 v32, v36;
	v21 =	vshll.u32 v21, $0x7  }
0x2b9: {  	v39 =	vld.idx.msk [tilespmem:v58+s31+$0x0], $0xffff;
	v37 =	vadd.f32 v57, v55;
	v33 =	vadd.f32 v48, v33;
	v36 =	vor.u32 v0, v21  }
0x2ba: {  	v42 =	vld.idx.msk [tilespmem:v56+s31+$0x0], $0xffff;
	v18 =	vadd.f32 v59, v18;
	v20 =	vadd.f32 v20, v27;
	v60 =	vor.u32 $0x2, v36  }
0x2bb: {  	v38 =	vadd.f32 v52, v63;
	v22 =	vmul.f32 v31, v22;
	v27 =	vld.idx.msk [tilespmem:v29+s31+$0x0], $0xffff;
	v61 =	vor.u32 $0x3, v36  }
0x2bc: {  	v29 =	vsub.s32 $0x5F3759DF, v26;
	v26 =	vld.idx.msk [tilespmem:v62+s31+$0x0], $0xffff;
	v49 =	vor.u32 $0x5, v36;
	v18 =	vadd.f32 v20, v18  }
0x2bd: {  	s8 =	simm.s32 $0x70;
	v33 =	vadd.f32 v38, v33;
	v22 =	vmul.f32 v22, v31;
	v53 =	vor.u32 $0x7, v36;
	v20 =	vld.idx.msk [tilespmem:v23+s31+$0x0], $0xffff  }
0x2be: {  	v21 =	vmov s8;
	v56 =	vor.u32 $0x8, v36;
	v18 =	vmax.f32 v18, $7.812500150e-27;
	v47 =	vld.idx.msk [tilespmem:v36+s31+$0x0], $0xffff  }
0x2bf: {  	s0 =	sand.u32 $0x100, s15;
	v23 =	vor.u32 $0x1, v36;
	v62 =	vshra.s32 v18, $0x1;
	v46 =	vmul.f32 $5.000000000e-01, v18;
	v41 =	vld.idx.msk [tilespmem:v60+s31+$0x0], $0xffff  }
0x2c0: {  	s9 =	sand.u32 $0x60, s3;
	s25 =	sor.u32 $0x1D400, s0;
	v18 =	vshll.u32 v21, $0x7;
	v21 =	vor.u32 $0x4, v36;
	v44 =	vsub.s32 $0x5F3759DF, v62;
	v43 =	vld.idx.msk [tilespmem:v61+s31+$0x0], $0xffff  }
0x2c1: {  	s0 =	sor.u32 s9, s25;
	v25 =	vadd.f32 v25, v30;
	v1 =	vor.u32 $0xB, v36;
	v49 =	vld.idx.msk [tilespmem:v49+s31+$0x0], $0xffff;
	v63 =	vmul.f32 v44, v46  }
0x2c2: {  	[tilespmem:v17+s0+$0x0 ss:$0x1] =	vst.idx.msk $0xffff, v19;
	v22 =	vsub.f32 $1.500000000e+00, v22;
	v32 =	vmul.f32 v29, v35;
	v19 =	vor.u32 $0xC, v36;
	v53 =	vld.idx.msk [tilespmem:v53+s31+$0x0], $0xffff  }
0x2c3: {  	v59 =	vor.u32 $0x9, v36;
	v61 =	vor.u32 $0xA, v36;
	v48 =	vld.idx.msk [tilespmem:v56+s31+$0x0], $0xffff;
	v50 =	vmul.f32 v44, v63  }
0x2c4: {  	v28 =	vor.u32 $0xE, v36;
	v39 =	vadd.f32 v39, v42;
	v51 =	vld.idx.msk [tilespmem:v23+s31+$0x0], $0xffff;
	v23 =	vor.u32 $0x6, v36  }
0x2c5: {  	v31 =	vmul.f32 v22, v31;
	v56 =	vor.u32 $0xD, v36;
	v58 =	vld.idx.msk [tilespmem:v21+s31+$0x0], $0xffff;
	v21 =	vsub.f32 $1.500000000e+00, v50  }
0x2c6: {  	v32 =	vmul.f32 v29, v32;
	v26 =	vadd.f32 v26, v27;
	v18 =	vor.u32 v0, v18;
	v1 =	vld.idx.msk [tilespmem:v1+s31+$0x0], $0xffff  }
0x2c7: {  	s26 =	simm.s32 $0x40;
	v36 =	vor.u32 $0xF, v36;
	v20 =	vadd.f32 v40, v20;
	v40 =	vld.idx.msk [tilespmem:v19+s31+$0x0], $0xffff;
	v44 =	vmul.f32 v44, v21  }
0x2c8: {  	s28 =	sand.u32 $0x100, s26;
	v32 =	vsub.f32 $1.500000000e+00, v32;
	v45 =	vor.u32 $0x1, v18;
	v52 =	vor.u32 $0x2, v18;
	v30 =	vld.idx.msk [tilespmem:v61+s31+$0x0], $0xffff  }
0x2c9: {  	s4 =	sand.u32 $0x60, s21;
	s9 =	sor.u32 $0x1D400, s28;
	v54 =	vor.u32 $0x3, v18;
	v55 =	vor.u32 $0x4, v18;
	v63 =	vld.idx.msk [tilespmem:v23+s31+$0x0], $0xffff;
	v23 =	vmul.f32 v44, v46  }
0x2ca: {  	s4 =	sor.u32 s4, s9;
	v57 =	vor.u32 $0x5, v18;
	v25 =	vadd.f32 v26, v25;
	v20 =	vadd.f32 v39, v20;
	v42 =	vld.idx.msk [tilespmem:v56+s31+$0x0], $0xffff  }
0x2cb: {  	[tilespmem:v17+s4+$0x0 ss:$0x1] =	vst.idx.msk $0xffff, v34;
	v60 =	vor.u32 $0x7, v18;
	v62 =	vor.u32 $0x8, v18;
	v56 =	vld.idx.msk [tilespmem:v28+s31+$0x0], $0xffff;
	v27 =	vmul.f32 v23, v44  }
0x2cc: {  	v26 =	vor.u32 $0xE, v18;
	v20 =	vadd.f32 v20, v25;
	v34 =	vld.idx.msk [tilespmem:v36+s31+$0x0], $0xffff;
	v22 =	vadd.f32 v51, v47  }
0x2cd: {  	v50 =	vor.u32 $0x6, v18;
	v25 =	vld.idx.msk [tilespmem:v45+s31+$0x0], $0xffff;
	v19 =	vsub.f32 $1.500000000e+00, v27;
	v27 =	vadd.f32 v24, v37  }
0x2ce: {  	v28 =	vor.u32 $0xD, v18;
	v36 =	vld.idx.msk [tilespmem:v52+s31+$0x0], $0xffff;
	v52 =	vadd.f32 v43, v41;
	v58 =	vadd.f32 v49, v58  }
0x2cf: {  	s0 =	simm.s32 $0x80;
	v21 =	vor.u32 $0x9, v18;
	v46 =	vld.idx.msk [tilespmem:v59+s31+$0x0], $0xffff;
	v1 =	vadd.f32 v1, v30;
	v33 =	vadd.f32 v27, v33  }
0x2d0: {  	s10 =	sand.u32 $0x100, s0;
	v38 =	vld.idx.msk [tilespmem:v54+s31+$0x0], $0xffff;
	v23 =	vor.u32 $0xA, v18;
	v59 =	vadd.f32 v53, v63;
	v63 =	vadd.f32 v42, v40  }
0x2d1: {  	s1 =	sand.u32 $0x60, s23;
	s10 =	sor.u32 $0x1D400, s10;
	v39 =	vld.idx.msk [tilespmem:v57+s31+$0x0], $0xffff;
	v34 =	vadd.f32 v34, v56;
	v19 =	vmul.f32 v19, v44;
	v20 =	vadd.f32 v20, v33  }
0x2d2: {  	s1 =	sor.u32 s1, s10;
	v40 =	vadd.f32 v52, v22;
	v24 =	vor.u32 $0xB, v18;
	v37 =	vld.idx.msk [tilespmem:v55+s31+$0x0], $0xffff;
	v41 =	vadd.f32 v59, v58  }
0x2d3: {  	v43 =	vadd.f32 v34, v63;
	[tilespmem:v17+s1+$0x0 ss:$0x1] =	vst.idx.msk $0xffff, v19;
	v19 =	vmul.f32 v29, v32;
	v20 =	vmax.f32 v20, $7.812500150e-27  }
0x2d4: {  	s29 =	sand.u32 $0x70, s20;
	s30 =	sand.u32 $0x70, s24;
	s2 =	sand.u32 $0x70, s22;
	v34 =	vld.idx.msk [tilespmem:v62+s31+$0x0], $0xffff;
	v61 =	vadd.f32 v46, v48;
	v30 =	vshra.s32 v20, $0x1;
	v20 =	vmul.f32 $5.000000000e-01, v20  }
0x2d5: {  	s5 =	simm.s32 $0x90;
	s3 =	sor.u32 s2, s9;
	s2 =	sand.u32 $0x70, s8;
	v27 =	vor.u32 $0xC, v18;
	v32 =	vld.idx.msk [tilespmem:v50+s31+$0x0], $0xffff;
	v35 =	vmul.f32 v19, v35;
	v22 =	vsub.s32 $0x5F3759DF, v30  }
0x2d6: {  	s6 =	sor.u32 s30, s10;
	s4 =	simm.s32 $0x6;
	v42 =	vadd.f32 v1, v61;
	v29 =	vor.u32 $0xF, v18;
	s1 =	sor.u32 s29, s25;
	v33 =	vld.idx.msk [tilespmem:v60+s31+$0x0], $0xffff;
	v30 =	vmul.f32 v22, v20  }
.LBB2_11:
0x2d7: {  	s9 =	sadd.s32 $0xFFFFFFF0, s5;
	v1 =	vmov s5;
	s8 =	sand.u32 $0x70, s5;
	v44 =	vld.idx.msk [tilespmem:v21+s31+$0x0], $0xffff;
	v36 =	vadd.f32 v38, v36;
	v35 =	vmul.f32 v35, v19;
	[tilespmem:v17+s1+$0x0 ss:$0x1] =	vst.idx.msk $0xffff, v31;
	s1 =	smov.u32 s3  }
0x2d8: {  	v31 =	vadd.f32 v41, v40;
	s3 =	smov.u32 s6;
	v21 =	vmov s9;
	v38 =	vadd.f32 v43, v42;
	v40 =	vld.idx.msk [tilespmem:v23+s31+$0x0], $0xffff  }
0x2d9: {  	v1 =	vshll.u32 v1, $0x7;
	v37 =	vadd.f32 v39, v37;
	v21 =	vshll.u32 v21, $0x7;
	v41 =	vld.idx.msk [tilespmem:v24+s31+$0x0], $0xffff  }
0x2da: {  	v1 =	vor.u32 v0, v1;
	v39 =	vor.u32 v0, v21;
	v21 =	vadd.f32 v38, v31;
	v31 =	vld.idx.msk [tilespmem:v27+s31+$0x0], $0xffff  }
0x2db: {  	v38 =	vor.u32 $0x1, v1;
	v42 =	vor.u32 $0x2, v1;
	v23 =	vor.u32 $0x1, v39;
	v43 =	vld.idx.msk [tilespmem:v28+s31+$0x0], $0xffff  }
0x2dc: {  	v45 =	vor.u32 $0x3, v1;
	v24 =	vor.u32 $0x2, v39;
	v21 =	vmax.f32 v21, $7.812500150e-27;
	v46 =	vld.idx.msk [tilespmem:v26+s31+$0x0], $0xffff  }
0x2dd: {  	v26 =	vor.u32 $0x3, v39;
	v27 =	vshra.s32 v21, $0x1;
	v47 =	vmul.f32 $5.000000000e-01, v21;
	v48 =	vld.idx.msk [tilespmem:v29+s31+$0x0], $0xffff  }
0x2de: {  	v49 =	vor.u32 $0x4, v1;
	v28 =	vor.u32 $0x4, v39;
	v29 =	vsub.s32 $0x5F3759DF, v27;
	v50 =	vld.idx.msk [tilespmem:v18+s31+$0x0], $0xffff;
	v18 =	vmovc v1  }
0x2df: {  	v27 =	vor.u32 $0x5, v39;
	v1 =	vld.idx.msk [tilespmem:v39+s31+$0x0], $0xffff;
	v51 =	vor.u32 $0x5, v18;
	v21 =	vmul.f32 v29, v47  }
0x2e0: {  	v53 =	vor.u32 $0x6, v39;
	v54 =	vor.u32 $0x6, v18;
	v55 =	vor.u32 $0x7, v18;
	v52 =	vld.idx.msk [tilespmem:v23+s31+$0x0], $0xffff  }
0x2e1: {  	v57 =	vor.u32 $0x7, v39;
	v58 =	vor.u32 $0x8, v18;
	v56 =	vld.idx.msk [tilespmem:v24+s31+$0x0], $0xffff;
	v59 =	vmul.f32 v29, v21  }
0x2e2: {  	v61 =	vor.u32 $0x8, v39;
	v23 =	vor.u32 $0xA, v18;
	v21 =	vor.u32 $0x9, v18;
	v60 =	vld.idx.msk [tilespmem:v26+s31+$0x0], $0xffff  }
0x2e3: {  	v63 =	vor.u32 $0x9, v39;
	v24 =	vor.u32 $0xB, v18;
	v62 =	vld.idx.msk [tilespmem:v28+s31+$0x0], $0xffff;
	v59 =	vsub.f32 $1.500000000e+00, v59  }
0x2e4: {  	v3 =	vor.u32 $0xA, v39;
	v28 =	vor.u32 $0xD, v18;
	v2 =	vld.idx.msk [tilespmem:v27+s31+$0x0], $0xffff;
	v27 =	vor.u32 $0xC, v18  }
0x2e5: {  	s4 =	sadd.s32 $0x2, s4;
	v4 =	vor.u32 $0xB, v39;
	v26 =	vor.u32 $0xE, v18;
	v53 =	vld.idx.msk [tilespmem:v53+s31+$0x0], $0xffff;
	v59 =	vmul.f32 v29, v59  }
0x2e6: {  	p0 =	slt.u32 s4, $0xA;
	v5 =	vor.u32 $0xC, v39;
	v25 =	vadd.f32 v25, v50;
	v29 =	vor.u32 $0xF, v18;
	v57 =	vld.idx.msk [tilespmem:v57+s31+$0x0], $0xffff  }
0x2e7: {  	v32 =	vadd.f32 v33, v32;
	v50 =	vld.idx.msk [tilespmem:v61+s31+$0x0], $0xffff;
	v61 =	vor.u32 $0xD, v39;
	v47 =	vmul.f32 v59, v47  }
0x2e8: {  	v34 =	vadd.f32 v44, v34;
	v40 =	vadd.f32 v41, v40;
	v33 =	vld.idx.msk [tilespmem:v63+s31+$0x0], $0xffff;
	v63 =	vor.u32 $0xE, v39  }
0x2e9: {  	v31 =	vadd.f32 v43, v31;
	v39 =	vor.u32 $0xF, v39;
	v3 =	vld.idx.msk [tilespmem:v3+s31+$0x0], $0xffff;
	v41 =	vmul.f32 v47, v59  }
0x2ea: {  	v30 =	vmul.f32 v22, v30;
	v43 =	vadd.f32 v48, v46;
	v25 =	vadd.f32 v36, v25;
	v4 =	vld.idx.msk [tilespmem:v4+s31+$0x0], $0xffff  }
0x2eb: {  	s0 =	sadd.s32 $0x40, s0;
	v32 =	vadd.f32 v32, v37;
	v5 =	vld.idx.msk [tilespmem:v5+s31+$0x0], $0xffff;
	v36 =	vsub.f32 $1.500000000e+00, v41  }
0x2ec: {  	s6 =	sand.u32 $0x100, s0;
	v34 =	vadd.f32 v40, v34;
	v31 =	vadd.f32 v43, v31;
	v41 =	vld.idx.msk [tilespmem:v61+s31+$0x0], $0xffff  }
0x2ed: {  	s10 =	sand.u32 $0x60, s7;
	s7 =	smov.u32 s9;
	s6 =	sor.u32 $0x1D400, s6;
	v30 =	vsub.f32 $1.500000000e+00, v30;
	v32 =	vadd.f32 v32, v25;
	v40 =	vld.idx.msk [tilespmem:v63+s31+$0x0], $0xffff;
	v36 =	vmul.f32 v36, v59  }
0x2ee: {  	s9 =	sor.u32 s10, s6;
	s6 =	sor.u32 s2, s6;
	s2 =	smov.u32 s8;
	v31 =	vadd.f32 v31, v34;
	v34 =	vsub.f32 $1.500000000e+00, v35;
	v43 =	vld.idx.msk [tilespmem:v39+s31+$0x0], $0xffff  }
0x2ef: {  	v22 =	vmul.f32 v22, v30;
	v25 =	vld.idx.msk [tilespmem:v38+s31+$0x0], $0xffff;
	[tilespmem:v17+s9+$0x0 ss:$0x1] =	vst.idx.msk $0xffff, v36  }
0x2f0: {  	v30 =	vadd.f32 v31, v32;
	v31 =	vmul.f32 v34, v19;
	v36 =	vld.idx.msk [tilespmem:v42+s31+$0x0], $0xffff  }
0x2f1: {  	v1 =	vadd.f32 v52, v1;
	v35 =	vmul.f32 v22, v20;
	v34 =	vadd.f32 v60, v56;
	v38 =	vld.idx.msk [tilespmem:v45+s31+$0x0], $0xffff  }
.Ltmp4:
0x2f2: {  	v2 =	vadd.f32 v2, v62;
	v19 =	vmovc v22;
	v20 =	vmax.f32 v30, $7.812500150e-27;
	v42 =	vadd.f32 v57, v53;
	v37 =	vld.idx.msk [tilespmem:v49+s31+$0x0], $0xffff;
	(pc) =	sbr.rel @p0 .LBB2_11-.Ltmp4, $4  }
0x2f3: {  	v30 =	vadd.f32 v33, v50;
	v3 =	vadd.f32 v4, v3;
	v4 =	vshra.s32 v20, $0x1;
	v39 =	vld.idx.msk [tilespmem:v51+s31+$0x0], $0xffff  }
0x2f4: {  	v20 =	vmul.f32 $5.000000000e-01, v20;
	v5 =	vadd.f32 v41, v5;
	v43 =	vadd.f32 v43, v40;
	v32 =	vld.idx.msk [tilespmem:v54+s31+$0x0], $0xffff  }
0x2f5: {  	v22 =	vsub.s32 $0x5F3759DF, v4;
	v41 =	vadd.f32 v42, v2;
	v40 =	vadd.f32 v34, v1;
	v33 =	vld.idx.msk [tilespmem:v55+s31+$0x0], $0xffff  }
0x2f6: {  	s5 =	sadd.s32 $0x20, s5;
	v42 =	vadd.f32 v3, v30;
	v30 =	vmul.f32 v22, v20;
	v43 =	vadd.f32 v43, v5;
	v34 =	vld.idx.msk [tilespmem:v58+s31+$0x0], $0xffff  }
0x2f7: {  	_ =	sdelay $0x3  }
0x2f8: {  	v1 =	vld.idx.msk [tilespmem:v21+s31+$0x0], $0xffff  }
0x2f9: {  	v2 =	vld.idx.msk [tilespmem:v23+s31+$0x0], $0xffff  }
0x2fa: {  	v3 =	vld.idx.msk [tilespmem:v24+s31+$0x0], $0xffff  }
0x2fb: {  	v4 =	vld.idx.msk [tilespmem:v27+s31+$0x0], $0xffff  }
0x2fc: {  	v5 =	vld.idx.msk [tilespmem:v28+s31+$0x0], $0xffff  }
0x2fd: {  	v18 =	vld.idx.msk [tilespmem:v18+s31+$0x0], $0xffff  }
0x2fe: {  	v47 =	vld.idx.msk [tilespmem:v26+s31+$0x0], $0xffff  }
0x2ff: {  	v48 =	vld.idx.msk [tilespmem:v29+s31+$0x0], $0xffff  }
0x300: {  	v49 =	vadd.f32 v38, v36;
	v50 =	vadd.f32 v41, v40  }
0x301: {  	v51 =	vadd.f32 v43, v42;
	v52 =	vadd.f32 v39, v37  }
0x302: {  	v53 =	vadd.f32 v33, v32;
	v18 =	vadd.f32 v25, v18  }
0x303: {  	v1 =	vadd.f32 v1, v34;
	v2 =	vadd.f32 v3, v2  }
0x304: {  	v3 =	vadd.f32 v5, v4;
	v4 =	vadd.f32 v48, v47  }
0x305: {  	v5 =	vadd.f32 v49, v18;
	v18 =	vadd.f32 v53, v52  }
0x306: {  	v1 =	vadd.f32 v2, v1;
	v2 =	vadd.f32 v4, v3  }
0x307: {  	v3 =	vadd.f32 v51, v50  }
0x308: {  	v4 =	vadd.f32 v18, v5;
	v1 =	vadd.f32 v2, v1  }
0x309: {  	v2 =	vmax.f32 v3, $7.812500150e-27  }
0x30a: {  	v3 =	vshra.s32 v2, $0x1;
	v2 =	vmul.f32 $5.000000000e-01, v2;
	v1 =	vadd.f32 v1, v4  }
0x30b: {  	v3 =	vsub.s32 $0x5F3759DF, v3  }
0x30c: {  	v4 =	vmul.f32 v3, v2;
	v1 =	vmax.f32 v1, $7.812500150e-27  }
0x30d: {  	v5 =	vshra.s32 v1, $0x1;
	v1 =	vmul.f32 $5.000000000e-01, v1  }
0x30e: {  	v4 =	vmul.f32 v3, v4;
	v5 =	vsub.s32 $0x5F3759DF, v5  }
0x30f: {  	v18 =	vmul.f32 v5, v1  }
0x310: {  	v54 =	vmul.f32 v22, v30;
	v4 =	vsub.f32 $1.500000000e+00, v4  }
0x311: {  	v18 =	vmul.f32 v5, v18  }
0x312: {  	v3 =	vmul.f32 v3, v4;
	v4 =	vsub.f32 $1.500000000e+00, v54  }
0x313: {  	v18 =	vsub.f32 $1.500000000e+00, v18  }
0x314: {  	v2 =	vmul.f32 v3, v2;
	v4 =	vmul.f32 v22, v4  }
0x315: {  	v5 =	vmul.f32 v5, v18  }
0x316: {  	v2 =	vmul.f32 v2, v3;
	v18 =	vmul.f32 v4, v20  }
0x317: {  	v55 =	vmul.f32 v35, v19;
	v1 =	vmul.f32 v5, v1  }
0x318: {  	s0 =	sadd.s32 $0x40, s0;
	v2 =	vsub.f32 $1.500000000e+00, v2;
	v18 =	vmul.f32 v18, v4  }
0x319: {  	s0 =	sand.u32 $0x100, s0;
	v20 =	vsub.f32 $1.500000000e+00, v55;
	v1 =	vmul.f32 v1, v5  }
0x31a: {  	s4 =	sand.u32 $0x60, s7;
	s0 =	sor.u32 $0x1D400, s0;
	v2 =	vmul.f32 v2, v3;
	v3 =	vsub.f32 $1.500000000e+00, v18  }
0x31b: {  	[tilespmem:v17+s1+$0x0 ss:$0x1] =	vst.idx.msk $0xffff, v31;
	s30 =	sor.u32 s4, s0;
	v18 =	vmul.f32 v20, v19;
	v1 =	vsub.f32 $1.500000000e+00, v1  }
0x31c: {  	[tilespmem:v17+s30+$0x0 ss:$0x1] =	vst.idx.msk $0xffff, v2;
	v2 =	vmul.f32 v3, v4  }
0x31d: {  	[tilespmem:v17+s3+$0x0 ss:$0x1] =	vst.idx.msk $0xffff, v18;
	v1 =	vmul.f32 v1, v5  }
0x31e: {  	s0 =	sor.u32 s2, s0;
	[tilespmem:v17+s6+$0x0 ss:$0x1] =	vst.idx.msk $0xffff, v2  }
0x31f: {  	[tilespmem:v17+s0+$0x0 ss:$0x1] =	vst.idx.msk $0xffff, v1  }
0x320: {  	v1 =	vld [tilespmem:$0x1FFB0]  }
0x321: {  	v2 =	vld [tilespmem:$0x1FFC0]  }
0x322: {  	v3 =	vld [tilespmem:$0x1FFD0]  }
0x323: {  	v4 =	vld [tilespmem:$0x1FFE0]  }
0x324: {  	v5 =	vld [tilespmem:$0x1FFF0]  }
0x325: {  	v17 =	vld.idx.msk [tilespmem:v6+s31+$0x0], $0xffff  }
0x326: {  	v18 =	vld.idx.msk [tilespmem:v7+s31+$0x0], $0xffff  }
0x327: {  	v19 =	vld.idx.msk [tilespmem:v8+s31+$0x0], $0xffff  }
0x328: {  	v56 =	vld.idx.msk [tilespmem:v9+s31+$0x0], $0xffff  }
0x329: {  	v57 =	vld.idx.msk [tilespmem:v10+s31+$0x0], $0xffff  }
0x32a: {  	v58 =	vld.idx.msk [tilespmem:v11+s31+$0x0], $0xffff  }
0x32b: {  	v59 =	vld.idx.msk [tilespmem:v12+s31+$0x0], $0xffff  }
0x32c: {  	v60 =	vld.idx.msk [tilespmem:v13+s31+$0x0], $0xffff  }
0x32d: {  	v61 =	vld.idx.msk [tilespmem:v14+s31+$0x0], $0xffff  }
0x32e: {  	v1 =	vld.idx.msk [tilespmem:v1+s31+$0x0], $0xffff  }
0x32f: {  	v2 =	vld.idx.msk [tilespmem:v2+s31+$0x0], $0xffff  }
0x330: {  	v3 =	vld.idx.msk [tilespmem:v3+s31+$0x0], $0xffff  }
0x331: {  	v4 =	vld.idx.msk [tilespmem:v4+s31+$0x0], $0xffff  }
0x332: {  	v5 =	vld.idx.msk [tilespmem:v5+s31+$0x0], $0xffff  }
0x333: {  	v62 =	vld.idx.msk [tilespmem:v15+s31+$0x0], $0xffff  }
0x334: {  	v63 =	vld.idx.msk [tilespmem:v16+s31+$0x0], $0xffff;
	_ =	sdelay $0x1  }
0x335: {  	v1 =	vadd.f32 v2, v1;
	v2 =	vadd.f32 v4, v3  }
0x336: {  	v3 =	vadd.f32 v17, v5;
	v4 =	vadd.f32 v19, v18  }
0x337: {  	v5 =	vadd.f32 v57, v56;
	v17 =	vadd.f32 v59, v58  }
0x338: {  	v18 =	vadd.f32 v61, v60;
	v19 =	vadd.f32 v63, v62  }
0x339: {  	v1 =	vadd.f32 v2, v1;
	v2 =	vadd.f32 v4, v3  }
0x33a: {  	v3 =	vadd.f32 v17, v5;
	v4 =	vadd.f32 v19, v18;
	_ =	sdelay $0x1  }
0x33b: {  	v1 =	vadd.f32 v2, v1;
	v2 =	vadd.f32 v4, v3;
	_ =	sdelay $0x1  }
0x33c: {  	v1 =	vadd.f32 v2, v1;
	_ =	sdelay $0x1  }
0x33d: {  	v1 =	vmax.f32 v1, $7.812500150e-27  }
0x33e: {  	v2 =	vshra.s32 v1, $0x1;
	v1 =	vmul.f32 $5.000000000e-01, v1  }
0x33f: {  	v2 =	vsub.s32 $0x5F3759DF, v2  }
0x340: {  	v3 =	vmul.f32 v2, v1;
	_ =	sdelay $0x1  }
0x341: {  	v3 =	vmul.f32 v2, v3;
	_ =	sdelay $0x1  }
0x342: {  	v3 =	vsub.f32 $1.500000000e+00, v3;
	_ =	sdelay $0x1  }
0x343: {  	v2 =	vmul.f32 v2, v3;
	_ =	sdelay $0x1  }
0x344: {  	v1 =	vmul.f32 v2, v1;
	_ =	sdelay $0x1  }
0x345: {  	s0 =	rddreg [dreg:$0xd];
	v1 =	vmul.f32 v1, v2  }
0x346: {  	p0 =	sne.s32 s0, $0x20  }
.Ltmp5:
0x347: {  	v1 =	vsub.f32 $1.500000000e+00, v1;
	(pc) =	sbr.rel @p0 .LBB2_6-.Ltmp5, $3  }
0x348: {  	_ = 	snop  }
0x349: {  	v1 =	vmul.f32 v1, v2;
	_ =	sdelay $0x1  }
0x34a: {  	s9 =	smov.u32 s0;
	[tilespmem:s16+$0x1D540] =	vst v1  }
0x34b: {  	s0 =	simm.s32 $0x0  }
0x34c: {  	s17 =	simm.s32 $0x1;
	v1 =	vmov s0  }
0x34d: {  	v3 =	vmov s17;
	v2 =	vshll.u32 v1, $0x1  }
0x34e: {  	s18 =	simm.s32 $0x7;
	s16 =	simm.s32 $0xA7F0;
	v1 =	vand.u32 $0x78, v1;
	v4 =	vand.u32 $0x79, v3;
	v2 =	vand.u32 $0x100, v2  }
0x34f: {  	v6 =	vld [tilespmem:s16+$0xFFFFFC30];
	v3 =	vshll.u32 v3, $0x1;
	v1 =	vor.u32 v2, v1;
	v2 =	vmov s18  }
0x350: {  	v7 =	vld [tilespmem:s16+$0xFFFFFC40];
	v3 =	vand.u32 $0x100, v3;
	v5 =	vshll.u32 v2, $0x1  }
0x351: {  	v8 =	vld [tilespmem:s16+$0xFFFFFC50];
	v3 =	vor.u32 v3, v4;
	v2 =	vand.u32 $0x7F, v2;
	v4 =	vand.u32 $0x100, v5  }
0x352: {  	v9 =	vld [tilespmem:s16+$0xFFFFFC60];
	v1 =	vor.u32 $0x80, v1;
	v2 =	vor.u32 v4, v2  }
0x353: {  	v10 =	vld [tilespmem:s16+$0xFFFFFC70];
	v2 =	vor.u32 $0x80, v2  }
0x354: {  	v12 =	vld [tilespmem:s16+$0x0]  }
0x355: {  	v13 =	vld [tilespmem:s16+$0xFFFFFC80]  }
0x356: {  	s3 =	simm.s32 $0x1D400;
	v3 =	vor.u32 $0x80, v3;
	v5 =	vld [tilespmem:s16+$0xFFFFFC20]  }
0x357: {  	v4 =	vld.idx.msk [tilespmem:v1+s3+$0x0], $0xffff  }
0x358: {  	v1 =	vld.idx.msk [tilespmem:v2+s3+$0x0], $0xffff  }
0x359: {  	v2 =	vld [tilespmem:s16+$0xFFFFFC10]  }
0x35a: {  	v17 =	vld [tilespmem:s16+$0xFFFFFCD0]  }
0x35b: {  	v3 =	vld.idx.msk [tilespmem:v3+s3+$0x0], $0xffff  }
0x35c: {  	v14 =	vld [tilespmem:s16+$0xFFFFFC90];
	v5 =	vmul.f32 v5, v4  }
0x35d: {  	v15 =	vld [tilespmem:s16+$0xFFFFFCB0];
	v6 =	vmul.f32 v6, v4  }
0x35e: {  	s19 =	simm.s32 $0x2;
	v16 =	vld [tilespmem:s16+$0xFFFFFCC0];
	[tilespmem:s16+$0xFFFFFC20] =	vst v5;
	v2 =	vmul.f32 v2, v4  }
0x35f: {  	v11 =	vmov s19;
	v22 =	vld [tilespmem:s16+$0xFFFFFF10];
	v7 =	vmul.f32 v7, v4;
	[tilespmem:s16+$0xFFFFFC30] =	vst v6  }
0x360: {  	v17 =	vmul.f32 v17, v3;
	v5 =	vld [tilespmem:s16+$0xFFFFFCF0];
	[tilespmem:s16+$0xFFFFFC10] =	vst v2;
	v2 =	vshll.u32 v11, $0x1  }
0x361: {  	v6 =	vmul.f32 v8, v4;
	v8 =	vld [tilespmem:s16+$0xFFFFFD00];
	[tilespmem:s16+$0xFFFFFC40] =	vst v7;
	v11 =	vand.u32 $0x7A, v11;
	v2 =	vand.u32 $0x100, v2  }
0x362: {  	v7 =	vmul.f32 v9, v4;
	v9 =	vld [tilespmem:s16+$0xFFFFFD10];
	[tilespmem:s16+$0xFFFFFCD0] =	vst v17;
	v12 =	vmul.f32 v12, v1;
	v2 =	vor.u32 v2, v11  }
0x363: {  	v17 =	vld [tilespmem:s16+$0xFFFFFD90];
	[tilespmem:s16+$0xFFFFFC50] =	vst v6;
	v2 =	vor.u32 $0x80, v2  }
0x364: {  	s20 =	simm.s32 $0x3;
	v6 =	vmul.f32 v10, v4;
	v10 =	vld [tilespmem:s16+$0xFFFFFD20];
	[tilespmem:s16+$0x0] =	vst v12;
	v12 =	vmul.f32 v14, v3  }
0x365: {  	v18 =	vmov s20;
	[tilespmem:s16+$0xFFFFFC60] =	vst v7;
	v4 =	vmul.f32 v13, v4;
	v14 =	vld [tilespmem:s16+$0xFFFFFCE0]  }
0x366: {  	v11 =	vld [tilespmem:s16+$0xFFFFFCA0];
	[tilespmem:s16+$0xFFFFFC90] =	vst v12;
	v12 =	vshll.u32 v18, $0x1  }
0x367: {  	v7 =	vld [tilespmem:s16+$0xFFFFFD30];
	[tilespmem:s16+$0xFFFFFC80] =	vst v4;
	v4 =	vmul.f32 v15, v3;
	v18 =	vand.u32 $0x7B, v18;
	v12 =	vand.u32 $0x100, v12  }
0x368: {  	[tilespmem:s16+$0xFFFFFC70] =	vst v6;
	v15 =	vmul.f32 v16, v3;
	v12 =	vor.u32 v12, v18;
	v2 =	vld.idx.msk [tilespmem:v2+s3+$0x0], $0xffff  }
0x369: {  	v13 =	vld [tilespmem:s16+$0xFFFFFD50];
	v5 =	vmul.f32 v5, v3;
	[tilespmem:s16+$0xFFFFFCB0] =	vst v4;
	v12 =	vor.u32 $0x80, v12  }
0x36a: {  	v4 =	vld [tilespmem:s16+$0xFFFFFD70];
	[tilespmem:s16+$0xFFFFFCC0] =	vst v15;
	v14 =	vmul.f32 v14, v3  }
0x36b: {  	v15 =	vld [tilespmem:s16+$0xFFFFFD80];
	[tilespmem:s16+$0xFFFFFCF0] =	vst v5;
	v6 =	vmul.f32 v11, v3  }
0x36c: {  	v11 =	vld [tilespmem:s16+$0xFFFFFD40];
	[tilespmem:s16+$0xFFFFFCE0] =	vst v14;
	v3 =	vmul.f32 v8, v3  }
0x36d: {  	v8 =	vld [tilespmem:s16+$0xFFFFFDA0];
	[tilespmem:s16+$0xFFFFFCA0] =	vst v6;
	v6 =	vmul.f32 v9, v2  }
0x36e: {  	[tilespmem:s16+$0xFFFFFD00] =	vst v3;
	v12 =	vld.idx.msk [tilespmem:v12+s3+$0x0], $0xffff;
	v5 =	vmul.f32 v10, v2  }
0x36f: {  	s21 =	simm.s32 $0x4;
	v14 =	vld [tilespmem:s16+$0xFFFFFDE0];
	v3 =	vmul.f32 v7, v2;
	[tilespmem:s16+$0xFFFFFD10] =	vst v6  }
0x370: {  	v16 =	vmov s21;
	v9 =	vld [tilespmem:s16+$0xFFFFFD60];
	v13 =	vmul.f32 v13, v2;
	[tilespmem:s16+$0xFFFFFD20] =	vst v5  }
0x371: {  	v10 =	vld [tilespmem:s16+$0xFFFFFDB0];
	v4 =	vmul.f32 v4, v2;
	v6 =	vshll.u32 v16, $0x1;
	[tilespmem:s16+$0xFFFFFD30] =	vst v3  }
0x372: {  	v7 =	vld [tilespmem:s16+$0xFFFFFDC0];
	v16 =	vand.u32 $0x7C, v16;
	v5 =	vmul.f32 v11, v2;
	[tilespmem:s16+$0xFFFFFD50] =	vst v13;
	v6 =	vand.u32 $0x100, v6  }
0x373: {  	v11 =	vld [tilespmem:s16+$0xFFFFFDD0];
	v3 =	vmul.f32 v17, v12;
	[tilespmem:s16+$0xFFFFFD70] =	vst v4;
	v6 =	vor.u32 v6, v16  }
0x374: {  	v13 =	vld [tilespmem:s16+$0xFFFFFE00];
	v4 =	vmul.f32 v8, v12;
	[tilespmem:s16+$0xFFFFFD40] =	vst v5;
	v6 =	vor.u32 $0x80, v6  }
0x375: {  	s22 =	simm.s32 $0x5;
	v8 =	vld [tilespmem:s16+$0xFFFFFE20];
	[tilespmem:s16+$0xFFFFFD90] =	vst v3;
	v9 =	vmul.f32 v9, v2  }
0x376: {  	v5 =	vld [tilespmem:s16+$0xFFFFFDF0];
	v16 =	vmov s22;
	[tilespmem:s16+$0xFFFFFDA0] =	vst v4;
	v2 =	vmul.f32 v15, v2  }
0x377: {  	v3 =	vshll.u32 v16, $0x1;
	v4 =	vmul.f32 v7, v12;
	v7 =	vld [tilespmem:s16+$0xFFFFFE40];
	[tilespmem:s16+$0xFFFFFD60] =	vst v9  }
0x378: {  	v16 =	vand.u32 $0x7D, v16;
	v3 =	vand.u32 $0x100, v3;
	v9 =	vld [tilespmem:s16+$0xFFFFFE10];
	[tilespmem:s16+$0xFFFFFD80] =	vst v2;
	v2 =	vmul.f32 v10, v12  }
0x379: {  	v14 =	vmul.f32 v14, v12;
	v3 =	vor.u32 v3, v16;
	v6 =	vld.idx.msk [tilespmem:v6+s3+$0x0], $0xffff  }
0x37a: {  	v10 =	vld [tilespmem:s16+$0xFFFFFE30];
	v3 =	vor.u32 $0x80, v3;
	[tilespmem:s16+$0xFFFFFDB0] =	vst v2;
	v2 =	vmul.f32 v11, v12  }
0x37b: {  	[tilespmem:s16+$0xFFFFFDE0] =	vst v14;
	v11 =	vld [tilespmem:s16+$0xFFFFFE50]  }
0x37c: {  	v5 =	vmul.f32 v5, v12;
	v12 =	vmul.f32 v13, v12;
	[tilespmem:s16+$0xFFFFFDD0] =	vst v2;
	v2 =	vld [tilespmem:s16+$0xFFFFFE70]  }
0x37d: {  	[tilespmem:s16+$0xFFFFFDC0] =	vst v4;
	v13 =	vld [tilespmem:s16+$0xFFFFFE80]  }
0x37e: {  	s26 =	simm.s32 $0xB;
	[tilespmem:s16+$0xFFFFFE00] =	vst v12;
	v12 =	vld [tilespmem:s16+$0xFFFFFEA0];
	v4 =	vmul.f32 v9, v6  }
0x37f: {  	s23 =	simm.s32 $0x6;
	s28 =	simm.s32 $0xC;
	v60 =	vmov s26;
	[tilespmem:s16+$0xFFFFFDF0] =	vst v5;
	v3 =	vld.idx.msk [tilespmem:v3+s3+$0x0], $0xffff;
	v5 =	vmul.f32 v8, v6  }
0x380: {  	v19 =	vmov s28;
	v15 =	vmov s23;
	v9 =	vld [tilespmem:s16+$0xFFFFFE60];
	v10 =	vmul.f32 v10, v6;
	[tilespmem:s16+$0xFFFFFE10] =	vst v4  }
0x381: {  	v14 =	vand.u32 $0x7E, v15;
	v8 =	vld [tilespmem:s16+$0xFFFFFE90];
	v2 =	vmul.f32 v2, v6;
	v4 =	vshll.u32 v15, $0x1;
	[tilespmem:s16+$0xFFFFFE20] =	vst v5  }
0x382: {  	v5 =	vmul.f32 v7, v6;
	v7 =	vld [tilespmem:s16+$0xFFFFFEB0];
	[tilespmem:s16+$0xFFFFFE30] =	vst v10;
	v10 =	vmul.f32 v11, v6;
	v4 =	vand.u32 $0x100, v4  }
0x383: {  	v21 =	vand.u32 $0x7B, v60;
	v23 =	vand.u32 $0x7C, v19;
	v11 =	vld [tilespmem:s16+$0xFFFFFEC0];
	[tilespmem:s16+$0xFFFFFE70] =	vst v2;
	v4 =	vor.u32 v4, v14  }
0x384: {  	s24 =	simm.s32 $0x8;
	s1 =	simm.s32 $0xA;
	v18 =	vshll.u32 v60, $0x1;
	v12 =	vmul.f32 v12, v3;
	[tilespmem:s16+$0xFFFFFE50] =	vst v10;
	v10 =	vld [tilespmem:s16+$0xFFFFFEE0];
	v4 =	vor.u32 $0x80, v4  }
0x385: {  	v17 =	vmov s1;
	v14 =	vmov s24;
	[tilespmem:s16+$0xFFFFFE40] =	vst v5;
	v5 =	vmul.f32 v9, v6;
	v9 =	vld [tilespmem:s16+$0xFFFFFED0]  }
0x386: {  	s25 =	simm.s32 $0x9;
	v61 =	vld [tilespmem:s16+$0xFFFFFF60];
	v15 =	vand.u32 $0x78, v14;
	v14 =	vshll.u32 v14, $0x1;
	v8 =	vmul.f32 v8, v3;
	[tilespmem:s16+$0xFFFFFEA0] =	vst v12  }
0x387: {  	v16 =	vmov s25;
	v2 =	vand.u32 $0x100, v14;
	[tilespmem:s16+$0xFFFFFE60] =	vst v5;
	v5 =	vld [tilespmem:s16+$0xFFFFFEF0];
	v7 =	vmul.f32 v7, v3  }
0x388: {  	v14 =	vld [tilespmem:s16+$0xFFFFFF00];
	[tilespmem:s16+$0xFFFFFE90] =	vst v8;
	v8 =	vand.u32 $0x79, v16;
	v11 =	vmul.f32 v11, v3;
	v2 =	vor.u32 v2, v15  }
0x389: {  	s29 =	simm.s32 $0xD;
	s30 =	simm.s32 $0xE;
	v16 =	vshll.u32 v16, $0x1;
	[tilespmem:s16+$0xFFFFFEB0] =	vst v7;
	v10 =	vmul.f32 v10, v3;
	v20 =	vld.idx.msk [tilespmem:v4+s3+$0x0], $0xffff;
	v4 =	vmul.f32 v13, v6  }
0x38a: {  	v12 =	vld [tilespmem:s16+$0xFFFFFF20];
	[tilespmem:s16+$0xFFFFFEC0] =	vst v11;
	v6 =	vmov s29;
	v13 =	vmov s30;
	v7 =	vmul.f32 v9, v3  }
0x38b: {  	v9 =	vld [tilespmem:s16+$0xFFFFFF30];
	v24 =	vand.u32 $0x7D, v6;
	v25 =	vand.u32 $0x7E, v13;
	v6 =	vshll.u32 v6, $0x1;
	[tilespmem:s16+$0xFFFFFEE0] =	vst v10  }
0x38c: {  	v11 =	vld [tilespmem:s16+$0xFFFFFF40];
	v13 =	vshll.u32 v13, $0x1;
	[tilespmem:s16+$0xFFFFFE80] =	vst v4;
	v4 =	vand.u32 $0x7A, v17;
	v5 =	vmul.f32 v5, v3  }
0x38d: {  	v15 =	vld [tilespmem:s16+$0xFFFFFF50];
	v17 =	vshll.u32 v17, $0x1;
	[tilespmem:s16+$0xFFFFFED0] =	vst v7;
	v7 =	vshll.u32 v19, $0x1;
	v3 =	vmul.f32 v14, v3  }
0x38e: {  	v63 =	vld [tilespmem:s16+$0xFFFFFF80];
	v14 =	vand.u32 $0x100, v16;
	v16 =	vand.u32 $0x100, v17;
	[tilespmem:s16+$0xFFFFFEF0] =	vst v5;
	v10 =	vmul.f32 v22, v20  }
0x38f: {  	v17 =	vld [tilespmem:s16+$0xFFFFFF70];
	v62 =	vand.u32 $0x100, v7;
	v5 =	vand.u32 $0x100, v18;
	[tilespmem:s16+$0xFFFFFF00] =	vst v3;
	v7 =	vmul.f32 v12, v20  }
0x390: {  	v3 =	vor.u32 $0x80, v2;
	v2 =	vor.u32 v14, v8;
	v9 =	vmul.f32 v9, v20;
	[tilespmem:s16+$0xFFFFFF10] =	vst v10  }
0x391: {  	v4 =	vor.u32 v16, v4;
	v8 =	vmul.f32 v11, v20;
	v10 =	vand.u32 $0x100, v6;
	[tilespmem:s16+$0xFFFFFF20] =	vst v7;
	v6 =	vld [tilespmem:s16+$0xFFFFFF90]  }
0x392: {  	v14 =	vor.u32 v62, v23;
	v12 =	vand.u32 $0x100, v13;
	[tilespmem:s16+$0xFFFFFF30] =	vst v9;
	v9 =	vmul.f32 v15, v20;
	v7 =	vld [tilespmem:s16+$0xFFFFFFA0]  }
0x393: {  	v16 =	vor.u32 v5, v21;
	[tilespmem:s16+$0xFFFFFF40] =	vst v8;
	v8 =	vld [tilespmem:s16+$0xFFFFFFB0];
	v13 =	vor.u32 v10, v24;
	v10 =	vmul.f32 v61, v20  }
0x394: {  	s4 =	simm.s32 $0xA400;
	s6 =	simm.s32 $0xBD00;
	v5 =	vor.u32 $0x80, v2;
	v2 =	vmul.f32 v63, v20;
	v15 =	vmul.f32 v17, v20;
	[tilespmem:s16+$0xFFFFFF50] =	vst v9;
	v9 =	vld [tilespmem:s16+$0xFFFFFFC0]  }
0x395: {  	s8 =	simm.s32 $0xEF00;
	s0 =	simm.s32 $0x10;
	s1 =	simm.s32 $0xF;
	v11 =	vor.u32 v12, v25;
	v12 =	vor.u32 $0x80, v4;
	v4 =	vor.u32 $0x80, v16;
	[tilespmem:s16+$0xFFFFFF60] =	vst v10;
	v10 =	vld [tilespmem:s16+$0xFFFFFFD0]  }
.LBB2_14:
0x396: {  	p0 =	slt.u32 s0, $0xC0;
	v14 =	vor.u32 $0x80, v14;
	v16 =	vmov s1;
	[tilespmem:s16+$0xFFFFFF70] =	vst v15;
	v6 =	vmul.f32 v6, v1;
	v15 =	vld [tilespmem:s16+$0xFFFFFFE0]  }
0x397: {  	v13 =	vor.u32 $0x80, v13;
	v17 =	vshll.u32 v16, $0x1;
	[tilespmem:s16+$0xFFFFFF80] =	vst v2;
	v2 =	vmul.f32 v7, v1;
	v7 =	vld [tilespmem:s16+$0xFFFFFFF0]  }
0x398: {  	v18 =	vld.idx.msk [tilespmem:v3+s3+$0x0], $0xffff;
	v3 =	vand.u32 $0x7F, v16;
	v16 =	vand.u32 $0x100, v17;
	[tilespmem:s16+$0xFFFFFF90] =	vst v6;
	v6 =	vmul.f32 v8, v1  }
0x399: {  	v11 =	vor.u32 $0x80, v11;
	v8 =	vld.idx.msk [tilespmem:v5+s3+$0x0], $0xffff;
	v3 =	vor.u32 v16, v3;
	[tilespmem:s16+$0xFFFFFFA0] =	vst v2;
	v2 =	vmul.f32 v9, v1  }
0x39a: {  	v9 =	vld.idx.msk [tilespmem:v12+s3+$0x0], $0xffff;
	v12 =	vor.u32 $0x80, v3;
	[tilespmem:s16+$0xFFFFFFB0] =	vst v6;
	v3 =	vmul.f32 v10, v1  }
0x39b: {  	v5 =	vld.idx.msk [tilespmem:v4+s3+$0x0], $0xffff;
	[tilespmem:s16+$0xFFFFFFC0] =	vst v2;
	v2 =	vmul.f32 v15, v1  }
0x39c: {  	v4 =	vld.idx.msk [tilespmem:v14+s3+$0x0], $0xffff;
	[tilespmem:s16+$0xFFFFFFD0] =	vst v3;
	v1 =	vmul.f32 v7, v1  }
0x39d: {  	v3 =	vld.idx.msk [tilespmem:v13+s3+$0x0], $0xffff;
	[tilespmem:s16+$0xFFFFFFE0] =	vst v2  }
0x39e: {  	v2 =	vld.idx.msk [tilespmem:v11+s3+$0x0], $0xffff;
	[tilespmem:s16+$0xFFFFFFF0] =	vst v1  }
0x39f: {  	s16 =	sadd.s32 $0x400, s16;
	v1 =	vld.idx.msk [tilespmem:v12+s3+$0x0], $0xffff  }
0x3a0: {  	v6 =	vld [tilespmem:s16+$0x0]  }
0x3a1: {  	v7 =	vld [tilespmem:s16+$0xFFFFFC10]  }
0x3a2: {  	v10 =	vld [tilespmem:s16+$0xFFFFFC20]  }
0x3a3: {  	v11 =	vld [tilespmem:s16+$0xFFFFFC30]  }
0x3a4: {  	v12 =	vld [tilespmem:s16+$0xFFFFFC40]  }
0x3a5: {  	v13 =	vld [tilespmem:s16+$0xFFFFFC50];
	v6 =	vmul.f32 v6, v1  }
0x3a6: {  	v7 =	vmul.f32 v7, v18;
	v14 =	vld [tilespmem:s16+$0xFFFFFC60]  }
0x3a7: {  	v10 =	vmul.f32 v10, v18;
	v15 =	vld [tilespmem:s16+$0xFFFFFC70];
	[tilespmem:s16+$0x0] =	vst v6  }
0x3a8: {  	[tilespmem:s16+$0xFFFFFC10] =	vst v7;
	v6 =	vmul.f32 v11, v18;
	v7 =	vld [tilespmem:s16+$0xFFFFFC80]  }
0x3a9: {  	[tilespmem:s16+$0xFFFFFC20] =	vst v10;
	v10 =	vmul.f32 v12, v18;
	v11 =	vld [tilespmem:s16+$0xFFFFFC90]  }
0x3aa: {  	[tilespmem:s16+$0xFFFFFC30] =	vst v6;
	v6 =	vmul.f32 v13, v18;
	v12 =	vld [tilespmem:s16+$0xFFFFFCA0]  }
0x3ab: {  	[tilespmem:s16+$0xFFFFFC40] =	vst v10;
	v10 =	vmul.f32 v14, v18;
	v13 =	vld [tilespmem:s16+$0xFFFFFCB0]  }
0x3ac: {  	[tilespmem:s16+$0xFFFFFC50] =	vst v6;
	v6 =	vmul.f32 v15, v18;
	v14 =	vld [tilespmem:s16+$0xFFFFFCC0]  }
0x3ad: {  	[tilespmem:s16+$0xFFFFFC60] =	vst v10;
	v7 =	vmul.f32 v7, v18;
	v10 =	vld [tilespmem:s16+$0xFFFFFCD0]  }
0x3ae: {  	[tilespmem:s16+$0xFFFFFC70] =	vst v6;
	v6 =	vmul.f32 v11, v8;
	v11 =	vld [tilespmem:s16+$0xFFFFFCE0]  }
0x3af: {  	[tilespmem:s16+$0xFFFFFC80] =	vst v7;
	v7 =	vmul.f32 v12, v8;
	v12 =	vld [tilespmem:s16+$0xFFFFFCF0]  }
0x3b0: {  	[tilespmem:s16+$0xFFFFFC90] =	vst v6;
	v6 =	vmul.f32 v13, v8;
	v13 =	vld [tilespmem:s16+$0xFFFFFD00]  }
0x3b1: {  	[tilespmem:s16+$0xFFFFFCA0] =	vst v7;
	v7 =	vmul.f32 v14, v8;
	v14 =	vld [tilespmem:s16+$0xFFFFFD10]  }
0x3b2: {  	[tilespmem:s16+$0xFFFFFCB0] =	vst v6;
	v6 =	vmul.f32 v10, v8;
	v10 =	vld [tilespmem:s16+$0xFFFFFD20]  }
0x3b3: {  	[tilespmem:s16+$0xFFFFFCC0] =	vst v7;
	v7 =	vmul.f32 v11, v8;
	v11 =	vld [tilespmem:s16+$0xFFFFFD30]  }
0x3b4: {  	[tilespmem:s16+$0xFFFFFCD0] =	vst v6;
	v6 =	vmul.f32 v12, v8;
	v12 =	vld [tilespmem:s16+$0xFFFFFD40]  }
0x3b5: {  	[tilespmem:s16+$0xFFFFFCE0] =	vst v7;
	v7 =	vmul.f32 v13, v8;
	v8 =	vld [tilespmem:s16+$0xFFFFFD50]  }
0x3b6: {  	[tilespmem:s16+$0xFFFFFCF0] =	vst v6;
	v6 =	vmul.f32 v14, v9;
	v13 =	vld [tilespmem:s16+$0xFFFFFD60]  }
0x3b7: {  	[tilespmem:s16+$0xFFFFFD00] =	vst v7;
	v7 =	vmul.f32 v10, v9;
	v10 =	vld [tilespmem:s16+$0xFFFFFD70]  }
0x3b8: {  	[tilespmem:s16+$0xFFFFFD10] =	vst v6;
	v6 =	vmul.f32 v11, v9;
	v11 =	vld [tilespmem:s16+$0xFFFFFD80]  }
0x3b9: {  	[tilespmem:s16+$0xFFFFFD20] =	vst v7;
	v7 =	vmul.f32 v12, v9;
	v12 =	vld [tilespmem:s16+$0xFFFFFD90]  }
0x3ba: {  	[tilespmem:s16+$0xFFFFFD30] =	vst v6;
	v6 =	vmul.f32 v8, v9;
	v8 =	vld [tilespmem:s16+$0xFFFFFDA0]  }
0x3bb: {  	[tilespmem:s16+$0xFFFFFD40] =	vst v7;
	v7 =	vmul.f32 v13, v9;
	v13 =	vld [tilespmem:s16+$0xFFFFFDB0]  }
0x3bc: {  	[tilespmem:s16+$0xFFFFFD50] =	vst v6;
	v6 =	vmul.f32 v10, v9;
	v10 =	vld [tilespmem:s16+$0xFFFFFDC0]  }
0x3bd: {  	[tilespmem:s16+$0xFFFFFD60] =	vst v7;
	v7 =	vmul.f32 v11, v9;
	v9 =	vld [tilespmem:s16+$0xFFFFFDD0]  }
0x3be: {  	[tilespmem:s16+$0xFFFFFD70] =	vst v6;
	v6 =	vmul.f32 v12, v5;
	v11 =	vld [tilespmem:s16+$0xFFFFFDE0]  }
0x3bf: {  	[tilespmem:s16+$0xFFFFFD80] =	vst v7;
	v7 =	vmul.f32 v8, v5;
	v8 =	vld [tilespmem:s16+$0xFFFFFDF0]  }
0x3c0: {  	[tilespmem:s16+$0xFFFFFD90] =	vst v6;
	v6 =	vmul.f32 v13, v5;
	v12 =	vld [tilespmem:s16+$0xFFFFFE00]  }
0x3c1: {  	[tilespmem:s16+$0xFFFFFDA0] =	vst v7;
	v7 =	vmul.f32 v10, v5;
	v10 =	vld [tilespmem:s16+$0xFFFFFE10]  }
0x3c2: {  	[tilespmem:s16+$0xFFFFFDB0] =	vst v6;
	v6 =	vmul.f32 v9, v5;
	v9 =	vld [tilespmem:s16+$0xFFFFFE20]  }
0x3c3: {  	[tilespmem:s16+$0xFFFFFDC0] =	vst v7;
	v7 =	vmul.f32 v11, v5;
	v11 =	vld [tilespmem:s16+$0xFFFFFE30]  }
0x3c4: {  	[tilespmem:s16+$0xFFFFFDD0] =	vst v6;
	v6 =	vmul.f32 v8, v5;
	v8 =	vld [tilespmem:s16+$0xFFFFFE40]  }
0x3c5: {  	[tilespmem:s16+$0xFFFFFDE0] =	vst v7;
	v5 =	vmul.f32 v12, v5;
	v7 =	vld [tilespmem:s16+$0xFFFFFE50]  }
0x3c6: {  	[tilespmem:s16+$0xFFFFFDF0] =	vst v6;
	v6 =	vmul.f32 v10, v4;
	v10 =	vld [tilespmem:s16+$0xFFFFFE60]  }
0x3c7: {  	[tilespmem:s16+$0xFFFFFE00] =	vst v5;
	v5 =	vmul.f32 v9, v4;
	v9 =	vld [tilespmem:s16+$0xFFFFFE70]  }
0x3c8: {  	[tilespmem:s16+$0xFFFFFE10] =	vst v6;
	v6 =	vmul.f32 v11, v4;
	v11 =	vld [tilespmem:s16+$0xFFFFFE80]  }
0x3c9: {  	[tilespmem:s16+$0xFFFFFE20] =	vst v5;
	v5 =	vmul.f32 v8, v4;
	v8 =	vld [tilespmem:s16+$0xFFFFFE90]  }
0x3ca: {  	v12 =	vmov s0;
	[tilespmem:s16+$0xFFFFFE30] =	vst v6;
	v6 =	vmul.f32 v7, v4;
	v7 =	vld [tilespmem:s16+$0xFFFFFEA0]  }
0x3cb: {  	s1 =	sadd.s32 $0x1, s0;
	s2 =	sadd.s32 $0x2, s0;
	v13 =	vand.u32 $0x78, v12;
	v12 =	vshll.u32 v12, $0x1;
	[tilespmem:s16+$0xFFFFFE40] =	vst v5;
	v5 =	vmul.f32 v10, v4;
	v10 =	vld [tilespmem:s16+$0xFFFFFEB0]  }
0x3cc: {  	v15 =	vmov s2;
	s2 =	sadd.s32 $0x4, s0;
	v14 =	vmov s1;
	s1 =	sadd.s32 $0x3, s0;
	[tilespmem:s16+$0xFFFFFE50] =	vst v6;
	v6 =	vmul.f32 v9, v4;
	v9 =	vld [tilespmem:s16+$0xFFFFFEC0]  }
0x3cd: {  	v17 =	vmov s2;
	s2 =	sadd.s32 $0x6, s0;
	v16 =	vmov s1;
	s1 =	sadd.s32 $0x5, s0;
	[tilespmem:s16+$0xFFFFFE60] =	vst v5;
	v4 =	vmul.f32 v11, v4;
	v5 =	vld [tilespmem:s16+$0xFFFFFED0]  }
0x3ce: {  	v18 =	vmov s2;
	v11 =	vmov s1;
	[tilespmem:s16+$0xFFFFFE70] =	vst v6;
	v6 =	vmul.f32 v8, v3;
	v8 =	vld [tilespmem:s16+$0xFFFFFEE0]  }
0x3cf: {  	v19 =	vand.u32 $0x79, v14;
	v12 =	vand.u32 $0x100, v12;
	[tilespmem:s16+$0xFFFFFE80] =	vst v4;
	v4 =	vmul.f32 v7, v3;
	v7 =	vld [tilespmem:s16+$0xFFFFFEF0]  }
0x3d0: {  	v20 =	vand.u32 $0x7A, v15;
	v21 =	vand.u32 $0x7B, v16;
	[tilespmem:s16+$0xFFFFFE90] =	vst v6;
	v6 =	vmul.f32 v10, v3;
	v10 =	vld [tilespmem:s16+$0xFFFFFF00]  }
0x3d1: {  	v22 =	vand.u32 $0x7C, v17;
	v23 =	vand.u32 $0x7D, v11;
	[tilespmem:s16+$0xFFFFFEA0] =	vst v4;
	v4 =	vmul.f32 v9, v3;
	v9 =	vld [tilespmem:s16+$0xFFFFFF10]  }
0x3d2: {  	v24 =	vand.u32 $0x7E, v18;
	v14 =	vshll.u32 v14, $0x1;
	[tilespmem:s16+$0xFFFFFEB0] =	vst v6;
	v5 =	vmul.f32 v5, v3;
	v6 =	vld [tilespmem:s16+$0xFFFFFF20]  }
0x3d3: {  	v15 =	vshll.u32 v15, $0x1;
	v16 =	vshll.u32 v16, $0x1;
	[tilespmem:s16+$0xFFFFFEC0] =	vst v4;
	v4 =	vmul.f32 v8, v3;
	v8 =	vld [tilespmem:s16+$0xFFFFFF30]  }
0x3d4: {  	v17 =	vshll.u32 v17, $0x1;
	v11 =	vshll.u32 v11, $0x1;
	[tilespmem:s16+$0xFFFFFED0] =	vst v5;
	v5 =	vmul.f32 v7, v3;
	v7 =	vld [tilespmem:s16+$0xFFFFFF40]  }
0x3d5: {  	v12 =	vor.u32 v12, v13;
	v13 =	vshll.u32 v18, $0x1;
	[tilespmem:s16+$0xFFFFFEE0] =	vst v4;
	v3 =	vmul.f32 v10, v3;
	v4 =	vld [tilespmem:s16+$0xFFFFFF50]  }
0x3d6: {  	v10 =	vand.u32 $0x100, v14;
	v14 =	vand.u32 $0x100, v15;
	[tilespmem:s16+$0xFFFFFEF0] =	vst v5;
	v5 =	vmul.f32 v9, v2;
	v9 =	vld [tilespmem:s16+$0xFFFFFF60]  }
0x3d7: {  	v15 =	vand.u32 $0x100, v16;
	v16 =	vand.u32 $0x100, v17;
	[tilespmem:s16+$0xFFFFFF00] =	vst v3;
	v6 =	vmul.f32 v6, v2;
	v17 =	vld [tilespmem:s16+$0xFFFFFF70]  }
0x3d8: {  	v18 =	vand.u32 $0x100, v13;
	v11 =	vand.u32 $0x100, v11;
	[tilespmem:s16+$0xFFFFFF10] =	vst v5;
	v5 =	vmul.f32 v8, v2;
	v25 =	vld [tilespmem:s16+$0xFFFFFF80]  }
.Ltmp6:
0x3d9: {  	v10 =	vor.u32 v10, v19;
	v3 =	vor.u32 $0x80, v12;
	[tilespmem:s16+$0xFFFFFF20] =	vst v6;
	v8 =	vmul.f32 v7, v2;
	v6 =	vld [tilespmem:s16+$0xFFFFFF90];
	(pc) =	sbr.rel @p0 .LBB2_14-.Ltmp6, $4  }
0x3da: {  	v19 =	vor.u32 v15, v21;
	v12 =	vor.u32 v14, v20;
	[tilespmem:s16+$0xFFFFFF30] =	vst v5;
	v4 =	vmul.f32 v4, v2;
	v7 =	vld [tilespmem:s16+$0xFFFFFFA0]  }
0x3db: {  	v13 =	vor.u32 v11, v23;
	v14 =	vor.u32 v16, v22;
	[tilespmem:s16+$0xFFFFFF40] =	vst v8;
	v16 =	vmul.f32 v9, v2;
	v8 =	vld [tilespmem:s16+$0xFFFFFFB0]  }
0x3dc: {  	v11 =	vor.u32 v18, v24;
	v5 =	vor.u32 $0x80, v10;
	[tilespmem:s16+$0xFFFFFF50] =	vst v4;
	v15 =	vmul.f32 v17, v2;
	v9 =	vld [tilespmem:s16+$0xFFFFFFC0]  }
0x3dd: {  	s1 =	sadd.s32 $0x7, s0;
	s0 =	sadd.s32 $0x8, s0;
	v12 =	vor.u32 $0x80, v12;
	v4 =	vor.u32 $0x80, v19;
	[tilespmem:s16+$0xFFFFFF60] =	vst v16;
	v2 =	vmul.f32 v25, v2;
	v10 =	vld [tilespmem:s16+$0xFFFFFFD0]  }
0x3de: {  	_ =	sdelay $0x1  }
0x3df: {  	v17 =	vld [tilespmem:s16+$0xFFFFFFE0]  }
0x3e0: {  	v19 =	vld [tilespmem:s16+$0xFFFFFFF0]  }
0x3e1: {  	v20 =	vld.idx.msk [tilespmem:v3+s3+$0x0], $0xffff  }
0x3e2: {  	v62 =	vld.idx.msk [tilespmem:v5+s3+$0x0], $0xffff  }
0x3e3: {  	v12 =	vld.idx.msk [tilespmem:v12+s3+$0x0], $0xffff  }
0x3e4: {  	v21 =	vld.idx.msk [tilespmem:v4+s3+$0x0], $0xffff;
	s0 =	sadd.s32 $0x400, s16  }
0x3e5: {  	v26 =	vld [tilespmem:s0+$0xFFFFFC10]  }
0x3e6: {  	v28 =	vld [tilespmem:s0+$0xFFFFFC20]  }
0x3e7: {  	[tilespmem:s16+$0xFFFFFF70] =	vst v15;
	v6 =	vmul.f32 v6, v1;
	v30 =	vld [tilespmem:s0+$0xFFFFFC30]  }
0x3e8: {  	[tilespmem:s16+$0xFFFFFF80] =	vst v2;
	v7 =	vmul.f32 v7, v1;
	v31 =	vld [tilespmem:s0+$0xFFFFFC40]  }
0x3e9: {  	v32 =	vld [tilespmem:s0+$0xFFFFFC50];
	[tilespmem:s16+$0xFFFFFF90] =	vst v6;
	v23 =	vmul.f32 v8, v1  }
0x3ea: {  	v33 =	vld [tilespmem:s0+$0xFFFFFC60];
	[tilespmem:s16+$0xFFFFFFA0] =	vst v7;
	v25 =	vmul.f32 v9, v1  }
0x3eb: {  	v34 =	vld [tilespmem:s0+$0xFFFFFC70];
	[tilespmem:s16+$0xFFFFFFB0] =	vst v23;
	v27 =	vmul.f32 v10, v1  }
0x3ec: {  	v35 =	vld [tilespmem:s0+$0xFFFFFC80];
	[tilespmem:s16+$0xFFFFFFC0] =	vst v25;
	v29 =	vmul.f32 v17, v1  }
0x3ed: {  	v36 =	vld [tilespmem:s0+$0xFFFFFC90];
	v1 =	vmul.f32 v19, v1;
	[tilespmem:s16+$0xFFFFFFD0] =	vst v27  }
0x3ee: {  	v37 =	vld [tilespmem:s0+$0xFFFFFCA0];
	v10 =	vmul.f32 v28, v20;
	[tilespmem:s16+$0xFFFFFFE0] =	vst v29  }
0x3ef: {  	v39 =	vld [tilespmem:s0+$0xFFFFFCB0];
	[tilespmem:s16+$0xFFFFFFF0] =	vst v1;
	v1 =	vmul.f32 v26, v20  }
0x3f0: {  	v40 =	vld [tilespmem:s0+$0xFFFFFCC0];
	v6 =	vmul.f32 v31, v20;
	[tilespmem:s0+$0xFFFFFC20] =	vst v10  }
0x3f1: {  	v42 =	vld [tilespmem:s0+$0xFFFFFCD0];
	[tilespmem:s0+$0xFFFFFC10] =	vst v1;
	v1 =	vmul.f32 v30, v20  }
0x3f2: {  	v43 =	vld [tilespmem:s0+$0xFFFFFCE0];
	v38 =	vmul.f32 v33, v20;
	[tilespmem:s0+$0xFFFFFC40] =	vst v6  }
0x3f3: {  	v45 =	vld [tilespmem:s0+$0xFFFFFCF0];
	[tilespmem:s0+$0xFFFFFC30] =	vst v1;
	v1 =	vmul.f32 v32, v20  }
0x3f4: {  	v46 =	vld [tilespmem:s0+$0xFFFFFD00];
	v41 =	vmul.f32 v35, v20;
	[tilespmem:s0+$0xFFFFFC60] =	vst v38  }
0x3f5: {  	v48 =	vld [tilespmem:s0+$0xFFFFFD10];
	[tilespmem:s0+$0xFFFFFC50] =	vst v1;
	v1 =	vmul.f32 v34, v20  }
0x3f6: {  	v49 =	vld [tilespmem:s0+$0xFFFFFD20];
	v44 =	vmul.f32 v37, v62;
	[tilespmem:s0+$0xFFFFFC80] =	vst v41  }
0x3f7: {  	v51 =	vld [tilespmem:s0+$0xFFFFFD30];
	[tilespmem:s0+$0xFFFFFC70] =	vst v1;
	v1 =	vmul.f32 v36, v62  }
0x3f8: {  	v52 =	vld [tilespmem:s0+$0xFFFFFD40];
	v47 =	vmul.f32 v40, v62;
	[tilespmem:s0+$0xFFFFFCA0] =	vst v44  }
0x3f9: {  	v54 =	vld [tilespmem:s0+$0xFFFFFD50];
	[tilespmem:s0+$0xFFFFFC90] =	vst v1;
	v1 =	vmul.f32 v39, v62  }
0x3fa: {  	v16 =	vmov s1;
	v57 =	vld [tilespmem:s0+$0xFFFFFD70];
	v50 =	vmul.f32 v43, v62;
	[tilespmem:s0+$0xFFFFFCC0] =	vst v47  }
0x3fb: {  	v14 =	vor.u32 $0x80, v14;
	v18 =	vshll.u32 v16, $0x1;
	v58 =	vld [tilespmem:s0+$0xFFFFFD80];
	[tilespmem:s0+$0xFFFFFCB0] =	vst v1;
	v1 =	vmul.f32 v42, v62  }
0x3fc: {  	v3 =	vand.u32 $0x7F, v16;
	v60 =	vld [tilespmem:s0+$0xFFFFFD90];
	v61 =	vand.u32 $0x100, v18;
	v53 =	vmul.f32 v46, v62;
	[tilespmem:s0+$0xFFFFFCE0] =	vst v50  }
0x3fd: {  	v13 =	vor.u32 $0x80, v13;
	v15 =	vld [tilespmem:s0+$0xFFFFFDD0];
	v3 =	vor.u32 v61, v3;
	[tilespmem:s0+$0xFFFFFCD0] =	vst v1;
	v1 =	vmul.f32 v45, v62  }
0x3fe: {  	v61 =	vld [tilespmem:s0+$0xFFFFFDA0];
	v63 =	vor.u32 $0x80, v3;
	v56 =	vmul.f32 v49, v12;
	[tilespmem:s0+$0xFFFFFD00] =	vst v53  }
0x3ff: {  	v23 =	vld [tilespmem:s0+$0xFFFFFE20];
	[tilespmem:s0+$0xFFFFFCF0] =	vst v1;
	v1 =	vmul.f32 v48, v12  }
0x400: {  	v5 =	vld.idx.msk [tilespmem:v14+s3+$0x0], $0xffff;
	v59 =	vmul.f32 v52, v12;
	[tilespmem:s0+$0xFFFFFD20] =	vst v56  }
0x401: {  	v19 =	vld [tilespmem:s0+$0xFFFFFE00];
	[tilespmem:s0+$0xFFFFFD10] =	vst v1;
	v1 =	vmul.f32 v51, v12  }
0x402: {  	v4 =	vld.idx.msk [tilespmem:v13+s3+$0x0], $0xffff;
	v14 =	vmul.f32 v58, v12;
	[tilespmem:s0+$0xFFFFFD40] =	vst v59  }
0x403: {  	v11 =	vor.u32 $0x80, v11;
	v2 =	vld.idx.msk [tilespmem:v63+s3+$0x0], $0xffff;
	[tilespmem:s0+$0xFFFFFD30] =	vst v1;
	v1 =	vmul.f32 v54, v12  }
0x404: {  	[tilespmem:s0+$0xFFFFFD80] =	vst v14;
	v17 =	vmul.f32 v61, v21;
	v63 =	vld [tilespmem:s0+$0xFFFFFDB0]  }
0x405: {  	v35 =	vld [tilespmem:s0+$0xFFFFFEA0];
	[tilespmem:s0+$0xFFFFFD50] =	vst v1;
	v1 =	vmul.f32 v57, v12  }
0x406: {  	v18 =	vld [tilespmem:s0+$0xFFFFFDF0];
	[tilespmem:s0+$0xFFFFFDA0] =	vst v17;
	v27 =	vmul.f32 v19, v21  }
0x407: {  	v40 =	vld [tilespmem:s0+$0xFFFFFEE0];
	[tilespmem:s0+$0xFFFFFD70] =	vst v1;
	v1 =	vmul.f32 v60, v21  }
0x408: {  	v3 =	vld.idx.msk [tilespmem:v11+s3+$0x0], $0xffff;
	v30 =	vmul.f32 v23, v5;
	[tilespmem:s0+$0xFFFFFE00] =	vst v27  }
0x409: {  	v46 =	vld [tilespmem:s0+$0xFFFFFF20];
	[tilespmem:s0+$0xFFFFFD90] =	vst v1;
	v1 =	vmul.f32 v63, v21  }
0x40a: {  	v22 =	vld [tilespmem:s0+$0xFFFFFE10];
	v41 =	vmul.f32 v35, v4;
	[tilespmem:s0+$0xFFFFFE20] =	vst v30  }
0x40b: {  	v26 =	vld [tilespmem:s0+$0xFFFFFE40];
	[tilespmem:s0+$0xFFFFFDB0] =	vst v1;
	v1 =	vmul.f32 v15, v21  }
0x40c: {  	v25 =	vld [tilespmem:s0+$0xFFFFFE30];
	v47 =	vmul.f32 v40, v4;
	[tilespmem:s0+$0xFFFFFEA0] =	vst v41  }
0x40d: {  	v13 =	vld [tilespmem:s0+$0xFFFFFDC0];
	[tilespmem:s0+$0xFFFFFDD0] =	vst v1;
	v1 =	vmul.f32 v18, v21  }
0x40e: {  	v28 =	vld [tilespmem:s0+$0xFFFFFE50];
	v52 =	vmul.f32 v46, v3;
	[tilespmem:s0+$0xFFFFFEE0] =	vst v47  }
0x40f: {  	v38 =	vld [tilespmem:s0+$0xFFFFFEC0];
	[tilespmem:s0+$0xFFFFFDF0] =	vst v1;
	v1 =	vmul.f32 v22, v5  }
0x410: {  	v31 =	vld [tilespmem:s0+$0xFFFFFE70];
	v33 =	vmul.f32 v26, v5;
	[tilespmem:s0+$0xFFFFFF20] =	vst v52  }
0x411: {  	v24 =	vld [tilespmem:s0+$0x0];
	[tilespmem:s0+$0xFFFFFE10] =	vst v1;
	v1 =	vmul.f32 v25, v5  }
0x412: {  	v20 =	vmul.f32 v13, v21;
	v34 =	vld [tilespmem:s0+$0xFFFFFE90];
	[tilespmem:s0+$0xFFFFFE40] =	vst v33  }
0x413: {  	v16 =	vld [tilespmem:s0+$0xFFFFFDE0];
	[tilespmem:s0+$0xFFFFFE30] =	vst v1;
	v1 =	vmul.f32 v28, v5  }
0x414: {  	v37 =	vld [tilespmem:s0+$0xFFFFFEB0];
	v44 =	vmul.f32 v38, v4;
	[tilespmem:s0+$0xFFFFFDC0] =	vst v20  }
0x415: {  	v29 =	vld [tilespmem:s0+$0xFFFFFE60];
	[tilespmem:s0+$0xFFFFFE50] =	vst v1;
	v1 =	vmul.f32 v31, v5  }
0x416: {  	v8 =	vmul.f32 v24, v2;
	[tilespmem:s0+$0xFFFFFEC0] =	vst v44;
	v39 =	vld [tilespmem:s0+$0xFFFFFED0]  }
0x417: {  	v55 =	vld [tilespmem:s0+$0xFFFFFD60];
	[tilespmem:s0+$0xFFFFFE70] =	vst v1;
	v1 =	vmul.f32 v34, v4  }
0x418: {  	v24 =	vmul.f32 v16, v21;
	[tilespmem:s0+$0x0] =	vst v8;
	v42 =	vld [tilespmem:s0+$0xFFFFFEF0]  }
0x419: {  	v49 =	vld [tilespmem:s0+$0xFFFFFF40];
	[tilespmem:s0+$0xFFFFFE90] =	vst v1;
	v1 =	vmul.f32 v37, v4  }
0x41a: {  	v36 =	vmul.f32 v29, v5;
	[tilespmem:s0+$0xFFFFFDE0] =	vst v24;
	v45 =	vld [tilespmem:s0+$0xFFFFFF10]  }
0x41b: {  	v51 =	vld [tilespmem:s0+$0xFFFFFF60];
	[tilespmem:s0+$0xFFFFFEB0] =	vst v1;
	v1 =	vmul.f32 v39, v4  }
0x41c: {  	[tilespmem:s0+$0xFFFFFE60] =	vst v36;
	v62 =	vmul.f32 v55, v12;
	v48 =	vld [tilespmem:s0+$0xFFFFFF30]  }
0x41d: {  	v32 =	vld [tilespmem:s0+$0xFFFFFE80];
	[tilespmem:s0+$0xFFFFFED0] =	vst v1;
	v1 =	vmul.f32 v42, v4  }
0x41e: {  	v50 =	vld [tilespmem:s0+$0xFFFFFF50];
	v55 =	vmul.f32 v49, v3;
	[tilespmem:s0+$0xFFFFFD60] =	vst v62  }
0x41f: {  	v43 =	vld [tilespmem:s0+$0xFFFFFF00];
	[tilespmem:s0+$0xFFFFFEF0] =	vst v1;
	v1 =	vmul.f32 v45, v3  }
0x420: {  	v53 =	vld [tilespmem:s0+$0xFFFFFF70];
	[tilespmem:s0+$0xFFFFFF40] =	vst v55;
	v58 =	vmul.f32 v51, v3  }
0x421: {  	v54 =	vld [tilespmem:s0+$0xFFFFFF80];
	[tilespmem:s0+$0xFFFFFF10] =	vst v1;
	v1 =	vmul.f32 v48, v3  }
0x422: {  	v56 =	vld [tilespmem:s0+$0xFFFFFF90];
	[tilespmem:s0+$0xFFFFFF60] =	vst v58;
	v5 =	vmul.f32 v32, v5  }
0x423: {  	v57 =	vld [tilespmem:s0+$0xFFFFFFA0];
	[tilespmem:s0+$0xFFFFFF30] =	vst v1;
	v1 =	vmul.f32 v50, v3  }
0x424: {  	v59 =	vld [tilespmem:s0+$0xFFFFFFB0];
	[tilespmem:s0+$0xFFFFFE80] =	vst v5;
	v4 =	vmul.f32 v43, v4  }
0x425: {  	v60 =	vld [tilespmem:s0+$0xFFFFFFC0];
	[tilespmem:s0+$0xFFFFFF50] =	vst v1;
	v1 =	vmul.f32 v53, v3  }
0x426: {  	v61 =	vld [tilespmem:s0+$0xFFFFFFD0];
	[tilespmem:s0+$0xFFFFFF00] =	vst v4;
	v3 =	vmul.f32 v54, v3  }
0x427: {  	v62 =	vld [tilespmem:s0+$0xFFFFFFE0];
	[tilespmem:s0+$0xFFFFFF70] =	vst v1;
	v1 =	vmul.f32 v56, v2  }
0x428: {  	v63 =	vld [tilespmem:s0+$0xFFFFFFF0];
	[tilespmem:s0+$0xFFFFFF80] =	vst v3;
	v3 =	vmul.f32 v57, v2  }
0x429: {  	[tilespmem:s0+$0xFFFFFF90] =	vst v1;
	v1 =	vmul.f32 v59, v2  }
0x42a: {  	[tilespmem:s0+$0xFFFFFFA0] =	vst v3;
	v3 =	vmul.f32 v60, v2  }
0x42b: {  	[tilespmem:s0+$0xFFFFFFB0] =	vst v1;
	v1 =	vmul.f32 v61, v2  }
0x42c: {  	[tilespmem:s0+$0xFFFFFFC0] =	vst v3;
	v3 =	vmul.f32 v62, v2  }
0x42d: {  	[tilespmem:s0+$0xFFFFFFD0] =	vst v1;
	v1 =	vmul.f32 v63, v2  }
0x42e: {  	[tilespmem:s0+$0xFFFFFFE0] =	vst v3  }
0x42f: {  	[tilespmem:s0+$0xFFFFFFF0] =	vst v1  }
0x430: {  	s5 =	simm.s32 $0x0;
	s0 =	rddreg [dreg:$0x7]  }
0x431: {  	[hbm4b:s0+s5] =	stream.linear.scatter [tilespmem:s4], [sflag:$0x5], $0x1900, $0x38;
	[tilespmem:$0x1D600] =	vst v63  }
0x432: {  	s24 =	rddreg [dreg:$0x8]  }
0x433: {  	[hbm4b:s24+s5] =	stream.linear.scatter [tilespmem:s6], [sflag:$0x5], $0x1900, $0x38;
	[tilespmem:$0x1D600] =	vst v63  }
0x434: {  	s7 =	simm.s32 $0xD600;
	s25 =	rddreg [dreg:$0x9]  }
0x435: {  	[hbm4b:s25+s5] =	stream.linear.scatter [tilespmem:s7], [sflag:$0x5], $0x1900, $0x38;
	[tilespmem:$0x1D600] =	vst v63  }
0x436: {  	s28 =	simm.s32 $0x4;
	s26 =	rddreg [dreg:$0xa]  }
0x437: {  	[hbm4b:s26+s5] =	stream.linear.scatter [tilespmem:s8], [sflag:$0x5], $0x1900, $0x38;
	[tilespmem:$0x1D600] =	vst v63  }
0x438: {  	_ =	swait.ge [sflag:s28], $0x1900  }
0x439: {  	[sflag:s28] =	ssyncset.done $0x0  }
0x43a: {  	[sflag:s28] =	ssyncadd.s32 $0xFFFFE700  }
0x43b: {  	_ =	swait.ge [sflag:s28], $0x1900  }
0x43c: {  	[sflag:s28] =	ssyncset.done $0x0  }
0x43d: {  	[sflag:s28] =	ssyncadd.s32 $0xFFFFE700  }
0x43e: {  	_ =	swait.ge [sflag:s28], $0x1900  }
0x43f: {  	[sflag:s28] =	ssyncset.done $0x0  }
0x440: {  	[sflag:s28] =	ssyncadd.s32 $0xFFFFE700  }
0x441: {  	_ =	swait.ge [sflag:s28], $0x1900  }
0x442: {  	[sflag:s28] =	ssyncset.done $0x0  }
0x443: {  	s29 =	simm.s32 $0x5;
	[sflag:s28] =	ssyncadd.s32 $0xFFFFE700  }
0x444: {  	_ =	swait.ge [sflag:s29], $0x1900  }
0x445: {  	[sflag:s29] =	ssyncset.done $0x0  }
0x446: {  	[sflag:s29] =	ssyncadd.s32 $0xFFFFE700  }
0x447: {  	_ =	swait.ge [sflag:s29], $0x1900  }
0x448: {  	[sflag:s29] =	ssyncset.done $0x0  }
0x449: {  	[sflag:s29] =	ssyncadd.s32 $0xFFFFE700  }
0x44a: {  	_ =	swait.ge [sflag:s29], $0x1900  }
0x44b: {  	[sflag:s29] =	ssyncset.done $0x0  }
0x44c: {  	[sflag:s29] =	ssyncadd.s32 $0xFFFFE700  }
0x44d: {  	_ =	swait.ge [sflag:s29], $0x1900  }
0x44e: {  	s2 =	rddreg [dreg:$0xc]  }
0x44f: {  	s30 =	rddreg [dreg:$0xb];
	s2 =	sadd.s32 $0x1, s2  }
0x450: {  	p0 =	sne.s32 s2, s30  }
.Ltmp7:
0x451: {  	_ = 	snop;
	(pc) =	sbr.rel @p0 .LBB2_1-.Ltmp7, $3  }
0x452: {  	_ =	sdelay $0x1  }
0x453: {  	[sflag:s29] =	ssyncset.done $0x0  }
0x454: {  	[sflag:s29] =	ssyncadd.s32 $0xFFFFE700  }
0x455: {  	_ =	sfence.sel $0x180000  }
0x456: {  	[bflag:$0x0] =	sbarrier.arrive $0xFFFF  }
0x457: {  	_ =	strace $0x90000047  }
0x458: {  	s0 =	stileid.u32;
	[bflag:$0x2] =	sbarrier.arrive $0xFFFF  }
0x459: {  	p0 =	sne.s32 s0, $0x0;
	s0 =	rddreg [dreg:$0x3]  }
0x45a: {  	s0 =	sadd.s32 @!p0 $0x100000, s0  }
0x45b: {  	[sflag:s0] =	ssyncadd.tile.s32 @!p0 $0x1;
	_ =	shalt  }
.Lfunc_end2:
_tile_overlayer_lowered:
.L_overlay_start_2:
0x45c: {  	(tag) =	ssettag $0x2  }
0x45d: {  	s0 =	rddreg [dreg:$0x0];
	s2 =	stileid.u32  }
0x45e: {  	s1 =	rddreg [dreg:$0x1];
	p0 =	sne.s32 s2, $0x0  }
0x45f: {  	s3 =	rddreg [dreg:$0x2];
	[bflag:$0x3] =	sbarrier.arrive $0xFFFF;
	s2 =	simm.s32 @!p0 $0x1C07  }
0x460: {  	[timem:s3], [sflag:s2] =	dma.local @!p0 [hbm:s0], s1  }
0x461: {  	s0 =	simm.s32 @!p0 $0x7  }
0x462: {  	_ =	swait.ge @!p0 [sflag:s0], s1  }
0x463: {  	s1 =	ssub.s32 @!p0 $0x0, s1;
	[sflag:s0] =	ssyncset.done @!p0 $0x0  }
0x464: {  	[sflag:s0] =	ssyncadd.s32 @!p0 s1  }
0x465: {  	[bflag:$0x3] =	sbarrier.arrive $0xFFFF  }
0x466: {  	_ =	shalt  }

</sc_bundles>
